<compile_context>
chip_gen: v7x
topology: tpu7x:2x2x1
jax: 0.10.2.dev20260603
libtpu: 0.0.44.dev20260713+nightly
codegen_flags: <defaults>
</compile_context>

<pallas_src>
import dataclasses
import functools
import jax
import jax.numpy as jnp
from jax import lax
from jax.experimental import pallas as pl
from jax.experimental.pallas import tpu as pltpu
from jax.experimental.pallas import tpu_sc as plsc

N = 10000
NP = 10240
E = 160000
EP = 163840
ER = EP // 128
WPW = ER // 32
ZR = NP // 16
F32 = jnp.float32

_mesh = plsc.VectorSubcoreMesh(core_axis_name="c", subcore_axis_name="s")

_sc_params = pltpu.CompilerParams()
for _f, _v in (("needs_layout_passes", False),
               ("use_tc_tiling_on_sc", False)):
    if _f in pltpu.CompilerParams.__dataclass_fields__:
        _sc_params = dataclasses.replace(_sc_params, **{_f: _v})


def _acc_sds():
    return jax.ShapeDtypeStruct((2 * NP, 16), F32)


@functools.partial(
    pl.kernel,
    out_type=(_acc_sds(), _acc_sds(), _acc_sds()),
    mesh=_mesh,
    compiler_params=_sc_params,
    scratch_types=[
        pltpu.VMEM_SHARED((NP, 16), F32),
        pltpu.VMEM_SHARED((NP, 16), F32),
        pltpu.VMEM_SHARED((NP, 16), F32),
        pltpu.VMEM((WPW, 128), jnp.int32),
        pltpu.VMEM((WPW, 128), jnp.int32),
        pltpu.VMEM((WPW, 128), F32),
        pltpu.VMEM((2, 128, 16), F32),
        pltpu.VMEM((2, 128, 16), F32),
        pltpu.VMEM((2, 128, 16), F32),
        pltpu.SemaphoreType.DMA((2,)),
        pltpu.SemaphoreType.DMA((2,)),
        pltpu.SemaphoreType.DMA((2,)),
    ],
)
def _sc_conv(uv_hbm, ind_hbm, a_hbm, src_hbm, dst_hbm, z_hbm,
             accm_hbm, acco_hbm, acci_hbm,
             shm, sho, shi, idx_s, idx_d, ab, rm2, ra2, rb2, sm, sa, sb):
    c = lax.axis_index("c")
    s = lax.axis_index("s")
    wid = s * 2 + c
    pltpu.sync_copy(z_hbm.at[pl.ds(s * ZR, ZR)], shm.at[pl.ds(s * ZR, ZR)])
    pltpu.sync_copy(z_hbm.at[pl.ds(s * ZR, ZR)], sho.at[pl.ds(s * ZR, ZR)])
    pltpu.sync_copy(z_hbm.at[pl.ds(s * ZR, ZR)], shi.at[pl.ds(s * ZR, ZR)])
    plsc.subcore_barrier()

    base = wid * WPW
    pltpu.sync_copy(src_hbm.at[pl.ds(base, WPW)], idx_s)
    pltpu.sync_copy(dst_hbm.at[pl.ds(base, WPW)], idx_d)
    pltpu.sync_copy(a_hbm.at[pl.ds(base, WPW)], ab)

    def start(jj, p):
        pltpu.async_copy(uv_hbm.at[idx_s.at[jj]], rm2.at[p], sm.at[p])
        pltpu.async_copy(ind_hbm.at[idx_s.at[jj]], ra2.at[p], sa.at[p])
        pltpu.async_copy(ind_hbm.at[idx_d.at[jj]], rb2.at[p], sb.at[p])

    def finish(jj, p):
        rm = rm2.at[p]
        ra = ra2.at[p]
        rb = rb2.at[p]
        pltpu.make_async_copy(uv_hbm.at[idx_s.at[jj]], rm, sm.at[p]).wait()
        pltpu.make_async_copy(ind_hbm.at[idx_s.at[jj]], ra, sa.at[p]).wait()
        pltpu.make_async_copy(ind_hbm.at[idx_d.at[jj]], rb, sb.at[p]).wait()

        i16 = lax.broadcasted_iota(jnp.int32, (16,), 0)
        maskf = (i16 < 8).astype(F32)
        invf = 1.0 - maskf

        @pl.loop(0, 8)
        def _(g):
            av = ab[jj, pl.ds(g * 16, 16)]
            for k in range(16):
                i = g * 16 + k
                rm[i, :] = rm[i, :] * (maskf * av[k] + invf)

        pltpu.sync_copy(rm, shm.at[idx_d.at[jj]], add=True)
        pltpu.sync_copy(ra, shi.at[idx_d.at[jj]], add=True)
        pltpu.sync_copy(rb, sho.at[idx_s.at[jj]], add=True)

    start(0, 0)

    @pl.loop(0, WPW // 2)
    def _(jp):
        j0 = 2 * jp

        @pl.when(j0 + 1 < WPW)
        def _():
            start(j0 + 1, 1)

        finish(j0, 0)

        @pl.when(j0 + 2 < WPW)
        def _():
            start(j0 + 2, 0)

        finish(j0 + 1, 1)

    plsc.subcore_barrier()
    off = c * NP + s * ZR
    pltpu.sync_copy(shm.at[pl.ds(s * ZR, ZR)], accm_hbm.at[pl.ds(off, ZR)])
    pltpu.sync_copy(sho.at[pl.ds(s * ZR, ZR)], acco_hbm.at[pl.ds(off, ZR)])
    pltpu.sync_copy(shi.at[pl.ds(s * ZR, ZR)], acci_hbm.at[pl.ds(off, ZR)])


@functools.partial(
    pl.kernel,
    out_type=_acc_sds(),
    mesh=_mesh,
    compiler_params=_sc_params,
    scratch_types=[
        pltpu.VMEM_SHARED((NP, 16), F32),
        pltpu.VMEM((WPW, 128), jnp.int32),
        pltpu.VMEM((WPW, 128), jnp.int32),
        pltpu.VMEM((2, 128, 16), F32),
        pltpu.SemaphoreType.DMA((2,)),
    ],
)
def _sc_agg(q_hbm, src_hbm, dst_hbm, z_hbm, acca_hbm, sha, idx_s, idx_d,
            rq2, sq):
    c = lax.axis_index("c")
    s = lax.axis_index("s")
    wid = s * 2 + c
    pltpu.sync_copy(z_hbm.at[pl.ds(s * ZR, ZR)], sha.at[pl.ds(s * ZR, ZR)])
    plsc.subcore_barrier()

    base = wid * WPW
    pltpu.sync_copy(src_hbm.at[pl.ds(base, WPW)], idx_s)
    pltpu.sync_copy(dst_hbm.at[pl.ds(base, WPW)], idx_d)

    def start(jj, p):
        pltpu.async_copy(q_hbm.at[idx_s.at[jj]], rq2.at[p], sq.at[p])

    def finish(jj, p):
        pltpu.make_async_copy(q_hbm.at[idx_s.at[jj]], rq2.at[p],
                              sq.at[p]).wait()
        pltpu.sync_copy(rq2.at[p], sha.at[idx_d.at[jj]], add=True)

    start(0, 0)

    @pl.loop(0, WPW // 2)
    def _(jp):
        j0 = 2 * jp

        @pl.when(j0 + 1 < WPW)
        def _():
            start(j0 + 1, 1)

        finish(j0, 0)

        @pl.when(j0 + 2 < WPW)
        def _():
            start(j0 + 2, 0)

        finish(j0 + 1, 1)

    plsc.subcore_barrier()
    off = c * NP + s * ZR
    pltpu.sync_copy(sha.at[pl.ds(s * ZR, ZR)], acca_hbm.at[pl.ds(off, ZR)])


def _tca_body(h_ref, w_ref, e_ref, w0_ref, b0_ref, uv_ref, a_ref):
    uv_ref[...] = jnp.dot(h_ref[...], w_ref[...], preferred_element_type=F32)
    a_ref[...] = jnp.maximum(e_ref[...] * w0_ref[0, 0] + b0_ref[0, 0], 0.0)


_tc_a = pl.pallas_call(
    _tca_body,
    out_shape=(jax.ShapeDtypeStruct((NP, 16), F32),
               jax.ShapeDtypeStruct((ER, 128), F32)),
)


def _tcb_body(accm_ref, acco_ref, acci_ref, bias_ref, pw_ref,
              h1_ref, qtab_ref, rdin_ref):
    h1 = accm_ref[:, :8] + accm_ref[:, 8:] + bias_ref[...]
    h1_ref[...] = h1
    dego = jnp.maximum(acco_ref[:, 0:1], 1.0)
    degi = jnp.maximum(acci_ref[:, 0:1], 1.0)
    rdin_ref[...] = jnp.broadcast_to(lax.rsqrt(degi), (NP, 16))
    q = jnp.sum(h1 * pw_ref[...], axis=1, keepdims=True)
    qtab_ref[...] = jnp.broadcast_to(q * lax.rsqrt(dego), (NP, 16))


_tc_b = pl.pallas_call(
    _tcb_body,
    out_shape=(jax.ShapeDtypeStruct((NP, 8), F32),
               jax.ShapeDtypeStruct((NP, 16), F32),
               jax.ShapeDtypeStruct((NP, 16), F32)),
)


def _tcc_body(acca_ref, rdin_ref, b_ref, score_ref):
    sv = acca_ref[...] * rdin_ref[...] + b_ref[0, 0]
    score_ref[...] = 1.0 / (1.0 + jnp.exp(-sv))


_tc_c = pl.pallas_call(
    _tcc_body,
    out_shape=jax.ShapeDtypeStruct((NP, 16), F32),
)


def _tcd_body(h1_ref, score_ref, t_ref, ib_ref, w_ref, e_ref, w0_ref, b0_ref,
              h1p_ref, uv2_ref, nmtab_ref, a2_ref, nm_ref):
    sc = score_ref[:, 0:1]
    iota = lax.broadcasted_iota(jnp.int32, (NP, 1), 0)
    t = t_ref[0, 0]
    ib = ib_ref[0, 0]
    keep = (sc > t) | ((sc == t) & (iota <= ib))
    nm = (keep & (iota < N)).astype(F32)
    nm_ref[...] = nm
    h1p = h1_ref[...] * sc * nm
    h1p_ref[...] = h1p
    uv2_ref[...] = jnp.dot(h1p, w_ref[...], preferred_element_type=F32)
    nmtab_ref[...] = jnp.broadcast_to(nm, (NP, 16))
    a2_ref[...] = jnp.maximum(e_ref[...] * w0_ref[0, 0] + b0_ref[0, 0], 0.0)


_tc_d = pl.pallas_call(
    _tcd_body,
    out_shape=(jax.ShapeDtypeStruct((NP, 8), F32),
               jax.ShapeDtypeStruct((NP, 16), F32),
               jax.ShapeDtypeStruct((NP, 16), F32),
               jax.ShapeDtypeStruct((ER, 128), F32),
               jax.ShapeDtypeStruct((NP, 1), F32)),
)


def _tce_body(accm_ref, acco_ref, acci_ref, bias_ref, nm_ref,
              pw_ref, h2_ref, qtab_ref, rdin_ref):
    nm = nm_ref[...]
    h2 = (accm_ref[:, :8] + accm_ref[:, 8:] + bias_ref[...]) * nm
    h2_ref[...] = h2
    dego = jnp.maximum(acco_ref[:, 0:1] * nm, 1.0)
    degi = jnp.maximum(acci_ref[:, 0:1] * nm, 1.0)
    rdin_ref[...] = jnp.broadcast_to(lax.rsqrt(degi), (NP, 16))
    q = jnp.sum(h2 * pw_ref[...], axis=1, keepdims=True)
    qtab_ref[...] = jnp.broadcast_to(q * lax.rsqrt(dego), (NP, 16))


_tc_e = pl.pallas_call(
    _tce_body,
    out_shape=(jax.ShapeDtypeStruct((NP, 8), F32),
               jax.ShapeDtypeStruct((NP, 16), F32),
               jax.ShapeDtypeStruct((NP, 16), F32)),
)


def _tcf_body(acca_ref, rdin_ref, b_ref, nm_ref, score_ref, masked_ref):
    sv = acca_ref[...] * rdin_ref[...] + b_ref[0, 0]
    sc = 1.0 / (1.0 + jnp.exp(-sv))
    score_ref[...] = sc
    masked_ref[...] = jnp.where(nm_ref[...] > 0, sc, -1.0)


_tc_f = pl.pallas_call(
    _tcf_body,
    out_shape=(jax.ShapeDtypeStruct((NP, 16), F32),
               jax.ShapeDtypeStruct((NP, 16), F32)),
)


def _tcg_body(h1p_ref, nm1_ref, h2_ref, score2_ref, masked2_ref, t_ref,
              ib_ref, w1_ref, b1_ref, w2_ref, b2_ref, w3_ref, b3_ref,
              out_ref):
    h1p = h1p_ref[...]
    g1a = jnp.sum(h1p, axis=0, keepdims=True) * (1.0 / 5000.0)
    g1m = jnp.max(jnp.where(nm1_ref[...] > 0, h1p, -jnp.inf), axis=0,
                  keepdims=True)
    m2 = masked2_ref[:, 0:1]
    iota = lax.broadcasted_iota(jnp.int32, (NP, 1), 0)
    t = t_ref[0, 0]
    ib = ib_ref[0, 0]
    keep = (m2 > t) | ((m2 == t) & (iota <= ib))
    nm2 = (keep & (iota < N)).astype(F32)
    h2p = h2_ref[...] * score2_ref[:, 0:1] * nm2
    g2a = jnp.sum(h2p, axis=0, keepdims=True) * (1.0 / 2500.0)
    g2m = jnp.max(jnp.where(nm2 > 0, h2p, -jnp.inf), axis=0, keepdims=True)
    x = jnp.concatenate([g1a, g1m, g2a, g2m], axis=1)
    x = jnp.maximum(jnp.dot(x, w1_ref[...], preferred_element_type=F32)
                    + b1_ref[...], 0.0)
    x = jnp.maximum(jnp.dot(x, w2_ref[...], preferred_element_type=F32)
                    + b2_ref[...], 0.0)
    z = jnp.dot(x, w3_ref[...], preferred_element_type=F32) + b3_ref[...]
    zm = z - jnp.max(z, axis=1, keepdims=True)
    out_ref[...] = zm - jnp.log(jnp.sum(jnp.exp(zm), axis=1, keepdims=True))


_tc_g = pl.pallas_call(
    _tcg_body,
    out_shape=jax.ShapeDtypeStruct((1, 10), F32),
)


@jax.jit
def kernel(h, e, edge_index, n1_w0, n1_b0, n1_w1, n1_b1, conv1_bias, p1_w,
           p1_b, n2_w0, n2_b0, n2_w1, n2_b1, conv2_bias, p2_w, p2_b,
           fc1_w, fc1_b, fc2_w, fc2_b, fc3_w, fc3_b):
    pad_e = EP - E
    src2d = jnp.concatenate(
        [edge_index[0], jnp.full((pad_e,), N, jnp.int32)]).reshape(ER, 128)
    dst2d = jnp.concatenate(
        [edge_index[1], jnp.full((pad_e,), N, jnp.int32)]).reshape(ER, 128)
    hpad = jnp.pad(h, ((0, NP - N), (0, 0)))
    e2d = jnp.pad(e[:, 0], (0, pad_e)).reshape(ER, 128)
    ztab = jnp.zeros((NP, 16), F32)
    onestab = jnp.pad(jnp.ones((N, 16), F32), ((0, NP - N), (0, 0)))
    wcat1 = jnp.concatenate(
        [n1_w1.reshape(128, 8), n1_b1.reshape(128, 8)], axis=1)
    wcat2 = jnp.concatenate(
        [n2_w1.reshape(8, 8), n2_b1.reshape(8, 8)], axis=1)

    uv1, a1 = _tc_a(hpad, wcat1, e2d, n1_w0, n1_b0.reshape(1, 1))
    accm, acco, acci = _sc_conv(uv1, onestab, a1, src2d, dst2d, ztab)
    h1, qtab1, rdin1 = _tc_b(accm[:NP] + accm[NP:],
                             acco[:NP] + acco[NP:], acci[:NP] + acci[NP:],
                             conv1_bias.reshape(1, 8), p1_w.reshape(1, 8))
    acca1 = _sc_agg(qtab1, src2d, dst2d, ztab)
    score1 = _tc_c(acca1[:NP] + acca1[NP:], rdin1, p1_b.reshape(1, 1))
    vals1, idx1 = lax.top_k(score1[:N, 0], 5000)
    t1 = vals1[-1].reshape(1, 1)
    ib1 = idx1[-1].astype(jnp.int32).reshape(1, 1)
    h1p, uv2, nmtab1, a2, nm1 = _tc_d(h1, score1, t1, ib1, wcat2, e2d,
                                      n2_w0, n2_b0.reshape(1, 1))
    accm2, acco2, acci2 = _sc_conv(uv2, nmtab1, a2, src2d, dst2d, ztab)
    h2, qtab2, rdin2 = _tc_e(accm2[:NP] + accm2[NP:],
                             acco2[:NP] + acco2[NP:], acci2[:NP] + acci2[NP:],
                             conv2_bias.reshape(1, 8), nm1, p2_w.reshape(1, 8))
    acca2 = _sc_agg(qtab2, src2d, dst2d, ztab)
    score2, masked2 = _tc_f(acca2[:NP] + acca2[NP:], rdin2,
                            p2_b.reshape(1, 1), nm1)
    vals2, idx2 = lax.top_k(masked2[:N, 0], 2500)
    t2 = vals2[-1].reshape(1, 1)
    ib2 = idx2[-1].astype(jnp.int32).reshape(1, 1)
    x = _tc_g(h1p, nm1, h2, score2, masked2, t2, ib2,
              fc1_w, fc1_b.reshape(1, 64), fc2_w, fc2_b.reshape(1, 8),
              fc3_w, fc3_b.reshape(1, 10))
    return (x, vals1, vals2)

# --- scband reference (transcript-rebuilt; emitter-appended) ---
"""Pipeline reference for scband-linet-6193342841713 (READ-ONLY COPY).

The authoritative reference and input builder live on the scoring server;
editing this copy changes nothing except your own understanding.
"""

import jax, jax.numpy as jnp
import numpy as np

N_NODES = 10000
N_EDGES = 160000
IN_DIM = 128
HID = 8
OUT_DIM = 64
N_CLASSES = 10
RATIO = 0.5
K1 = int(N_NODES * RATIO)
K2 = int(K1 * RATIO)


def _lin(key, fan_in, fan_out):
    kw, kb = jax.random.split(key)
    bound = 1.0 / float(np.sqrt(fan_in))
    w = jax.random.uniform(kw, (fan_in, fan_out), minval=-bound, maxval=bound, dtype=jnp.float32)
    b = jax.random.uniform(kb, (fan_out,), minval=-bound, maxval=bound, dtype=jnp.float32)
    return w, b


def setup_inputs(seed: int = 0):
    key = jax.random.key(seed)
    ks = jax.random.split(key, 12)
    inp = {}
    inp['h'] = jax.random.normal(ks[0], (N_NODES, IN_DIM), dtype=jnp.float32)
    inp['e'] = jax.random.uniform(ks[1], (N_EDGES, 1), dtype=jnp.float32)
    inp['edge_index'] = jax.random.randint(ks[2], (2, N_EDGES), 0, N_NODES, dtype=jnp.int32)
    inp['n1_w0'], inp['n1_b0'] = _lin(ks[3], 1, 1)
    inp['n1_w1'], inp['n1_b1'] = _lin(ks[4], 1, IN_DIM * HID)
    inp['conv1_bias'] = jnp.zeros((HID,), dtype=jnp.float32)
    inp['p1_w'], inp['p1_b'] = _lin(ks[5], HID, 1)
    inp['n2_w0'], inp['n2_b0'] = _lin(ks[6], 1, 1)
    inp['n2_w1'], inp['n2_b1'] = _lin(ks[7], 1, HID * HID)
    inp['conv2_bias'] = jnp.zeros((HID,), dtype=jnp.float32)
    inp['p2_w'], inp['p2_b'] = _lin(ks[8], HID, 1)
    inp['fc1_w'], inp['fc1_b'] = _lin(ks[9], 4 * HID, OUT_DIM)
    inp['fc2_w'], inp['fc2_b'] = _lin(ks[10], OUT_DIM, HID)
    inp['fc3_w'], inp['fc3_b'] = _lin(ks[11], HID, N_CLASSES)
    return inp


def _nnconv(h, e, src, dst, emask, w0, b0, w1, b1, bias, din, dout):
    # DGL NNConv with 'sum' aggregation: per-edge weight matrix from edge MLP
    a = jax.nn.relu(e @ w0 + b0)
    W = (a @ w1 + b1).reshape(-1, din, dout)
    msg = jnp.einsum('ei,eio->eo', h[src], W) * emask[:, None]
    return jax.ops.segment_sum(msg, dst, num_segments=N_NODES) + bias


def _gcn_score(h, src, dst, emask, w, b):
    deg_out = jnp.maximum(jax.ops.segment_sum(emask, src, num_segments=N_NODES), 1.0)
    deg_in = jnp.maximum(jax.ops.segment_sum(emask, dst, num_segments=N_NODES), 1.0)
    hn = h * (deg_out ** -0.5)[:, None]
    agg = jax.ops.segment_sum(hn[src] * emask[:, None], dst, num_segments=N_NODES)
    s = (agg * (deg_in ** -0.5)[:, None]) @ w + b
    return jax.nn.sigmoid(s[:, 0])


def _sagpool(h, src, dst, emask, nmask, w, b, k):
    # SAGPool: GCN scoring, keep top ratio*N nodes, gate kept features by score.
    # Subgraph induction is expressed with node/edge masks to keep static shapes.
    score = _gcn_score(h, src, dst, emask, w, b)
    masked = jnp.where(nmask > 0, score, -1.0)
    vals, idx = jax.lax.top_k(masked, k)
    new_nmask = jnp.zeros((N_NODES,), dtype=h.dtype).at[idx].set(1.0) * nmask
    h_new = h * score[:, None] * new_nmask[:, None]
    new_emask = emask * new_nmask[src] * new_nmask[dst]
    return h_new, new_nmask, new_emask, vals


def _readout(h, nmask, k):
    avg = jnp.sum(h * nmask[:, None], axis=0) / float(k)
    mx = jnp.max(jnp.where(nmask[:, None] > 0, h, -jnp.inf), axis=0)
    return jnp.concatenate([avg, mx])[None, :]


def _forward(h, e, src, dst, n1_w0, n1_b0, n1_w1, n1_b1, conv1_bias, p1_w, p1_b,
             n2_w0, n2_b0, n2_w1, n2_b1, conv2_bias, p2_w, p2_b,
             fc1_w, fc1_b, fc2_w, fc2_b, fc3_w, fc3_b):
    ones_e = jnp.ones((N_EDGES,), dtype=h.dtype)
    ones_n = jnp.ones((N_NODES,), dtype=h.dtype)
    h1 = _nnconv(h, e, src, dst, ones_e, n1_w0, n1_b0, n1_w1, n1_b1, conv1_bias, IN_DIM, HID)
    h1p, nm1, em1, s1 = _sagpool(h1, src, dst, ones_e, ones_n, p1_w, p1_b, K1)
    g1 = _readout(h1p, nm1, K1)
    h2 = _nnconv(h1p, e, src, dst, em1, n2_w0, n2_b0, n2_w1, n2_b1, conv2_bias, HID, HID) * nm1[:, None]
    h2p, nm2, em2, s2 = _sagpool(h2, src, dst, em1, nm1, p2_w, p2_b, K2)
    g2 = _readout(h2p, nm2, K2)
    x = jnp.concatenate([g1, g2], axis=1)
    # batch size is 1 (single graph) so the BatchNorm branch is skipped per the
    # original code; dropout is identity in eval mode
    x = jax.nn.relu(x @ fc1_w + fc1_b)
    x = jax.nn.relu(x @ fc2_w + fc2_b)
    x = jax.nn.log_softmax(x @ fc3_w + fc3_b, axis=-1)
    return (x, s1, s2)


def reference(h, e, edge_index, n1_w0, n1_b0, n1_w1, n1_b1, conv1_bias, p1_w, p1_b,
              n2_w0, n2_b0, n2_w1, n2_b1, conv2_bias, p2_w, p2_b,
              fc1_w, fc1_b, fc2_w, fc2_b, fc3_w, fc3_b):
    src, dst = edge_index[0], edge_index[1]
    return _forward(h, e, src, dst, n1_w0, n1_b0, n1_w1, n1_b1, conv1_bias, p1_w, p1_b,
                    n2_w0, n2_b0, n2_w1, n2_b1, conv2_bias, p2_w, p2_b,
                    fc1_w, fc1_b, fc2_w, fc2_b, fc3_w, fc3_b)

if __name__ == "__main__":
    import jax
    _d = setup_inputs()
    print(jax.jit(kernel)(*tuple(_d.values())))

</pallas_src>

<mosaic_0001>
#map = affine_map<(d0, d1) -> (0, 0)>
module attributes {stable_mosaic.version = 14 : i64} {
  func.func @_sc_agg(%arg0: i32, %arg1: i32, %arg2: memref<10240x16xf32, #tpu.memory_space<hbm>>, %arg3: memref<1280x128xi32, #tpu.memory_space<hbm>>, %arg4: memref<1280x128xi32, #tpu.memory_space<hbm>>, %arg5: memref<10240x16xf32, #tpu.memory_space<hbm>>, %arg6: memref<20480x16xf32, #tpu.memory_space<hbm>>, %arg7: memref<10240x16xf32, #tpu.memory_space<vmem_shared>>, %arg8: memref<40x128xi32, #tpu.memory_space<vmem>>, %arg9: memref<40x128xi32, #tpu.memory_space<vmem>>, %arg10: memref<2x128x16xf32, #tpu.memory_space<vmem>>, %arg11: memref<2x!tpu.dma_semaphore, #tpu.memory_space<semaphore_mem>>) attributes {dimension_semantics = [#tpu.dimension_semantics<core_parallel>, #tpu.dimension_semantics<subcore_parallel>], iteration_bounds = array<i64: 2, 16>, scalar_prefetch = 0 : i64, scratch_operands = 5 : i64, tpu.core_type = #tpu.core_type<sc_vector_subcore>, window_params = [{transform_indices = #map}, {transform_indices = #map}, {transform_indices = #map}, {transform_indices = #map}, {transform_indices = #map}]} {
    %mul3A = arith.constant 2 : i32
    %mul3A_0 = arith.muli %arg1, %mul3A : i32
    %add3A = arith.addi %mul3A_0, %arg0 : i32
    %mul3A_1 = arith.constant 640 : i32
    %mul3A_2 = arith.muli %arg1, %mul3A_1 : i32
    %mul3A_3 = arith.constant 640 : i32
    %mul3A_4 = arith.muli %arg1, %mul3A_3 : i32
    "tpu.region"() ({
      %run_scoped3A = tpu.sem_alloc : memref<!tpu.dma_semaphore, #tpu.memory_space<semaphore_mem>>
      %dma_start3A_33 = arith.constant 0 : i32
      %dma_start3A_34 = tpu.memref_slice %arg7[%mul3A_4, %dma_start3A_33] : memref<10240x16xf32, #tpu.memory_space<vmem_shared>> -> memref<640x16xf32, #tpu.memory_space<vmem_shared>>
      %dma_start3A_35 = arith.constant 0 : i32
      %dma_start3A_36 = tpu.memref_slice %arg5[%mul3A_2, %dma_start3A_35] : memref<10240x16xf32, #tpu.memory_space<hbm>> -> memref<640x16xf32, #tpu.memory_space<hbm>>
      tpu.enqueue_dma source(%dma_start3A_36 : memref<640x16xf32, #tpu.memory_space<hbm>>) target(%dma_start3A_34 : memref<640x16xf32, #tpu.memory_space<vmem_shared>>) target_semaphore(%run_scoped3A : memref<!tpu.dma_semaphore, #tpu.memory_space<semaphore_mem>>)
      %dma_wait3A = arith.constant 0 : i32
      %dma_wait3A_37 = tpu.memref_slice %arg7[%mul3A_4, %dma_wait3A] : memref<10240x16xf32, #tpu.memory_space<vmem_shared>> -> memref<640x16xf32, #tpu.memory_space<vmem_shared>>
      %dma_wait3A_38 = arith.constant 0 : i32
      %dma_wait3A_39 = tpu.memref_slice %arg5[%mul3A_2, %dma_wait3A_38] : memref<10240x16xf32, #tpu.memory_space<hbm>> -> memref<640x16xf32, #tpu.memory_space<hbm>>
      tpu.wait_dma2 semaphore(%run_scoped3A : memref<!tpu.dma_semaphore, #tpu.memory_space<semaphore_mem>>) src(%dma_wait3A_39 : memref<640x16xf32, #tpu.memory_space<hbm>>) dst(%dma_wait3A_37 : memref<640x16xf32, #tpu.memory_space<vmem_shared>>)
      tpu.yield
    }) : () -> ()
    %barrier3A = arith.constant 0 : index
    tpu.barrier barrier_id(%barrier3A)
    %mul3A_5 = arith.constant 40 : i32
    %mul3A_6 = arith.muli %add3A, %mul3A_5 : i32
    "tpu.region"() ({
      %run_scoped3A = tpu.sem_alloc : memref<!tpu.dma_semaphore, #tpu.memory_space<semaphore_mem>>
      %dma_start3A_33 = arith.constant 0 : i32
      %dma_start3A_34 = tpu.memref_slice %arg3[%mul3A_6, %dma_start3A_33] : memref<1280x128xi32, #tpu.memory_space<hbm>> -> memref<40x128xi32, #tpu.memory_space<hbm>>
      %dma_start3A_35 = arith.constant 0 : i32
      %dma_start3A_36 = tpu.memref_slice %arg3[%mul3A_6, %dma_start3A_35] : memref<1280x128xi32, #tpu.memory_space<hbm>> -> memref<40x128xi32, #tpu.memory_space<hbm>>
      tpu.enqueue_dma source(%dma_start3A_36 : memref<40x128xi32, #tpu.memory_space<hbm>>) target(%arg8 : memref<40x128xi32, #tpu.memory_space<vmem>>) target_semaphore(%run_scoped3A : memref<!tpu.dma_semaphore, #tpu.memory_space<semaphore_mem>>)
      %dma_wait3A = arith.constant 0 : i32
      %dma_wait3A_37 = tpu.memref_slice %arg3[%mul3A_6, %dma_wait3A] : memref<1280x128xi32, #tpu.memory_space<hbm>> -> memref<40x128xi32, #tpu.memory_space<hbm>>
      %dma_wait3A_38 = arith.constant 0 : i32
      %dma_wait3A_39 = tpu.memref_slice %arg3[%mul3A_6, %dma_wait3A_38] : memref<1280x128xi32, #tpu.memory_space<hbm>> -> memref<40x128xi32, #tpu.memory_space<hbm>>
      tpu.wait_dma2 semaphore(%run_scoped3A : memref<!tpu.dma_semaphore, #tpu.memory_space<semaphore_mem>>) src(%dma_wait3A_39 : memref<40x128xi32, #tpu.memory_space<hbm>>) dst(%arg8 : memref<40x128xi32, #tpu.memory_space<vmem>>)
      tpu.yield
    }) : () -> ()
    "tpu.region"() ({
      %run_scoped3A = tpu.sem_alloc : memref<!tpu.dma_semaphore, #tpu.memory_space<semaphore_mem>>
      %dma_start3A_33 = arith.constant 0 : i32
      %dma_start3A_34 = tpu.memref_slice %arg4[%mul3A_6, %dma_start3A_33] : memref<1280x128xi32, #tpu.memory_space<hbm>> -> memref<40x128xi32, #tpu.memory_space<hbm>>
      %dma_start3A_35 = arith.constant 0 : i32
      %dma_start3A_36 = tpu.memref_slice %arg4[%mul3A_6, %dma_start3A_35] : memref<1280x128xi32, #tpu.memory_space<hbm>> -> memref<40x128xi32, #tpu.memory_space<hbm>>
      tpu.enqueue_dma source(%dma_start3A_36 : memref<40x128xi32, #tpu.memory_space<hbm>>) target(%arg9 : memref<40x128xi32, #tpu.memory_space<vmem>>) target_semaphore(%run_scoped3A : memref<!tpu.dma_semaphore, #tpu.memory_space<semaphore_mem>>)
      %dma_wait3A = arith.constant 0 : i32
      %dma_wait3A_37 = tpu.memref_slice %arg4[%mul3A_6, %dma_wait3A] : memref<1280x128xi32, #tpu.memory_space<hbm>> -> memref<40x128xi32, #tpu.memory_space<hbm>>
      %dma_wait3A_38 = arith.constant 0 : i32
      %dma_wait3A_39 = tpu.memref_slice %arg4[%mul3A_6, %dma_wait3A_38] : memref<1280x128xi32, #tpu.memory_space<hbm>> -> memref<40x128xi32, #tpu.memory_space<hbm>>
      tpu.wait_dma2 semaphore(%run_scoped3A : memref<!tpu.dma_semaphore, #tpu.memory_space<semaphore_mem>>) src(%dma_wait3A_39 : memref<40x128xi32, #tpu.memory_space<hbm>>) dst(%arg9 : memref<40x128xi32, #tpu.memory_space<vmem>>)
      tpu.yield
    }) : () -> ()
    %dma_start3A = arith.constant 0 : i32
    %dma_start3A_7 = arith.constant 0 : i32
    %dma_start3A_8 = arith.constant 0 : i32
    %dma_start3A_9 = arith.constant 0 : i32
    %dma_start3A_10 = arith.constant 0 : i32
    %dma_start3A_11 = tpu.memref_slice %arg10[%dma_start3A_7, %dma_start3A_9, %dma_start3A_10] : memref<2x128x16xf32, #tpu.memory_space<vmem>> -> memref<1x128x16xf32, #tpu.memory_space<vmem>>
    %dma_start3A_12 = tpu.memref_squeeze %dma_start3A_11 : memref<1x128x16xf32, #tpu.memory_space<vmem>> -> memref<128x16xf32, #tpu.memory_space<vmem>>
    %dma_start3A_13 = arith.constant 0 : i32
    %dma_start3A_14 = tpu.memref_slice %arg8[%dma_start3A, %dma_start3A_13] : memref<40x128xi32, #tpu.memory_space<vmem>> -> memref<1x128xi32, #tpu.memory_space<vmem>>
    %dma_start3A_15 = tpu.memref_squeeze %dma_start3A_14 : memref<1x128xi32, #tpu.memory_space<vmem>> -> memref<128xi32, #tpu.memory_space<vmem>>
    %dma_start3A_16 = arith.constant 0 : i32
    %dma_start3A_17 = arith.constant 0 : i32
    %dma_start3A_18 = tpu.memref_slice %arg2[%dma_start3A_16, %dma_start3A_17] : memref<10240x16xf32, #tpu.memory_space<hbm>> -> memref<10240x16xf32, #tpu.memory_space<hbm>>
    %dma_start3A_19 = tpu.memref_slice %arg11[%dma_start3A_8] : memref<2x!tpu.dma_semaphore, #tpu.memory_space<semaphore_mem>> -> memref<1x!tpu.dma_semaphore, #tpu.memory_space<semaphore_mem>>
    %dma_start3A_20 = tpu.memref_squeeze %dma_start3A_19 : memref<1x!tpu.dma_semaphore, #tpu.memory_space<semaphore_mem>> -> memref<!tpu.dma_semaphore, #tpu.memory_space<semaphore_mem>>
    tpu.enqueue_indirect_dma source(%dma_start3A_18 : memref<10240x16xf32, #tpu.memory_space<hbm>>) target(%dma_start3A_12 : memref<128x16xf32, #tpu.memory_space<vmem>>) offsets(%dma_start3A_15 : memref<128xi32, #tpu.memory_space<vmem>>) semaphore(%dma_start3A_20 : memref<!tpu.dma_semaphore, #tpu.memory_space<semaphore_mem>>)
    %scan3A = arith.constant 0 : i32
    %scan3A_21 = arith.constant 20 : i32
    %scan3A_22 = arith.addi %scan3A, %scan3A_21 : i32
    %scan3A_23 = arith.constant 1 : i32
    scf.for %scan3A_33 = %scan3A to %scan3A_22 step %scan3A_23  : i32 {
      %mul3A_34 = arith.constant 1 : i32
      %mul3A_35 = arith.muli %scan3A_33, %mul3A_34 : i32
      %add3A_36 = arith.constant 0 : i32
      %add3A_37 = arith.addi %add3A_36, %mul3A_35 : i32
      %mul3A_38 = arith.constant 2 : i32
      %mul3A_39 = arith.muli %mul3A_38, %add3A_37 : i32
      %add3A_40 = arith.constant 1 : i32
      %add3A_41 = arith.addi %mul3A_39, %add3A_40 : i32
      %lt3A = arith.constant 40 : i32
      %lt3A_42 = arith.cmpi slt, %add3A_41, %lt3A : i32
      %convert_element_type3A = arith.extui %lt3A_42 : i1 to i32
      %cond3A = arith.constant 0 : i32
      %cond3A_43 = arith.cmpi ne, %convert_element_type3A, %cond3A : i32
      scf.if %cond3A_43 {
        %add3A_81 = arith.constant 1 : i32
        %add3A_82 = arith.addi %mul3A_39, %add3A_81 : i32
        %dma_start3A_83 = arith.constant 1 : i32
        %dma_start3A_84 = arith.constant 1 : i32
        %dma_start3A_85 = arith.constant 0 : i32
        %dma_start3A_86 = arith.constant 0 : i32
        %dma_start3A_87 = tpu.memref_slice %arg10[%dma_start3A_83, %dma_start3A_85, %dma_start3A_86] : memref<2x128x16xf32, #tpu.memory_space<vmem>> -> memref<1x128x16xf32, #tpu.memory_space<vmem>>
        %dma_start3A_88 = tpu.memref_squeeze %dma_start3A_87 : memref<1x128x16xf32, #tpu.memory_space<vmem>> -> memref<128x16xf32, #tpu.memory_space<vmem>>
        %dma_start3A_89 = arith.constant 0 : i32
        %dma_start3A_90 = tpu.memref_slice %arg8[%add3A_82, %dma_start3A_89] : memref<40x128xi32, #tpu.memory_space<vmem>> -> memref<1x128xi32, #tpu.memory_space<vmem>>
        %dma_start3A_91 = tpu.memref_squeeze %dma_start3A_90 : memref<1x128xi32, #tpu.memory_space<vmem>> -> memref<128xi32, #tpu.memory_space<vmem>>
        %dma_start3A_92 = arith.constant 0 : i32
        %dma_start3A_93 = arith.constant 0 : i32
        %dma_start3A_94 = tpu.memref_slice %arg2[%dma_start3A_92, %dma_start3A_93] : memref<10240x16xf32, #tpu.memory_space<hbm>> -> memref<10240x16xf32, #tpu.memory_space<hbm>>
        %dma_start3A_95 = tpu.memref_slice %arg11[%dma_start3A_84] : memref<2x!tpu.dma_semaphore, #tpu.memory_space<semaphore_mem>> -> memref<1x!tpu.dma_semaphore, #tpu.memory_space<semaphore_mem>>
        %dma_start3A_96 = tpu.memref_squeeze %dma_start3A_95 : memref<1x!tpu.dma_semaphore, #tpu.memory_space<semaphore_mem>> -> memref<!tpu.dma_semaphore, #tpu.memory_space<semaphore_mem>>
        tpu.enqueue_indirect_dma source(%dma_start3A_94 : memref<10240x16xf32, #tpu.memory_space<hbm>>) target(%dma_start3A_88 : memref<128x16xf32, #tpu.memory_space<vmem>>) offsets(%dma_start3A_91 : memref<128xi32, #tpu.memory_space<vmem>>) semaphore(%dma_start3A_96 : memref<!tpu.dma_semaphore, #tpu.memory_space<semaphore_mem>>)
      } else {
      }
      %dma_wait3A = arith.constant 0 : i32
      %dma_wait3A_44 = arith.constant 0 : i32
      %dma_wait3A_45 = arith.constant 0 : i32
      %dma_wait3A_46 = arith.constant 0 : i32
      %dma_wait3A_47 = tpu.memref_slice %arg10[%dma_wait3A, %dma_wait3A_45, %dma_wait3A_46] : memref<2x128x16xf32, #tpu.memory_space<vmem>> -> memref<1x128x16xf32, #tpu.memory_space<vmem>>
      %dma_wait3A_48 = tpu.memref_squeeze %dma_wait3A_47 : memref<1x128x16xf32, #tpu.memory_space<vmem>> -> memref<128x16xf32, #tpu.memory_space<vmem>>
      %dma_wait3A_49 = arith.constant 0 : i32
      %dma_wait3A_50 = tpu.memref_slice %arg8[%mul3A_39, %dma_wait3A_49] : memref<40x128xi32, #tpu.memory_space<vmem>> -> memref<1x128xi32, #tpu.memory_space<vmem>>
      %dma_wait3A_51 = tpu.memref_squeeze %dma_wait3A_50 : memref<1x128xi32, #tpu.memory_space<vmem>> -> memref<128xi32, #tpu.memory_space<vmem>>
      %dma_wait3A_52 = arith.constant 0 : i32
      %dma_wait3A_53 = arith.constant 0 : i32
      %dma_wait3A_54 = tpu.memref_slice %arg2[%dma_wait3A_52, %dma_wait3A_53] : memref<10240x16xf32, #tpu.memory_space<hbm>> -> memref<10240x16xf32, #tpu.memory_space<hbm>>
      %dma_wait3A_55 = tpu.memref_slice %arg11[%dma_wait3A_44] : memref<2x!tpu.dma_semaphore, #tpu.memory_space<semaphore_mem>> -> memref<1x!tpu.dma_semaphore, #tpu.memory_space<semaphore_mem>>
      %dma_wait3A_56 = tpu.memref_squeeze %dma_wait3A_55 : memref<1x!tpu.dma_semaphore, #tpu.memory_space<semaphore_mem>> -> memref<!tpu.dma_semaphore, #tpu.memory_space<semaphore_mem>>
      tpu.wait_indirect_dma semaphore(%dma_wait3A_56 : memref<!tpu.dma_semaphore, #tpu.memory_space<semaphore_mem>>) src(%dma_wait3A_54 : memref<10240x16xf32, #tpu.memory_space<hbm>>) dst(%dma_wait3A_48 : memref<128x16xf32, #tpu.memory_space<vmem>>)
      %run_scoped3A = arith.constant 0 : i32
      "tpu.region"() ({
        %run_scoped3A_81 = tpu.sem_alloc : memref<!tpu.dma_semaphore, #tpu.memory_space<semaphore_mem>>
        %dma_start3A_82 = arith.constant 0 : i32
        %dma_start3A_83 = arith.constant 0 : i32
        %dma_start3A_84 = tpu.memref_slice %arg10[%run_scoped3A, %dma_start3A_82, %dma_start3A_83] : memref<2x128x16xf32, #tpu.memory_space<vmem>> -> memref<1x128x16xf32, #tpu.memory_space<vmem>>
        %dma_start3A_85 = tpu.memref_squeeze %dma_start3A_84 : memref<1x128x16xf32, #tpu.memory_space<vmem>> -> memref<128x16xf32, #tpu.memory_space<vmem>>
        %dma_start3A_86 = arith.constant 0 : i32
        %dma_start3A_87 = tpu.memref_slice %arg9[%mul3A_39, %dma_start3A_86] : memref<40x128xi32, #tpu.memory_space<vmem>> -> memref<1x128xi32, #tpu.memory_space<vmem>>
        %dma_start3A_88 = tpu.memref_squeeze %dma_start3A_87 : memref<1x128xi32, #tpu.memory_space<vmem>> -> memref<128xi32, #tpu.memory_space<vmem>>
        %dma_start3A_89 = arith.constant 0 : i32
        %dma_start3A_90 = arith.constant 0 : i32
        %dma_start3A_91 = tpu.memref_slice %arg7[%dma_start3A_89, %dma_start3A_90] : memref<10240x16xf32, #tpu.memory_space<vmem_shared>> -> memref<10240x16xf32, #tpu.memory_space<vmem_shared>>
        tpu.enqueue_indirect_dma source(%dma_start3A_85 : memref<128x16xf32, #tpu.memory_space<vmem>>) target(%dma_start3A_91 : memref<10240x16xf32, #tpu.memory_space<vmem_shared>>) offsets(%dma_start3A_88 : memref<128xi32, #tpu.memory_space<vmem>>) semaphore(%run_scoped3A_81 : memref<!tpu.dma_semaphore, #tpu.memory_space<semaphore_mem>>) {add = true}
        %dma_wait3A_92 = arith.constant 0 : i32
        %dma_wait3A_93 = arith.constant 0 : i32
        %dma_wait3A_94 = tpu.memref_slice %arg10[%run_scoped3A, %dma_wait3A_92, %dma_wait3A_93] : memref<2x128x16xf32, #tpu.memory_space<vmem>> -> memref<1x128x16xf32, #tpu.memory_space<vmem>>
        %dma_wait3A_95 = tpu.memref_squeeze %dma_wait3A_94 : memref<1x128x16xf32, #tpu.memory_space<vmem>> -> memref<128x16xf32, #tpu.memory_space<vmem>>
        %dma_wait3A_96 = arith.constant 0 : i32
        %dma_wait3A_97 = tpu.memref_slice %arg9[%mul3A_39, %dma_wait3A_96] : memref<40x128xi32, #tpu.memory_space<vmem>> -> memref<1x128xi32, #tpu.memory_space<vmem>>
        %dma_wait3A_98 = tpu.memref_squeeze %dma_wait3A_97 : memref<1x128xi32, #tpu.memory_space<vmem>> -> memref<128xi32, #tpu.memory_space<vmem>>
        %dma_wait3A_99 = arith.constant 0 : i32
        %dma_wait3A_100 = arith.constant 0 : i32
        %dma_wait3A_101 = tpu.memref_slice %arg7[%dma_wait3A_99, %dma_wait3A_100] : memref<10240x16xf32, #tpu.memory_space<vmem_shared>> -> memref<10240x16xf32, #tpu.memory_space<vmem_shared>>
        tpu.wait_indirect_dma semaphore(%run_scoped3A_81 : memref<!tpu.dma_semaphore, #tpu.memory_space<semaphore_mem>>) src(%dma_wait3A_95 : memref<128x16xf32, #tpu.memory_space<vmem>>) dst(%dma_wait3A_101 : memref<10240x16xf32, #tpu.memory_space<vmem_shared>>)
        tpu.yield
      }) : () -> ()
      %add3A_57 = arith.constant 2 : i32
      %add3A_58 = arith.addi %mul3A_39, %add3A_57 : i32
      %lt3A_59 = arith.constant 40 : i32
      %lt3A_60 = arith.cmpi slt, %add3A_58, %lt3A_59 : i32
      %convert_element_type3A_61 = arith.extui %lt3A_60 : i1 to i32
      %cond3A_62 = arith.constant 0 : i32
      %cond3A_63 = arith.cmpi ne, %convert_element_type3A_61, %cond3A_62 : i32
      scf.if %cond3A_63 {
        %add3A_81 = arith.constant 2 : i32
        %add3A_82 = arith.addi %mul3A_39, %add3A_81 : i32
        %dma_start3A_83 = arith.constant 0 : i32
        %dma_start3A_84 = arith.constant 0 : i32
        %dma_start3A_85 = arith.constant 0 : i32
        %dma_start3A_86 = arith.constant 0 : i32
        %dma_start3A_87 = tpu.memref_slice %arg10[%dma_start3A_83, %dma_start3A_85, %dma_start3A_86] : memref<2x128x16xf32, #tpu.memory_space<vmem>> -> memref<1x128x16xf32, #tpu.memory_space<vmem>>
        %dma_start3A_88 = tpu.memref_squeeze %dma_start3A_87 : memref<1x128x16xf32, #tpu.memory_space<vmem>> -> memref<128x16xf32, #tpu.memory_space<vmem>>
        %dma_start3A_89 = arith.constant 0 : i32
        %dma_start3A_90 = tpu.memref_slice %arg8[%add3A_82, %dma_start3A_89] : memref<40x128xi32, #tpu.memory_space<vmem>> -> memref<1x128xi32, #tpu.memory_space<vmem>>
        %dma_start3A_91 = tpu.memref_squeeze %dma_start3A_90 : memref<1x128xi32, #tpu.memory_space<vmem>> -> memref<128xi32, #tpu.memory_space<vmem>>
        %dma_start3A_92 = arith.constant 0 : i32
        %dma_start3A_93 = arith.constant 0 : i32
        %dma_start3A_94 = tpu.memref_slice %arg2[%dma_start3A_92, %dma_start3A_93] : memref<10240x16xf32, #tpu.memory_space<hbm>> -> memref<10240x16xf32, #tpu.memory_space<hbm>>
        %dma_start3A_95 = tpu.memref_slice %arg11[%dma_start3A_84] : memref<2x!tpu.dma_semaphore, #tpu.memory_space<semaphore_mem>> -> memref<1x!tpu.dma_semaphore, #tpu.memory_space<semaphore_mem>>
        %dma_start3A_96 = tpu.memref_squeeze %dma_start3A_95 : memref<1x!tpu.dma_semaphore, #tpu.memory_space<semaphore_mem>> -> memref<!tpu.dma_semaphore, #tpu.memory_space<semaphore_mem>>
        tpu.enqueue_indirect_dma source(%dma_start3A_94 : memref<10240x16xf32, #tpu.memory_space<hbm>>) target(%dma_start3A_88 : memref<128x16xf32, #tpu.memory_space<vmem>>) offsets(%dma_start3A_91 : memref<128xi32, #tpu.memory_space<vmem>>) semaphore(%dma_start3A_96 : memref<!tpu.dma_semaphore, #tpu.memory_space<semaphore_mem>>)
      } else {
      }
      %add3A_64 = arith.constant 1 : i32
      %add3A_65 = arith.addi %mul3A_39, %add3A_64 : i32
      %dma_wait3A_66 = arith.constant 1 : i32
      %dma_wait3A_67 = arith.constant 1 : i32
      %dma_wait3A_68 = arith.constant 0 : i32
      %dma_wait3A_69 = arith.constant 0 : i32
      %dma_wait3A_70 = tpu.memref_slice %arg10[%dma_wait3A_66, %dma_wait3A_68, %dma_wait3A_69] : memref<2x128x16xf32, #tpu.memory_space<vmem>> -> memref<1x128x16xf32, #tpu.memory_space<vmem>>
      %dma_wait3A_71 = tpu.memref_squeeze %dma_wait3A_70 : memref<1x128x16xf32, #tpu.memory_space<vmem>> -> memref<128x16xf32, #tpu.memory_space<vmem>>
      %dma_wait3A_72 = arith.constant 0 : i32
      %dma_wait3A_73 = tpu.memref_slice %arg8[%add3A_65, %dma_wait3A_72] : memref<40x128xi32, #tpu.memory_space<vmem>> -> memref<1x128xi32, #tpu.memory_space<vmem>>
      %dma_wait3A_74 = tpu.memref_squeeze %dma_wait3A_73 : memref<1x128xi32, #tpu.memory_space<vmem>> -> memref<128xi32, #tpu.memory_space<vmem>>
      %dma_wait3A_75 = arith.constant 0 : i32
      %dma_wait3A_76 = arith.constant 0 : i32
      %dma_wait3A_77 = tpu.memref_slice %arg2[%dma_wait3A_75, %dma_wait3A_76] : memref<10240x16xf32, #tpu.memory_space<hbm>> -> memref<10240x16xf32, #tpu.memory_space<hbm>>
      %dma_wait3A_78 = tpu.memref_slice %arg11[%dma_wait3A_67] : memref<2x!tpu.dma_semaphore, #tpu.memory_space<semaphore_mem>> -> memref<1x!tpu.dma_semaphore, #tpu.memory_space<semaphore_mem>>
      %dma_wait3A_79 = tpu.memref_squeeze %dma_wait3A_78 : memref<1x!tpu.dma_semaphore, #tpu.memory_space<semaphore_mem>> -> memref<!tpu.dma_semaphore, #tpu.memory_space<semaphore_mem>>
      tpu.wait_indirect_dma semaphore(%dma_wait3A_79 : memref<!tpu.dma_semaphore, #tpu.memory_space<semaphore_mem>>) src(%dma_wait3A_77 : memref<10240x16xf32, #tpu.memory_space<hbm>>) dst(%dma_wait3A_71 : memref<128x16xf32, #tpu.memory_space<vmem>>)
      %run_scoped3A_80 = arith.constant 1 : i32
      "tpu.region"() ({
        %run_scoped3A_81 = tpu.sem_alloc : memref<!tpu.dma_semaphore, #tpu.memory_space<semaphore_mem>>
        %dma_start3A_82 = arith.constant 0 : i32
        %dma_start3A_83 = arith.constant 0 : i32
        %dma_start3A_84 = tpu.memref_slice %arg10[%run_scoped3A_80, %dma_start3A_82, %dma_start3A_83] : memref<2x128x16xf32, #tpu.memory_space<vmem>> -> memref<1x128x16xf32, #tpu.memory_space<vmem>>
        %dma_start3A_85 = tpu.memref_squeeze %dma_start3A_84 : memref<1x128x16xf32, #tpu.memory_space<vmem>> -> memref<128x16xf32, #tpu.memory_space<vmem>>
        %dma_start3A_86 = arith.constant 0 : i32
        %dma_start3A_87 = tpu.memref_slice %arg9[%add3A_65, %dma_start3A_86] : memref<40x128xi32, #tpu.memory_space<vmem>> -> memref<1x128xi32, #tpu.memory_space<vmem>>
        %dma_start3A_88 = tpu.memref_squeeze %dma_start3A_87 : memref<1x128xi32, #tpu.memory_space<vmem>> -> memref<128xi32, #tpu.memory_space<vmem>>
        %dma_start3A_89 = arith.constant 0 : i32
        %dma_start3A_90 = arith.constant 0 : i32
        %dma_start3A_91 = tpu.memref_slice %arg7[%dma_start3A_89, %dma_start3A_90] : memref<10240x16xf32, #tpu.memory_space<vmem_shared>> -> memref<10240x16xf32, #tpu.memory_space<vmem_shared>>
        tpu.enqueue_indirect_dma source(%dma_start3A_85 : memref<128x16xf32, #tpu.memory_space<vmem>>) target(%dma_start3A_91 : memref<10240x16xf32, #tpu.memory_space<vmem_shared>>) offsets(%dma_start3A_88 : memref<128xi32, #tpu.memory_space<vmem>>) semaphore(%run_scoped3A_81 : memref<!tpu.dma_semaphore, #tpu.memory_space<semaphore_mem>>) {add = true}
        %dma_wait3A_92 = arith.constant 0 : i32
        %dma_wait3A_93 = arith.constant 0 : i32
        %dma_wait3A_94 = tpu.memref_slice %arg10[%run_scoped3A_80, %dma_wait3A_92, %dma_wait3A_93] : memref<2x128x16xf32, #tpu.memory_space<vmem>> -> memref<1x128x16xf32, #tpu.memory_space<vmem>>
        %dma_wait3A_95 = tpu.memref_squeeze %dma_wait3A_94 : memref<1x128x16xf32, #tpu.memory_space<vmem>> -> memref<128x16xf32, #tpu.memory_space<vmem>>
        %dma_wait3A_96 = arith.constant 0 : i32
        %dma_wait3A_97 = tpu.memref_slice %arg9[%add3A_65, %dma_wait3A_96] : memref<40x128xi32, #tpu.memory_space<vmem>> -> memref<1x128xi32, #tpu.memory_space<vmem>>
        %dma_wait3A_98 = tpu.memref_squeeze %dma_wait3A_97 : memref<1x128xi32, #tpu.memory_space<vmem>> -> memref<128xi32, #tpu.memory_space<vmem>>
        %dma_wait3A_99 = arith.constant 0 : i32
        %dma_wait3A_100 = arith.constant 0 : i32
        %dma_wait3A_101 = tpu.memref_slice %arg7[%dma_wait3A_99, %dma_wait3A_100] : memref<10240x16xf32, #tpu.memory_space<vmem_shared>> -> memref<10240x16xf32, #tpu.memory_space<vmem_shared>>
        tpu.wait_indirect_dma semaphore(%run_scoped3A_81 : memref<!tpu.dma_semaphore, #tpu.memory_space<semaphore_mem>>) src(%dma_wait3A_95 : memref<128x16xf32, #tpu.memory_space<vmem>>) dst(%dma_wait3A_101 : memref<10240x16xf32, #tpu.memory_space<vmem_shared>>)
        tpu.yield
      }) : () -> ()
    }
    %scan3A_24 = arith.constant 20 : i32
    %barrier3A_25 = arith.constant 0 : index
    tpu.barrier barrier_id(%barrier3A_25)
    %mul3A_26 = arith.constant 10240 : i32
    %mul3A_27 = arith.muli %arg0, %mul3A_26 : i32
    %mul3A_28 = arith.constant 640 : i32
    %mul3A_29 = arith.muli %arg1, %mul3A_28 : i32
    %add3A_30 = arith.addi %mul3A_27, %mul3A_29 : i32
    %mul3A_31 = arith.constant 640 : i32
    %mul3A_32 = arith.muli %arg1, %mul3A_31 : i32
    "tpu.region"() ({
      %run_scoped3A = tpu.sem_alloc : memref<!tpu.dma_semaphore, #tpu.memory_space<semaphore_mem>>
      %dma_start3A_33 = arith.constant 0 : i32
      %dma_start3A_34 = tpu.memref_slice %arg6[%add3A_30, %dma_start3A_33] : memref<20480x16xf32, #tpu.memory_space<hbm>> -> memref<640x16xf32, #tpu.memory_space<hbm>>
      %dma_start3A_35 = arith.constant 0 : i32
      %dma_start3A_36 = tpu.memref_slice %arg7[%mul3A_32, %dma_start3A_35] : memref<10240x16xf32, #tpu.memory_space<vmem_shared>> -> memref<640x16xf32, #tpu.memory_space<vmem_shared>>
      tpu.enqueue_dma source(%dma_start3A_36 : memref<640x16xf32, #tpu.memory_space<vmem_shared>>) target(%dma_start3A_34 : memref<640x16xf32, #tpu.memory_space<hbm>>) target_semaphore(%run_scoped3A : memref<!tpu.dma_semaphore, #tpu.memory_space<semaphore_mem>>)
      %dma_wait3A = arith.constant 0 : i32
      %dma_wait3A_37 = tpu.memref_slice %arg6[%add3A_30, %dma_wait3A] : memref<20480x16xf32, #tpu.memory_space<hbm>> -> memref<640x16xf32, #tpu.memory_space<hbm>>
      %dma_wait3A_38 = arith.constant 0 : i32
      %dma_wait3A_39 = tpu.memref_slice %arg7[%mul3A_32, %dma_wait3A_38] : memref<10240x16xf32, #tpu.memory_space<vmem_shared>> -> memref<640x16xf32, #tpu.memory_space<vmem_shared>>
      tpu.wait_dma2 semaphore(%run_scoped3A : memref<!tpu.dma_semaphore, #tpu.memory_space<semaphore_mem>>) src(%dma_wait3A_39 : memref<640x16xf32, #tpu.memory_space<vmem_shared>>) dst(%dma_wait3A_37 : memref<640x16xf32, #tpu.memory_space<hbm>>)
      tpu.yield
    }) : () -> ()
    return
  }
}

#map = affine_map<(d0, d1) -> (0, 0)>
module attributes {stable_mosaic.version = 14 : i64} {
  func.func @_sc_conv(%arg0: i32, %arg1: i32, %arg2: memref<10240x16xf32, #tpu.memory_space<hbm>>, %arg3: memref<10240x16xf32, #tpu.memory_space<hbm>>, %arg4: memref<1280x128xf32, #tpu.memory_space<hbm>>, %arg5: memref<1280x128xi32, #tpu.memory_space<hbm>>, %arg6: memref<1280x128xi32, #tpu.memory_space<hbm>>, %arg7: memref<10240x16xf32, #tpu.memory_space<hbm>>, %arg8: memref<20480x16xf32, #tpu.memory_space<hbm>>, %arg9: memref<20480x16xf32, #tpu.memory_space<hbm>>, %arg10: memref<20480x16xf32, #tpu.memory_space<hbm>>, %arg11: memref<10240x16xf32, #tpu.memory_space<vmem_shared>>, %arg12: memref<10240x16xf32, #tpu.memory_space<vmem_shared>>, %arg13: memref<10240x16xf32, #tpu.memory_space<vmem_shared>>, %arg14: memref<40x128xi32, #tpu.memory_space<vmem>>, %arg15: memref<40x128xi32, #tpu.memory_space<vmem>>, %arg16: memref<40x128xf32, #tpu.memory_space<vmem>>, %arg17: memref<2x128x16xf32, #tpu.memory_space<vmem>>, %arg18: memref<2x128x16xf32, #tpu.memory_space<vmem>>, %arg19: memref<2x128x16xf32, #tpu.memory_space<vmem>>, %arg20: memref<2x!tpu.dma_semaphore, #tpu.memory_space<semaphore_mem>>, %arg21: memref<2x!tpu.dma_semaphore, #tpu.memory_space<semaphore_mem>>, %arg22: memref<2x!tpu.dma_semaphore, #tpu.memory_space<semaphore_mem>>) attributes {dimension_semantics = [#tpu.dimension_semantics<core_parallel>, #tpu.dimension_semantics<subcore_parallel>], iteration_bounds = array<i64: 2, 16>, scalar_prefetch = 0 : i64, scratch_operands = 12 : i64, tpu.core_type = #tpu.core_type<sc_vector_subcore>, window_params = [{transform_indices = #map}, {transform_indices = #map}, {transform_indices = #map}, {transform_indices = #map}, {transform_indices = #map}, {transform_indices = #map}, {transform_indices = #map}, {transform_indices = #map}, {transform_indices = #map}]} {
    %mul3A = arith.constant 2 : i32
    %mul3A_0 = arith.muli %arg1, %mul3A : i32
    %add3A = arith.addi %mul3A_0, %arg0 : i32
    %mul3A_1 = arith.constant 640 : i32
    %mul3A_2 = arith.muli %arg1, %mul3A_1 : i32
    %mul3A_3 = arith.constant 640 : i32
    %mul3A_4 = arith.muli %arg1, %mul3A_3 : i32
    "tpu.region"() ({
      %run_scoped3A = tpu.sem_alloc : memref<!tpu.dma_semaphore, #tpu.memory_space<semaphore_mem>>
      %dma_start3A_75 = arith.constant 0 : i32
      %dma_start3A_76 = tpu.memref_slice %arg11[%mul3A_4, %dma_start3A_75] : memref<10240x16xf32, #tpu.memory_space<vmem_shared>> -> memref<640x16xf32, #tpu.memory_space<vmem_shared>>
      %dma_start3A_77 = arith.constant 0 : i32
      %dma_start3A_78 = tpu.memref_slice %arg7[%mul3A_2, %dma_start3A_77] : memref<10240x16xf32, #tpu.memory_space<hbm>> -> memref<640x16xf32, #tpu.memory_space<hbm>>
      tpu.enqueue_dma source(%dma_start3A_78 : memref<640x16xf32, #tpu.memory_space<hbm>>) target(%dma_start3A_76 : memref<640x16xf32, #tpu.memory_space<vmem_shared>>) target_semaphore(%run_scoped3A : memref<!tpu.dma_semaphore, #tpu.memory_space<semaphore_mem>>)
      %dma_wait3A = arith.constant 0 : i32
      %dma_wait3A_79 = tpu.memref_slice %arg11[%mul3A_4, %dma_wait3A] : memref<10240x16xf32, #tpu.memory_space<vmem_shared>> -> memref<640x16xf32, #tpu.memory_space<vmem_shared>>
      %dma_wait3A_80 = arith.constant 0 : i32
      %dma_wait3A_81 = tpu.memref_slice %arg7[%mul3A_2, %dma_wait3A_80] : memref<10240x16xf32, #tpu.memory_space<hbm>> -> memref<640x16xf32, #tpu.memory_space<hbm>>
      tpu.wait_dma2 semaphore(%run_scoped3A : memref<!tpu.dma_semaphore, #tpu.memory_space<semaphore_mem>>) src(%dma_wait3A_81 : memref<640x16xf32, #tpu.memory_space<hbm>>) dst(%dma_wait3A_79 : memref<640x16xf32, #tpu.memory_space<vmem_shared>>)
      tpu.yield
    }) : () -> ()
    %mul3A_5 = arith.constant 640 : i32
    %mul3A_6 = arith.muli %arg1, %mul3A_5 : i32
    %mul3A_7 = arith.constant 640 : i32
    %mul3A_8 = arith.muli %arg1, %mul3A_7 : i32
    "tpu.region"() ({
      %run_scoped3A = tpu.sem_alloc : memref<!tpu.dma_semaphore, #tpu.memory_space<semaphore_mem>>
      %dma_start3A_75 = arith.constant 0 : i32
      %dma_start3A_76 = tpu.memref_slice %arg12[%mul3A_8, %dma_start3A_75] : memref<10240x16xf32, #tpu.memory_space<vmem_shared>> -> memref<640x16xf32, #tpu.memory_space<vmem_shared>>
      %dma_start3A_77 = arith.constant 0 : i32
      %dma_start3A_78 = tpu.memref_slice %arg7[%mul3A_6, %dma_start3A_77] : memref<10240x16xf32, #tpu.memory_space<hbm>> -> memref<640x16xf32, #tpu.memory_space<hbm>>
      tpu.enqueue_dma source(%dma_start3A_78 : memref<640x16xf32, #tpu.memory_space<hbm>>) target(%dma_start3A_76 : memref<640x16xf32, #tpu.memory_space<vmem_shared>>) target_semaphore(%run_scoped3A : memref<!tpu.dma_semaphore, #tpu.memory_space<semaphore_mem>>)
      %dma_wait3A = arith.constant 0 : i32
      %dma_wait3A_79 = tpu.memref_slice %arg12[%mul3A_8, %dma_wait3A] : memref<10240x16xf32, #tpu.memory_space<vmem_shared>> -> memref<640x16xf32, #tpu.memory_space<vmem_shared>>
      %dma_wait3A_80 = arith.constant 0 : i32
      %dma_wait3A_81 = tpu.memref_slice %arg7[%mul3A_6, %dma_wait3A_80] : memref<10240x16xf32, #tpu.memory_space<hbm>> -> memref<640x16xf32, #tpu.memory_space<hbm>>
      tpu.wait_dma2 semaphore(%run_scoped3A : memref<!tpu.dma_semaphore, #tpu.memory_space<semaphore_mem>>) src(%dma_wait3A_81 : memref<640x16xf32, #tpu.memory_space<hbm>>) dst(%dma_wait3A_79 : memref<640x16xf32, #tpu.memory_space<vmem_shared>>)
      tpu.yield
    }) : () -> ()
    %mul3A_9 = arith.constant 640 : i32
    %mul3A_10 = arith.muli %arg1, %mul3A_9 : i32
    %mul3A_11 = arith.constant 640 : i32
    %mul3A_12 = arith.muli %arg1, %mul3A_11 : i32
    "tpu.region"() ({
      %run_scoped3A = tpu.sem_alloc : memref<!tpu.dma_semaphore, #tpu.memory_space<semaphore_mem>>
      %dma_start3A_75 = arith.constant 0 : i32
      %dma_start3A_76 = tpu.memref_slice %arg13[%mul3A_12, %dma_start3A_75] : memref<10240x16xf32, #tpu.memory_space<vmem_shared>> -> memref<640x16xf32, #tpu.memory_space<vmem_shared>>
      %dma_start3A_77 = arith.constant 0 : i32
      %dma_start3A_78 = tpu.memref_slice %arg7[%mul3A_10, %dma_start3A_77] : memref<10240x16xf32, #tpu.memory_space<hbm>> -> memref<640x16xf32, #tpu.memory_space<hbm>>
      tpu.enqueue_dma source(%dma_start3A_78 : memref<640x16xf32, #tpu.memory_space<hbm>>) target(%dma_start3A_76 : memref<640x16xf32, #tpu.memory_space<vmem_shared>>) target_semaphore(%run_scoped3A : memref<!tpu.dma_semaphore, #tpu.memory_space<semaphore_mem>>)
      %dma_wait3A = arith.constant 0 : i32
      %dma_wait3A_79 = tpu.memref_slice %arg13[%mul3A_12, %dma_wait3A] : memref<10240x16xf32, #tpu.memory_space<vmem_shared>> -> memref<640x16xf32, #tpu.memory_space<vmem_shared>>
      %dma_wait3A_80 = arith.constant 0 : i32
      %dma_wait3A_81 = tpu.memref_slice %arg7[%mul3A_10, %dma_wait3A_80] : memref<10240x16xf32, #tpu.memory_space<hbm>> -> memref<640x16xf32, #tpu.memory_space<hbm>>
      tpu.wait_dma2 semaphore(%run_scoped3A : memref<!tpu.dma_semaphore, #tpu.memory_space<semaphore_mem>>) src(%dma_wait3A_81 : memref<640x16xf32, #tpu.memory_space<hbm>>) dst(%dma_wait3A_79 : memref<640x16xf32, #tpu.memory_space<vmem_shared>>)
      tpu.yield
    }) : () -> ()
    %barrier3A = arith.constant 0 : index
    tpu.barrier barrier_id(%barrier3A)
    %mul3A_13 = arith.constant 40 : i32
    %mul3A_14 = arith.muli %add3A, %mul3A_13 : i32
    "tpu.region"() ({
      %run_scoped3A = tpu.sem_alloc : memref<!tpu.dma_semaphore, #tpu.memory_space<semaphore_mem>>
      %dma_start3A_75 = arith.constant 0 : i32
      %dma_start3A_76 = tpu.memref_slice %arg5[%mul3A_14, %dma_start3A_75] : memref<1280x128xi32, #tpu.memory_space<hbm>> -> memref<40x128xi32, #tpu.memory_space<hbm>>
      %dma_start3A_77 = arith.constant 0 : i32
      %dma_start3A_78 = tpu.memref_slice %arg5[%mul3A_14, %dma_start3A_77] : memref<1280x128xi32, #tpu.memory_space<hbm>> -> memref<40x128xi32, #tpu.memory_space<hbm>>
      tpu.enqueue_dma source(%dma_start3A_78 : memref<40x128xi32, #tpu.memory_space<hbm>>) target(%arg14 : memref<40x128xi32, #tpu.memory_space<vmem>>) target_semaphore(%run_scoped3A : memref<!tpu.dma_semaphore, #tpu.memory_space<semaphore_mem>>)
      %dma_wait3A = arith.constant 0 : i32
      %dma_wait3A_79 = tpu.memref_slice %arg5[%mul3A_14, %dma_wait3A] : memref<1280x128xi32, #tpu.memory_space<hbm>> -> memref<40x128xi32, #tpu.memory_space<hbm>>
      %dma_wait3A_80 = arith.constant 0 : i32
      %dma_wait3A_81 = tpu.memref_slice %arg5[%mul3A_14, %dma_wait3A_80] : memref<1280x128xi32, #tpu.memory_space<hbm>> -> memref<40x128xi32, #tpu.memory_space<hbm>>
      tpu.wait_dma2 semaphore(%run_scoped3A : memref<!tpu.dma_semaphore, #tpu.memory_space<semaphore_mem>>) src(%dma_wait3A_81 : memref<40x128xi32, #tpu.memory_space<hbm>>) dst(%arg14 : memref<40x128xi32, #tpu.memory_space<vmem>>)
      tpu.yield
    }) : () -> ()
    "tpu.region"() ({
      %run_scoped3A = tpu.sem_alloc : memref<!tpu.dma_semaphore, #tpu.memory_space<semaphore_mem>>
      %dma_start3A_75 = arith.constant 0 : i32
      %dma_start3A_76 = tpu.memref_slice %arg6[%mul3A_14, %dma_start3A_75] : memref<1280x128xi32, #tpu.memory_space<hbm>> -> memref<40x128xi32, #tpu.memory_space<hbm>>
      %dma_start3A_77 = arith.constant 0 : i32
      %dma_start3A_78 = tpu.memref_slice %arg6[%mul3A_14, %dma_start3A_77] : memref<1280x128xi32, #tpu.memory_space<hbm>> -> memref<40x128xi32, #tpu.memory_space<hbm>>
      tpu.enqueue_dma source(%dma_start3A_78 : memref<40x128xi32, #tpu.memory_space<hbm>>) target(%arg15 : memref<40x128xi32, #tpu.memory_space<vmem>>) target_semaphore(%run_scoped3A : memref<!tpu.dma_semaphore, #tpu.memory_space<semaphore_mem>>)
      %dma_wait3A = arith.constant 0 : i32
      %dma_wait3A_79 = tpu.memref_slice %arg6[%mul3A_14, %dma_wait3A] : memref<1280x128xi32, #tpu.memory_space<hbm>> -> memref<40x128xi32, #tpu.memory_space<hbm>>
      %dma_wait3A_80 = arith.constant 0 : i32
      %dma_wait3A_81 = tpu.memref_slice %arg6[%mul3A_14, %dma_wait3A_80] : memref<1280x128xi32, #tpu.memory_space<hbm>> -> memref<40x128xi32, #tpu.memory_space<hbm>>
      tpu.wait_dma2 semaphore(%run_scoped3A : memref<!tpu.dma_semaphore, #tpu.memory_space<semaphore_mem>>) src(%dma_wait3A_81 : memref<40x128xi32, #tpu.memory_space<hbm>>) dst(%arg15 : memref<40x128xi32, #tpu.memory_space<vmem>>)
      tpu.yield
    }) : () -> ()
    "tpu.region"() ({
      %run_scoped3A = tpu.sem_alloc : memref<!tpu.dma_semaphore, #tpu.memory_space<semaphore_mem>>
      %dma_start3A_75 = arith.constant 0 : i32
      %dma_start3A_76 = tpu.memref_slice %arg4[%mul3A_14, %dma_start3A_75] : memref<1280x128xf32, #tpu.memory_space<hbm>> -> memref<40x128xf32, #tpu.memory_space<hbm>>
      %dma_start3A_77 = arith.constant 0 : i32
      %dma_start3A_78 = tpu.memref_slice %arg4[%mul3A_14, %dma_start3A_77] : memref<1280x128xf32, #tpu.memory_space<hbm>> -> memref<40x128xf32, #tpu.memory_space<hbm>>
      tpu.enqueue_dma source(%dma_start3A_78 : memref<40x128xf32, #tpu.memory_space<hbm>>) target(%arg16 : memref<40x128xf32, #tpu.memory_space<vmem>>) target_semaphore(%run_scoped3A : memref<!tpu.dma_semaphore, #tpu.memory_space<semaphore_mem>>)
      %dma_wait3A = arith.constant 0 : i32
      %dma_wait3A_79 = tpu.memref_slice %arg4[%mul3A_14, %dma_wait3A] : memref<1280x128xf32, #tpu.memory_space<hbm>> -> memref<40x128xf32, #tpu.memory_space<hbm>>
      %dma_wait3A_80 = arith.constant 0 : i32
      %dma_wait3A_81 = tpu.memref_slice %arg4[%mul3A_14, %dma_wait3A_80] : memref<1280x128xf32, #tpu.memory_space<hbm>> -> memref<40x128xf32, #tpu.memory_space<hbm>>
      tpu.wait_dma2 semaphore(%run_scoped3A : memref<!tpu.dma_semaphore, #tpu.memory_space<semaphore_mem>>) src(%dma_wait3A_81 : memref<40x128xf32, #tpu.memory_space<hbm>>) dst(%arg16 : memref<40x128xf32, #tpu.memory_space<vmem>>)
      tpu.yield
    }) : () -> ()
    %dma_start3A = arith.constant 0 : i32
    %dma_start3A_15 = arith.constant 0 : i32
    %dma_start3A_16 = arith.constant 0 : i32
    %dma_start3A_17 = arith.constant 0 : i32
    %dma_start3A_18 = arith.constant 0 : i32
    %dma_start3A_19 = tpu.memref_slice %arg17[%dma_start3A_15, %dma_start3A_17, %dma_start3A_18] : memref<2x128x16xf32, #tpu.memory_space<vmem>> -> memref<1x128x16xf32, #tpu.memory_space<vmem>>
    %dma_start3A_20 = tpu.memref_squeeze %dma_start3A_19 : memref<1x128x16xf32, #tpu.memory_space<vmem>> -> memref<128x16xf32, #tpu.memory_space<vmem>>
    %dma_start3A_21 = arith.constant 0 : i32
    %dma_start3A_22 = tpu.memref_slice %arg14[%dma_start3A, %dma_start3A_21] : memref<40x128xi32, #tpu.memory_space<vmem>> -> memref<1x128xi32, #tpu.memory_space<vmem>>
    %dma_start3A_23 = tpu.memref_squeeze %dma_start3A_22 : memref<1x128xi32, #tpu.memory_space<vmem>> -> memref<128xi32, #tpu.memory_space<vmem>>
    %dma_start3A_24 = arith.constant 0 : i32
    %dma_start3A_25 = arith.constant 0 : i32
    %dma_start3A_26 = tpu.memref_slice %arg2[%dma_start3A_24, %dma_start3A_25] : memref<10240x16xf32, #tpu.memory_space<hbm>> -> memref<10240x16xf32, #tpu.memory_space<hbm>>
    %dma_start3A_27 = tpu.memref_slice %arg20[%dma_start3A_16] : memref<2x!tpu.dma_semaphore, #tpu.memory_space<semaphore_mem>> -> memref<1x!tpu.dma_semaphore, #tpu.memory_space<semaphore_mem>>
    %dma_start3A_28 = tpu.memref_squeeze %dma_start3A_27 : memref<1x!tpu.dma_semaphore, #tpu.memory_space<semaphore_mem>> -> memref<!tpu.dma_semaphore, #tpu.memory_space<semaphore_mem>>
    tpu.enqueue_indirect_dma source(%dma_start3A_26 : memref<10240x16xf32, #tpu.memory_space<hbm>>) target(%dma_start3A_20 : memref<128x16xf32, #tpu.memory_space<vmem>>) offsets(%dma_start3A_23 : memref<128xi32, #tpu.memory_space<vmem>>) semaphore(%dma_start3A_28 : memref<!tpu.dma_semaphore, #tpu.memory_space<semaphore_mem>>)
    %dma_start3A_29 = arith.constant 0 : i32
    %dma_start3A_30 = arith.constant 0 : i32
    %dma_start3A_31 = arith.constant 0 : i32
    %dma_start3A_32 = arith.constant 0 : i32
    %dma_start3A_33 = arith.constant 0 : i32
    %dma_start3A_34 = tpu.memref_slice %arg18[%dma_start3A_30, %dma_start3A_32, %dma_start3A_33] : memref<2x128x16xf32, #tpu.memory_space<vmem>> -> memref<1x128x16xf32, #tpu.memory_space<vmem>>
    %dma_start3A_35 = tpu.memref_squeeze %dma_start3A_34 : memref<1x128x16xf32, #tpu.memory_space<vmem>> -> memref<128x16xf32, #tpu.memory_space<vmem>>
    %dma_start3A_36 = arith.constant 0 : i32
    %dma_start3A_37 = tpu.memref_slice %arg14[%dma_start3A_29, %dma_start3A_36] : memref<40x128xi32, #tpu.memory_space<vmem>> -> memref<1x128xi32, #tpu.memory_space<vmem>>
    %dma_start3A_38 = tpu.memref_squeeze %dma_start3A_37 : memref<1x128xi32, #tpu.memory_space<vmem>> -> memref<128xi32, #tpu.memory_space<vmem>>
    %dma_start3A_39 = arith.constant 0 : i32
    %dma_start3A_40 = arith.constant 0 : i32
    %dma_start3A_41 = tpu.memref_slice %arg3[%dma_start3A_39, %dma_start3A_40] : memref<10240x16xf32, #tpu.memory_space<hbm>> -> memref<10240x16xf32, #tpu.memory_space<hbm>>
    %dma_start3A_42 = tpu.memref_slice %arg21[%dma_start3A_31] : memref<2x!tpu.dma_semaphore, #tpu.memory_space<semaphore_mem>> -> memref<1x!tpu.dma_semaphore, #tpu.memory_space<semaphore_mem>>
    %dma_start3A_43 = tpu.memref_squeeze %dma_start3A_42 : memref<1x!tpu.dma_semaphore, #tpu.memory_space<semaphore_mem>> -> memref<!tpu.dma_semaphore, #tpu.memory_space<semaphore_mem>>
    tpu.enqueue_indirect_dma source(%dma_start3A_41 : memref<10240x16xf32, #tpu.memory_space<hbm>>) target(%dma_start3A_35 : memref<128x16xf32, #tpu.memory_space<vmem>>) offsets(%dma_start3A_38 : memref<128xi32, #tpu.memory_space<vmem>>) semaphore(%dma_start3A_43 : memref<!tpu.dma_semaphore, #tpu.memory_space<semaphore_mem>>)
    %dma_start3A_44 = arith.constant 0 : i32
    %dma_start3A_45 = arith.constant 0 : i32
    %dma_start3A_46 = arith.constant 0 : i32
    %dma_start3A_47 = arith.constant 0 : i32
    %dma_start3A_48 = arith.constant 0 : i32
    %dma_start3A_49 = tpu.memref_slice %arg19[%dma_start3A_45, %dma_start3A_47, %dma_start3A_48] : memref<2x128x16xf32, #tpu.memory_space<vmem>> -> memref<1x128x16xf32, #tpu.memory_space<vmem>>
    %dma_start3A_50 = tpu.memref_squeeze %dma_start3A_49 : memref<1x128x16xf32, #tpu.memory_space<vmem>> -> memref<128x16xf32, #tpu.memory_space<vmem>>
    %dma_start3A_51 = arith.constant 0 : i32
    %dma_start3A_52 = tpu.memref_slice %arg15[%dma_start3A_44, %dma_start3A_51] : memref<40x128xi32, #tpu.memory_space<vmem>> -> memref<1x128xi32, #tpu.memory_space<vmem>>
    %dma_start3A_53 = tpu.memref_squeeze %dma_start3A_52 : memref<1x128xi32, #tpu.memory_space<vmem>> -> memref<128xi32, #tpu.memory_space<vmem>>
    %dma_start3A_54 = arith.constant 0 : i32
    %dma_start3A_55 = arith.constant 0 : i32
    %dma_start3A_56 = tpu.memref_slice %arg3[%dma_start3A_54, %dma_start3A_55] : memref<10240x16xf32, #tpu.memory_space<hbm>> -> memref<10240x16xf32, #tpu.memory_space<hbm>>
    %dma_start3A_57 = tpu.memref_slice %arg22[%dma_start3A_46] : memref<2x!tpu.dma_semaphore, #tpu.memory_space<semaphore_mem>> -> memref<1x!tpu.dma_semaphore, #tpu.memory_space<semaphore_mem>>
    %dma_start3A_58 = tpu.memref_squeeze %dma_start3A_57 : memref<1x!tpu.dma_semaphore, #tpu.memory_space<semaphore_mem>> -> memref<!tpu.dma_semaphore, #tpu.memory_space<semaphore_mem>>
    tpu.enqueue_indirect_dma source(%dma_start3A_56 : memref<10240x16xf32, #tpu.memory_space<hbm>>) target(%dma_start3A_50 : memref<128x16xf32, #tpu.memory_space<vmem>>) offsets(%dma_start3A_53 : memref<128xi32, #tpu.memory_space<vmem>>) semaphore(%dma_start3A_58 : memref<!tpu.dma_semaphore, #tpu.memory_space<semaphore_mem>>)
    %scan3A = arith.constant 0 : i32
    %scan3A_59 = arith.constant 20 : i32
    %scan3A_60 = arith.addi %scan3A, %scan3A_59 : i32
    %scan3A_61 = arith.constant 1 : i32
    scf.for %scan3A_75 = %scan3A to %scan3A_60 step %scan3A_61  : i32 {
      %mul3A_76 = arith.constant 1 : i32
      %mul3A_77 = arith.muli %scan3A_75, %mul3A_76 : i32
      %add3A_78 = arith.constant 0 : i32
      %add3A_79 = arith.addi %add3A_78, %mul3A_77 : i32
      %mul3A_80 = arith.constant 2 : i32
      %mul3A_81 = arith.muli %mul3A_80, %add3A_79 : i32
      %add3A_82 = arith.constant 1 : i32
      %add3A_83 = arith.addi %mul3A_81, %add3A_82 : i32
      %lt3A = arith.constant 40 : i32
      %lt3A_84 = arith.cmpi slt, %add3A_83, %lt3A : i32
      %convert_element_type3A = arith.extui %lt3A_84 : i1 to i32
      %cond3A = arith.constant 0 : i32
      %cond3A_85 = arith.cmpi ne, %convert_element_type3A, %cond3A : i32
      scf.if %cond3A_85 {
        %add3A_211 = arith.constant 1 : i32
        %add3A_212 = arith.addi %mul3A_81, %add3A_211 : i32
        %dma_start3A_213 = arith.constant 1 : i32
        %dma_start3A_214 = arith.constant 1 : i32
        %dma_start3A_215 = arith.constant 0 : i32
        %dma_start3A_216 = arith.constant 0 : i32
        %dma_start3A_217 = tpu.memref_slice %arg17[%dma_start3A_213, %dma_start3A_215, %dma_start3A_216] : memref<2x128x16xf32, #tpu.memory_space<vmem>> -> memref<1x128x16xf32, #tpu.memory_space<vmem>>
        %dma_start3A_218 = tpu.memref_squeeze %dma_start3A_217 : memref<1x128x16xf32, #tpu.memory_space<vmem>> -> memref<128x16xf32, #tpu.memory_space<vmem>>
        %dma_start3A_219 = arith.constant 0 : i32
        %dma_start3A_220 = tpu.memref_slice %arg14[%add3A_212, %dma_start3A_219] : memref<40x128xi32, #tpu.memory_space<vmem>> -> memref<1x128xi32, #tpu.memory_space<vmem>>
        %dma_start3A_221 = tpu.memref_squeeze %dma_start3A_220 : memref<1x128xi32, #tpu.memory_space<vmem>> -> memref<128xi32, #tpu.memory_space<vmem>>
        %dma_start3A_222 = arith.constant 0 : i32
        %dma_start3A_223 = arith.constant 0 : i32
        %dma_start3A_224 = tpu.memref_slice %arg2[%dma_start3A_222, %dma_start3A_223] : memref<10240x16xf32, #tpu.memory_space<hbm>> -> memref<10240x16xf32, #tpu.memory_space<hbm>>
        %dma_start3A_225 = tpu.memref_slice %arg20[%dma_start3A_214] : memref<2x!tpu.dma_semaphore, #tpu.memory_space<semaphore_mem>> -> memref<1x!tpu.dma_semaphore, #tpu.memory_space<semaphore_mem>>
        %dma_start3A_226 = tpu.memref_squeeze %dma_start3A_225 : memref<1x!tpu.dma_semaphore, #tpu.memory_space<semaphore_mem>> -> memref<!tpu.dma_semaphore, #tpu.memory_space<semaphore_mem>>
        tpu.enqueue_indirect_dma source(%dma_start3A_224 : memref<10240x16xf32, #tpu.memory_space<hbm>>) target(%dma_start3A_218 : memref<128x16xf32, #tpu.memory_space<vmem>>) offsets(%dma_start3A_221 : memref<128xi32, #tpu.memory_space<vmem>>) semaphore(%dma_start3A_226 : memref<!tpu.dma_semaphore, #tpu.memory_space<semaphore_mem>>)
        %dma_start3A_227 = arith.constant 1 : i32
        %dma_start3A_228 = arith.constant 1 : i32
        %dma_start3A_229 = arith.constant 0 : i32
        %dma_start3A_230 = arith.constant 0 : i32
        %dma_start3A_231 = tpu.memref_slice %arg18[%dma_start3A_227, %dma_start3A_229, %dma_start3A_230] : memref<2x128x16xf32, #tpu.memory_space<vmem>> -> memref<1x128x16xf32, #tpu.memory_space<vmem>>
        %dma_start3A_232 = tpu.memref_squeeze %dma_start3A_231 : memref<1x128x16xf32, #tpu.memory_space<vmem>> -> memref<128x16xf32, #tpu.memory_space<vmem>>
        %dma_start3A_233 = arith.constant 0 : i32
        %dma_start3A_234 = tpu.memref_slice %arg14[%add3A_212, %dma_start3A_233] : memref<40x128xi32, #tpu.memory_space<vmem>> -> memref<1x128xi32, #tpu.memory_space<vmem>>
        %dma_start3A_235 = tpu.memref_squeeze %dma_start3A_234 : memref<1x128xi32, #tpu.memory_space<vmem>> -> memref<128xi32, #tpu.memory_space<vmem>>
        %dma_start3A_236 = arith.constant 0 : i32
        %dma_start3A_237 = arith.constant 0 : i32
        %dma_start3A_238 = tpu.memref_slice %arg3[%dma_start3A_236, %dma_start3A_237] : memref<10240x16xf32, #tpu.memory_space<hbm>> -> memref<10240x16xf32, #tpu.memory_space<hbm>>
        %dma_start3A_239 = tpu.memref_slice %arg21[%dma_start3A_228] : memref<2x!tpu.dma_semaphore, #tpu.memory_space<semaphore_mem>> -> memref<1x!tpu.dma_semaphore, #tpu.memory_space<semaphore_mem>>
        %dma_start3A_240 = tpu.memref_squeeze %dma_start3A_239 : memref<1x!tpu.dma_semaphore, #tpu.memory_space<semaphore_mem>> -> memref<!tpu.dma_semaphore, #tpu.memory_space<semaphore_mem>>
        tpu.enqueue_indirect_dma source(%dma_start3A_238 : memref<10240x16xf32, #tpu.memory_space<hbm>>) target(%dma_start3A_232 : memref<128x16xf32, #tpu.memory_space<vmem>>) offsets(%dma_start3A_235 : memref<128xi32, #tpu.memory_space<vmem>>) semaphore(%dma_start3A_240 : memref<!tpu.dma_semaphore, #tpu.memory_space<semaphore_mem>>)
        %dma_start3A_241 = arith.constant 1 : i32
        %dma_start3A_242 = arith.constant 1 : i32
        %dma_start3A_243 = arith.constant 0 : i32
        %dma_start3A_244 = arith.constant 0 : i32
        %dma_start3A_245 = tpu.memref_slice %arg19[%dma_start3A_241, %dma_start3A_243, %dma_start3A_244] : memref<2x128x16xf32, #tpu.memory_space<vmem>> -> memref<1x128x16xf32, #tpu.memory_space<vmem>>
        %dma_start3A_246 = tpu.memref_squeeze %dma_start3A_245 : memref<1x128x16xf32, #tpu.memory_space<vmem>> -> memref<128x16xf32, #tpu.memory_space<vmem>>
        %dma_start3A_247 = arith.constant 0 : i32
        %dma_start3A_248 = tpu.memref_slice %arg15[%add3A_212, %dma_start3A_247] : memref<40x128xi32, #tpu.memory_space<vmem>> -> memref<1x128xi32, #tpu.memory_space<vmem>>
        %dma_start3A_249 = tpu.memref_squeeze %dma_start3A_248 : memref<1x128xi32, #tpu.memory_space<vmem>> -> memref<128xi32, #tpu.memory_space<vmem>>
        %dma_start3A_250 = arith.constant 0 : i32
        %dma_start3A_251 = arith.constant 0 : i32
        %dma_start3A_252 = tpu.memref_slice %arg3[%dma_start3A_250, %dma_start3A_251] : memref<10240x16xf32, #tpu.memory_space<hbm>> -> memref<10240x16xf32, #tpu.memory_space<hbm>>
        %dma_start3A_253 = tpu.memref_slice %arg22[%dma_start3A_242] : memref<2x!tpu.dma_semaphore, #tpu.memory_space<semaphore_mem>> -> memref<1x!tpu.dma_semaphore, #tpu.memory_space<semaphore_mem>>
        %dma_start3A_254 = tpu.memref_squeeze %dma_start3A_253 : memref<1x!tpu.dma_semaphore, #tpu.memory_space<semaphore_mem>> -> memref<!tpu.dma_semaphore, #tpu.memory_space<semaphore_mem>>
        tpu.enqueue_indirect_dma source(%dma_start3A_252 : memref<10240x16xf32, #tpu.memory_space<hbm>>) target(%dma_start3A_246 : memref<128x16xf32, #tpu.memory_space<vmem>>) offsets(%dma_start3A_249 : memref<128xi32, #tpu.memory_space<vmem>>) semaphore(%dma_start3A_254 : memref<!tpu.dma_semaphore, #tpu.memory_space<semaphore_mem>>)
      } else {
      }
      %dma_wait3A = arith.constant 0 : i32
      %dma_wait3A_86 = arith.constant 0 : i32
      %dma_wait3A_87 = arith.constant 0 : i32
      %dma_wait3A_88 = arith.constant 0 : i32
      %dma_wait3A_89 = tpu.memref_slice %arg17[%dma_wait3A, %dma_wait3A_87, %dma_wait3A_88] : memref<2x128x16xf32, #tpu.memory_space<vmem>> -> memref<1x128x16xf32, #tpu.memory_space<vmem>>
      %dma_wait3A_90 = tpu.memref_squeeze %dma_wait3A_89 : memref<1x128x16xf32, #tpu.memory_space<vmem>> -> memref<128x16xf32, #tpu.memory_space<vmem>>
      %dma_wait3A_91 = arith.constant 0 : i32
      %dma_wait3A_92 = tpu.memref_slice %arg14[%mul3A_81, %dma_wait3A_91] : memref<40x128xi32, #tpu.memory_space<vmem>> -> memref<1x128xi32, #tpu.memory_space<vmem>>
      %dma_wait3A_93 = tpu.memref_squeeze %dma_wait3A_92 : memref<1x128xi32, #tpu.memory_space<vmem>> -> memref<128xi32, #tpu.memory_space<vmem>>
      %dma_wait3A_94 = arith.constant 0 : i32
      %dma_wait3A_95 = arith.constant 0 : i32
      %dma_wait3A_96 = tpu.memref_slice %arg2[%dma_wait3A_94, %dma_wait3A_95] : memref<10240x16xf32, #tpu.memory_space<hbm>> -> memref<10240x16xf32, #tpu.memory_space<hbm>>
      %dma_wait3A_97 = tpu.memref_slice %arg20[%dma_wait3A_86] : memref<2x!tpu.dma_semaphore, #tpu.memory_space<semaphore_mem>> -> memref<1x!tpu.dma_semaphore, #tpu.memory_space<semaphore_mem>>
      %dma_wait3A_98 = tpu.memref_squeeze %dma_wait3A_97 : memref<1x!tpu.dma_semaphore, #tpu.memory_space<semaphore_mem>> -> memref<!tpu.dma_semaphore, #tpu.memory_space<semaphore_mem>>
      tpu.wait_indirect_dma semaphore(%dma_wait3A_98 : memref<!tpu.dma_semaphore, #tpu.memory_space<semaphore_mem>>) src(%dma_wait3A_96 : memref<10240x16xf32, #tpu.memory_space<hbm>>) dst(%dma_wait3A_90 : memref<128x16xf32, #tpu.memory_space<vmem>>)
      %dma_wait3A_99 = arith.constant 0 : i32
      %dma_wait3A_100 = arith.constant 0 : i32
      %dma_wait3A_101 = arith.constant 0 : i32
      %dma_wait3A_102 = arith.constant 0 : i32
      %dma_wait3A_103 = tpu.memref_slice %arg18[%dma_wait3A_99, %dma_wait3A_101, %dma_wait3A_102] : memref<2x128x16xf32, #tpu.memory_space<vmem>> -> memref<1x128x16xf32, #tpu.memory_space<vmem>>
      %dma_wait3A_104 = tpu.memref_squeeze %dma_wait3A_103 : memref<1x128x16xf32, #tpu.memory_space<vmem>> -> memref<128x16xf32, #tpu.memory_space<vmem>>
      %dma_wait3A_105 = arith.constant 0 : i32
      %dma_wait3A_106 = tpu.memref_slice %arg14[%mul3A_81, %dma_wait3A_105] : memref<40x128xi32, #tpu.memory_space<vmem>> -> memref<1x128xi32, #tpu.memory_space<vmem>>
      %dma_wait3A_107 = tpu.memref_squeeze %dma_wait3A_106 : memref<1x128xi32, #tpu.memory_space<vmem>> -> memref<128xi32, #tpu.memory_space<vmem>>
      %dma_wait3A_108 = arith.constant 0 : i32
      %dma_wait3A_109 = arith.constant 0 : i32
      %dma_wait3A_110 = tpu.memref_slice %arg3[%dma_wait3A_108, %dma_wait3A_109] : memref<10240x16xf32, #tpu.memory_space<hbm>> -> memref<10240x16xf32, #tpu.memory_space<hbm>>
      %dma_wait3A_111 = tpu.memref_slice %arg21[%dma_wait3A_100] : memref<2x!tpu.dma_semaphore, #tpu.memory_space<semaphore_mem>> -> memref<1x!tpu.dma_semaphore, #tpu.memory_space<semaphore_mem>>
      %dma_wait3A_112 = tpu.memref_squeeze %dma_wait3A_111 : memref<1x!tpu.dma_semaphore, #tpu.memory_space<semaphore_mem>> -> memref<!tpu.dma_semaphore, #tpu.memory_space<semaphore_mem>>
      tpu.wait_indirect_dma semaphore(%dma_wait3A_112 : memref<!tpu.dma_semaphore, #tpu.memory_space<semaphore_mem>>) src(%dma_wait3A_110 : memref<10240x16xf32, #tpu.memory_space<hbm>>) dst(%dma_wait3A_104 : memref<128x16xf32, #tpu.memory_space<vmem>>)
      %dma_wait3A_113 = arith.constant 0 : i32
      %dma_wait3A_114 = arith.constant 0 : i32
      %dma_wait3A_115 = arith.constant 0 : i32
      %dma_wait3A_116 = arith.constant 0 : i32
      %dma_wait3A_117 = tpu.memref_slice %arg19[%dma_wait3A_113, %dma_wait3A_115, %dma_wait3A_116] : memref<2x128x16xf32, #tpu.memory_space<vmem>> -> memref<1x128x16xf32, #tpu.memory_space<vmem>>
      %dma_wait3A_118 = tpu.memref_squeeze %dma_wait3A_117 : memref<1x128x16xf32, #tpu.memory_space<vmem>> -> memref<128x16xf32, #tpu.memory_space<vmem>>
      %dma_wait3A_119 = arith.constant 0 : i32
      %dma_wait3A_120 = tpu.memref_slice %arg15[%mul3A_81, %dma_wait3A_119] : memref<40x128xi32, #tpu.memory_space<vmem>> -> memref<1x128xi32, #tpu.memory_space<vmem>>
      %dma_wait3A_121 = tpu.memref_squeeze %dma_wait3A_120 : memref<1x128xi32, #tpu.memory_space<vmem>> -> memref<128xi32, #tpu.memory_space<vmem>>
      %dma_wait3A_122 = arith.constant 0 : i32
      %dma_wait3A_123 = arith.constant 0 : i32
      %dma_wait3A_124 = tpu.memref_slice %arg3[%dma_wait3A_122, %dma_wait3A_123] : memref<10240x16xf32, #tpu.memory_space<hbm>> -> memref<10240x16xf32, #tpu.memory_space<hbm>>
      %dma_wait3A_125 = tpu.memref_slice %arg22[%dma_wait3A_114] : memref<2x!tpu.dma_semaphore, #tpu.memory_space<semaphore_mem>> -> memref<1x!tpu.dma_semaphore, #tpu.memory_space<semaphore_mem>>
      %dma_wait3A_126 = tpu.memref_squeeze %dma_wait3A_125 : memref<1x!tpu.dma_semaphore, #tpu.memory_space<semaphore_mem>> -> memref<!tpu.dma_semaphore, #tpu.memory_space<semaphore_mem>>
      tpu.wait_indirect_dma semaphore(%dma_wait3A_126 : memref<!tpu.dma_semaphore, #tpu.memory_space<semaphore_mem>>) src(%dma_wait3A_124 : memref<10240x16xf32, #tpu.memory_space<hbm>>) dst(%dma_wait3A_118 : memref<128x16xf32, #tpu.memory_space<vmem>>)
      %iota3A = tpu.iota {dimensions = array<i32: 0>} : vector<16xi32>
      %lt3A_127 = arith.constant 8 : i32
      %lt3A_128 = vector.broadcast %lt3A_127 : i32 to vector<16xi32>
      %lt3A_129 = arith.cmpi slt, %iota3A, %lt3A_128 : vector<16xi32>
      %convert_element_type3A_130 = arith.extui %lt3A_129 : vector<16xi1> to vector<16xi32>
      %convert_element_type3A_131 = arith.sitofp %convert_element_type3A_130 : vector<16xi32> to vector<16xf32>
      %sub3A = arith.constant 1.000000e+00 : f32
      %sub3A_132 = vector.broadcast %sub3A : f32 to vector<16xf32>
      %sub3A_133 = arith.subf %sub3A_132, %convert_element_type3A_131 : vector<16xf32>
      %scan3A_134 = arith.constant 0 : i32
      %scan3A_135 = arith.constant 0 : i32
      %scan3A_136 = arith.constant 8 : i32
      %scan3A_137 = arith.addi %scan3A_135, %scan3A_136 : i32
      %scan3A_138 = arith.constant 1 : i32
      scf.for %scan3A_211 = %scan3A_135 to %scan3A_137 step %scan3A_138  : i32 {
        %mul3A_212 = arith.constant 1 : i32
        %mul3A_213 = arith.muli %scan3A_211, %mul3A_212 : i32
        %add3A_214 = arith.constant 0 : i32
        %add3A_215 = arith.addi %add3A_214, %mul3A_213 : i32
        %mul3A_216 = arith.constant 16 : i32
        %mul3A_217 = arith.muli %add3A_215, %mul3A_216 : i32
        %get3A = arith.index_cast %mul3A_81 : i32 to index
        %get3A_218 = arith.index_cast %mul3A_217 : i32 to index
        %get3A_219 = tpu.vector_load %arg16[%get3A, %get3A_218] {strides = array<i32>} : memref<40x128xf32, #tpu.memory_space<vmem>>, vector<16xf32>,
        %mul3A_220 = arith.constant 16 : i32
        %mul3A_221 = arith.muli %add3A_215, %mul3A_220 : i32
        %add3A_222 = arith.constant 0 : i32
        %add3A_223 = arith.addi %mul3A_221, %add3A_222 : i32
        %get3A_224 = arith.constant 0 : i32
        %get3A_225 = arith.constant 0 : i32
        %get3A_226 = tpu.memref_slice %arg17[%scan3A_134, %get3A_224, %get3A_225] : memref<2x128x16xf32, #tpu.memory_space<vmem>> -> memref<1x128x16xf32, #tpu.memory_space<vmem>>
        %get3A_227 = tpu.memref_squeeze %get3A_226 : memref<1x128x16xf32, #tpu.memory_space<vmem>> -> memref<128x16xf32, #tpu.memory_space<vmem>>
        %get3A_228 = arith.index_cast %add3A_223 : i32 to index
        %get3A_229 = arith.constant 0 : index
        %get3A_230 = tpu.vector_load %get3A_227[%get3A_228, %get3A_229] {strides = array<i32>} : memref<128x16xf32, #tpu.memory_space<vmem>>, vector<16xf32>,
        %slice3A = vector.extract_strided_slice %get3A_219 {offsets = [0], sizes = [1], strides = [1]} : vector<16xf32> to vector<1xf32>
        %squeeze3A = vector.extract %slice3A[0] : f32 from vector<1xf32>
        %mul3A_231 = vector.broadcast %squeeze3A : f32 to vector<16xf32>
        %mul3A_232 = arith.mulf %convert_element_type3A_131, %mul3A_231 : vector<16xf32>
        %add3A_233 = arith.addf %mul3A_232, %sub3A_133 : vector<16xf32>
        %mul3A_234 = arith.mulf %get3A_230, %add3A_233 : vector<16xf32>
        %swap3A = arith.constant 0 : i32
        %swap3A_235 = arith.constant 0 : i32
        %swap3A_236 = tpu.memref_slice %arg17[%scan3A_134, %swap3A, %swap3A_235] : memref<2x128x16xf32, #tpu.memory_space<vmem>> -> memref<1x128x16xf32, #tpu.memory_space<vmem>>
        %swap3A_237 = tpu.memref_squeeze %swap3A_236 : memref<1x128x16xf32, #tpu.memory_space<vmem>> -> memref<128x16xf32, #tpu.memory_space<vmem>>
        %swap3A_238 = arith.index_cast %add3A_223 : i32 to index
        %swap3A_239 = arith.constant 0 : index
        %swap3A_240 = tpu.vector_load %swap3A_237[%swap3A_238, %swap3A_239] {strides = array<i32>} : memref<128x16xf32, #tpu.memory_space<vmem>>, vector<16xf32>,
        tpu.vector_store %swap3A_237[%swap3A_238, %swap3A_239], %mul3A_234 {strides = array<i32>} : memref<128x16xf32, #tpu.memory_space<vmem>>, vector<16xf32>,
        %mul3A_241 = arith.constant 16 : i32
        %mul3A_242 = arith.muli %add3A_215, %mul3A_241 : i32
        %add3A_243 = arith.constant 1 : i32
        %add3A_244 = arith.addi %mul3A_242, %add3A_243 : i32
        %get3A_245 = arith.constant 0 : i32
        %get3A_246 = arith.constant 0 : i32
        %get3A_247 = tpu.memref_slice %arg17[%scan3A_134, %get3A_245, %get3A_246] : memref<2x128x16xf32, #tpu.memory_space<vmem>> -> memref<1x128x16xf32, #tpu.memory_space<vmem>>
        %get3A_248 = tpu.memref_squeeze %get3A_247 : memref<1x128x16xf32, #tpu.memory_space<vmem>> -> memref<128x16xf32, #tpu.memory_space<vmem>>
        %get3A_249 = arith.index_cast %add3A_244 : i32 to index
        %get3A_250 = arith.constant 0 : index
        %get3A_251 = tpu.vector_load %get3A_248[%get3A_249, %get3A_250] {strides = array<i32>} : memref<128x16xf32, #tpu.memory_space<vmem>>, vector<16xf32>,
        %slice3A_252 = vector.extract_strided_slice %get3A_219 {offsets = [1], sizes = [1], strides = [1]} : vector<16xf32> to vector<1xf32>
        %squeeze3A_253 = vector.extract %slice3A_252[0] : f32 from vector<1xf32>
        %mul3A_254 = vector.broadcast %squeeze3A_253 : f32 to vector<16xf32>
        %mul3A_255 = arith.mulf %convert_element_type3A_131, %mul3A_254 : vector<16xf32>
        %add3A_256 = arith.addf %mul3A_255, %sub3A_133 : vector<16xf32>
        %mul3A_257 = arith.mulf %get3A_251, %add3A_256 : vector<16xf32>
        %swap3A_258 = arith.constant 0 : i32
        %swap3A_259 = arith.constant 0 : i32
        %swap3A_260 = tpu.memref_slice %arg17[%scan3A_134, %swap3A_258, %swap3A_259] : memref<2x128x16xf32, #tpu.memory_space<vmem>> -> memref<1x128x16xf32, #tpu.memory_space<vmem>>
        %swap3A_261 = tpu.memref_squeeze %swap3A_260 : memref<1x128x16xf32, #tpu.memory_space<vmem>> -> memref<128x16xf32, #tpu.memory_space<vmem>>
        %swap3A_262 = arith.index_cast %add3A_244 : i32 to index
        %swap3A_263 = arith.constant 0 : index
        %swap3A_264 = tpu.vector_load %swap3A_261[%swap3A_262, %swap3A_263] {strides = array<i32>} : memref<128x16xf32, #tpu.memory_space<vmem>>, vector<16xf32>,
        tpu.vector_store %swap3A_261[%swap3A_262, %swap3A_263], %mul3A_257 {strides = array<i32>} : memref<128x16xf32, #tpu.memory_space<vmem>>, vector<16xf32>,
        %mul3A_265 = arith.constant 16 : i32
        %mul3A_266 = arith.muli %add3A_215, %mul3A_265 : i32
        %add3A_267 = arith.constant 2 : i32
        %add3A_268 = arith.addi %mul3A_266, %add3A_267 : i32
        %get3A_269 = arith.constant 0 : i32
        %get3A_270 = arith.constant 0 : i32
        %get3A_271 = tpu.memref_slice %arg17[%scan3A_134, %get3A_269, %get3A_270] : memref<2x128x16xf32, #tpu.memory_space<vmem>> -> memref<1x128x16xf32, #tpu.memory_space<vmem>>
        %get3A_272 = tpu.memref_squeeze %get3A_271 : memref<1x128x16xf32, #tpu.memory_space<vmem>> -> memref<128x16xf32, #tpu.memory_space<vmem>>
        %get3A_273 = arith.index_cast %add3A_268 : i32 to index
        %get3A_274 = arith.constant 0 : index
        %get3A_275 = tpu.vector_load %get3A_272[%get3A_273, %get3A_274] {strides = array<i32>} : memref<128x16xf32, #tpu.memory_space<vmem>>, vector<16xf32>,
        %slice3A_276 = vector.extract_strided_slice %get3A_219 {offsets = [2], sizes = [1], strides = [1]} : vector<16xf32> to vector<1xf32>
        %squeeze3A_277 = vector.extract %slice3A_276[0] : f32 from vector<1xf32>
        %mul3A_278 = vector.broadcast %squeeze3A_277 : f32 to vector<16xf32>
        %mul3A_279 = arith.mulf %convert_element_type3A_131, %mul3A_278 : vector<16xf32>
        %add3A_280 = arith.addf %mul3A_279, %sub3A_133 : vector<16xf32>
        %mul3A_281 = arith.mulf %get3A_275, %add3A_280 : vector<16xf32>
        %swap3A_282 = arith.constant 0 : i32
        %swap3A_283 = arith.constant 0 : i32
        %swap3A_284 = tpu.memref_slice %arg17[%scan3A_134, %swap3A_282, %swap3A_283] : memref<2x128x16xf32, #tpu.memory_space<vmem>> -> memref<1x128x16xf32, #tpu.memory_space<vmem>>
        %swap3A_285 = tpu.memref_squeeze %swap3A_284 : memref<1x128x16xf32, #tpu.memory_space<vmem>> -> memref<128x16xf32, #tpu.memory_space<vmem>>
        %swap3A_286 = arith.index_cast %add3A_268 : i32 to index
        %swap3A_287 = arith.constant 0 : index
        %swap3A_288 = tpu.vector_load %swap3A_285[%swap3A_286, %swap3A_287] {strides = array<i32>} : memref<128x16xf32, #tpu.memory_space<vmem>>, vector<16xf32>,
        tpu.vector_store %swap3A_285[%swap3A_286, %swap3A_287], %mul3A_281 {strides = array<i32>} : memref<128x16xf32, #tpu.memory_space<vmem>>, vector<16xf32>,
        %mul3A_289 = arith.constant 16 : i32
        %mul3A_290 = arith.muli %add3A_215, %mul3A_289 : i32
        %add3A_291 = arith.constant 3 : i32
        %add3A_292 = arith.addi %mul3A_290, %add3A_291 : i32
        %get3A_293 = arith.constant 0 : i32
        %get3A_294 = arith.constant 0 : i32
        %get3A_295 = tpu.memref_slice %arg17[%scan3A_134, %get3A_293, %get3A_294] : memref<2x128x16xf32, #tpu.memory_space<vmem>> -> memref<1x128x16xf32, #tpu.memory_space<vmem>>
        %get3A_296 = tpu.memref_squeeze %get3A_295 : memref<1x128x16xf32, #tpu.memory_space<vmem>> -> memref<128x16xf32, #tpu.memory_space<vmem>>
        %get3A_297 = arith.index_cast %add3A_292 : i32 to index
        %get3A_298 = arith.constant 0 : index
        %get3A_299 = tpu.vector_load %get3A_296[%get3A_297, %get3A_298] {strides = array<i32>} : memref<128x16xf32, #tpu.memory_space<vmem>>, vector<16xf32>,
        %slice3A_300 = vector.extract_strided_slice %get3A_219 {offsets = [3], sizes = [1], strides = [1]} : vector<16xf32> to vector<1xf32>
        %squeeze3A_301 = vector.extract %slice3A_300[0] : f32 from vector<1xf32>
        %mul3A_302 = vector.broadcast %squeeze3A_301 : f32 to vector<16xf32>
        %mul3A_303 = arith.mulf %convert_element_type3A_131, %mul3A_302 : vector<16xf32>
        %add3A_304 = arith.addf %mul3A_303, %sub3A_133 : vector<16xf32>
        %mul3A_305 = arith.mulf %get3A_299, %add3A_304 : vector<16xf32>
        %swap3A_306 = arith.constant 0 : i32
        %swap3A_307 = arith.constant 0 : i32
        %swap3A_308 = tpu.memref_slice %arg17[%scan3A_134, %swap3A_306, %swap3A_307] : memref<2x128x16xf32, #tpu.memory_space<vmem>> -> memref<1x128x16xf32, #tpu.memory_space<vmem>>
        %swap3A_309 = tpu.memref_squeeze %swap3A_308 : memref<1x128x16xf32, #tpu.memory_space<vmem>> -> memref<128x16xf32, #tpu.memory_space<vmem>>
        %swap3A_310 = arith.index_cast %add3A_292 : i32 to index
        %swap3A_311 = arith.constant 0 : index
        %swap3A_312 = tpu.vector_load %swap3A_309[%swap3A_310, %swap3A_311] {strides = array<i32>} : memref<128x16xf32, #tpu.memory_space<vmem>>, vector<16xf32>,
        tpu.vector_store %swap3A_309[%swap3A_310, %swap3A_311], %mul3A_305 {strides = array<i32>} : memref<128x16xf32, #tpu.memory_space<vmem>>, vector<16xf32>,
        %mul3A_313 = arith.constant 16 : i32
        %mul3A_314 = arith.muli %add3A_215, %mul3A_313 : i32
        %add3A_315 = arith.constant 4 : i32
        %add3A_316 = arith.addi %mul3A_314, %add3A_315 : i32
        %get3A_317 = arith.constant 0 : i32
        %get3A_318 = arith.constant 0 : i32
        %get3A_319 = tpu.memref_slice %arg17[%scan3A_134, %get3A_317, %get3A_318] : memref<2x128x16xf32, #tpu.memory_space<vmem>> -> memref<1x128x16xf32, #tpu.memory_space<vmem>>
        %get3A_320 = tpu.memref_squeeze %get3A_319 : memref<1x128x16xf32, #tpu.memory_space<vmem>> -> memref<128x16xf32, #tpu.memory_space<vmem>>
        %get3A_321 = arith.index_cast %add3A_316 : i32 to index
        %get3A_322 = arith.constant 0 : index
        %get3A_323 = tpu.vector_load %get3A_320[%get3A_321, %get3A_322] {strides = array<i32>} : memref<128x16xf32, #tpu.memory_space<vmem>>, vector<16xf32>,
        %slice3A_324 = vector.extract_strided_slice %get3A_219 {offsets = [4], sizes = [1], strides = [1]} : vector<16xf32> to vector<1xf32>
        %squeeze3A_325 = vector.extract %slice3A_324[0] : f32 from vector<1xf32>
        %mul3A_326 = vector.broadcast %squeeze3A_325 : f32 to vector<16xf32>
        %mul3A_327 = arith.mulf %convert_element_type3A_131, %mul3A_326 : vector<16xf32>
        %add3A_328 = arith.addf %mul3A_327, %sub3A_133 : vector<16xf32>
        %mul3A_329 = arith.mulf %get3A_323, %add3A_328 : vector<16xf32>
        %swap3A_330 = arith.constant 0 : i32
        %swap3A_331 = arith.constant 0 : i32
        %swap3A_332 = tpu.memref_slice %arg17[%scan3A_134, %swap3A_330, %swap3A_331] : memref<2x128x16xf32, #tpu.memory_space<vmem>> -> memref<1x128x16xf32, #tpu.memory_space<vmem>>
        %swap3A_333 = tpu.memref_squeeze %swap3A_332 : memref<1x128x16xf32, #tpu.memory_space<vmem>> -> memref<128x16xf32, #tpu.memory_space<vmem>>
        %swap3A_334 = arith.index_cast %add3A_316 : i32 to index
        %swap3A_335 = arith.constant 0 : index
        %swap3A_336 = tpu.vector_load %swap3A_333[%swap3A_334, %swap3A_335] {strides = array<i32>} : memref<128x16xf32, #tpu.memory_space<vmem>>, vector<16xf32>,
        tpu.vector_store %swap3A_333[%swap3A_334, %swap3A_335], %mul3A_329 {strides = array<i32>} : memref<128x16xf32, #tpu.memory_space<vmem>>, vector<16xf32>,
        %mul3A_337 = arith.constant 16 : i32
        %mul3A_338 = arith.muli %add3A_215, %mul3A_337 : i32
        %add3A_339 = arith.constant 5 : i32
        %add3A_340 = arith.addi %mul3A_338, %add3A_339 : i32
        %get3A_341 = arith.constant 0 : i32
        %get3A_342 = arith.constant 0 : i32
        %get3A_343 = tpu.memref_slice %arg17[%scan3A_134, %get3A_341, %get3A_342] : memref<2x128x16xf32, #tpu.memory_space<vmem>> -> memref<1x128x16xf32, #tpu.memory_space<vmem>>
        %get3A_344 = tpu.memref_squeeze %get3A_343 : memref<1x128x16xf32, #tpu.memory_space<vmem>> -> memref<128x16xf32, #tpu.memory_space<vmem>>
        %get3A_345 = arith.index_cast %add3A_340 : i32 to index
        %get3A_346 = arith.constant 0 : index
        %get3A_347 = tpu.vector_load %get3A_344[%get3A_345, %get3A_346] {strides = array<i32>} : memref<128x16xf32, #tpu.memory_space<vmem>>, vector<16xf32>,
        %slice3A_348 = vector.extract_strided_slice %get3A_219 {offsets = [5], sizes = [1], strides = [1]} : vector<16xf32> to vector<1xf32>
        %squeeze3A_349 = vector.extract %slice3A_348[0] : f32 from vector<1xf32>
        %mul3A_350 = vector.broadcast %squeeze3A_349 : f32 to vector<16xf32>
        %mul3A_351 = arith.mulf %convert_element_type3A_131, %mul3A_350 : vector<16xf32>
        %add3A_352 = arith.addf %mul3A_351, %sub3A_133 : vector<16xf32>
        %mul3A_353 = arith.mulf %get3A_347, %add3A_352 : vector<16xf32>
        %swap3A_354 = arith.constant 0 : i32
        %swap3A_355 = arith.constant 0 : i32
        %swap3A_356 = tpu.memref_slice %arg17[%scan3A_134, %swap3A_354, %swap3A_355] : memref<2x128x16xf32, #tpu.memory_space<vmem>> -> memref<1x128x16xf32, #tpu.memory_space<vmem>>
        %swap3A_357 = tpu.memref_squeeze %swap3A_356 : memref<1x128x16xf32, #tpu.memory_space<vmem>> -> memref<128x16xf32, #tpu.memory_space<vmem>>
        %swap3A_358 = arith.index_cast %add3A_340 : i32 to index
        %swap3A_359 = arith.constant 0 : index
        %swap3A_360 = tpu.vector_load %swap3A_357[%swap3A_358, %swap3A_359] {strides = array<i32>} : memref<128x16xf32, #tpu.memory_space<vmem>>, vector<16xf32>,
        tpu.vector_store %swap3A_357[%swap3A_358, %swap3A_359], %mul3A_353 {strides = array<i32>} : memref<128x16xf32, #tpu.memory_space<vmem>>, vector<16xf32>,
        %mul3A_361 = arith.constant 16 : i32
        %mul3A_362 = arith.muli %add3A_215, %mul3A_361 : i32
        %add3A_363 = arith.constant 6 : i32
        %add3A_364 = arith.addi %mul3A_362, %add3A_363 : i32
        %get3A_365 = arith.constant 0 : i32
        %get3A_366 = arith.constant 0 : i32
        %get3A_367 = tpu.memref_slice %arg17[%scan3A_134, %get3A_365, %get3A_366] : memref<2x128x16xf32, #tpu.memory_space<vmem>> -> memref<1x128x16xf32, #tpu.memory_space<vmem>>
        %get3A_368 = tpu.memref_squeeze %get3A_367 : memref<1x128x16xf32, #tpu.memory_space<vmem>> -> memref<128x16xf32, #tpu.memory_space<vmem>>
        %get3A_369 = arith.index_cast %add3A_364 : i32 to index
        %get3A_370 = arith.constant 0 : index
        %get3A_371 = tpu.vector_load %get3A_368[%get3A_369, %get3A_370] {strides = array<i32>} : memref<128x16xf32, #tpu.memory_space<vmem>>, vector<16xf32>,
        %slice3A_372 = vector.extract_strided_slice %get3A_219 {offsets = [6], sizes = [1], strides = [1]} : vector<16xf32> to vector<1xf32>
        %squeeze3A_373 = vector.extract %slice3A_372[0] : f32 from vector<1xf32>
        %mul3A_374 = vector.broadcast %squeeze3A_373 : f32 to vector<16xf32>
        %mul3A_375 = arith.mulf %convert_element_type3A_131, %mul3A_374 : vector<16xf32>
        %add3A_376 = arith.addf %mul3A_375, %sub3A_133 : vector<16xf32>
        %mul3A_377 = arith.mulf %get3A_371, %add3A_376 : vector<16xf32>
        %swap3A_378 = arith.constant 0 : i32
        %swap3A_379 = arith.constant 0 : i32
        %swap3A_380 = tpu.memref_slice %arg17[%scan3A_134, %swap3A_378, %swap3A_379] : memref<2x128x16xf32, #tpu.memory_space<vmem>> -> memref<1x128x16xf32, #tpu.memory_space<vmem>>
        %swap3A_381 = tpu.memref_squeeze %swap3A_380 : memref<1x128x16xf32, #tpu.memory_space<vmem>> -> memref<128x16xf32, #tpu.memory_space<vmem>>
        %swap3A_382 = arith.index_cast %add3A_364 : i32 to index
        %swap3A_383 = arith.constant 0 : index
        %swap3A_384 = tpu.vector_load %swap3A_381[%swap3A_382, %swap3A_383] {strides = array<i32>} : memref<128x16xf32, #tpu.memory_space<vmem>>, vector<16xf32>,
        tpu.vector_store %swap3A_381[%swap3A_382, %swap3A_383], %mul3A_377 {strides = array<i32>} : memref<128x16xf32, #tpu.memory_space<vmem>>, vector<16xf32>,
        %mul3A_385 = arith.constant 16 : i32
        %mul3A_386 = arith.muli %add3A_215, %mul3A_385 : i32
        %add3A_387 = arith.constant 7 : i32
        %add3A_388 = arith.addi %mul3A_386, %add3A_387 : i32
        %get3A_389 = arith.constant 0 : i32
        %get3A_390 = arith.constant 0 : i32
        %get3A_391 = tpu.memref_slice %arg17[%scan3A_134, %get3A_389, %get3A_390] : memref<2x128x16xf32, #tpu.memory_space<vmem>> -> memref<1x128x16xf32, #tpu.memory_space<vmem>>
        %get3A_392 = tpu.memref_squeeze %get3A_391 : memref<1x128x16xf32, #tpu.memory_space<vmem>> -> memref<128x16xf32, #tpu.memory_space<vmem>>
        %get3A_393 = arith.index_cast %add3A_388 : i32 to index
        %get3A_394 = arith.constant 0 : index
        %get3A_395 = tpu.vector_load %get3A_392[%get3A_393, %get3A_394] {strides = array<i32>} : memref<128x16xf32, #tpu.memory_space<vmem>>, vector<16xf32>,
        %slice3A_396 = vector.extract_strided_slice %get3A_219 {offsets = [7], sizes = [1], strides = [1]} : vector<16xf32> to vector<1xf32>
        %squeeze3A_397 = vector.extract %slice3A_396[0] : f32 from vector<1xf32>
        %mul3A_398 = vector.broadcast %squeeze3A_397 : f32 to vector<16xf32>
        %mul3A_399 = arith.mulf %convert_element_type3A_131, %mul3A_398 : vector<16xf32>
        %add3A_400 = arith.addf %mul3A_399, %sub3A_133 : vector<16xf32>
        %mul3A_401 = arith.mulf %get3A_395, %add3A_400 : vector<16xf32>
        %swap3A_402 = arith.constant 0 : i32
        %swap3A_403 = arith.constant 0 : i32
        %swap3A_404 = tpu.memref_slice %arg17[%scan3A_134, %swap3A_402, %swap3A_403] : memref<2x128x16xf32, #tpu.memory_space<vmem>> -> memref<1x128x16xf32, #tpu.memory_space<vmem>>
        %swap3A_405 = tpu.memref_squeeze %swap3A_404 : memref<1x128x16xf32, #tpu.memory_space<vmem>> -> memref<128x16xf32, #tpu.memory_space<vmem>>
        %swap3A_406 = arith.index_cast %add3A_388 : i32 to index
        %swap3A_407 = arith.constant 0 : index
        %swap3A_408 = tpu.vector_load %swap3A_405[%swap3A_406, %swap3A_407] {strides = array<i32>} : memref<128x16xf32, #tpu.memory_space<vmem>>, vector<16xf32>,
        tpu.vector_store %swap3A_405[%swap3A_406, %swap3A_407], %mul3A_401 {strides = array<i32>} : memref<128x16xf32, #tpu.memory_space<vmem>>, vector<16xf32>,
        %mul3A_409 = arith.constant 16 : i32
        %mul3A_410 = arith.muli %add3A_215, %mul3A_409 : i32
        %add3A_411 = arith.constant 8 : i32
        %add3A_412 = arith.addi %mul3A_410, %add3A_411 : i32
        %get3A_413 = arith.constant 0 : i32
        %get3A_414 = arith.constant 0 : i32
        %get3A_415 = tpu.memref_slice %arg17[%scan3A_134, %get3A_413, %get3A_414] : memref<2x128x16xf32, #tpu.memory_space<vmem>> -> memref<1x128x16xf32, #tpu.memory_space<vmem>>
        %get3A_416 = tpu.memref_squeeze %get3A_415 : memref<1x128x16xf32, #tpu.memory_space<vmem>> -> memref<128x16xf32, #tpu.memory_space<vmem>>
        %get3A_417 = arith.index_cast %add3A_412 : i32 to index
        %get3A_418 = arith.constant 0 : index
        %get3A_419 = tpu.vector_load %get3A_416[%get3A_417, %get3A_418] {strides = array<i32>} : memref<128x16xf32, #tpu.memory_space<vmem>>, vector<16xf32>,
        %slice3A_420 = vector.extract_strided_slice %get3A_219 {offsets = [8], sizes = [1], strides = [1]} : vector<16xf32> to vector<1xf32>
        %squeeze3A_421 = vector.extract %slice3A_420[0] : f32 from vector<1xf32>
        %mul3A_422 = vector.broadcast %squeeze3A_421 : f32 to vector<16xf32>
        %mul3A_423 = arith.mulf %convert_element_type3A_131, %mul3A_422 : vector<16xf32>
        %add3A_424 = arith.addf %mul3A_423, %sub3A_133 : vector<16xf32>
        %mul3A_425 = arith.mulf %get3A_419, %add3A_424 : vector<16xf32>
        %swap3A_426 = arith.constant 0 : i32
        %swap3A_427 = arith.constant 0 : i32
        %swap3A_428 = tpu.memref_slice %arg17[%scan3A_134, %swap3A_426, %swap3A_427] : memref<2x128x16xf32, #tpu.memory_space<vmem>> -> memref<1x128x16xf32, #tpu.memory_space<vmem>>
        %swap3A_429 = tpu.memref_squeeze %swap3A_428 : memref<1x128x16xf32, #tpu.memory_space<vmem>> -> memref<128x16xf32, #tpu.memory_space<vmem>>
        %swap3A_430 = arith.index_cast %add3A_412 : i32 to index
        %swap3A_431 = arith.constant 0 : index
        %swap3A_432 = tpu.vector_load %swap3A_429[%swap3A_430, %swap3A_431] {strides = array<i32>} : memref<128x16xf32, #tpu.memory_space<vmem>>, vector<16xf32>,
        tpu.vector_store %swap3A_429[%swap3A_430, %swap3A_431], %mul3A_425 {strides = array<i32>} : memref<128x16xf32, #tpu.memory_space<vmem>>, vector<16xf32>,
        %mul3A_433 = arith.constant 16 : i32
        %mul3A_434 = arith.muli %add3A_215, %mul3A_433 : i32
        %add3A_435 = arith.constant 9 : i32
        %add3A_436 = arith.addi %mul3A_434, %add3A_435 : i32
        %get3A_437 = arith.constant 0 : i32
        %get3A_438 = arith.constant 0 : i32
        %get3A_439 = tpu.memref_slice %arg17[%scan3A_134, %get3A_437, %get3A_438] : memref<2x128x16xf32, #tpu.memory_space<vmem>> -> memref<1x128x16xf32, #tpu.memory_space<vmem>>
        %get3A_440 = tpu.memref_squeeze %get3A_439 : memref<1x128x16xf32, #tpu.memory_space<vmem>> -> memref<128x16xf32, #tpu.memory_space<vmem>>
        %get3A_441 = arith.index_cast %add3A_436 : i32 to index
        %get3A_442 = arith.constant 0 : index
        %get3A_443 = tpu.vector_load %get3A_440[%get3A_441, %get3A_442] {strides = array<i32>} : memref<128x16xf32, #tpu.memory_space<vmem>>, vector<16xf32>,
        %slice3A_444 = vector.extract_strided_slice %get3A_219 {offsets = [9], sizes = [1], strides = [1]} : vector<16xf32> to vector<1xf32>
        %squeeze3A_445 = vector.extract %slice3A_444[0] : f32 from vector<1xf32>
        %mul3A_446 = vector.broadcast %squeeze3A_445 : f32 to vector<16xf32>
        %mul3A_447 = arith.mulf %convert_element_type3A_131, %mul3A_446 : vector<16xf32>
        %add3A_448 = arith.addf %mul3A_447, %sub3A_133 : vector<16xf32>
        %mul3A_449 = arith.mulf %get3A_443, %add3A_448 : vector<16xf32>
        %swap3A_450 = arith.constant 0 : i32
        %swap3A_451 = arith.constant 0 : i32
        %swap3A_452 = tpu.memref_slice %arg17[%scan3A_134, %swap3A_450, %swap3A_451] : memref<2x128x16xf32, #tpu.memory_space<vmem>> -> memref<1x128x16xf32, #tpu.memory_space<vmem>>
        %swap3A_453 = tpu.memref_squeeze %swap3A_452 : memref<1x128x16xf32, #tpu.memory_space<vmem>> -> memref<128x16xf32, #tpu.memory_space<vmem>>
        %swap3A_454 = arith.index_cast %add3A_436 : i32 to index
        %swap3A_455 = arith.constant 0 : index
        %swap3A_456 = tpu.vector_load %swap3A_453[%swap3A_454, %swap3A_455] {strides = array<i32>} : memref<128x16xf32, #tpu.memory_space<vmem>>, vector<16xf32>,
        tpu.vector_store %swap3A_453[%swap3A_454, %swap3A_455], %mul3A_449 {strides = array<i32>} : memref<128x16xf32, #tpu.memory_space<vmem>>, vector<16xf32>,
        %mul3A_457 = arith.constant 16 : i32
        %mul3A_458 = arith.muli %add3A_215, %mul3A_457 : i32
        %add3A_459 = arith.constant 10 : i32
        %add3A_460 = arith.addi %mul3A_458, %add3A_459 : i32
        %get3A_461 = arith.constant 0 : i32
        %get3A_462 = arith.constant 0 : i32
        %get3A_463 = tpu.memref_slice %arg17[%scan3A_134, %get3A_461, %get3A_462] : memref<2x128x16xf32, #tpu.memory_space<vmem>> -> memref<1x128x16xf32, #tpu.memory_space<vmem>>
        %get3A_464 = tpu.memref_squeeze %get3A_463 : memref<1x128x16xf32, #tpu.memory_space<vmem>> -> memref<128x16xf32, #tpu.memory_space<vmem>>
        %get3A_465 = arith.index_cast %add3A_460 : i32 to index
        %get3A_466 = arith.constant 0 : index
        %get3A_467 = tpu.vector_load %get3A_464[%get3A_465, %get3A_466] {strides = array<i32>} : memref<128x16xf32, #tpu.memory_space<vmem>>, vector<16xf32>,
        %slice3A_468 = vector.extract_strided_slice %get3A_219 {offsets = [10], sizes = [1], strides = [1]} : vector<16xf32> to vector<1xf32>
        %squeeze3A_469 = vector.extract %slice3A_468[0] : f32 from vector<1xf32>
        %mul3A_470 = vector.broadcast %squeeze3A_469 : f32 to vector<16xf32>
        %mul3A_471 = arith.mulf %convert_element_type3A_131, %mul3A_470 : vector<16xf32>
        %add3A_472 = arith.addf %mul3A_471, %sub3A_133 : vector<16xf32>
        %mul3A_473 = arith.mulf %get3A_467, %add3A_472 : vector<16xf32>
        %swap3A_474 = arith.constant 0 : i32
        %swap3A_475 = arith.constant 0 : i32
        %swap3A_476 = tpu.memref_slice %arg17[%scan3A_134, %swap3A_474, %swap3A_475] : memref<2x128x16xf32, #tpu.memory_space<vmem>> -> memref<1x128x16xf32, #tpu.memory_space<vmem>>
        %swap3A_477 = tpu.memref_squeeze %swap3A_476 : memref<1x128x16xf32, #tpu.memory_space<vmem>> -> memref<128x16xf32, #tpu.memory_space<vmem>>
        %swap3A_478 = arith.index_cast %add3A_460 : i32 to index
        %swap3A_479 = arith.constant 0 : index
        %swap3A_480 = tpu.vector_load %swap3A_477[%swap3A_478, %swap3A_479] {strides = array<i32>} : memref<128x16xf32, #tpu.memory_space<vmem>>, vector<16xf32>,
        tpu.vector_store %swap3A_477[%swap3A_478, %swap3A_479], %mul3A_473 {strides = array<i32>} : memref<128x16xf32, #tpu.memory_space<vmem>>, vector<16xf32>,
        %mul3A_481 = arith.constant 16 : i32
        %mul3A_482 = arith.muli %add3A_215, %mul3A_481 : i32
        %add3A_483 = arith.constant 11 : i32
        %add3A_484 = arith.addi %mul3A_482, %add3A_483 : i32
        %get3A_485 = arith.constant 0 : i32
        %get3A_486 = arith.constant 0 : i32
        %get3A_487 = tpu.memref_slice %arg17[%scan3A_134, %get3A_485, %get3A_486] : memref<2x128x16xf32, #tpu.memory_space<vmem>> -> memref<1x128x16xf32, #tpu.memory_space<vmem>>
        %get3A_488 = tpu.memref_squeeze %get3A_487 : memref<1x128x16xf32, #tpu.memory_space<vmem>> -> memref<128x16xf32, #tpu.memory_space<vmem>>
        %get3A_489 = arith.index_cast %add3A_484 : i32 to index
        %get3A_490 = arith.constant 0 : index
        %get3A_491 = tpu.vector_load %get3A_488[%get3A_489, %get3A_490] {strides = array<i32>} : memref<128x16xf32, #tpu.memory_space<vmem>>, vector<16xf32>,
        %slice3A_492 = vector.extract_strided_slice %get3A_219 {offsets = [11], sizes = [1], strides = [1]} : vector<16xf32> to vector<1xf32>
        %squeeze3A_493 = vector.extract %slice3A_492[0] : f32 from vector<1xf32>
        %mul3A_494 = vector.broadcast %squeeze3A_493 : f32 to vector<16xf32>
        %mul3A_495 = arith.mulf %convert_element_type3A_131, %mul3A_494 : vector<16xf32>
        %add3A_496 = arith.addf %mul3A_495, %sub3A_133 : vector<16xf32>
        %mul3A_497 = arith.mulf %get3A_491, %add3A_496 : vector<16xf32>
        %swap3A_498 = arith.constant 0 : i32
        %swap3A_499 = arith.constant 0 : i32
        %swap3A_500 = tpu.memref_slice %arg17[%scan3A_134, %swap3A_498, %swap3A_499] : memref<2x128x16xf32, #tpu.memory_space<vmem>> -> memref<1x128x16xf32, #tpu.memory_space<vmem>>
        %swap3A_501 = tpu.memref_squeeze %swap3A_500 : memref<1x128x16xf32, #tpu.memory_space<vmem>> -> memref<128x16xf32, #tpu.memory_space<vmem>>
        %swap3A_502 = arith.index_cast %add3A_484 : i32 to index
        %swap3A_503 = arith.constant 0 : index
        %swap3A_504 = tpu.vector_load %swap3A_501[%swap3A_502, %swap3A_503] {strides = array<i32>} : memref<128x16xf32, #tpu.memory_space<vmem>>, vector<16xf32>,
        tpu.vector_store %swap3A_501[%swap3A_502, %swap3A_503], %mul3A_497 {strides = array<i32>} : memref<128x16xf32, #tpu.memory_space<vmem>>, vector<16xf32>,
        %mul3A_505 = arith.constant 16 : i32
        %mul3A_506 = arith.muli %add3A_215, %mul3A_505 : i32
        %add3A_507 = arith.constant 12 : i32
        %add3A_508 = arith.addi %mul3A_506, %add3A_507 : i32
        %get3A_509 = arith.constant 0 : i32
        %get3A_510 = arith.constant 0 : i32
        %get3A_511 = tpu.memref_slice %arg17[%scan3A_134, %get3A_509, %get3A_510] : memref<2x128x16xf32, #tpu.memory_space<vmem>> -> memref<1x128x16xf32, #tpu.memory_space<vmem>>
        %get3A_512 = tpu.memref_squeeze %get3A_511 : memref<1x128x16xf32, #tpu.memory_space<vmem>> -> memref<128x16xf32, #tpu.memory_space<vmem>>
        %get3A_513 = arith.index_cast %add3A_508 : i32 to index
        %get3A_514 = arith.constant 0 : index
        %get3A_515 = tpu.vector_load %get3A_512[%get3A_513, %get3A_514] {strides = array<i32>} : memref<128x16xf32, #tpu.memory_space<vmem>>, vector<16xf32>,
        %slice3A_516 = vector.extract_strided_slice %get3A_219 {offsets = [12], sizes = [1], strides = [1]} : vector<16xf32> to vector<1xf32>
        %squeeze3A_517 = vector.extract %slice3A_516[0] : f32 from vector<1xf32>
        %mul3A_518 = vector.broadcast %squeeze3A_517 : f32 to vector<16xf32>
        %mul3A_519 = arith.mulf %convert_element_type3A_131, %mul3A_518 : vector<16xf32>
        %add3A_520 = arith.addf %mul3A_519, %sub3A_133 : vector<16xf32>
        %mul3A_521 = arith.mulf %get3A_515, %add3A_520 : vector<16xf32>
        %swap3A_522 = arith.constant 0 : i32
        %swap3A_523 = arith.constant 0 : i32
        %swap3A_524 = tpu.memref_slice %arg17[%scan3A_134, %swap3A_522, %swap3A_523] : memref<2x128x16xf32, #tpu.memory_space<vmem>> -> memref<1x128x16xf32, #tpu.memory_space<vmem>>
        %swap3A_525 = tpu.memref_squeeze %swap3A_524 : memref<1x128x16xf32, #tpu.memory_space<vmem>> -> memref<128x16xf32, #tpu.memory_space<vmem>>
        %swap3A_526 = arith.index_cast %add3A_508 : i32 to index
        %swap3A_527 = arith.constant 0 : index
        %swap3A_528 = tpu.vector_load %swap3A_525[%swap3A_526, %swap3A_527] {strides = array<i32>} : memref<128x16xf32, #tpu.memory_space<vmem>>, vector<16xf32>,
        tpu.vector_store %swap3A_525[%swap3A_526, %swap3A_527], %mul3A_521 {strides = array<i32>} : memref<128x16xf32, #tpu.memory_space<vmem>>, vector<16xf32>,
        %mul3A_529 = arith.constant 16 : i32
        %mul3A_530 = arith.muli %add3A_215, %mul3A_529 : i32
        %add3A_531 = arith.constant 13 : i32
        %add3A_532 = arith.addi %mul3A_530, %add3A_531 : i32
        %get3A_533 = arith.constant 0 : i32
        %get3A_534 = arith.constant 0 : i32
        %get3A_535 = tpu.memref_slice %arg17[%scan3A_134, %get3A_533, %get3A_534] : memref<2x128x16xf32, #tpu.memory_space<vmem>> -> memref<1x128x16xf32, #tpu.memory_space<vmem>>
        %get3A_536 = tpu.memref_squeeze %get3A_535 : memref<1x128x16xf32, #tpu.memory_space<vmem>> -> memref<128x16xf32, #tpu.memory_space<vmem>>
        %get3A_537 = arith.index_cast %add3A_532 : i32 to index
        %get3A_538 = arith.constant 0 : index
        %get3A_539 = tpu.vector_load %get3A_536[%get3A_537, %get3A_538] {strides = array<i32>} : memref<128x16xf32, #tpu.memory_space<vmem>>, vector<16xf32>,
        %slice3A_540 = vector.extract_strided_slice %get3A_219 {offsets = [13], sizes = [1], strides = [1]} : vector<16xf32> to vector<1xf32>
        %squeeze3A_541 = vector.extract %slice3A_540[0] : f32 from vector<1xf32>
        %mul3A_542 = vector.broadcast %squeeze3A_541 : f32 to vector<16xf32>
        %mul3A_543 = arith.mulf %convert_element_type3A_131, %mul3A_542 : vector<16xf32>
        %add3A_544 = arith.addf %mul3A_543, %sub3A_133 : vector<16xf32>
        %mul3A_545 = arith.mulf %get3A_539, %add3A_544 : vector<16xf32>
        %swap3A_546 = arith.constant 0 : i32
        %swap3A_547 = arith.constant 0 : i32
        %swap3A_548 = tpu.memref_slice %arg17[%scan3A_134, %swap3A_546, %swap3A_547] : memref<2x128x16xf32, #tpu.memory_space<vmem>> -> memref<1x128x16xf32, #tpu.memory_space<vmem>>
        %swap3A_549 = tpu.memref_squeeze %swap3A_548 : memref<1x128x16xf32, #tpu.memory_space<vmem>> -> memref<128x16xf32, #tpu.memory_space<vmem>>
        %swap3A_550 = arith.index_cast %add3A_532 : i32 to index
        %swap3A_551 = arith.constant 0 : index
        %swap3A_552 = tpu.vector_load %swap3A_549[%swap3A_550, %swap3A_551] {strides = array<i32>} : memref<128x16xf32, #tpu.memory_space<vmem>>, vector<16xf32>,
        tpu.vector_store %swap3A_549[%swap3A_550, %swap3A_551], %mul3A_545 {strides = array<i32>} : memref<128x16xf32, #tpu.memory_space<vmem>>, vector<16xf32>,
        %mul3A_553 = arith.constant 16 : i32
        %mul3A_554 = arith.muli %add3A_215, %mul3A_553 : i32
        %add3A_555 = arith.constant 14 : i32
        %add3A_556 = arith.addi %mul3A_554, %add3A_555 : i32
        %get3A_557 = arith.constant 0 : i32
        %get3A_558 = arith.constant 0 : i32
        %get3A_559 = tpu.memref_slice %arg17[%scan3A_134, %get3A_557, %get3A_558] : memref<2x128x16xf32, #tpu.memory_space<vmem>> -> memref<1x128x16xf32, #tpu.memory_space<vmem>>
        %get3A_560 = tpu.memref_squeeze %get3A_559 : memref<1x128x16xf32, #tpu.memory_space<vmem>> -> memref<128x16xf32, #tpu.memory_space<vmem>>
        %get3A_561 = arith.index_cast %add3A_556 : i32 to index
        %get3A_562 = arith.constant 0 : index
        %get3A_563 = tpu.vector_load %get3A_560[%get3A_561, %get3A_562] {strides = array<i32>} : memref<128x16xf32, #tpu.memory_space<vmem>>, vector<16xf32>,
        %slice3A_564 = vector.extract_strided_slice %get3A_219 {offsets = [14], sizes = [1], strides = [1]} : vector<16xf32> to vector<1xf32>
        %squeeze3A_565 = vector.extract %slice3A_564[0] : f32 from vector<1xf32>
        %mul3A_566 = vector.broadcast %squeeze3A_565 : f32 to vector<16xf32>
        %mul3A_567 = arith.mulf %convert_element_type3A_131, %mul3A_566 : vector<16xf32>
        %add3A_568 = arith.addf %mul3A_567, %sub3A_133 : vector<16xf32>
        %mul3A_569 = arith.mulf %get3A_563, %add3A_568 : vector<16xf32>
        %swap3A_570 = arith.constant 0 : i32
        %swap3A_571 = arith.constant 0 : i32
        %swap3A_572 = tpu.memref_slice %arg17[%scan3A_134, %swap3A_570, %swap3A_571] : memref<2x128x16xf32, #tpu.memory_space<vmem>> -> memref<1x128x16xf32, #tpu.memory_space<vmem>>
        %swap3A_573 = tpu.memref_squeeze %swap3A_572 : memref<1x128x16xf32, #tpu.memory_space<vmem>> -> memref<128x16xf32, #tpu.memory_space<vmem>>
        %swap3A_574 = arith.index_cast %add3A_556 : i32 to index
        %swap3A_575 = arith.constant 0 : index
        %swap3A_576 = tpu.vector_load %swap3A_573[%swap3A_574, %swap3A_575] {strides = array<i32>} : memref<128x16xf32, #tpu.memory_space<vmem>>, vector<16xf32>,
        tpu.vector_store %swap3A_573[%swap3A_574, %swap3A_575], %mul3A_569 {strides = array<i32>} : memref<128x16xf32, #tpu.memory_space<vmem>>, vector<16xf32>,
        %mul3A_577 = arith.constant 16 : i32
        %mul3A_578 = arith.muli %add3A_215, %mul3A_577 : i32
        %add3A_579 = arith.constant 15 : i32
        %add3A_580 = arith.addi %mul3A_578, %add3A_579 : i32
        %get3A_581 = arith.constant 0 : i32
        %get3A_582 = arith.constant 0 : i32
        %get3A_583 = tpu.memref_slice %arg17[%scan3A_134, %get3A_581, %get3A_582] : memref<2x128x16xf32, #tpu.memory_space<vmem>> -> memref<1x128x16xf32, #tpu.memory_space<vmem>>
        %get3A_584 = tpu.memref_squeeze %get3A_583 : memref<1x128x16xf32, #tpu.memory_space<vmem>> -> memref<128x16xf32, #tpu.memory_space<vmem>>
        %get3A_585 = arith.index_cast %add3A_580 : i32 to index
        %get3A_586 = arith.constant 0 : index
        %get3A_587 = tpu.vector_load %get3A_584[%get3A_585, %get3A_586] {strides = array<i32>} : memref<128x16xf32, #tpu.memory_space<vmem>>, vector<16xf32>,
        %slice3A_588 = vector.extract_strided_slice %get3A_219 {offsets = [15], sizes = [1], strides = [1]} : vector<16xf32> to vector<1xf32>
        %squeeze3A_589 = vector.extract %slice3A_588[0] : f32 from vector<1xf32>
        %mul3A_590 = vector.broadcast %squeeze3A_589 : f32 to vector<16xf32>
        %mul3A_591 = arith.mulf %convert_element_type3A_131, %mul3A_590 : vector<16xf32>
        %add3A_592 = arith.addf %mul3A_591, %sub3A_133 : vector<16xf32>
        %mul3A_593 = arith.mulf %get3A_587, %add3A_592 : vector<16xf32>
        %swap3A_594 = arith.constant 0 : i32
        %swap3A_595 = arith.constant 0 : i32
        %swap3A_596 = tpu.memref_slice %arg17[%scan3A_134, %swap3A_594, %swap3A_595] : memref<2x128x16xf32, #tpu.memory_space<vmem>> -> memref<1x128x16xf32, #tpu.memory_space<vmem>>
        %swap3A_597 = tpu.memref_squeeze %swap3A_596 : memref<1x128x16xf32, #tpu.memory_space<vmem>> -> memref<128x16xf32, #tpu.memory_space<vmem>>
        %swap3A_598 = arith.index_cast %add3A_580 : i32 to index
        %swap3A_599 = arith.constant 0 : index
        %swap3A_600 = tpu.vector_load %swap3A_597[%swap3A_598, %swap3A_599] {strides = array<i32>} : memref<128x16xf32, #tpu.memory_space<vmem>>, vector<16xf32>,
        tpu.vector_store %swap3A_597[%swap3A_598, %swap3A_599], %mul3A_593 {strides = array<i32>} : memref<128x16xf32, #tpu.memory_space<vmem>>, vector<16xf32>,
      }
      %scan3A_139 = arith.constant 8 : i32
      %run_scoped3A = arith.constant 0 : i32
      "tpu.region"() ({
        %run_scoped3A_211 = tpu.sem_alloc : memref<!tpu.dma_semaphore, #tpu.memory_space<semaphore_mem>>
        %dma_start3A_212 = arith.constant 0 : i32
        %dma_start3A_213 = arith.constant 0 : i32
        %dma_start3A_214 = tpu.memref_slice %arg17[%run_scoped3A, %dma_start3A_212, %dma_start3A_213] : memref<2x128x16xf32, #tpu.memory_space<vmem>> -> memref<1x128x16xf32, #tpu.memory_space<vmem>>
        %dma_start3A_215 = tpu.memref_squeeze %dma_start3A_214 : memref<1x128x16xf32, #tpu.memory_space<vmem>> -> memref<128x16xf32, #tpu.memory_space<vmem>>
        %dma_start3A_216 = arith.constant 0 : i32
        %dma_start3A_217 = tpu.memref_slice %arg15[%mul3A_81, %dma_start3A_216] : memref<40x128xi32, #tpu.memory_space<vmem>> -> memref<1x128xi32, #tpu.memory_space<vmem>>
        %dma_start3A_218 = tpu.memref_squeeze %dma_start3A_217 : memref<1x128xi32, #tpu.memory_space<vmem>> -> memref<128xi32, #tpu.memory_space<vmem>>
        %dma_start3A_219 = arith.constant 0 : i32
        %dma_start3A_220 = arith.constant 0 : i32
        %dma_start3A_221 = tpu.memref_slice %arg11[%dma_start3A_219, %dma_start3A_220] : memref<10240x16xf32, #tpu.memory_space<vmem_shared>> -> memref<10240x16xf32, #tpu.memory_space<vmem_shared>>
        tpu.enqueue_indirect_dma source(%dma_start3A_215 : memref<128x16xf32, #tpu.memory_space<vmem>>) target(%dma_start3A_221 : memref<10240x16xf32, #tpu.memory_space<vmem_shared>>) offsets(%dma_start3A_218 : memref<128xi32, #tpu.memory_space<vmem>>) semaphore(%run_scoped3A_211 : memref<!tpu.dma_semaphore, #tpu.memory_space<semaphore_mem>>) {add = true}
        %dma_wait3A_222 = arith.constant 0 : i32
        %dma_wait3A_223 = arith.constant 0 : i32
        %dma_wait3A_224 = tpu.memref_slice %arg17[%run_scoped3A, %dma_wait3A_222, %dma_wait3A_223] : memref<2x128x16xf32, #tpu.memory_space<vmem>> -> memref<1x128x16xf32, #tpu.memory_space<vmem>>
        %dma_wait3A_225 = tpu.memref_squeeze %dma_wait3A_224 : memref<1x128x16xf32, #tpu.memory_space<vmem>> -> memref<128x16xf32, #tpu.memory_space<vmem>>
        %dma_wait3A_226 = arith.constant 0 : i32
        %dma_wait3A_227 = tpu.memref_slice %arg15[%mul3A_81, %dma_wait3A_226] : memref<40x128xi32, #tpu.memory_space<vmem>> -> memref<1x128xi32, #tpu.memory_space<vmem>>
        %dma_wait3A_228 = tpu.memref_squeeze %dma_wait3A_227 : memref<1x128xi32, #tpu.memory_space<vmem>> -> memref<128xi32, #tpu.memory_space<vmem>>
        %dma_wait3A_229 = arith.constant 0 : i32
        %dma_wait3A_230 = arith.constant 0 : i32
        %dma_wait3A_231 = tpu.memref_slice %arg11[%dma_wait3A_229, %dma_wait3A_230] : memref<10240x16xf32, #tpu.memory_space<vmem_shared>> -> memref<10240x16xf32, #tpu.memory_space<vmem_shared>>
        tpu.wait_indirect_dma semaphore(%run_scoped3A_211 : memref<!tpu.dma_semaphore, #tpu.memory_space<semaphore_mem>>) src(%dma_wait3A_225 : memref<128x16xf32, #tpu.memory_space<vmem>>) dst(%dma_wait3A_231 : memref<10240x16xf32, #tpu.memory_space<vmem_shared>>)
        tpu.yield
      }) : () -> ()
      %run_scoped3A_140 = arith.constant 0 : i32
      "tpu.region"() ({
        %run_scoped3A_211 = tpu.sem_alloc : memref<!tpu.dma_semaphore, #tpu.memory_space<semaphore_mem>>
        %dma_start3A_212 = arith.constant 0 : i32
        %dma_start3A_213 = arith.constant 0 : i32
        %dma_start3A_214 = tpu.memref_slice %arg18[%run_scoped3A_140, %dma_start3A_212, %dma_start3A_213] : memref<2x128x16xf32, #tpu.memory_space<vmem>> -> memref<1x128x16xf32, #tpu.memory_space<vmem>>
        %dma_start3A_215 = tpu.memref_squeeze %dma_start3A_214 : memref<1x128x16xf32, #tpu.memory_space<vmem>> -> memref<128x16xf32, #tpu.memory_space<vmem>>
        %dma_start3A_216 = arith.constant 0 : i32
        %dma_start3A_217 = tpu.memref_slice %arg15[%mul3A_81, %dma_start3A_216] : memref<40x128xi32, #tpu.memory_space<vmem>> -> memref<1x128xi32, #tpu.memory_space<vmem>>
        %dma_start3A_218 = tpu.memref_squeeze %dma_start3A_217 : memref<1x128xi32, #tpu.memory_space<vmem>> -> memref<128xi32, #tpu.memory_space<vmem>>
        %dma_start3A_219 = arith.constant 0 : i32
        %dma_start3A_220 = arith.constant 0 : i32
        %dma_start3A_221 = tpu.memref_slice %arg13[%dma_start3A_219, %dma_start3A_220] : memref<10240x16xf32, #tpu.memory_space<vmem_shared>> -> memref<10240x16xf32, #tpu.memory_space<vmem_shared>>
        tpu.enqueue_indirect_dma source(%dma_start3A_215 : memref<128x16xf32, #tpu.memory_space<vmem>>) target(%dma_start3A_221 : memref<10240x16xf32, #tpu.memory_space<vmem_shared>>) offsets(%dma_start3A_218 : memref<128xi32, #tpu.memory_space<vmem>>) semaphore(%run_scoped3A_211 : memref<!tpu.dma_semaphore, #tpu.memory_space<semaphore_mem>>) {add = true}
        %dma_wait3A_222 = arith.constant 0 : i32
        %dma_wait3A_223 = arith.constant 0 : i32
        %dma_wait3A_224 = tpu.memref_slice %arg18[%run_scoped3A_140, %dma_wait3A_222, %dma_wait3A_223] : memref<2x128x16xf32, #tpu.memory_space<vmem>> -> memref<1x128x16xf32, #tpu.memory_space<vmem>>
        %dma_wait3A_225 = tpu.memref_squeeze %dma_wait3A_224 : memref<1x128x16xf32, #tpu.memory_space<vmem>> -> memref<128x16xf32, #tpu.memory_space<vmem>>
        %dma_wait3A_226 = arith.constant 0 : i32
        %dma_wait3A_227 = tpu.memref_slice %arg15[%mul3A_81, %dma_wait3A_226] : memref<40x128xi32, #tpu.memory_space<vmem>> -> memref<1x128xi32, #tpu.memory_space<vmem>>
        %dma_wait3A_228 = tpu.memref_squeeze %dma_wait3A_227 : memref<1x128xi32, #tpu.memory_space<vmem>> -> memref<128xi32, #tpu.memory_space<vmem>>
        %dma_wait3A_229 = arith.constant 0 : i32
        %dma_wait3A_230 = arith.constant 0 : i32
        %dma_wait3A_231 = tpu.memref_slice %arg13[%dma_wait3A_229, %dma_wait3A_230] : memref<10240x16xf32, #tpu.memory_space<vmem_shared>> -> memref<10240x16xf32, #tpu.memory_space<vmem_shared>>
        tpu.wait_indirect_dma semaphore(%run_scoped3A_211 : memref<!tpu.dma_semaphore, #tpu.memory_space<semaphore_mem>>) src(%dma_wait3A_225 : memref<128x16xf32, #tpu.memory_space<vmem>>) dst(%dma_wait3A_231 : memref<10240x16xf32, #tpu.memory_space<vmem_shared>>)
        tpu.yield
      }) : () -> ()
      %run_scoped3A_141 = arith.constant 0 : i32
      "tpu.region"() ({
        %run_scoped3A_211 = tpu.sem_alloc : memref<!tpu.dma_semaphore, #tpu.memory_space<semaphore_mem>>
        %dma_start3A_212 = arith.constant 0 : i32
        %dma_start3A_213 = arith.constant 0 : i32
        %dma_start3A_214 = tpu.memref_slice %arg19[%run_scoped3A_141, %dma_start3A_212, %dma_start3A_213] : memref<2x128x16xf32, #tpu.memory_space<vmem>> -> memref<1x128x16xf32, #tpu.memory_space<vmem>>
        %dma_start3A_215 = tpu.memref_squeeze %dma_start3A_214 : memref<1x128x16xf32, #tpu.memory_space<vmem>> -> memref<128x16xf32, #tpu.memory_space<vmem>>
        %dma_start3A_216 = arith.constant 0 : i32
        %dma_start3A_217 = tpu.memref_slice %arg14[%mul3A_81, %dma_start3A_216] : memref<40x128xi32, #tpu.memory_space<vmem>> -> memref<1x128xi32, #tpu.memory_space<vmem>>
        %dma_start3A_218 = tpu.memref_squeeze %dma_start3A_217 : memref<1x128xi32, #tpu.memory_space<vmem>> -> memref<128xi32, #tpu.memory_space<vmem>>
        %dma_start3A_219 = arith.constant 0 : i32
        %dma_start3A_220 = arith.constant 0 : i32
        %dma_start3A_221 = tpu.memref_slice %arg12[%dma_start3A_219, %dma_start3A_220] : memref<10240x16xf32, #tpu.memory_space<vmem_shared>> -> memref<10240x16xf32, #tpu.memory_space<vmem_shared>>
        tpu.enqueue_indirect_dma source(%dma_start3A_215 : memref<128x16xf32, #tpu.memory_space<vmem>>) target(%dma_start3A_221 : memref<10240x16xf32, #tpu.memory_space<vmem_shared>>) offsets(%dma_start3A_218 : memref<128xi32, #tpu.memory_space<vmem>>) semaphore(%run_scoped3A_211 : memref<!tpu.dma_semaphore, #tpu.memory_space<semaphore_mem>>) {add = true}
        %dma_wait3A_222 = arith.constant 0 : i32
        %dma_wait3A_223 = arith.constant 0 : i32
        %dma_wait3A_224 = tpu.memref_slice %arg19[%run_scoped3A_141, %dma_wait3A_222, %dma_wait3A_223] : memref<2x128x16xf32, #tpu.memory_space<vmem>> -> memref<1x128x16xf32, #tpu.memory_space<vmem>>
        %dma_wait3A_225 = tpu.memref_squeeze %dma_wait3A_224 : memref<1x128x16xf32, #tpu.memory_space<vmem>> -> memref<128x16xf32, #tpu.memory_space<vmem>>
        %dma_wait3A_226 = arith.constant 0 : i32
        %dma_wait3A_227 = tpu.memref_slice %arg14[%mul3A_81, %dma_wait3A_226] : memref<40x128xi32, #tpu.memory_space<vmem>> -> memref<1x128xi32, #tpu.memory_space<vmem>>
        %dma_wait3A_228 = tpu.memref_squeeze %dma_wait3A_227 : memref<1x128xi32, #tpu.memory_space<vmem>> -> memref<128xi32, #tpu.memory_space<vmem>>
        %dma_wait3A_229 = arith.constant 0 : i32
        %dma_wait3A_230 = arith.constant 0 : i32
        %dma_wait3A_231 = tpu.memref_slice %arg12[%dma_wait3A_229, %dma_wait3A_230] : memref<10240x16xf32, #tpu.memory_space<vmem_shared>> -> memref<10240x16xf32, #tpu.memory_space<vmem_shared>>
        tpu.wait_indirect_dma semaphore(%run_scoped3A_211 : memref<!tpu.dma_semaphore, #tpu.memory_space<semaphore_mem>>) src(%dma_wait3A_225 : memref<128x16xf32, #tpu.memory_space<vmem>>) dst(%dma_wait3A_231 : memref<10240x16xf32, #tpu.memory_space<vmem_shared>>)
        tpu.yield
      }) : () -> ()
      %add3A_142 = arith.constant 2 : i32
      %add3A_143 = arith.addi %mul3A_81, %add3A_142 : i32
      %lt3A_144 = arith.constant 40 : i32
      %lt3A_145 = arith.cmpi slt, %add3A_143, %lt3A_144 : i32
      %convert_element_type3A_146 = arith.extui %lt3A_145 : i1 to i32
      %cond3A_147 = arith.constant 0 : i32
      %cond3A_148 = arith.cmpi ne, %convert_element_type3A_146, %cond3A_147 : i32
      scf.if %cond3A_148 {
        %add3A_211 = arith.constant 2 : i32
        %add3A_212 = arith.addi %mul3A_81, %add3A_211 : i32
        %dma_start3A_213 = arith.constant 0 : i32
        %dma_start3A_214 = arith.constant 0 : i32
        %dma_start3A_215 = arith.constant 0 : i32
        %dma_start3A_216 = arith.constant 0 : i32
        %dma_start3A_217 = tpu.memref_slice %arg17[%dma_start3A_213, %dma_start3A_215, %dma_start3A_216] : memref<2x128x16xf32, #tpu.memory_space<vmem>> -> memref<1x128x16xf32, #tpu.memory_space<vmem>>
        %dma_start3A_218 = tpu.memref_squeeze %dma_start3A_217 : memref<1x128x16xf32, #tpu.memory_space<vmem>> -> memref<128x16xf32, #tpu.memory_space<vmem>>
        %dma_start3A_219 = arith.constant 0 : i32
        %dma_start3A_220 = tpu.memref_slice %arg14[%add3A_212, %dma_start3A_219] : memref<40x128xi32, #tpu.memory_space<vmem>> -> memref<1x128xi32, #tpu.memory_space<vmem>>
        %dma_start3A_221 = tpu.memref_squeeze %dma_start3A_220 : memref<1x128xi32, #tpu.memory_space<vmem>> -> memref<128xi32, #tpu.memory_space<vmem>>
        %dma_start3A_222 = arith.constant 0 : i32
        %dma_start3A_223 = arith.constant 0 : i32
        %dma_start3A_224 = tpu.memref_slice %arg2[%dma_start3A_222, %dma_start3A_223] : memref<10240x16xf32, #tpu.memory_space<hbm>> -> memref<10240x16xf32, #tpu.memory_space<hbm>>
        %dma_start3A_225 = tpu.memref_slice %arg20[%dma_start3A_214] : memref<2x!tpu.dma_semaphore, #tpu.memory_space<semaphore_mem>> -> memref<1x!tpu.dma_semaphore, #tpu.memory_space<semaphore_mem>>
        %dma_start3A_226 = tpu.memref_squeeze %dma_start3A_225 : memref<1x!tpu.dma_semaphore, #tpu.memory_space<semaphore_mem>> -> memref<!tpu.dma_semaphore, #tpu.memory_space<semaphore_mem>>
        tpu.enqueue_indirect_dma source(%dma_start3A_224 : memref<10240x16xf32, #tpu.memory_space<hbm>>) target(%dma_start3A_218 : memref<128x16xf32, #tpu.memory_space<vmem>>) offsets(%dma_start3A_221 : memref<128xi32, #tpu.memory_space<vmem>>) semaphore(%dma_start3A_226 : memref<!tpu.dma_semaphore, #tpu.memory_space<semaphore_mem>>)
        %dma_start3A_227 = arith.constant 0 : i32
        %dma_start3A_228 = arith.constant 0 : i32
        %dma_start3A_229 = arith.constant 0 : i32
        %dma_start3A_230 = arith.constant 0 : i32
        %dma_start3A_231 = tpu.memref_slice %arg18[%dma_start3A_227, %dma_start3A_229, %dma_start3A_230] : memref<2x128x16xf32, #tpu.memory_space<vmem>> -> memref<1x128x16xf32, #tpu.memory_space<vmem>>
        %dma_start3A_232 = tpu.memref_squeeze %dma_start3A_231 : memref<1x128x16xf32, #tpu.memory_space<vmem>> -> memref<128x16xf32, #tpu.memory_space<vmem>>
        %dma_start3A_233 = arith.constant 0 : i32
        %dma_start3A_234 = tpu.memref_slice %arg14[%add3A_212, %dma_start3A_233] : memref<40x128xi32, #tpu.memory_space<vmem>> -> memref<1x128xi32, #tpu.memory_space<vmem>>
        %dma_start3A_235 = tpu.memref_squeeze %dma_start3A_234 : memref<1x128xi32, #tpu.memory_space<vmem>> -> memref<128xi32, #tpu.memory_space<vmem>>
        %dma_start3A_236 = arith.constant 0 : i32
        %dma_start3A_237 = arith.constant 0 : i32
        %dma_start3A_238 = tpu.memref_slice %arg3[%dma_start3A_236, %dma_start3A_237] : memref<10240x16xf32, #tpu.memory_space<hbm>> -> memref<10240x16xf32, #tpu.memory_space<hbm>>
        %dma_start3A_239 = tpu.memref_slice %arg21[%dma_start3A_228] : memref<2x!tpu.dma_semaphore, #tpu.memory_space<semaphore_mem>> -> memref<1x!tpu.dma_semaphore, #tpu.memory_space<semaphore_mem>>
        %dma_start3A_240 = tpu.memref_squeeze %dma_start3A_239 : memref<1x!tpu.dma_semaphore, #tpu.memory_space<semaphore_mem>> -> memref<!tpu.dma_semaphore, #tpu.memory_space<semaphore_mem>>
        tpu.enqueue_indirect_dma source(%dma_start3A_238 : memref<10240x16xf32, #tpu.memory_space<hbm>>) target(%dma_start3A_232 : memref<128x16xf32, #tpu.memory_space<vmem>>) offsets(%dma_start3A_235 : memref<128xi32, #tpu.memory_space<vmem>>) semaphore(%dma_start3A_240 : memref<!tpu.dma_semaphore, #tpu.memory_space<semaphore_mem>>)
        %dma_start3A_241 = arith.constant 0 : i32
        %dma_start3A_242 = arith.constant 0 : i32
        %dma_start3A_243 = arith.constant 0 : i32
        %dma_start3A_244 = arith.constant 0 : i32
        %dma_start3A_245 = tpu.memref_slice %arg19[%dma_start3A_241, %dma_start3A_243, %dma_start3A_244] : memref<2x128x16xf32, #tpu.memory_space<vmem>> -> memref<1x128x16xf32, #tpu.memory_space<vmem>>
        %dma_start3A_246 = tpu.memref_squeeze %dma_start3A_245 : memref<1x128x16xf32, #tpu.memory_space<vmem>> -> memref<128x16xf32, #tpu.memory_space<vmem>>
        %dma_start3A_247 = arith.constant 0 : i32
        %dma_start3A_248 = tpu.memref_slice %arg15[%add3A_212, %dma_start3A_247] : memref<40x128xi32, #tpu.memory_space<vmem>> -> memref<1x128xi32, #tpu.memory_space<vmem>>
        %dma_start3A_249 = tpu.memref_squeeze %dma_start3A_248 : memref<1x128xi32, #tpu.memory_space<vmem>> -> memref<128xi32, #tpu.memory_space<vmem>>
        %dma_start3A_250 = arith.constant 0 : i32
        %dma_start3A_251 = arith.constant 0 : i32
        %dma_start3A_252 = tpu.memref_slice %arg3[%dma_start3A_250, %dma_start3A_251] : memref<10240x16xf32, #tpu.memory_space<hbm>> -> memref<10240x16xf32, #tpu.memory_space<hbm>>
        %dma_start3A_253 = tpu.memref_slice %arg22[%dma_start3A_242] : memref<2x!tpu.dma_semaphore, #tpu.memory_space<semaphore_mem>> -> memref<1x!tpu.dma_semaphore, #tpu.memory_space<semaphore_mem>>
        %dma_start3A_254 = tpu.memref_squeeze %dma_start3A_253 : memref<1x!tpu.dma_semaphore, #tpu.memory_space<semaphore_mem>> -> memref<!tpu.dma_semaphore, #tpu.memory_space<semaphore_mem>>
        tpu.enqueue_indirect_dma source(%dma_start3A_252 : memref<10240x16xf32, #tpu.memory_space<hbm>>) target(%dma_start3A_246 : memref<128x16xf32, #tpu.memory_space<vmem>>) offsets(%dma_start3A_249 : memref<128xi32, #tpu.memory_space<vmem>>) semaphore(%dma_start3A_254 : memref<!tpu.dma_semaphore, #tpu.memory_space<semaphore_mem>>)
      } else {
      }
      %add3A_149 = arith.constant 1 : i32
      %add3A_150 = arith.addi %mul3A_81, %add3A_149 : i32
      %dma_wait3A_151 = arith.constant 1 : i32
      %dma_wait3A_152 = arith.constant 1 : i32
      %dma_wait3A_153 = arith.constant 0 : i32
      %dma_wait3A_154 = arith.constant 0 : i32
      %dma_wait3A_155 = tpu.memref_slice %arg17[%dma_wait3A_151, %dma_wait3A_153, %dma_wait3A_154] : memref<2x128x16xf32, #tpu.memory_space<vmem>> -> memref<1x128x16xf32, #tpu.memory_space<vmem>>
      %dma_wait3A_156 = tpu.memref_squeeze %dma_wait3A_155 : memref<1x128x16xf32, #tpu.memory_space<vmem>> -> memref<128x16xf32, #tpu.memory_space<vmem>>
      %dma_wait3A_157 = arith.constant 0 : i32
      %dma_wait3A_158 = tpu.memref_slice %arg14[%add3A_150, %dma_wait3A_157] : memref<40x128xi32, #tpu.memory_space<vmem>> -> memref<1x128xi32, #tpu.memory_space<vmem>>
      %dma_wait3A_159 = tpu.memref_squeeze %dma_wait3A_158 : memref<1x128xi32, #tpu.memory_space<vmem>> -> memref<128xi32, #tpu.memory_space<vmem>>
      %dma_wait3A_160 = arith.constant 0 : i32
      %dma_wait3A_161 = arith.constant 0 : i32
      %dma_wait3A_162 = tpu.memref_slice %arg2[%dma_wait3A_160, %dma_wait3A_161] : memref<10240x16xf32, #tpu.memory_space<hbm>> -> memref<10240x16xf32, #tpu.memory_space<hbm>>
      %dma_wait3A_163 = tpu.memref_slice %arg20[%dma_wait3A_152] : memref<2x!tpu.dma_semaphore, #tpu.memory_space<semaphore_mem>> -> memref<1x!tpu.dma_semaphore, #tpu.memory_space<semaphore_mem>>
      %dma_wait3A_164 = tpu.memref_squeeze %dma_wait3A_163 : memref<1x!tpu.dma_semaphore, #tpu.memory_space<semaphore_mem>> -> memref<!tpu.dma_semaphore, #tpu.memory_space<semaphore_mem>>
      tpu.wait_indirect_dma semaphore(%dma_wait3A_164 : memref<!tpu.dma_semaphore, #tpu.memory_space<semaphore_mem>>) src(%dma_wait3A_162 : memref<10240x16xf32, #tpu.memory_space<hbm>>) dst(%dma_wait3A_156 : memref<128x16xf32, #tpu.memory_space<vmem>>)
      %dma_wait3A_165 = arith.constant 1 : i32
      %dma_wait3A_166 = arith.constant 1 : i32
      %dma_wait3A_167 = arith.constant 0 : i32
      %dma_wait3A_168 = arith.constant 0 : i32
      %dma_wait3A_169 = tpu.memref_slice %arg18[%dma_wait3A_165, %dma_wait3A_167, %dma_wait3A_168] : memref<2x128x16xf32, #tpu.memory_space<vmem>> -> memref<1x128x16xf32, #tpu.memory_space<vmem>>
      %dma_wait3A_170 = tpu.memref_squeeze %dma_wait3A_169 : memref<1x128x16xf32, #tpu.memory_space<vmem>> -> memref<128x16xf32, #tpu.memory_space<vmem>>
      %dma_wait3A_171 = arith.constant 0 : i32
      %dma_wait3A_172 = tpu.memref_slice %arg14[%add3A_150, %dma_wait3A_171] : memref<40x128xi32, #tpu.memory_space<vmem>> -> memref<1x128xi32, #tpu.memory_space<vmem>>
      %dma_wait3A_173 = tpu.memref_squeeze %dma_wait3A_172 : memref<1x128xi32, #tpu.memory_space<vmem>> -> memref<128xi32, #tpu.memory_space<vmem>>
      %dma_wait3A_174 = arith.constant 0 : i32
      %dma_wait3A_175 = arith.constant 0 : i32
      %dma_wait3A_176 = tpu.memref_slice %arg3[%dma_wait3A_174, %dma_wait3A_175] : memref<10240x16xf32, #tpu.memory_space<hbm>> -> memref<10240x16xf32, #tpu.memory_space<hbm>>
      %dma_wait3A_177 = tpu.memref_slice %arg21[%dma_wait3A_166] : memref<2x!tpu.dma_semaphore, #tpu.memory_space<semaphore_mem>> -> memref<1x!tpu.dma_semaphore, #tpu.memory_space<semaphore_mem>>
      %dma_wait3A_178 = tpu.memref_squeeze %dma_wait3A_177 : memref<1x!tpu.dma_semaphore, #tpu.memory_space<semaphore_mem>> -> memref<!tpu.dma_semaphore, #tpu.memory_space<semaphore_mem>>
      tpu.wait_indirect_dma semaphore(%dma_wait3A_178 : memref<!tpu.dma_semaphore, #tpu.memory_space<semaphore_mem>>) src(%dma_wait3A_176 : memref<10240x16xf32, #tpu.memory_space<hbm>>) dst(%dma_wait3A_170 : memref<128x16xf32, #tpu.memory_space<vmem>>)
      %dma_wait3A_179 = arith.constant 1 : i32
      %dma_wait3A_180 = arith.constant 1 : i32
      %dma_wait3A_181 = arith.constant 0 : i32
      %dma_wait3A_182 = arith.constant 0 : i32
      %dma_wait3A_183 = tpu.memref_slice %arg19[%dma_wait3A_179, %dma_wait3A_181, %dma_wait3A_182] : memref<2x128x16xf32, #tpu.memory_space<vmem>> -> memref<1x128x16xf32, #tpu.memory_space<vmem>>
      %dma_wait3A_184 = tpu.memref_squeeze %dma_wait3A_183 : memref<1x128x16xf32, #tpu.memory_space<vmem>> -> memref<128x16xf32, #tpu.memory_space<vmem>>
      %dma_wait3A_185 = arith.constant 0 : i32
      %dma_wait3A_186 = tpu.memref_slice %arg15[%add3A_150, %dma_wait3A_185] : memref<40x128xi32, #tpu.memory_space<vmem>> -> memref<1x128xi32, #tpu.memory_space<vmem>>
      %dma_wait3A_187 = tpu.memref_squeeze %dma_wait3A_186 : memref<1x128xi32, #tpu.memory_space<vmem>> -> memref<128xi32, #tpu.memory_space<vmem>>
      %dma_wait3A_188 = arith.constant 0 : i32
      %dma_wait3A_189 = arith.constant 0 : i32
      %dma_wait3A_190 = tpu.memref_slice %arg3[%dma_wait3A_188, %dma_wait3A_189] : memref<10240x16xf32, #tpu.memory_space<hbm>> -> memref<10240x16xf32, #tpu.memory_space<hbm>>
      %dma_wait3A_191 = tpu.memref_slice %arg22[%dma_wait3A_180] : memref<2x!tpu.dma_semaphore, #tpu.memory_space<semaphore_mem>> -> memref<1x!tpu.dma_semaphore, #tpu.memory_space<semaphore_mem>>
      %dma_wait3A_192 = tpu.memref_squeeze %dma_wait3A_191 : memref<1x!tpu.dma_semaphore, #tpu.memory_space<semaphore_mem>> -> memref<!tpu.dma_semaphore, #tpu.memory_space<semaphore_mem>>
      tpu.wait_indirect_dma semaphore(%dma_wait3A_192 : memref<!tpu.dma_semaphore, #tpu.memory_space<semaphore_mem>>) src(%dma_wait3A_190 : memref<10240x16xf32, #tpu.memory_space<hbm>>) dst(%dma_wait3A_184 : memref<128x16xf32, #tpu.memory_space<vmem>>)
      %iota3A_193 = tpu.iota {dimensions = array<i32: 0>} : vector<16xi32>
      %lt3A_194 = arith.constant 8 : i32
      %lt3A_195 = vector.broadcast %lt3A_194 : i32 to vector<16xi32>
      %lt3A_196 = arith.cmpi slt, %iota3A_193, %lt3A_195 : vector<16xi32>
      %convert_element_type3A_197 = arith.extui %lt3A_196 : vector<16xi1> to vector<16xi32>
      %convert_element_type3A_198 = arith.sitofp %convert_element_type3A_197 : vector<16xi32> to vector<16xf32>
      %sub3A_199 = arith.constant 1.000000e+00 : f32
      %sub3A_200 = vector.broadcast %sub3A_199 : f32 to vector<16xf32>
      %sub3A_201 = arith.subf %sub3A_200, %convert_element_type3A_198 : vector<16xf32>
      %scan3A_202 = arith.constant 1 : i32
      %scan3A_203 = arith.constant 0 : i32
      %scan3A_204 = arith.constant 8 : i32
      %scan3A_205 = arith.addi %scan3A_203, %scan3A_204 : i32
      %scan3A_206 = arith.constant 1 : i32
      scf.for %scan3A_211 = %scan3A_203 to %scan3A_205 step %scan3A_206  : i32 {
        %mul3A_212 = arith.constant 1 : i32
        %mul3A_213 = arith.muli %scan3A_211, %mul3A_212 : i32
        %add3A_214 = arith.constant 0 : i32
        %add3A_215 = arith.addi %add3A_214, %mul3A_213 : i32
        %mul3A_216 = arith.constant 16 : i32
        %mul3A_217 = arith.muli %add3A_215, %mul3A_216 : i32
        %get3A = arith.index_cast %add3A_150 : i32 to index
        %get3A_218 = arith.index_cast %mul3A_217 : i32 to index
        %get3A_219 = tpu.vector_load %arg16[%get3A, %get3A_218] {strides = array<i32>} : memref<40x128xf32, #tpu.memory_space<vmem>>, vector<16xf32>,
        %mul3A_220 = arith.constant 16 : i32
        %mul3A_221 = arith.muli %add3A_215, %mul3A_220 : i32
        %add3A_222 = arith.constant 0 : i32
        %add3A_223 = arith.addi %mul3A_221, %add3A_222 : i32
        %get3A_224 = arith.constant 0 : i32
        %get3A_225 = arith.constant 0 : i32
        %get3A_226 = tpu.memref_slice %arg17[%scan3A_202, %get3A_224, %get3A_225] : memref<2x128x16xf32, #tpu.memory_space<vmem>> -> memref<1x128x16xf32, #tpu.memory_space<vmem>>
        %get3A_227 = tpu.memref_squeeze %get3A_226 : memref<1x128x16xf32, #tpu.memory_space<vmem>> -> memref<128x16xf32, #tpu.memory_space<vmem>>
        %get3A_228 = arith.index_cast %add3A_223 : i32 to index
        %get3A_229 = arith.constant 0 : index
        %get3A_230 = tpu.vector_load %get3A_227[%get3A_228, %get3A_229] {strides = array<i32>} : memref<128x16xf32, #tpu.memory_space<vmem>>, vector<16xf32>,
        %slice3A = vector.extract_strided_slice %get3A_219 {offsets = [0], sizes = [1], strides = [1]} : vector<16xf32> to vector<1xf32>
        %squeeze3A = vector.extract %slice3A[0] : f32 from vector<1xf32>
        %mul3A_231 = vector.broadcast %squeeze3A : f32 to vector<16xf32>
        %mul3A_232 = arith.mulf %convert_element_type3A_198, %mul3A_231 : vector<16xf32>
        %add3A_233 = arith.addf %mul3A_232, %sub3A_201 : vector<16xf32>
        %mul3A_234 = arith.mulf %get3A_230, %add3A_233 : vector<16xf32>
        %swap3A = arith.constant 0 : i32
        %swap3A_235 = arith.constant 0 : i32
        %swap3A_236 = tpu.memref_slice %arg17[%scan3A_202, %swap3A, %swap3A_235] : memref<2x128x16xf32, #tpu.memory_space<vmem>> -> memref<1x128x16xf32, #tpu.memory_space<vmem>>
        %swap3A_237 = tpu.memref_squeeze %swap3A_236 : memref<1x128x16xf32, #tpu.memory_space<vmem>> -> memref<128x16xf32, #tpu.memory_space<vmem>>
        %swap3A_238 = arith.index_cast %add3A_223 : i32 to index
        %swap3A_239 = arith.constant 0 : index
        %swap3A_240 = tpu.vector_load %swap3A_237[%swap3A_238, %swap3A_239] {strides = array<i32>} : memref<128x16xf32, #tpu.memory_space<vmem>>, vector<16xf32>,
        tpu.vector_store %swap3A_237[%swap3A_238, %swap3A_239], %mul3A_234 {strides = array<i32>} : memref<128x16xf32, #tpu.memory_space<vmem>>, vector<16xf32>,
        %mul3A_241 = arith.constant 16 : i32
        %mul3A_242 = arith.muli %add3A_215, %mul3A_241 : i32
        %add3A_243 = arith.constant 1 : i32
        %add3A_244 = arith.addi %mul3A_242, %add3A_243 : i32
        %get3A_245 = arith.constant 0 : i32
        %get3A_246 = arith.constant 0 : i32
        %get3A_247 = tpu.memref_slice %arg17[%scan3A_202, %get3A_245, %get3A_246] : memref<2x128x16xf32, #tpu.memory_space<vmem>> -> memref<1x128x16xf32, #tpu.memory_space<vmem>>
        %get3A_248 = tpu.memref_squeeze %get3A_247 : memref<1x128x16xf32, #tpu.memory_space<vmem>> -> memref<128x16xf32, #tpu.memory_space<vmem>>
        %get3A_249 = arith.index_cast %add3A_244 : i32 to index
        %get3A_250 = arith.constant 0 : index
        %get3A_251 = tpu.vector_load %get3A_248[%get3A_249, %get3A_250] {strides = array<i32>} : memref<128x16xf32, #tpu.memory_space<vmem>>, vector<16xf32>,
        %slice3A_252 = vector.extract_strided_slice %get3A_219 {offsets = [1], sizes = [1], strides = [1]} : vector<16xf32> to vector<1xf32>
        %squeeze3A_253 = vector.extract %slice3A_252[0] : f32 from vector<1xf32>
        %mul3A_254 = vector.broadcast %squeeze3A_253 : f32 to vector<16xf32>
        %mul3A_255 = arith.mulf %convert_element_type3A_198, %mul3A_254 : vector<16xf32>
        %add3A_256 = arith.addf %mul3A_255, %sub3A_201 : vector<16xf32>
        %mul3A_257 = arith.mulf %get3A_251, %add3A_256 : vector<16xf32>
        %swap3A_258 = arith.constant 0 : i32
        %swap3A_259 = arith.constant 0 : i32
        %swap3A_260 = tpu.memref_slice %arg17[%scan3A_202, %swap3A_258, %swap3A_259] : memref<2x128x16xf32, #tpu.memory_space<vmem>> -> memref<1x128x16xf32, #tpu.memory_space<vmem>>
        %swap3A_261 = tpu.memref_squeeze %swap3A_260 : memref<1x128x16xf32, #tpu.memory_space<vmem>> -> memref<128x16xf32, #tpu.memory_space<vmem>>
        %swap3A_262 = arith.index_cast %add3A_244 : i32 to index
        %swap3A_263 = arith.constant 0 : index
        %swap3A_264 = tpu.vector_load %swap3A_261[%swap3A_262, %swap3A_263] {strides = array<i32>} : memref<128x16xf32, #tpu.memory_space<vmem>>, vector<16xf32>,
        tpu.vector_store %swap3A_261[%swap3A_262, %swap3A_263], %mul3A_257 {strides = array<i32>} : memref<128x16xf32, #tpu.memory_space<vmem>>, vector<16xf32>,
        %mul3A_265 = arith.constant 16 : i32
        %mul3A_266 = arith.muli %add3A_215, %mul3A_265 : i32
        %add3A_267 = arith.constant 2 : i32
        %add3A_268 = arith.addi %mul3A_266, %add3A_267 : i32
        %get3A_269 = arith.constant 0 : i32
        %get3A_270 = arith.constant 0 : i32
        %get3A_271 = tpu.memref_slice %arg17[%scan3A_202, %get3A_269, %get3A_270] : memref<2x128x16xf32, #tpu.memory_space<vmem>> -> memref<1x128x16xf32, #tpu.memory_space<vmem>>
        %get3A_272 = tpu.memref_squeeze %get3A_271 : memref<1x128x16xf32, #tpu.memory_space<vmem>> -> memref<128x16xf32, #tpu.memory_space<vmem>>
        %get3A_273 = arith.index_cast %add3A_268 : i32 to index
        %get3A_274 = arith.constant 0 : index
        %get3A_275 = tpu.vector_load %get3A_272[%get3A_273, %get3A_274] {strides = array<i32>} : memref<128x16xf32, #tpu.memory_space<vmem>>, vector<16xf32>,
        %slice3A_276 = vector.extract_strided_slice %get3A_219 {offsets = [2], sizes = [1], strides = [1]} : vector<16xf32> to vector<1xf32>
        %squeeze3A_277 = vector.extract %slice3A_276[0] : f32 from vector<1xf32>
        %mul3A_278 = vector.broadcast %squeeze3A_277 : f32 to vector<16xf32>
        %mul3A_279 = arith.mulf %convert_element_type3A_198, %mul3A_278 : vector<16xf32>
        %add3A_280 = arith.addf %mul3A_279, %sub3A_201 : vector<16xf32>
        %mul3A_281 = arith.mulf %get3A_275, %add3A_280 : vector<16xf32>
        %swap3A_282 = arith.constant 0 : i32
        %swap3A_283 = arith.constant 0 : i32
        %swap3A_284 = tpu.memref_slice %arg17[%scan3A_202, %swap3A_282, %swap3A_283] : memref<2x128x16xf32, #tpu.memory_space<vmem>> -> memref<1x128x16xf32, #tpu.memory_space<vmem>>
        %swap3A_285 = tpu.memref_squeeze %swap3A_284 : memref<1x128x16xf32, #tpu.memory_space<vmem>> -> memref<128x16xf32, #tpu.memory_space<vmem>>
        %swap3A_286 = arith.index_cast %add3A_268 : i32 to index
        %swap3A_287 = arith.constant 0 : index
        %swap3A_288 = tpu.vector_load %swap3A_285[%swap3A_286, %swap3A_287] {strides = array<i32>} : memref<128x16xf32, #tpu.memory_space<vmem>>, vector<16xf32>,
        tpu.vector_store %swap3A_285[%swap3A_286, %swap3A_287], %mul3A_281 {strides = array<i32>} : memref<128x16xf32, #tpu.memory_space<vmem>>, vector<16xf32>,
        %mul3A_289 = arith.constant 16 : i32
        %mul3A_290 = arith.muli %add3A_215, %mul3A_289 : i32
        %add3A_291 = arith.constant 3 : i32
        %add3A_292 = arith.addi %mul3A_290, %add3A_291 : i32
        %get3A_293 = arith.constant 0 : i32
        %get3A_294 = arith.constant 0 : i32
        %get3A_295 = tpu.memref_slice %arg17[%scan3A_202, %get3A_293, %get3A_294] : memref<2x128x16xf32, #tpu.memory_space<vmem>> -> memref<1x128x16xf32, #tpu.memory_space<vmem>>
        %get3A_296 = tpu.memref_squeeze %get3A_295 : memref<1x128x16xf32, #tpu.memory_space<vmem>> -> memref<128x16xf32, #tpu.memory_space<vmem>>
        %get3A_297 = arith.index_cast %add3A_292 : i32 to index
        %get3A_298 = arith.constant 0 : index
        %get3A_299 = tpu.vector_load %get3A_296[%get3A_297, %get3A_298] {strides = array<i32>} : memref<128x16xf32, #tpu.memory_space<vmem>>, vector<16xf32>,
        %slice3A_300 = vector.extract_strided_slice %get3A_219 {offsets = [3], sizes = [1], strides = [1]} : vector<16xf32> to vector<1xf32>
        %squeeze3A_301 = vector.extract %slice3A_300[0] : f32 from vector<1xf32>
        %mul3A_302 = vector.broadcast %squeeze3A_301 : f32 to vector<16xf32>
        %mul3A_303 = arith.mulf %convert_element_type3A_198, %mul3A_302 : vector<16xf32>
        %add3A_304 = arith.addf %mul3A_303, %sub3A_201 : vector<16xf32>
        %mul3A_305 = arith.mulf %get3A_299, %add3A_304 : vector<16xf32>
        %swap3A_306 = arith.constant 0 : i32
        %swap3A_307 = arith.constant 0 : i32
        %swap3A_308 = tpu.memref_slice %arg17[%scan3A_202, %swap3A_306, %swap3A_307] : memref<2x128x16xf32, #tpu.memory_space<vmem>> -> memref<1x128x16xf32, #tpu.memory_space<vmem>>
        %swap3A_309 = tpu.memref_squeeze %swap3A_308 : memref<1x128x16xf32, #tpu.memory_space<vmem>> -> memref<128x16xf32, #tpu.memory_space<vmem>>
        %swap3A_310 = arith.index_cast %add3A_292 : i32 to index
        %swap3A_311 = arith.constant 0 : index
        %swap3A_312 = tpu.vector_load %swap3A_309[%swap3A_310, %swap3A_311] {strides = array<i32>} : memref<128x16xf32, #tpu.memory_space<vmem>>, vector<16xf32>,
        tpu.vector_store %swap3A_309[%swap3A_310, %swap3A_311], %mul3A_305 {strides = array<i32>} : memref<128x16xf32, #tpu.memory_space<vmem>>, vector<16xf32>,
        %mul3A_313 = arith.constant 16 : i32
        %mul3A_314 = arith.muli %add3A_215, %mul3A_313 : i32
        %add3A_315 = arith.constant 4 : i32
        %add3A_316 = arith.addi %mul3A_314, %add3A_315 : i32
        %get3A_317 = arith.constant 0 : i32
        %get3A_318 = arith.constant 0 : i32
        %get3A_319 = tpu.memref_slice %arg17[%scan3A_202, %get3A_317, %get3A_318] : memref<2x128x16xf32, #tpu.memory_space<vmem>> -> memref<1x128x16xf32, #tpu.memory_space<vmem>>
        %get3A_320 = tpu.memref_squeeze %get3A_319 : memref<1x128x16xf32, #tpu.memory_space<vmem>> -> memref<128x16xf32, #tpu.memory_space<vmem>>
        %get3A_321 = arith.index_cast %add3A_316 : i32 to index
        %get3A_322 = arith.constant 0 : index
        %get3A_323 = tpu.vector_load %get3A_320[%get3A_321, %get3A_322] {strides = array<i32>} : memref<128x16xf32, #tpu.memory_space<vmem>>, vector<16xf32>,
        %slice3A_324 = vector.extract_strided_slice %get3A_219 {offsets = [4], sizes = [1], strides = [1]} : vector<16xf32> to vector<1xf32>
        %squeeze3A_325 = vector.extract %slice3A_324[0] : f32 from vector<1xf32>
        %mul3A_326 = vector.broadcast %squeeze3A_325 : f32 to vector<16xf32>
        %mul3A_327 = arith.mulf %convert_element_type3A_198, %mul3A_326 : vector<16xf32>
        %add3A_328 = arith.addf %mul3A_327, %sub3A_201 : vector<16xf32>
        %mul3A_329 = arith.mulf %get3A_323, %add3A_328 : vector<16xf32>
        %swap3A_330 = arith.constant 0 : i32
        %swap3A_331 = arith.constant 0 : i32
        %swap3A_332 = tpu.memref_slice %arg17[%scan3A_202, %swap3A_330, %swap3A_331] : memref<2x128x16xf32, #tpu.memory_space<vmem>> -> memref<1x128x16xf32, #tpu.memory_space<vmem>>
        %swap3A_333 = tpu.memref_squeeze %swap3A_332 : memref<1x128x16xf32, #tpu.memory_space<vmem>> -> memref<128x16xf32, #tpu.memory_space<vmem>>
        %swap3A_334 = arith.index_cast %add3A_316 : i32 to index
        %swap3A_335 = arith.constant 0 : index
        %swap3A_336 = tpu.vector_load %swap3A_333[%swap3A_334, %swap3A_335] {strides = array<i32>} : memref<128x16xf32, #tpu.memory_space<vmem>>, vector<16xf32>,
        tpu.vector_store %swap3A_333[%swap3A_334, %swap3A_335], %mul3A_329 {strides = array<i32>} : memref<128x16xf32, #tpu.memory_space<vmem>>, vector<16xf32>,
        %mul3A_337 = arith.constant 16 : i32
        %mul3A_338 = arith.muli %add3A_215, %mul3A_337 : i32
        %add3A_339 = arith.constant 5 : i32
        %add3A_340 = arith.addi %mul3A_338, %add3A_339 : i32
        %get3A_341 = arith.constant 0 : i32
        %get3A_342 = arith.constant 0 : i32
        %get3A_343 = tpu.memref_slice %arg17[%scan3A_202, %get3A_341, %get3A_342] : memref<2x128x16xf32, #tpu.memory_space<vmem>> -> memref<1x128x16xf32, #tpu.memory_space<vmem>>
        %get3A_344 = tpu.memref_squeeze %get3A_343 : memref<1x128x16xf32, #tpu.memory_space<vmem>> -> memref<128x16xf32, #tpu.memory_space<vmem>>
        %get3A_345 = arith.index_cast %add3A_340 : i32 to index
        %get3A_346 = arith.constant 0 : index
        %get3A_347 = tpu.vector_load %get3A_344[%get3A_345, %get3A_346] {strides = array<i32>} : memref<128x16xf32, #tpu.memory_space<vmem>>, vector<16xf32>,
        %slice3A_348 = vector.extract_strided_slice %get3A_219 {offsets = [5], sizes = [1], strides = [1]} : vector<16xf32> to vector<1xf32>
        %squeeze3A_349 = vector.extract %slice3A_348[0] : f32 from vector<1xf32>
        %mul3A_350 = vector.broadcast %squeeze3A_349 : f32 to vector<16xf32>
        %mul3A_351 = arith.mulf %convert_element_type3A_198, %mul3A_350 : vector<16xf32>
        %add3A_352 = arith.addf %mul3A_351, %sub3A_201 : vector<16xf32>
        %mul3A_353 = arith.mulf %get3A_347, %add3A_352 : vector<16xf32>
        %swap3A_354 = arith.constant 0 : i32
        %swap3A_355 = arith.constant 0 : i32
        %swap3A_356 = tpu.memref_slice %arg17[%scan3A_202, %swap3A_354, %swap3A_355] : memref<2x128x16xf32, #tpu.memory_space<vmem>> -> memref<1x128x16xf32, #tpu.memory_space<vmem>>
        %swap3A_357 = tpu.memref_squeeze %swap3A_356 : memref<1x128x16xf32, #tpu.memory_space<vmem>> -> memref<128x16xf32, #tpu.memory_space<vmem>>
        %swap3A_358 = arith.index_cast %add3A_340 : i32 to index
        %swap3A_359 = arith.constant 0 : index
        %swap3A_360 = tpu.vector_load %swap3A_357[%swap3A_358, %swap3A_359] {strides = array<i32>} : memref<128x16xf32, #tpu.memory_space<vmem>>, vector<16xf32>,
        tpu.vector_store %swap3A_357[%swap3A_358, %swap3A_359], %mul3A_353 {strides = array<i32>} : memref<128x16xf32, #tpu.memory_space<vmem>>, vector<16xf32>,
        %mul3A_361 = arith.constant 16 : i32
        %mul3A_362 = arith.muli %add3A_215, %mul3A_361 : i32
        %add3A_363 = arith.constant 6 : i32
        %add3A_364 = arith.addi %mul3A_362, %add3A_363 : i32
        %get3A_365 = arith.constant 0 : i32
        %get3A_366 = arith.constant 0 : i32
        %get3A_367 = tpu.memref_slice %arg17[%scan3A_202, %get3A_365, %get3A_366] : memref<2x128x16xf32, #tpu.memory_space<vmem>> -> memref<1x128x16xf32, #tpu.memory_space<vmem>>
        %get3A_368 = tpu.memref_squeeze %get3A_367 : memref<1x128x16xf32, #tpu.memory_space<vmem>> -> memref<128x16xf32, #tpu.memory_space<vmem>>
        %get3A_369 = arith.index_cast %add3A_364 : i32 to index
        %get3A_370 = arith.constant 0 : index
        %get3A_371 = tpu.vector_load %get3A_368[%get3A_369, %get3A_370] {strides = array<i32>} : memref<128x16xf32, #tpu.memory_space<vmem>>, vector<16xf32>,
        %slice3A_372 = vector.extract_strided_slice %get3A_219 {offsets = [6], sizes = [1], strides = [1]} : vector<16xf32> to vector<1xf32>
        %squeeze3A_373 = vector.extract %slice3A_372[0] : f32 from vector<1xf32>
        %mul3A_374 = vector.broadcast %squeeze3A_373 : f32 to vector<16xf32>
        %mul3A_375 = arith.mulf %convert_element_type3A_198, %mul3A_374 : vector<16xf32>
        %add3A_376 = arith.addf %mul3A_375, %sub3A_201 : vector<16xf32>
        %mul3A_377 = arith.mulf %get3A_371, %add3A_376 : vector<16xf32>
        %swap3A_378 = arith.constant 0 : i32
        %swap3A_379 = arith.constant 0 : i32
        %swap3A_380 = tpu.memref_slice %arg17[%scan3A_202, %swap3A_378, %swap3A_379] : memref<2x128x16xf32, #tpu.memory_space<vmem>> -> memref<1x128x16xf32, #tpu.memory_space<vmem>>
        %swap3A_381 = tpu.memref_squeeze %swap3A_380 : memref<1x128x16xf32, #tpu.memory_space<vmem>> -> memref<128x16xf32, #tpu.memory_space<vmem>>
        %swap3A_382 = arith.index_cast %add3A_364 : i32 to index
        %swap3A_383 = arith.constant 0 : index
        %swap3A_384 = tpu.vector_load %swap3A_381[%swap3A_382, %swap3A_383] {strides = array<i32>} : memref<128x16xf32, #tpu.memory_space<vmem>>, vector<16xf32>,
        tpu.vector_store %swap3A_381[%swap3A_382, %swap3A_383], %mul3A_377 {strides = array<i32>} : memref<128x16xf32, #tpu.memory_space<vmem>>, vector<16xf32>,
        %mul3A_385 = arith.constant 16 : i32
        %mul3A_386 = arith.muli %add3A_215, %mul3A_385 : i32
        %add3A_387 = arith.constant 7 : i32
        %add3A_388 = arith.addi %mul3A_386, %add3A_387 : i32
        %get3A_389 = arith.constant 0 : i32
        %get3A_390 = arith.constant 0 : i32
        %get3A_391 = tpu.memref_slice %arg17[%scan3A_202, %get3A_389, %get3A_390] : memref<2x128x16xf32, #tpu.memory_space<vmem>> -> memref<1x128x16xf32, #tpu.memory_space<vmem>>
        %get3A_392 = tpu.memref_squeeze %get3A_391 : memref<1x128x16xf32, #tpu.memory_space<vmem>> -> memref<128x16xf32, #tpu.memory_space<vmem>>
        %get3A_393 = arith.index_cast %add3A_388 : i32 to index
        %get3A_394 = arith.constant 0 : index
        %get3A_395 = tpu.vector_load %get3A_392[%get3A_393, %get3A_394] {strides = array<i32>} : memref<128x16xf32, #tpu.memory_space<vmem>>, vector<16xf32>,
        %slice3A_396 = vector.extract_strided_slice %get3A_219 {offsets = [7], sizes = [1], strides = [1]} : vector<16xf32> to vector<1xf32>
        %squeeze3A_397 = vector.extract %slice3A_396[0] : f32 from vector<1xf32>
        %mul3A_398 = vector.broadcast %squeeze3A_397 : f32 to vector<16xf32>
        %mul3A_399 = arith.mulf %convert_element_type3A_198, %mul3A_398 : vector<16xf32>
        %add3A_400 = arith.addf %mul3A_399, %sub3A_201 : vector<16xf32>
        %mul3A_401 = arith.mulf %get3A_395, %add3A_400 : vector<16xf32>
        %swap3A_402 = arith.constant 0 : i32
        %swap3A_403 = arith.constant 0 : i32
        %swap3A_404 = tpu.memref_slice %arg17[%scan3A_202, %swap3A_402, %swap3A_403] : memref<2x128x16xf32, #tpu.memory_space<vmem>> -> memref<1x128x16xf32, #tpu.memory_space<vmem>>
        %swap3A_405 = tpu.memref_squeeze %swap3A_404 : memref<1x128x16xf32, #tpu.memory_space<vmem>> -> memref<128x16xf32, #tpu.memory_space<vmem>>
        %swap3A_406 = arith.index_cast %add3A_388 : i32 to index
        %swap3A_407 = arith.constant 0 : index
        %swap3A_408 = tpu.vector_load %swap3A_405[%swap3A_406, %swap3A_407] {strides = array<i32>} : memref<128x16xf32, #tpu.memory_space<vmem>>, vector<16xf32>,
        tpu.vector_store %swap3A_405[%swap3A_406, %swap3A_407], %mul3A_401 {strides = array<i32>} : memref<128x16xf32, #tpu.memory_space<vmem>>, vector<16xf32>,
        %mul3A_409 = arith.constant 16 : i32
        %mul3A_410 = arith.muli %add3A_215, %mul3A_409 : i32
        %add3A_411 = arith.constant 8 : i32
        %add3A_412 = arith.addi %mul3A_410, %add3A_411 : i32
        %get3A_413 = arith.constant 0 : i32
        %get3A_414 = arith.constant 0 : i32
        %get3A_415 = tpu.memref_slice %arg17[%scan3A_202, %get3A_413, %get3A_414] : memref<2x128x16xf32, #tpu.memory_space<vmem>> -> memref<1x128x16xf32, #tpu.memory_space<vmem>>
        %get3A_416 = tpu.memref_squeeze %get3A_415 : memref<1x128x16xf32, #tpu.memory_space<vmem>> -> memref<128x16xf32, #tpu.memory_space<vmem>>
        %get3A_417 = arith.index_cast %add3A_412 : i32 to index
        %get3A_418 = arith.constant 0 : index
        %get3A_419 = tpu.vector_load %get3A_416[%get3A_417, %get3A_418] {strides = array<i32>} : memref<128x16xf32, #tpu.memory_space<vmem>>, vector<16xf32>,
        %slice3A_420 = vector.extract_strided_slice %get3A_219 {offsets = [8], sizes = [1], strides = [1]} : vector<16xf32> to vector<1xf32>
        %squeeze3A_421 = vector.extract %slice3A_420[0] : f32 from vector<1xf32>
        %mul3A_422 = vector.broadcast %squeeze3A_421 : f32 to vector<16xf32>
        %mul3A_423 = arith.mulf %convert_element_type3A_198, %mul3A_422 : vector<16xf32>
        %add3A_424 = arith.addf %mul3A_423, %sub3A_201 : vector<16xf32>
        %mul3A_425 = arith.mulf %get3A_419, %add3A_424 : vector<16xf32>
        %swap3A_426 = arith.constant 0 : i32
        %swap3A_427 = arith.constant 0 : i32
        %swap3A_428 = tpu.memref_slice %arg17[%scan3A_202, %swap3A_426, %swap3A_427] : memref<2x128x16xf32, #tpu.memory_space<vmem>> -> memref<1x128x16xf32, #tpu.memory_space<vmem>>
        %swap3A_429 = tpu.memref_squeeze %swap3A_428 : memref<1x128x16xf32, #tpu.memory_space<vmem>> -> memref<128x16xf32, #tpu.memory_space<vmem>>
        %swap3A_430 = arith.index_cast %add3A_412 : i32 to index
        %swap3A_431 = arith.constant 0 : index
        %swap3A_432 = tpu.vector_load %swap3A_429[%swap3A_430, %swap3A_431] {strides = array<i32>} : memref<128x16xf32, #tpu.memory_space<vmem>>, vector<16xf32>,
        tpu.vector_store %swap3A_429[%swap3A_430, %swap3A_431], %mul3A_425 {strides = array<i32>} : memref<128x16xf32, #tpu.memory_space<vmem>>, vector<16xf32>,
        %mul3A_433 = arith.constant 16 : i32
        %mul3A_434 = arith.muli %add3A_215, %mul3A_433 : i32
        %add3A_435 = arith.constant 9 : i32
        %add3A_436 = arith.addi %mul3A_434, %add3A_435 : i32
        %get3A_437 = arith.constant 0 : i32
        %get3A_438 = arith.constant 0 : i32
        %get3A_439 = tpu.memref_slice %arg17[%scan3A_202, %get3A_437, %get3A_438] : memref<2x128x16xf32, #tpu.memory_space<vmem>> -> memref<1x128x16xf32, #tpu.memory_space<vmem>>
        %get3A_440 = tpu.memref_squeeze %get3A_439 : memref<1x128x16xf32, #tpu.memory_space<vmem>> -> memref<128x16xf32, #tpu.memory_space<vmem>>
        %get3A_441 = arith.index_cast %add3A_436 : i32 to index
        %get3A_442 = arith.constant 0 : index
        %get3A_443 = tpu.vector_load %get3A_440[%get3A_441, %get3A_442] {strides = array<i32>} : memref<128x16xf32, #tpu.memory_space<vmem>>, vector<16xf32>,
        %slice3A_444 = vector.extract_strided_slice %get3A_219 {offsets = [9], sizes = [1], strides = [1]} : vector<16xf32> to vector<1xf32>
        %squeeze3A_445 = vector.extract %slice3A_444[0] : f32 from vector<1xf32>
        %mul3A_446 = vector.broadcast %squeeze3A_445 : f32 to vector<16xf32>
        %mul3A_447 = arith.mulf %convert_element_type3A_198, %mul3A_446 : vector<16xf32>
        %add3A_448 = arith.addf %mul3A_447, %sub3A_201 : vector<16xf32>
        %mul3A_449 = arith.mulf %get3A_443, %add3A_448 : vector<16xf32>
        %swap3A_450 = arith.constant 0 : i32
        %swap3A_451 = arith.constant 0 : i32
        %swap3A_452 = tpu.memref_slice %arg17[%scan3A_202, %swap3A_450, %swap3A_451] : memref<2x128x16xf32, #tpu.memory_space<vmem>> -> memref<1x128x16xf32, #tpu.memory_space<vmem>>
        %swap3A_453 = tpu.memref_squeeze %swap3A_452 : memref<1x128x16xf32, #tpu.memory_space<vmem>> -> memref<128x16xf32, #tpu.memory_space<vmem>>
        %swap3A_454 = arith.index_cast %add3A_436 : i32 to index
        %swap3A_455 = arith.constant 0 : index
        %swap3A_456 = tpu.vector_load %swap3A_453[%swap3A_454, %swap3A_455] {strides = array<i32>} : memref<128x16xf32, #tpu.memory_space<vmem>>, vector<16xf32>,
        tpu.vector_store %swap3A_453[%swap3A_454, %swap3A_455], %mul3A_449 {strides = array<i32>} : memref<128x16xf32, #tpu.memory_space<vmem>>, vector<16xf32>,
        %mul3A_457 = arith.constant 16 : i32
        %mul3A_458 = arith.muli %add3A_215, %mul3A_457 : i32
        %add3A_459 = arith.constant 10 : i32
        %add3A_460 = arith.addi %mul3A_458, %add3A_459 : i32
        %get3A_461 = arith.constant 0 : i32
        %get3A_462 = arith.constant 0 : i32
        %get3A_463 = tpu.memref_slice %arg17[%scan3A_202, %get3A_461, %get3A_462] : memref<2x128x16xf32, #tpu.memory_space<vmem>> -> memref<1x128x16xf32, #tpu.memory_space<vmem>>
        %get3A_464 = tpu.memref_squeeze %get3A_463 : memref<1x128x16xf32, #tpu.memory_space<vmem>> -> memref<128x16xf32, #tpu.memory_space<vmem>>
        %get3A_465 = arith.index_cast %add3A_460 : i32 to index
        %get3A_466 = arith.constant 0 : index
        %get3A_467 = tpu.vector_load %get3A_464[%get3A_465, %get3A_466] {strides = array<i32>} : memref<128x16xf32, #tpu.memory_space<vmem>>, vector<16xf32>,
        %slice3A_468 = vector.extract_strided_slice %get3A_219 {offsets = [10], sizes = [1], strides = [1]} : vector<16xf32> to vector<1xf32>
        %squeeze3A_469 = vector.extract %slice3A_468[0] : f32 from vector<1xf32>
        %mul3A_470 = vector.broadcast %squeeze3A_469 : f32 to vector<16xf32>
        %mul3A_471 = arith.mulf %convert_element_type3A_198, %mul3A_470 : vector<16xf32>
        %add3A_472 = arith.addf %mul3A_471, %sub3A_201 : vector<16xf32>
        %mul3A_473 = arith.mulf %get3A_467, %add3A_472 : vector<16xf32>
        %swap3A_474 = arith.constant 0 : i32
        %swap3A_475 = arith.constant 0 : i32
        %swap3A_476 = tpu.memref_slice %arg17[%scan3A_202, %swap3A_474, %swap3A_475] : memref<2x128x16xf32, #tpu.memory_space<vmem>> -> memref<1x128x16xf32, #tpu.memory_space<vmem>>
        %swap3A_477 = tpu.memref_squeeze %swap3A_476 : memref<1x128x16xf32, #tpu.memory_space<vmem>> -> memref<128x16xf32, #tpu.memory_space<vmem>>
        %swap3A_478 = arith.index_cast %add3A_460 : i32 to index
        %swap3A_479 = arith.constant 0 : index
        %swap3A_480 = tpu.vector_load %swap3A_477[%swap3A_478, %swap3A_479] {strides = array<i32>} : memref<128x16xf32, #tpu.memory_space<vmem>>, vector<16xf32>,
        tpu.vector_store %swap3A_477[%swap3A_478, %swap3A_479], %mul3A_473 {strides = array<i32>} : memref<128x16xf32, #tpu.memory_space<vmem>>, vector<16xf32>,
        %mul3A_481 = arith.constant 16 : i32
        %mul3A_482 = arith.muli %add3A_215, %mul3A_481 : i32
        %add3A_483 = arith.constant 11 : i32
        %add3A_484 = arith.addi %mul3A_482, %add3A_483 : i32
        %get3A_485 = arith.constant 0 : i32
        %get3A_486 = arith.constant 0 : i32
        %get3A_487 = tpu.memref_slice %arg17[%scan3A_202, %get3A_485, %get3A_486] : memref<2x128x16xf32, #tpu.memory_space<vmem>> -> memref<1x128x16xf32, #tpu.memory_space<vmem>>
        %get3A_488 = tpu.memref_squeeze %get3A_487 : memref<1x128x16xf32, #tpu.memory_space<vmem>> -> memref<128x16xf32, #tpu.memory_space<vmem>>
        %get3A_489 = arith.index_cast %add3A_484 : i32 to index
        %get3A_490 = arith.constant 0 : index
        %get3A_491 = tpu.vector_load %get3A_488[%get3A_489, %get3A_490] {strides = array<i32>} : memref<128x16xf32, #tpu.memory_space<vmem>>, vector<16xf32>,
        %slice3A_492 = vector.extract_strided_slice %get3A_219 {offsets = [11], sizes = [1], strides = [1]} : vector<16xf32> to vector<1xf32>
        %squeeze3A_493 = vector.extract %slice3A_492[0] : f32 from vector<1xf32>
        %mul3A_494 = vector.broadcast %squeeze3A_493 : f32 to vector<16xf32>
        %mul3A_495 = arith.mulf %convert_element_type3A_198, %mul3A_494 : vector<16xf32>
        %add3A_496 = arith.addf %mul3A_495, %sub3A_201 : vector<16xf32>
        %mul3A_497 = arith.mulf %get3A_491, %add3A_496 : vector<16xf32>
        %swap3A_498 = arith.constant 0 : i32
        %swap3A_499 = arith.constant 0 : i32
        %swap3A_500 = tpu.memref_slice %arg17[%scan3A_202, %swap3A_498, %swap3A_499] : memref<2x128x16xf32, #tpu.memory_space<vmem>> -> memref<1x128x16xf32, #tpu.memory_space<vmem>>
        %swap3A_501 = tpu.memref_squeeze %swap3A_500 : memref<1x128x16xf32, #tpu.memory_space<vmem>> -> memref<128x16xf32, #tpu.memory_space<vmem>>
        %swap3A_502 = arith.index_cast %add3A_484 : i32 to index
        %swap3A_503 = arith.constant 0 : index
        %swap3A_504 = tpu.vector_load %swap3A_501[%swap3A_502, %swap3A_503] {strides = array<i32>} : memref<128x16xf32, #tpu.memory_space<vmem>>, vector<16xf32>,
        tpu.vector_store %swap3A_501[%swap3A_502, %swap3A_503], %mul3A_497 {strides = array<i32>} : memref<128x16xf32, #tpu.memory_space<vmem>>, vector<16xf32>,
        %mul3A_505 = arith.constant 16 : i32
        %mul3A_506 = arith.muli %add3A_215, %mul3A_505 : i32
        %add3A_507 = arith.constant 12 : i32
        %add3A_508 = arith.addi %mul3A_506, %add3A_507 : i32
        %get3A_509 = arith.constant 0 : i32
        %get3A_510 = arith.constant 0 : i32
        %get3A_511 = tpu.memref_slice %arg17[%scan3A_202, %get3A_509, %get3A_510] : memref<2x128x16xf32, #tpu.memory_space<vmem>> -> memref<1x128x16xf32, #tpu.memory_space<vmem>>
        %get3A_512 = tpu.memref_squeeze %get3A_511 : memref<1x128x16xf32, #tpu.memory_space<vmem>> -> memref<128x16xf32, #tpu.memory_space<vmem>>
        %get3A_513 = arith.index_cast %add3A_508 : i32 to index
        %get3A_514 = arith.constant 0 : index
        %get3A_515 = tpu.vector_load %get3A_512[%get3A_513, %get3A_514] {strides = array<i32>} : memref<128x16xf32, #tpu.memory_space<vmem>>, vector<16xf32>,
        %slice3A_516 = vector.extract_strided_slice %get3A_219 {offsets = [12], sizes = [1], strides = [1]} : vector<16xf32> to vector<1xf32>
        %squeeze3A_517 = vector.extract %slice3A_516[0] : f32 from vector<1xf32>
        %mul3A_518 = vector.broadcast %squeeze3A_517 : f32 to vector<16xf32>
        %mul3A_519 = arith.mulf %convert_element_type3A_198, %mul3A_518 : vector<16xf32>
        %add3A_520 = arith.addf %mul3A_519, %sub3A_201 : vector<16xf32>
        %mul3A_521 = arith.mulf %get3A_515, %add3A_520 : vector<16xf32>
        %swap3A_522 = arith.constant 0 : i32
        %swap3A_523 = arith.constant 0 : i32
        %swap3A_524 = tpu.memref_slice %arg17[%scan3A_202, %swap3A_522, %swap3A_523] : memref<2x128x16xf32, #tpu.memory_space<vmem>> -> memref<1x128x16xf32, #tpu.memory_space<vmem>>
        %swap3A_525 = tpu.memref_squeeze %swap3A_524 : memref<1x128x16xf32, #tpu.memory_space<vmem>> -> memref<128x16xf32, #tpu.memory_space<vmem>>
        %swap3A_526 = arith.index_cast %add3A_508 : i32 to index
        %swap3A_527 = arith.constant 0 : index
        %swap3A_528 = tpu.vector_load %swap3A_525[%swap3A_526, %swap3A_527] {strides = array<i32>} : memref<128x16xf32, #tpu.memory_space<vmem>>, vector<16xf32>,
        tpu.vector_store %swap3A_525[%swap3A_526, %swap3A_527], %mul3A_521 {strides = array<i32>} : memref<128x16xf32, #tpu.memory_space<vmem>>, vector<16xf32>,
        %mul3A_529 = arith.constant 16 : i32
        %mul3A_530 = arith.muli %add3A_215, %mul3A_529 : i32
        %add3A_531 = arith.constant 13 : i32
        %add3A_532 = arith.addi %mul3A_530, %add3A_531 : i32
        %get3A_533 = arith.constant 0 : i32
        %get3A_534 = arith.constant 0 : i32
        %get3A_535 = tpu.memref_slice %arg17[%scan3A_202, %get3A_533, %get3A_534] : memref<2x128x16xf32, #tpu.memory_space<vmem>> -> memref<1x128x16xf32, #tpu.memory_space<vmem>>
        %get3A_536 = tpu.memref_squeeze %get3A_535 : memref<1x128x16xf32, #tpu.memory_space<vmem>> -> memref<128x16xf32, #tpu.memory_space<vmem>>
        %get3A_537 = arith.index_cast %add3A_532 : i32 to index
        %get3A_538 = arith.constant 0 : index
        %get3A_539 = tpu.vector_load %get3A_536[%get3A_537, %get3A_538] {strides = array<i32>} : memref<128x16xf32, #tpu.memory_space<vmem>>, vector<16xf32>,
        %slice3A_540 = vector.extract_strided_slice %get3A_219 {offsets = [13], sizes = [1], strides = [1]} : vector<16xf32> to vector<1xf32>
        %squeeze3A_541 = vector.extract %slice3A_540[0] : f32 from vector<1xf32>
        %mul3A_542 = vector.broadcast %squeeze3A_541 : f32 to vector<16xf32>
        %mul3A_543 = arith.mulf %convert_element_type3A_198, %mul3A_542 : vector<16xf32>
        %add3A_544 = arith.addf %mul3A_543, %sub3A_201 : vector<16xf32>
        %mul3A_545 = arith.mulf %get3A_539, %add3A_544 : vector<16xf32>
        %swap3A_546 = arith.constant 0 : i32
        %swap3A_547 = arith.constant 0 : i32
        %swap3A_548 = tpu.memref_slice %arg17[%scan3A_202, %swap3A_546, %swap3A_547] : memref<2x128x16xf32, #tpu.memory_space<vmem>> -> memref<1x128x16xf32, #tpu.memory_space<vmem>>
        %swap3A_549 = tpu.memref_squeeze %swap3A_548 : memref<1x128x16xf32, #tpu.memory_space<vmem>> -> memref<128x16xf32, #tpu.memory_space<vmem>>
        %swap3A_550 = arith.index_cast %add3A_532 : i32 to index
        %swap3A_551 = arith.constant 0 : index
        %swap3A_552 = tpu.vector_load %swap3A_549[%swap3A_550, %swap3A_551] {strides = array<i32>} : memref<128x16xf32, #tpu.memory_space<vmem>>, vector<16xf32>,
        tpu.vector_store %swap3A_549[%swap3A_550, %swap3A_551], %mul3A_545 {strides = array<i32>} : memref<128x16xf32, #tpu.memory_space<vmem>>, vector<16xf32>,
        %mul3A_553 = arith.constant 16 : i32
        %mul3A_554 = arith.muli %add3A_215, %mul3A_553 : i32
        %add3A_555 = arith.constant 14 : i32
        %add3A_556 = arith.addi %mul3A_554, %add3A_555 : i32
        %get3A_557 = arith.constant 0 : i32
        %get3A_558 = arith.constant 0 : i32
        %get3A_559 = tpu.memref_slice %arg17[%scan3A_202, %get3A_557, %get3A_558] : memref<2x128x16xf32, #tpu.memory_space<vmem>> -> memref<1x128x16xf32, #tpu.memory_space<vmem>>
        %get3A_560 = tpu.memref_squeeze %get3A_559 : memref<1x128x16xf32, #tpu.memory_space<vmem>> -> memref<128x16xf32, #tpu.memory_space<vmem>>
        %get3A_561 = arith.index_cast %add3A_556 : i32 to index
        %get3A_562 = arith.constant 0 : index
        %get3A_563 = tpu.vector_load %get3A_560[%get3A_561, %get3A_562] {strides = array<i32>} : memref<128x16xf32, #tpu.memory_space<vmem>>, vector<16xf32>,
        %slice3A_564 = vector.extract_strided_slice %get3A_219 {offsets = [14], sizes = [1], strides = [1]} : vector<16xf32> to vector<1xf32>
        %squeeze3A_565 = vector.extract %slice3A_564[0] : f32 from vector<1xf32>
        %mul3A_566 = vector.broadcast %squeeze3A_565 : f32 to vector<16xf32>
        %mul3A_567 = arith.mulf %convert_element_type3A_198, %mul3A_566 : vector<16xf32>
        %add3A_568 = arith.addf %mul3A_567, %sub3A_201 : vector<16xf32>
        %mul3A_569 = arith.mulf %get3A_563, %add3A_568 : vector<16xf32>
        %swap3A_570 = arith.constant 0 : i32
        %swap3A_571 = arith.constant 0 : i32
        %swap3A_572 = tpu.memref_slice %arg17[%scan3A_202, %swap3A_570, %swap3A_571] : memref<2x128x16xf32, #tpu.memory_space<vmem>> -> memref<1x128x16xf32, #tpu.memory_space<vmem>>
        %swap3A_573 = tpu.memref_squeeze %swap3A_572 : memref<1x128x16xf32, #tpu.memory_space<vmem>> -> memref<128x16xf32, #tpu.memory_space<vmem>>
        %swap3A_574 = arith.index_cast %add3A_556 : i32 to index
        %swap3A_575 = arith.constant 0 : index
        %swap3A_576 = tpu.vector_load %swap3A_573[%swap3A_574, %swap3A_575] {strides = array<i32>} : memref<128x16xf32, #tpu.memory_space<vmem>>, vector<16xf32>,
        tpu.vector_store %swap3A_573[%swap3A_574, %swap3A_575], %mul3A_569 {strides = array<i32>} : memref<128x16xf32, #tpu.memory_space<vmem>>, vector<16xf32>,
        %mul3A_577 = arith.constant 16 : i32
        %mul3A_578 = arith.muli %add3A_215, %mul3A_577 : i32
        %add3A_579 = arith.constant 15 : i32
        %add3A_580 = arith.addi %mul3A_578, %add3A_579 : i32
        %get3A_581 = arith.constant 0 : i32
        %get3A_582 = arith.constant 0 : i32
        %get3A_583 = tpu.memref_slice %arg17[%scan3A_202, %get3A_581, %get3A_582] : memref<2x128x16xf32, #tpu.memory_space<vmem>> -> memref<1x128x16xf32, #tpu.memory_space<vmem>>
        %get3A_584 = tpu.memref_squeeze %get3A_583 : memref<1x128x16xf32, #tpu.memory_space<vmem>> -> memref<128x16xf32, #tpu.memory_space<vmem>>
        %get3A_585 = arith.index_cast %add3A_580 : i32 to index
        %get3A_586 = arith.constant 0 : index
        %get3A_587 = tpu.vector_load %get3A_584[%get3A_585, %get3A_586] {strides = array<i32>} : memref<128x16xf32, #tpu.memory_space<vmem>>, vector<16xf32>,
        %slice3A_588 = vector.extract_strided_slice %get3A_219 {offsets = [15], sizes = [1], strides = [1]} : vector<16xf32> to vector<1xf32>
        %squeeze3A_589 = vector.extract %slice3A_588[0] : f32 from vector<1xf32>
        %mul3A_590 = vector.broadcast %squeeze3A_589 : f32 to vector<16xf32>
        %mul3A_591 = arith.mulf %convert_element_type3A_198, %mul3A_590 : vector<16xf32>
        %add3A_592 = arith.addf %mul3A_591, %sub3A_201 : vector<16xf32>
        %mul3A_593 = arith.mulf %get3A_587, %add3A_592 : vector<16xf32>
        %swap3A_594 = arith.constant 0 : i32
        %swap3A_595 = arith.constant 0 : i32
        %swap3A_596 = tpu.memref_slice %arg17[%scan3A_202, %swap3A_594, %swap3A_595] : memref<2x128x16xf32, #tpu.memory_space<vmem>> -> memref<1x128x16xf32, #tpu.memory_space<vmem>>
        %swap3A_597 = tpu.memref_squeeze %swap3A_596 : memref<1x128x16xf32, #tpu.memory_space<vmem>> -> memref<128x16xf32, #tpu.memory_space<vmem>>
        %swap3A_598 = arith.index_cast %add3A_580 : i32 to index
        %swap3A_599 = arith.constant 0 : index
        %swap3A_600 = tpu.vector_load %swap3A_597[%swap3A_598, %swap3A_599] {strides = array<i32>} : memref<128x16xf32, #tpu.memory_space<vmem>>, vector<16xf32>,
        tpu.vector_store %swap3A_597[%swap3A_598, %swap3A_599], %mul3A_593 {strides = array<i32>} : memref<128x16xf32, #tpu.memory_space<vmem>>, vector<16xf32>,
      }
      %scan3A_207 = arith.constant 8 : i32
      %run_scoped3A_208 = arith.constant 1 : i32
      "tpu.region"() ({
        %run_scoped3A_211 = tpu.sem_alloc : memref<!tpu.dma_semaphore, #tpu.memory_space<semaphore_mem>>
        %dma_start3A_212 = arith.constant 0 : i32
        %dma_start3A_213 = arith.constant 0 : i32
        %dma_start3A_214 = tpu.memref_slice %arg17[%run_scoped3A_208, %dma_start3A_212, %dma_start3A_213] : memref<2x128x16xf32, #tpu.memory_space<vmem>> -> memref<1x128x16xf32, #tpu.memory_space<vmem>>
        %dma_start3A_215 = tpu.memref_squeeze %dma_start3A_214 : memref<1x128x16xf32, #tpu.memory_space<vmem>> -> memref<128x16xf32, #tpu.memory_space<vmem>>
        %dma_start3A_216 = arith.constant 0 : i32
        %dma_start3A_217 = tpu.memref_slice %arg15[%add3A_150, %dma_start3A_216] : memref<40x128xi32, #tpu.memory_space<vmem>> -> memref<1x128xi32, #tpu.memory_space<vmem>>
        %dma_start3A_218 = tpu.memref_squeeze %dma_start3A_217 : memref<1x128xi32, #tpu.memory_space<vmem>> -> memref<128xi32, #tpu.memory_space<vmem>>
        %dma_start3A_219 = arith.constant 0 : i32
        %dma_start3A_220 = arith.constant 0 : i32
        %dma_start3A_221 = tpu.memref_slice %arg11[%dma_start3A_219, %dma_start3A_220] : memref<10240x16xf32, #tpu.memory_space<vmem_shared>> -> memref<10240x16xf32, #tpu.memory_space<vmem_shared>>
        tpu.enqueue_indirect_dma source(%dma_start3A_215 : memref<128x16xf32, #tpu.memory_space<vmem>>) target(%dma_start3A_221 : memref<10240x16xf32, #tpu.memory_space<vmem_shared>>) offsets(%dma_start3A_218 : memref<128xi32, #tpu.memory_space<vmem>>) semaphore(%run_scoped3A_211 : memref<!tpu.dma_semaphore, #tpu.memory_space<semaphore_mem>>) {add = true}
        %dma_wait3A_222 = arith.constant 0 : i32
        %dma_wait3A_223 = arith.constant 0 : i32
        %dma_wait3A_224 = tpu.memref_slice %arg17[%run_scoped3A_208, %dma_wait3A_222, %dma_wait3A_223] : memref<2x128x16xf32, #tpu.memory_space<vmem>> -> memref<1x128x16xf32, #tpu.memory_space<vmem>>
        %dma_wait3A_225 = tpu.memref_squeeze %dma_wait3A_224 : memref<1x128x16xf32, #tpu.memory_space<vmem>> -> memref<128x16xf32, #tpu.memory_space<vmem>>
        %dma_wait3A_226 = arith.constant 0 : i32
        %dma_wait3A_227 = tpu.memref_slice %arg15[%add3A_150, %dma_wait3A_226] : memref<40x128xi32, #tpu.memory_space<vmem>> -> memref<1x128xi32, #tpu.memory_space<vmem>>
        %dma_wait3A_228 = tpu.memref_squeeze %dma_wait3A_227 : memref<1x128xi32, #tpu.memory_space<vmem>> -> memref<128xi32, #tpu.memory_space<vmem>>
        %dma_wait3A_229 = arith.constant 0 : i32
        %dma_wait3A_230 = arith.constant 0 : i32
        %dma_wait3A_231 = tpu.memref_slice %arg11[%dma_wait3A_229, %dma_wait3A_230] : memref<10240x16xf32, #tpu.memory_space<vmem_shared>> -> memref<10240x16xf32, #tpu.memory_space<vmem_shared>>
        tpu.wait_indirect_dma semaphore(%run_scoped3A_211 : memref<!tpu.dma_semaphore, #tpu.memory_space<semaphore_mem>>) src(%dma_wait3A_225 : memref<128x16xf32, #tpu.memory_space<vmem>>) dst(%dma_wait3A_231 : memref<10240x16xf32, #tpu.memory_space<vmem_shared>>)
        tpu.yield
      }) : () -> ()
      %run_scoped3A_209 = arith.constant 1 : i32
      "tpu.region"() ({
        %run_scoped3A_211 = tpu.sem_alloc : memref<!tpu.dma_semaphore, #tpu.memory_space<semaphore_mem>>
        %dma_start3A_212 = arith.constant 0 : i32
        %dma_start3A_213 = arith.constant 0 : i32
        %dma_start3A_214 = tpu.memref_slice %arg18[%run_scoped3A_209, %dma_start3A_212, %dma_start3A_213] : memref<2x128x16xf32, #tpu.memory_space<vmem>> -> memref<1x128x16xf32, #tpu.memory_space<vmem>>
        %dma_start3A_215 = tpu.memref_squeeze %dma_start3A_214 : memref<1x128x16xf32, #tpu.memory_space<vmem>> -> memref<128x16xf32, #tpu.memory_space<vmem>>
        %dma_start3A_216 = arith.constant 0 : i32
        %dma_start3A_217 = tpu.memref_slice %arg15[%add3A_150, %dma_start3A_216] : memref<40x128xi32, #tpu.memory_space<vmem>> -> memref<1x128xi32, #tpu.memory_space<vmem>>
        %dma_start3A_218 = tpu.memref_squeeze %dma_start3A_217 : memref<1x128xi32, #tpu.memory_space<vmem>> -> memref<128xi32, #tpu.memory_space<vmem>>
        %dma_start3A_219 = arith.constant 0 : i32
        %dma_start3A_220 = arith.constant 0 : i32
        %dma_start3A_221 = tpu.memref_slice %arg13[%dma_start3A_219, %dma_start3A_220] : memref<10240x16xf32, #tpu.memory_space<vmem_shared>> -> memref<10240x16xf32, #tpu.memory_space<vmem_shared>>
        tpu.enqueue_indirect_dma source(%dma_start3A_215 : memref<128x16xf32, #tpu.memory_space<vmem>>) target(%dma_start3A_221 : memref<10240x16xf32, #tpu.memory_space<vmem_shared>>) offsets(%dma_start3A_218 : memref<128xi32, #tpu.memory_space<vmem>>) semaphore(%run_scoped3A_211 : memref<!tpu.dma_semaphore, #tpu.memory_space<semaphore_mem>>) {add = true}
        %dma_wait3A_222 = arith.constant 0 : i32
        %dma_wait3A_223 = arith.constant 0 : i32
        %dma_wait3A_224 = tpu.memref_slice %arg18[%run_scoped3A_209, %dma_wait3A_222, %dma_wait3A_223] : memref<2x128x16xf32, #tpu.memory_space<vmem>> -> memref<1x128x16xf32, #tpu.memory_space<vmem>>
        %dma_wait3A_225 = tpu.memref_squeeze %dma_wait3A_224 : memref<1x128x16xf32, #tpu.memory_space<vmem>> -> memref<128x16xf32, #tpu.memory_space<vmem>>
        %dma_wait3A_226 = arith.constant 0 : i32
        %dma_wait3A_227 = tpu.memref_slice %arg15[%add3A_150, %dma_wait3A_226] : memref<40x128xi32, #tpu.memory_space<vmem>> -> memref<1x128xi32, #tpu.memory_space<vmem>>
        %dma_wait3A_228 = tpu.memref_squeeze %dma_wait3A_227 : memref<1x128xi32, #tpu.memory_space<vmem>> -> memref<128xi32, #tpu.memory_space<vmem>>
        %dma_wait3A_229 = arith.constant 0 : i32
        %dma_wait3A_230 = arith.constant 0 : i32
        %dma_wait3A_231 = tpu.memref_slice %arg13[%dma_wait3A_229, %dma_wait3A_230] : memref<10240x16xf32, #tpu.memory_space<vmem_shared>> -> memref<10240x16xf32, #tpu.memory_space<vmem_shared>>
        tpu.wait_indirect_dma semaphore(%run_scoped3A_211 : memref<!tpu.dma_semaphore, #tpu.memory_space<semaphore_mem>>) src(%dma_wait3A_225 : memref<128x16xf32, #tpu.memory_space<vmem>>) dst(%dma_wait3A_231 : memref<10240x16xf32, #tpu.memory_space<vmem_shared>>)
        tpu.yield
      }) : () -> ()
      %run_scoped3A_210 = arith.constant 1 : i32
      "tpu.region"() ({
        %run_scoped3A_211 = tpu.sem_alloc : memref<!tpu.dma_semaphore, #tpu.memory_space<semaphore_mem>>
        %dma_start3A_212 = arith.constant 0 : i32
        %dma_start3A_213 = arith.constant 0 : i32
        %dma_start3A_214 = tpu.memref_slice %arg19[%run_scoped3A_210, %dma_start3A_212, %dma_start3A_213] : memref<2x128x16xf32, #tpu.memory_space<vmem>> -> memref<1x128x16xf32, #tpu.memory_space<vmem>>
        %dma_start3A_215 = tpu.memref_squeeze %dma_start3A_214 : memref<1x128x16xf32, #tpu.memory_space<vmem>> -> memref<128x16xf32, #tpu.memory_space<vmem>>
        %dma_start3A_216 = arith.constant 0 : i32
        %dma_start3A_217 = tpu.memref_slice %arg14[%add3A_150, %dma_start3A_216] : memref<40x128xi32, #tpu.memory_space<vmem>> -> memref<1x128xi32, #tpu.memory_space<vmem>>
        %dma_start3A_218 = tpu.memref_squeeze %dma_start3A_217 : memref<1x128xi32, #tpu.memory_space<vmem>> -> memref<128xi32, #tpu.memory_space<vmem>>
        %dma_start3A_219 = arith.constant 0 : i32
        %dma_start3A_220 = arith.constant 0 : i32
        %dma_start3A_221 = tpu.memref_slice %arg12[%dma_start3A_219, %dma_start3A_220] : memref<10240x16xf32, #tpu.memory_space<vmem_shared>> -> memref<10240x16xf32, #tpu.memory_space<vmem_shared>>
        tpu.enqueue_indirect_dma source(%dma_start3A_215 : memref<128x16xf32, #tpu.memory_space<vmem>>) target(%dma_start3A_221 : memref<10240x16xf32, #tpu.memory_space<vmem_shared>>) offsets(%dma_start3A_218 : memref<128xi32, #tpu.memory_space<vmem>>) semaphore(%run_scoped3A_211 : memref<!tpu.dma_semaphore, #tpu.memory_space<semaphore_mem>>) {add = true}
        %dma_wait3A_222 = arith.constant 0 : i32
        %dma_wait3A_223 = arith.constant 0 : i32
        %dma_wait3A_224 = tpu.memref_slice %arg19[%run_scoped3A_210, %dma_wait3A_222, %dma_wait3A_223] : memref<2x128x16xf32, #tpu.memory_space<vmem>> -> memref<1x128x16xf32, #tpu.memory_space<vmem>>
        %dma_wait3A_225 = tpu.memref_squeeze %dma_wait3A_224 : memref<1x128x16xf32, #tpu.memory_space<vmem>> -> memref<128x16xf32, #tpu.memory_space<vmem>>
        %dma_wait3A_226 = arith.constant 0 : i32
        %dma_wait3A_227 = tpu.memref_slice %arg14[%add3A_150, %dma_wait3A_226] : memref<40x128xi32, #tpu.memory_space<vmem>> -> memref<1x128xi32, #tpu.memory_space<vmem>>
        %dma_wait3A_228 = tpu.memref_squeeze %dma_wait3A_227 : memref<1x128xi32, #tpu.memory_space<vmem>> -> memref<128xi32, #tpu.memory_space<vmem>>
        %dma_wait3A_229 = arith.constant 0 : i32
        %dma_wait3A_230 = arith.constant 0 : i32
        %dma_wait3A_231 = tpu.memref_slice %arg12[%dma_wait3A_229, %dma_wait3A_230] : memref<10240x16xf32, #tpu.memory_space<vmem_shared>> -> memref<10240x16xf32, #tpu.memory_space<vmem_shared>>
        tpu.wait_indirect_dma semaphore(%run_scoped3A_211 : memref<!tpu.dma_semaphore, #tpu.memory_space<semaphore_mem>>) src(%dma_wait3A_225 : memref<128x16xf32, #tpu.memory_space<vmem>>) dst(%dma_wait3A_231 : memref<10240x16xf32, #tpu.memory_space<vmem_shared>>)
        tpu.yield
      }) : () -> ()
    }
    %scan3A_62 = arith.constant 20 : i32
    %barrier3A_63 = arith.constant 0 : index
    tpu.barrier barrier_id(%barrier3A_63)
    %mul3A_64 = arith.constant 10240 : i32
    %mul3A_65 = arith.muli %arg0, %mul3A_64 : i32
    %mul3A_66 = arith.constant 640 : i32
    %mul3A_67 = arith.muli %arg1, %mul3A_66 : i32
    %add3A_68 = arith.addi %mul3A_65, %mul3A_67 : i32
    %mul3A_69 = arith.constant 640 : i32
    %mul3A_70 = arith.muli %arg1, %mul3A_69 : i32
    "tpu.region"() ({
      %run_scoped3A = tpu.sem_alloc : memref<!tpu.dma_semaphore, #tpu.memory_space<semaphore_mem>>
      %dma_start3A_75 = arith.constant 0 : i32
      %dma_start3A_76 = tpu.memref_slice %arg8[%add3A_68, %dma_start3A_75] : memref<20480x16xf32, #tpu.memory_space<hbm>> -> memref<640x16xf32, #tpu.memory_space<hbm>>
      %dma_start3A_77 = arith.constant 0 : i32
      %dma_start3A_78 = tpu.memref_slice %arg11[%mul3A_70, %dma_start3A_77] : memref<10240x16xf32, #tpu.memory_space<vmem_shared>> -> memref<640x16xf32, #tpu.memory_space<vmem_shared>>
      tpu.enqueue_dma source(%dma_start3A_78 : memref<640x16xf32, #tpu.memory_space<vmem_shared>>) target(%dma_start3A_76 : memref<640x16xf32, #tpu.memory_space<hbm>>) target_semaphore(%run_scoped3A : memref<!tpu.dma_semaphore, #tpu.memory_space<semaphore_mem>>)
      %dma_wait3A = arith.constant 0 : i32
      %dma_wait3A_79 = tpu.memref_slice %arg8[%add3A_68, %dma_wait3A] : memref<20480x16xf32, #tpu.memory_space<hbm>> -> memref<640x16xf32, #tpu.memory_space<hbm>>
      %dma_wait3A_80 = arith.constant 0 : i32
      %dma_wait3A_81 = tpu.memref_slice %arg11[%mul3A_70, %dma_wait3A_80] : memref<10240x16xf32, #tpu.memory_space<vmem_shared>> -> memref<640x16xf32, #tpu.memory_space<vmem_shared>>
      tpu.wait_dma2 semaphore(%run_scoped3A : memref<!tpu.dma_semaphore, #tpu.memory_space<semaphore_mem>>) src(%dma_wait3A_81 : memref<640x16xf32, #tpu.memory_space<vmem_shared>>) dst(%dma_wait3A_79 : memref<640x16xf32, #tpu.memory_space<hbm>>)
      tpu.yield
    }) : () -> ()
    %mul3A_71 = arith.constant 640 : i32
    %mul3A_72 = arith.muli %arg1, %mul3A_71 : i32
    "tpu.region"() ({
      %run_scoped3A = tpu.sem_alloc : memref<!tpu.dma_semaphore, #tpu.memory_space<semaphore_mem>>
      %dma_start3A_75 = arith.constant 0 : i32
      %dma_start3A_76 = tpu.memref_slice %arg9[%add3A_68, %dma_start3A_75] : memref<20480x16xf32, #tpu.memory_space<hbm>> -> memref<640x16xf32, #tpu.memory_space<hbm>>
      %dma_start3A_77 = arith.constant 0 : i32
      %dma_start3A_78 = tpu.memref_slice %arg12[%mul3A_72, %dma_start3A_77] : memref<10240x16xf32, #tpu.memory_space<vmem_shared>> -> memref<640x16xf32, #tpu.memory_space<vmem_shared>>
      tpu.enqueue_dma source(%dma_start3A_78 : memref<640x16xf32, #tpu.memory_space<vmem_shared>>) target(%dma_start3A_76 : memref<640x16xf32, #tpu.memory_space<hbm>>) target_semaphore(%run_scoped3A : memref<!tpu.dma_semaphore, #tpu.memory_space<semaphore_mem>>)
      %dma_wait3A = arith.constant 0 : i32
      %dma_wait3A_79 = tpu.memref_slice %arg9[%add3A_68, %dma_wait3A] : memref<20480x16xf32, #tpu.memory_space<hbm>> -> memref<640x16xf32, #tpu.memory_space<hbm>>
      %dma_wait3A_80 = arith.constant 0 : i32
      %dma_wait3A_81 = tpu.memref_slice %arg12[%mul3A_72, %dma_wait3A_80] : memref<10240x16xf32, #tpu.memory_space<vmem_shared>> -> memref<640x16xf32, #tpu.memory_space<vmem_shared>>
      tpu.wait_dma2 semaphore(%run_scoped3A : memref<!tpu.dma_semaphore, #tpu.memory_space<semaphore_mem>>) src(%dma_wait3A_81 : memref<640x16xf32, #tpu.memory_space<vmem_shared>>) dst(%dma_wait3A_79 : memref<640x16xf32, #tpu.memory_space<hbm>>)
      tpu.yield
    }) : () -> ()
    %mul3A_73 = arith.constant 640 : i32
    %mul3A_74 = arith.muli %arg1, %mul3A_73 : i32
    "tpu.region"() ({
      %run_scoped3A = tpu.sem_alloc : memref<!tpu.dma_semaphore, #tpu.memory_space<semaphore_mem>>
      %dma_start3A_75 = arith.constant 0 : i32
      %dma_start3A_76 = tpu.memref_slice %arg10[%add3A_68, %dma_start3A_75] : memref<20480x16xf32, #tpu.memory_space<hbm>> -> memref<640x16xf32, #tpu.memory_space<hbm>>
      %dma_start3A_77 = arith.constant 0 : i32
      %dma_start3A_78 = tpu.memref_slice %arg13[%mul3A_74, %dma_start3A_77] : memref<10240x16xf32, #tpu.memory_space<vmem_shared>> -> memref<640x16xf32, #tpu.memory_space<vmem_shared>>
      tpu.enqueue_dma source(%dma_start3A_78 : memref<640x16xf32, #tpu.memory_space<vmem_shared>>) target(%dma_start3A_76 : memref<640x16xf32, #tpu.memory_space<hbm>>) target_semaphore(%run_scoped3A : memref<!tpu.dma_semaphore, #tpu.memory_space<semaphore_mem>>)
      %dma_wait3A = arith.constant 0 : i32
      %dma_wait3A_79 = tpu.memref_slice %arg10[%add3A_68, %dma_wait3A] : memref<20480x16xf32, #tpu.memory_space<hbm>> -> memref<640x16xf32, #tpu.memory_space<hbm>>
      %dma_wait3A_80 = arith.constant 0 : i32
      %dma_wait3A_81 = tpu.memref_slice %arg13[%mul3A_74, %dma_wait3A_80] : memref<10240x16xf32, #tpu.memory_space<vmem_shared>> -> memref<640x16xf32, #tpu.memory_space<vmem_shared>>
      tpu.wait_dma2 semaphore(%run_scoped3A : memref<!tpu.dma_semaphore, #tpu.memory_space<semaphore_mem>>) src(%dma_wait3A_81 : memref<640x16xf32, #tpu.memory_space<vmem_shared>>) dst(%dma_wait3A_79 : memref<640x16xf32, #tpu.memory_space<hbm>>)
      tpu.yield
    }) : () -> ()
    return
  }
}

#map = affine_map<(d0, d1) -> (0, 0)>
module attributes {stable_mosaic.version = 14 : i64} {
  func.func @_sc_conv(%arg0: i32, %arg1: i32, %arg2: memref<10240x16xf32, #tpu.memory_space<hbm>>, %arg3: memref<10240x16xf32, #tpu.memory_space<hbm>>, %arg4: memref<1280x128xf32, #tpu.memory_space<hbm>>, %arg5: memref<1280x128xi32, #tpu.memory_space<hbm>>, %arg6: memref<1280x128xi32, #tpu.memory_space<hbm>>, %arg7: memref<10240x16xf32, #tpu.memory_space<hbm>>, %arg8: memref<20480x16xf32, #tpu.memory_space<hbm>>, %arg9: memref<20480x16xf32, #tpu.memory_space<hbm>>, %arg10: memref<20480x16xf32, #tpu.memory_space<hbm>>, %arg11: memref<10240x16xf32, #tpu.memory_space<vmem_shared>>, %arg12: memref<10240x16xf32, #tpu.memory_space<vmem_shared>>, %arg13: memref<10240x16xf32, #tpu.memory_space<vmem_shared>>, %arg14: memref<40x128xi32, #tpu.memory_space<vmem>>, %arg15: memref<40x128xi32, #tpu.memory_space<vmem>>, %arg16: memref<40x128xf32, #tpu.memory_space<vmem>>, %arg17: memref<2x128x16xf32, #tpu.memory_space<vmem>>, %arg18: memref<2x128x16xf32, #tpu.memory_space<vmem>>, %arg19: memref<2x128x16xf32, #tpu.memory_space<vmem>>, %arg20: memref<2x!tpu.dma_semaphore, #tpu.memory_space<semaphore_mem>>, %arg21: memref<2x!tpu.dma_semaphore, #tpu.memory_space<semaphore_mem>>, %arg22: memref<2x!tpu.dma_semaphore, #tpu.memory_space<semaphore_mem>>) attributes {dimension_semantics = [#tpu.dimension_semantics<core_parallel>, #tpu.dimension_semantics<subcore_parallel>], iteration_bounds = array<i64: 2, 16>, scalar_prefetch = 0 : i64, scratch_operands = 12 : i64, tpu.core_type = #tpu.core_type<sc_vector_subcore>, window_params = [{transform_indices = #map}, {transform_indices = #map}, {transform_indices = #map}, {transform_indices = #map}, {transform_indices = #map}, {transform_indices = #map}, {transform_indices = #map}, {transform_indices = #map}, {transform_indices = #map}]} {
    %mul3A = arith.constant 2 : i32
    %mul3A_0 = arith.muli %arg1, %mul3A : i32
    %add3A = arith.addi %mul3A_0, %arg0 : i32
    %mul3A_1 = arith.constant 640 : i32
    %mul3A_2 = arith.muli %arg1, %mul3A_1 : i32
    %mul3A_3 = arith.constant 640 : i32
    %mul3A_4 = arith.muli %arg1, %mul3A_3 : i32
    "tpu.region"() ({
      %run_scoped3A = tpu.sem_alloc : memref<!tpu.dma_semaphore, #tpu.memory_space<semaphore_mem>>
      %dma_start3A_75 = arith.constant 0 : i32
      %dma_start3A_76 = tpu.memref_slice %arg11[%mul3A_4, %dma_start3A_75] : memref<10240x16xf32, #tpu.memory_space<vmem_shared>> -> memref<640x16xf32, #tpu.memory_space<vmem_shared>>
      %dma_start3A_77 = arith.constant 0 : i32
      %dma_start3A_78 = tpu.memref_slice %arg7[%mul3A_2, %dma_start3A_77] : memref<10240x16xf32, #tpu.memory_space<hbm>> -> memref<640x16xf32, #tpu.memory_space<hbm>>
      tpu.enqueue_dma source(%dma_start3A_78 : memref<640x16xf32, #tpu.memory_space<hbm>>) target(%dma_start3A_76 : memref<640x16xf32, #tpu.memory_space<vmem_shared>>) target_semaphore(%run_scoped3A : memref<!tpu.dma_semaphore, #tpu.memory_space<semaphore_mem>>)
      %dma_wait3A = arith.constant 0 : i32
      %dma_wait3A_79 = tpu.memref_slice %arg11[%mul3A_4, %dma_wait3A] : memref<10240x16xf32, #tpu.memory_space<vmem_shared>> -> memref<640x16xf32, #tpu.memory_space<vmem_shared>>
      %dma_wait3A_80 = arith.constant 0 : i32
      %dma_wait3A_81 = tpu.memref_slice %arg7[%mul3A_2, %dma_wait3A_80] : memref<10240x16xf32, #tpu.memory_space<hbm>> -> memref<640x16xf32, #tpu.memory_space<hbm>>
      tpu.wait_dma2 semaphore(%run_scoped3A : memref<!tpu.dma_semaphore, #tpu.memory_space<semaphore_mem>>) src(%dma_wait3A_81 : memref<640x16xf32, #tpu.memory_space<hbm>>) dst(%dma_wait3A_79 : memref<640x16xf32, #tpu.memory_space<vmem_shared>>)
      tpu.yield
    }) : () -> ()
    %mul3A_5 = arith.constant 640 : i32
    %mul3A_6 = arith.muli %arg1, %mul3A_5 : i32
    %mul3A_7 = arith.constant 640 : i32
    %mul3A_8 = arith.muli %arg1, %mul3A_7 : i32
    "tpu.region"() ({
      %run_scoped3A = tpu.sem_alloc : memref<!tpu.dma_semaphore, #tpu.memory_space<semaphore_mem>>
      %dma_start3A_75 = arith.constant 0 : i32
      %dma_start3A_76 = tpu.memref_slice %arg12[%mul3A_8, %dma_start3A_75] : memref<10240x16xf32, #tpu.memory_space<vmem_shared>> -> memref<640x16xf32, #tpu.memory_space<vmem_shared>>
      %dma_start3A_77 = arith.constant 0 : i32
      %dma_start3A_78 = tpu.memref_slice %arg7[%mul3A_6, %dma_start3A_77] : memref<10240x16xf32, #tpu.memory_space<hbm>> -> memref<640x16xf32, #tpu.memory_space<hbm>>
      tpu.enqueue_dma source(%dma_start3A_78 : memref<640x16xf32, #tpu.memory_space<hbm>>) target(%dma_start3A_76 : memref<640x16xf32, #tpu.memory_space<vmem_shared>>) target_semaphore(%run_scoped3A : memref<!tpu.dma_semaphore, #tpu.memory_space<semaphore_mem>>)
      %dma_wait3A = arith.constant 0 : i32
      %dma_wait3A_79 = tpu.memref_slice %arg12[%mul3A_8, %dma_wait3A] : memref<10240x16xf32, #tpu.memory_space<vmem_shared>> -> memref<640x16xf32, #tpu.memory_space<vmem_shared>>
      %dma_wait3A_80 = arith.constant 0 : i32
      %dma_wait3A_81 = tpu.memref_slice %arg7[%mul3A_6, %dma_wait3A_80] : memref<10240x16xf32, #tpu.memory_space<hbm>> -> memref<640x16xf32, #tpu.memory_space<hbm>>
      tpu.wait_dma2 semaphore(%run_scoped3A : memref<!tpu.dma_semaphore, #tpu.memory_space<semaphore_mem>>) src(%dma_wait3A_81 : memref<640x16xf32, #tpu.memory_space<hbm>>) dst(%dma_wait3A_79 : memref<640x16xf32, #tpu.memory_space<vmem_shared>>)
      tpu.yield
    }) : () -> ()
    %mul3A_9 = arith.constant 640 : i32
    %mul3A_10 = arith.muli %arg1, %mul3A_9 : i32
    %mul3A_11 = arith.constant 640 : i32
    %mul3A_12 = arith.muli %arg1, %mul3A_11 : i32
    "tpu.region"() ({
      %run_scoped3A = tpu.sem_alloc : memref<!tpu.dma_semaphore, #tpu.memory_space<semaphore_mem>>
      %dma_start3A_75 = arith.constant 0 : i32
      %dma_start3A_76 = tpu.memref_slice %arg13[%mul3A_12, %dma_start3A_75] : memref<10240x16xf32, #tpu.memory_space<vmem_shared>> -> memref<640x16xf32, #tpu.memory_space<vmem_shared>>
      %dma_start3A_77 = arith.constant 0 : i32
      %dma_start3A_78 = tpu.memref_slice %arg7[%mul3A_10, %dma_start3A_77] : memref<10240x16xf32, #tpu.memory_space<hbm>> -> memref<640x16xf32, #tpu.memory_space<hbm>>
      tpu.enqueue_dma source(%dma_start3A_78 : memref<640x16xf32, #tpu.memory_space<hbm>>) target(%dma_start3A_76 : memref<640x16xf32, #tpu.memory_space<vmem_shared>>) target_semaphore(%run_scoped3A : memref<!tpu.dma_semaphore, #tpu.memory_space<semaphore_mem>>)
      %dma_wait3A = arith.constant 0 : i32
      %dma_wait3A_79 = tpu.memref_slice %arg13[%mul3A_12, %dma_wait3A] : memref<10240x16xf32, #tpu.memory_space<vmem_shared>> -> memref<640x16xf32, #tpu.memory_space<vmem_shared>>
      %dma_wait3A_80 = arith.constant 0 : i32
      %dma_wait3A_81 = tpu.memref_slice %arg7[%mul3A_10, %dma_wait3A_80] : memref<10240x16xf32, #tpu.memory_space<hbm>> -> memref<640x16xf32, #tpu.memory_space<hbm>>
      tpu.wait_dma2 semaphore(%run_scoped3A : memref<!tpu.dma_semaphore, #tpu.memory_space<semaphore_mem>>) src(%dma_wait3A_81 : memref<640x16xf32, #tpu.memory_space<hbm>>) dst(%dma_wait3A_79 : memref<640x16xf32, #tpu.memory_space<vmem_shared>>)
      tpu.yield
    }) : () -> ()
    %barrier3A = arith.constant 0 : index
    tpu.barrier barrier_id(%barrier3A)
    %mul3A_13 = arith.constant 40 : i32
    %mul3A_14 = arith.muli %add3A, %mul3A_13 : i32
    "tpu.region"() ({
      %run_scoped3A = tpu.sem_alloc : memref<!tpu.dma_semaphore, #tpu.memory_space<semaphore_mem>>
      %dma_start3A_75 = arith.constant 0 : i32
      %dma_start3A_76 = tpu.memref_slice %arg5[%mul3A_14, %dma_start3A_75] : memref<1280x128xi32, #tpu.memory_space<hbm>> -> memref<40x128xi32, #tpu.memory_space<hbm>>
      %dma_start3A_77 = arith.constant 0 : i32
      %dma_start3A_78 = tpu.memref_slice %arg5[%mul3A_14, %dma_start3A_77] : memref<1280x128xi32, #tpu.memory_space<hbm>> -> memref<40x128xi32, #tpu.memory_space<hbm>>
      tpu.enqueue_dma source(%dma_start3A_78 : memref<40x128xi32, #tpu.memory_space<hbm>>) target(%arg14 : memref<40x128xi32, #tpu.memory_space<vmem>>) target_semaphore(%run_scoped3A : memref<!tpu.dma_semaphore, #tpu.memory_space<semaphore_mem>>)
      %dma_wait3A = arith.constant 0 : i32
      %dma_wait3A_79 = tpu.memref_slice %arg5[%mul3A_14, %dma_wait3A] : memref<1280x128xi32, #tpu.memory_space<hbm>> -> memref<40x128xi32, #tpu.memory_space<hbm>>
      %dma_wait3A_80 = arith.constant 0 : i32
      %dma_wait3A_81 = tpu.memref_slice %arg5[%mul3A_14, %dma_wait3A_80] : memref<1280x128xi32, #tpu.memory_space<hbm>> -> memref<40x128xi32, #tpu.memory_space<hbm>>
      tpu.wait_dma2 semaphore(%run_scoped3A : memref<!tpu.dma_semaphore, #tpu.memory_space<semaphore_mem>>) src(%dma_wait3A_81 : memref<40x128xi32, #tpu.memory_space<hbm>>) dst(%arg14 : memref<40x128xi32, #tpu.memory_space<vmem>>)
      tpu.yield
    }) : () -> ()
    "tpu.region"() ({
      %run_scoped3A = tpu.sem_alloc : memref<!tpu.dma_semaphore, #tpu.memory_space<semaphore_mem>>
      %dma_start3A_75 = arith.constant 0 : i32
      %dma_start3A_76 = tpu.memref_slice %arg6[%mul3A_14, %dma_start3A_75] : memref<1280x128xi32, #tpu.memory_space<hbm>> -> memref<40x128xi32, #tpu.memory_space<hbm>>
      %dma_start3A_77 = arith.constant 0 : i32
      %dma_start3A_78 = tpu.memref_slice %arg6[%mul3A_14, %dma_start3A_77] : memref<1280x128xi32, #tpu.memory_space<hbm>> -> memref<40x128xi32, #tpu.memory_space<hbm>>
      tpu.enqueue_dma source(%dma_start3A_78 : memref<40x128xi32, #tpu.memory_space<hbm>>) target(%arg15 : memref<40x128xi32, #tpu.memory_space<vmem>>) target_semaphore(%run_scoped3A : memref<!tpu.dma_semaphore, #tpu.memory_space<semaphore_mem>>)
      %dma_wait3A = arith.constant 0 : i32
      %dma_wait3A_79 = tpu.memref_slice %arg6[%mul3A_14, %dma_wait3A] : memref<1280x128xi32, #tpu.memory_space<hbm>> -> memref<40x128xi32, #tpu.memory_space<hbm>>
      %dma_wait3A_80 = arith.constant 0 : i32
      %dma_wait3A_81 = tpu.memref_slice %arg6[%mul3A_14, %dma_wait3A_80] : memref<1280x128xi32, #tpu.memory_space<hbm>> -> memref<40x128xi32, #tpu.memory_space<hbm>>
      tpu.wait_dma2 semaphore(%run_scoped3A : memref<!tpu.dma_semaphore, #tpu.memory_space<semaphore_mem>>) src(%dma_wait3A_81 : memref<40x128xi32, #tpu.memory_space<hbm>>) dst(%arg15 : memref<40x128xi32, #tpu.memory_space<vmem>>)
      tpu.yield
    }) : () -> ()
    "tpu.region"() ({
      %run_scoped3A = tpu.sem_alloc : memref<!tpu.dma_semaphore, #tpu.memory_space<semaphore_mem>>
      %dma_start3A_75 = arith.constant 0 : i32
      %dma_start3A_76 = tpu.memref_slice %arg4[%mul3A_14, %dma_start3A_75] : memref<1280x128xf32, #tpu.memory_space<hbm>> -> memref<40x128xf32, #tpu.memory_space<hbm>>
      %dma_start3A_77 = arith.constant 0 : i32
      %dma_start3A_78 = tpu.memref_slice %arg4[%mul3A_14, %dma_start3A_77] : memref<1280x128xf32, #tpu.memory_space<hbm>> -> memref<40x128xf32, #tpu.memory_space<hbm>>
      tpu.enqueue_dma source(%dma_start3A_78 : memref<40x128xf32, #tpu.memory_space<hbm>>) target(%arg16 : memref<40x128xf32, #tpu.memory_space<vmem>>) target_semaphore(%run_scoped3A : memref<!tpu.dma_semaphore, #tpu.memory_space<semaphore_mem>>)
      %dma_wait3A = arith.constant 0 : i32
      %dma_wait3A_79 = tpu.memref_slice %arg4[%mul3A_14, %dma_wait3A] : memref<1280x128xf32, #tpu.memory_space<hbm>> -> memref<40x128xf32, #tpu.memory_space<hbm>>
      %dma_wait3A_80 = arith.constant 0 : i32
      %dma_wait3A_81 = tpu.memref_slice %arg4[%mul3A_14, %dma_wait3A_80] : memref<1280x128xf32, #tpu.memory_space<hbm>> -> memref<40x128xf32, #tpu.memory_space<hbm>>
      tpu.wait_dma2 semaphore(%run_scoped3A : memref<!tpu.dma_semaphore, #tpu.memory_space<semaphore_mem>>) src(%dma_wait3A_81 : memref<40x128xf32, #tpu.memory_space<hbm>>) dst(%arg16 : memref<40x128xf32, #tpu.memory_space<vmem>>)
      tpu.yield
    }) : () -> ()
    %dma_start3A = arith.constant 0 : i32
    %dma_start3A_15 = arith.constant 0 : i32
    %dma_start3A_16 = arith.constant 0 : i32
    %dma_start3A_17 = arith.constant 0 : i32
    %dma_start3A_18 = arith.constant 0 : i32
    %dma_start3A_19 = tpu.memref_slice %arg17[%dma_start3A_15, %dma_start3A_17, %dma_start3A_18] : memref<2x128x16xf32, #tpu.memory_space<vmem>> -> memref<1x128x16xf32, #tpu.memory_space<vmem>>
    %dma_start3A_20 = tpu.memref_squeeze %dma_start3A_19 : memref<1x128x16xf32, #tpu.memory_space<vmem>> -> memref<128x16xf32, #tpu.memory_space<vmem>>
    %dma_start3A_21 = arith.constant 0 : i32
    %dma_start3A_22 = tpu.memref_slice %arg14[%dma_start3A, %dma_start3A_21] : memref<40x128xi32, #tpu.memory_space<vmem>> -> memref<1x128xi32, #tpu.memory_space<vmem>>
    %dma_start3A_23 = tpu.memref_squeeze %dma_start3A_22 : memref<1x128xi32, #tpu.memory_space<vmem>> -> memref<128xi32, #tpu.memory_space<vmem>>
    %dma_start3A_24 = arith.constant 0 : i32
    %dma_start3A_25 = arith.constant 0 : i32
    %dma_start3A_26 = tpu.memref_slice %arg2[%dma_start3A_24, %dma_start3A_25] : memref<10240x16xf32, #tpu.memory_space<hbm>> -> memref<10240x16xf32, #tpu.memory_space<hbm>>
    %dma_start3A_27 = tpu.memref_slice %arg20[%dma_start3A_16] : memref<2x!tpu.dma_semaphore, #tpu.memory_space<semaphore_mem>> -> memref<1x!tpu.dma_semaphore, #tpu.memory_space<semaphore_mem>>
    %dma_start3A_28 = tpu.memref_squeeze %dma_start3A_27 : memref<1x!tpu.dma_semaphore, #tpu.memory_space<semaphore_mem>> -> memref<!tpu.dma_semaphore, #tpu.memory_space<semaphore_mem>>
    tpu.enqueue_indirect_dma source(%dma_start3A_26 : memref<10240x16xf32, #tpu.memory_space<hbm>>) target(%dma_start3A_20 : memref<128x16xf32, #tpu.memory_space<vmem>>) offsets(%dma_start3A_23 : memref<128xi32, #tpu.memory_space<vmem>>) semaphore(%dma_start3A_28 : memref<!tpu.dma_semaphore, #tpu.memory_space<semaphore_mem>>)
    %dma_start3A_29 = arith.constant 0 : i32
    %dma_start3A_30 = arith.constant 0 : i32
    %dma_start3A_31 = arith.constant 0 : i32
    %dma_start3A_32 = arith.constant 0 : i32
    %dma_start3A_33 = arith.constant 0 : i32
    %dma_start3A_34 = tpu.memref_slice %arg18[%dma_start3A_30, %dma_start3A_32, %dma_start3A_33] : memref<2x128x16xf32, #tpu.memory_space<vmem>> -> memref<1x128x16xf32, #tpu.memory_space<vmem>>
    %dma_start3A_35 = tpu.memref_squeeze %dma_start3A_34 : memref<1x128x16xf32, #tpu.memory_space<vmem>> -> memref<128x16xf32, #tpu.memory_space<vmem>>
    %dma_start3A_36 = arith.constant 0 : i32
    %dma_start3A_37 = tpu.memref_slice %arg14[%dma_start3A_29, %dma_start3A_36] : memref<40x128xi32, #tpu.memory_space<vmem>> -> memref<1x128xi32, #tpu.memory_space<vmem>>
    %dma_start3A_38 = tpu.memref_squeeze %dma_start3A_37 : memref<1x128xi32, #tpu.memory_space<vmem>> -> memref<128xi32, #tpu.memory_space<vmem>>
    %dma_start3A_39 = arith.constant 0 : i32
    %dma_start3A_40 = arith.constant 0 : i32
    %dma_start3A_41 = tpu.memref_slice %arg3[%dma_start3A_39, %dma_start3A_40] : memref<10240x16xf32, #tpu.memory_space<hbm>> -> memref<10240x16xf32, #tpu.memory_space<hbm>>
    %dma_start3A_42 = tpu.memref_slice %arg21[%dma_start3A_31] : memref<2x!tpu.dma_semaphore, #tpu.memory_space<semaphore_mem>> -> memref<1x!tpu.dma_semaphore, #tpu.memory_space<semaphore_mem>>
    %dma_start3A_43 = tpu.memref_squeeze %dma_start3A_42 : memref<1x!tpu.dma_semaphore, #tpu.memory_space<semaphore_mem>> -> memref<!tpu.dma_semaphore, #tpu.memory_space<semaphore_mem>>
    tpu.enqueue_indirect_dma source(%dma_start3A_41 : memref<10240x16xf32, #tpu.memory_space<hbm>>) target(%dma_start3A_35 : memref<128x16xf32, #tpu.memory_space<vmem>>) offsets(%dma_start3A_38 : memref<128xi32, #tpu.memory_space<vmem>>) semaphore(%dma_start3A_43 : memref<!tpu.dma_semaphore, #tpu.memory_space<semaphore_mem>>)
    %dma_start3A_44 = arith.constant 0 : i32
    %dma_start3A_45 = arith.constant 0 : i32
    %dma_start3A_46 = arith.constant 0 : i32
    %dma_start3A_47 = arith.constant 0 : i32
    %dma_start3A_48 = arith.constant 0 : i32
    %dma_start3A_49 = tpu.memref_slice %arg19[%dma_start3A_45, %dma_start3A_47, %dma_start3A_48] : memref<2x128x16xf32, #tpu.memory_space<vmem>> -> memref<1x128x16xf32, #tpu.memory_space<vmem>>
    %dma_start3A_50 = tpu.memref_squeeze %dma_start3A_49 : memref<1x128x16xf32, #tpu.memory_space<vmem>> -> memref<128x16xf32, #tpu.memory_space<vmem>>
    %dma_start3A_51 = arith.constant 0 : i32
    %dma_start3A_52 = tpu.memref_slice %arg15[%dma_start3A_44, %dma_start3A_51] : memref<40x128xi32, #tpu.memory_space<vmem>> -> memref<1x128xi32, #tpu.memory_space<vmem>>
    %dma_start3A_53 = tpu.memref_squeeze %dma_start3A_52 : memref<1x128xi32, #tpu.memory_space<vmem>> -> memref<128xi32, #tpu.memory_space<vmem>>
    %dma_start3A_54 = arith.constant 0 : i32
    %dma_start3A_55 = arith.constant 0 : i32
    %dma_start3A_56 = tpu.memref_slice %arg3[%dma_start3A_54, %dma_start3A_55] : memref<10240x16xf32, #tpu.memory_space<hbm>> -> memref<10240x16xf32, #tpu.memory_space<hbm>>
    %dma_start3A_57 = tpu.memref_slice %arg22[%dma_start3A_46] : memref<2x!tpu.dma_semaphore, #tpu.memory_space<semaphore_mem>> -> memref<1x!tpu.dma_semaphore, #tpu.memory_space<semaphore_mem>>
    %dma_start3A_58 = tpu.memref_squeeze %dma_start3A_57 : memref<1x!tpu.dma_semaphore, #tpu.memory_space<semaphore_mem>> -> memref<!tpu.dma_semaphore, #tpu.memory_space<semaphore_mem>>
    tpu.enqueue_indirect_dma source(%dma_start3A_56 : memref<10240x16xf32, #tpu.memory_space<hbm>>) target(%dma_start3A_50 : memref<128x16xf32, #tpu.memory_space<vmem>>) offsets(%dma_start3A_53 : memref<128xi32, #tpu.memory_space<vmem>>) semaphore(%dma_start3A_58 : memref<!tpu.dma_semaphore, #tpu.memory_space<semaphore_mem>>)
    %scan3A = arith.constant 0 : i32
    %scan3A_59 = arith.constant 20 : i32
    %scan3A_60 = arith.addi %scan3A, %scan3A_59 : i32
    %scan3A_61 = arith.constant 1 : i32
    scf.for %scan3A_75 = %scan3A to %scan3A_60 step %scan3A_61  : i32 {
      %mul3A_76 = arith.constant 1 : i32
      %mul3A_77 = arith.muli %scan3A_75, %mul3A_76 : i32
      %add3A_78 = arith.constant 0 : i32
      %add3A_79 = arith.addi %add3A_78, %mul3A_77 : i32
      %mul3A_80 = arith.constant 2 : i32
      %mul3A_81 = arith.muli %mul3A_80, %add3A_79 : i32
      %add3A_82 = arith.constant 1 : i32
      %add3A_83 = arith.addi %mul3A_81, %add3A_82 : i32
      %lt3A = arith.constant 40 : i32
      %lt3A_84 = arith.cmpi slt, %add3A_83, %lt3A : i32
      %convert_element_type3A = arith.extui %lt3A_84 : i1 to i32
      %cond3A = arith.constant 0 : i32
      %cond3A_85 = arith.cmpi ne, %convert_element_type3A, %cond3A : i32
      scf.if %cond3A_85 {
        %add3A_211 = arith.constant 1 : i32
        %add3A_212 = arith.addi %mul3A_81, %add3A_211 : i32
        %dma_start3A_213 = arith.constant 1 : i32
        %dma_start3A_214 = arith.constant 1 : i32
        %dma_start3A_215 = arith.constant 0 : i32
        %dma_start3A_216 = arith.constant 0 : i32
        %dma_start3A_217 = tpu.memref_slice %arg17[%dma_start3A_213, %dma_start3A_215, %dma_start3A_216] : memref<2x128x16xf32, #tpu.memory_space<vmem>> -> memref<1x128x16xf32, #tpu.memory_space<vmem>>
        %dma_start3A_218 = tpu.memref_squeeze %dma_start3A_217 : memref<1x128x16xf32, #tpu.memory_space<vmem>> -> memref<128x16xf32, #tpu.memory_space<vmem>>
        %dma_start3A_219 = arith.constant 0 : i32
        %dma_start3A_220 = tpu.memref_slice %arg14[%add3A_212, %dma_start3A_219] : memref<40x128xi32, #tpu.memory_space<vmem>> -> memref<1x128xi32, #tpu.memory_space<vmem>>
        %dma_start3A_221 = tpu.memref_squeeze %dma_start3A_220 : memref<1x128xi32, #tpu.memory_space<vmem>> -> memref<128xi32, #tpu.memory_space<vmem>>
        %dma_start3A_222 = arith.constant 0 : i32
        %dma_start3A_223 = arith.constant 0 : i32
        %dma_start3A_224 = tpu.memref_slice %arg2[%dma_start3A_222, %dma_start3A_223] : memref<10240x16xf32, #tpu.memory_space<hbm>> -> memref<10240x16xf32, #tpu.memory_space<hbm>>
        %dma_start3A_225 = tpu.memref_slice %arg20[%dma_start3A_214] : memref<2x!tpu.dma_semaphore, #tpu.memory_space<semaphore_mem>> -> memref<1x!tpu.dma_semaphore, #tpu.memory_space<semaphore_mem>>
        %dma_start3A_226 = tpu.memref_squeeze %dma_start3A_225 : memref<1x!tpu.dma_semaphore, #tpu.memory_space<semaphore_mem>> -> memref<!tpu.dma_semaphore, #tpu.memory_space<semaphore_mem>>
        tpu.enqueue_indirect_dma source(%dma_start3A_224 : memref<10240x16xf32, #tpu.memory_space<hbm>>) target(%dma_start3A_218 : memref<128x16xf32, #tpu.memory_space<vmem>>) offsets(%dma_start3A_221 : memref<128xi32, #tpu.memory_space<vmem>>) semaphore(%dma_start3A_226 : memref<!tpu.dma_semaphore, #tpu.memory_space<semaphore_mem>>)
        %dma_start3A_227 = arith.constant 1 : i32
        %dma_start3A_228 = arith.constant 1 : i32
        %dma_start3A_229 = arith.constant 0 : i32
        %dma_start3A_230 = arith.constant 0 : i32
        %dma_start3A_231 = tpu.memref_slice %arg18[%dma_start3A_227, %dma_start3A_229, %dma_start3A_230] : memref<2x128x16xf32, #tpu.memory_space<vmem>> -> memref<1x128x16xf32, #tpu.memory_space<vmem>>
        %dma_start3A_232 = tpu.memref_squeeze %dma_start3A_231 : memref<1x128x16xf32, #tpu.memory_space<vmem>> -> memref<128x16xf32, #tpu.memory_space<vmem>>
        %dma_start3A_233 = arith.constant 0 : i32
        %dma_start3A_234 = tpu.memref_slice %arg14[%add3A_212, %dma_start3A_233] : memref<40x128xi32, #tpu.memory_space<vmem>> -> memref<1x128xi32, #tpu.memory_space<vmem>>
        %dma_start3A_235 = tpu.memref_squeeze %dma_start3A_234 : memref<1x128xi32, #tpu.memory_space<vmem>> -> memref<128xi32, #tpu.memory_space<vmem>>
        %dma_start3A_236 = arith.constant 0 : i32
        %dma_start3A_237 = arith.constant 0 : i32
        %dma_start3A_238 = tpu.memref_slice %arg3[%dma_start3A_236, %dma_start3A_237] : memref<10240x16xf32, #tpu.memory_space<hbm>> -> memref<10240x16xf32, #tpu.memory_space<hbm>>
        %dma_start3A_239 = tpu.memref_slice %arg21[%dma_start3A_228] : memref<2x!tpu.dma_semaphore, #tpu.memory_space<semaphore_mem>> -> memref<1x!tpu.dma_semaphore, #tpu.memory_space<semaphore_mem>>
        %dma_start3A_240 = tpu.memref_squeeze %dma_start3A_239 : memref<1x!tpu.dma_semaphore, #tpu.memory_space<semaphore_mem>> -> memref<!tpu.dma_semaphore, #tpu.memory_space<semaphore_mem>>
        tpu.enqueue_indirect_dma source(%dma_start3A_238 : memref<10240x16xf32, #tpu.memory_space<hbm>>) target(%dma_start3A_232 : memref<128x16xf32, #tpu.memory_space<vmem>>) offsets(%dma_start3A_235 : memref<128xi32, #tpu.memory_space<vmem>>) semaphore(%dma_start3A_240 : memref<!tpu.dma_semaphore, #tpu.memory_space<semaphore_mem>>)
        %dma_start3A_241 = arith.constant 1 : i32
        %dma_start3A_242 = arith.constant 1 : i32
        %dma_start3A_243 = arith.constant 0 : i32
        %dma_start3A_244 = arith.constant 0 : i32
        %dma_start3A_245 = tpu.memref_slice %arg19[%dma_start3A_241, %dma_start3A_243, %dma_start3A_244] : memref<2x128x16xf32, #tpu.memory_space<vmem>> -> memref<1x128x16xf32, #tpu.memory_space<vmem>>
        %dma_start3A_246 = tpu.memref_squeeze %dma_start3A_245 : memref<1x128x16xf32, #tpu.memory_space<vmem>> -> memref<128x16xf32, #tpu.memory_space<vmem>>
        %dma_start3A_247 = arith.constant 0 : i32
        %dma_start3A_248 = tpu.memref_slice %arg15[%add3A_212, %dma_start3A_247] : memref<40x128xi32, #tpu.memory_space<vmem>> -> memref<1x128xi32, #tpu.memory_space<vmem>>
        %dma_start3A_249 = tpu.memref_squeeze %dma_start3A_248 : memref<1x128xi32, #tpu.memory_space<vmem>> -> memref<128xi32, #tpu.memory_space<vmem>>
        %dma_start3A_250 = arith.constant 0 : i32
        %dma_start3A_251 = arith.constant 0 : i32
        %dma_start3A_252 = tpu.memref_slice %arg3[%dma_start3A_250, %dma_start3A_251] : memref<10240x16xf32, #tpu.memory_space<hbm>> -> memref<10240x16xf32, #tpu.memory_space<hbm>>
        %dma_start3A_253 = tpu.memref_slice %arg22[%dma_start3A_242] : memref<2x!tpu.dma_semaphore, #tpu.memory_space<semaphore_mem>> -> memref<1x!tpu.dma_semaphore, #tpu.memory_space<semaphore_mem>>
        %dma_start3A_254 = tpu.memref_squeeze %dma_start3A_253 : memref<1x!tpu.dma_semaphore, #tpu.memory_space<semaphore_mem>> -> memref<!tpu.dma_semaphore, #tpu.memory_space<semaphore_mem>>
        tpu.enqueue_indirect_dma source(%dma_start3A_252 : memref<10240x16xf32, #tpu.memory_space<hbm>>) target(%dma_start3A_246 : memref<128x16xf32, #tpu.memory_space<vmem>>) offsets(%dma_start3A_249 : memref<128xi32, #tpu.memory_space<vmem>>) semaphore(%dma_start3A_254 : memref<!tpu.dma_semaphore, #tpu.memory_space<semaphore_mem>>)
      } else {
      }
      %dma_wait3A = arith.constant 0 : i32
      %dma_wait3A_86 = arith.constant 0 : i32
      %dma_wait3A_87 = arith.constant 0 : i32
      %dma_wait3A_88 = arith.constant 0 : i32
      %dma_wait3A_89 = tpu.memref_slice %arg17[%dma_wait3A, %dma_wait3A_87, %dma_wait3A_88] : memref<2x128x16xf32, #tpu.memory_space<vmem>> -> memref<1x128x16xf32, #tpu.memory_space<vmem>>
      %dma_wait3A_90 = tpu.memref_squeeze %dma_wait3A_89 : memref<1x128x16xf32, #tpu.memory_space<vmem>> -> memref<128x16xf32, #tpu.memory_space<vmem>>
      %dma_wait3A_91 = arith.constant 0 : i32
      %dma_wait3A_92 = tpu.memref_slice %arg14[%mul3A_81, %dma_wait3A_91] : memref<40x128xi32, #tpu.memory_space<vmem>> -> memref<1x128xi32, #tpu.memory_space<vmem>>
      %dma_wait3A_93 = tpu.memref_squeeze %dma_wait3A_92 : memref<1x128xi32, #tpu.memory_space<vmem>> -> memref<128xi32, #tpu.memory_space<vmem>>
      %dma_wait3A_94 = arith.constant 0 : i32
      %dma_wait3A_95 = arith.constant 0 : i32
      %dma_wait3A_96 = tpu.memref_slice %arg2[%dma_wait3A_94, %dma_wait3A_95] : memref<10240x16xf32, #tpu.memory_space<hbm>> -> memref<10240x16xf32, #tpu.memory_space<hbm>>
      %dma_wait3A_97 = tpu.memref_slice %arg20[%dma_wait3A_86] : memref<2x!tpu.dma_semaphore, #tpu.memory_space<semaphore_mem>> -> memref<1x!tpu.dma_semaphore, #tpu.memory_space<semaphore_mem>>
      %dma_wait3A_98 = tpu.memref_squeeze %dma_wait3A_97 : memref<1x!tpu.dma_semaphore, #tpu.memory_space<semaphore_mem>> -> memref<!tpu.dma_semaphore, #tpu.memory_space<semaphore_mem>>
      tpu.wait_indirect_dma semaphore(%dma_wait3A_98 : memref<!tpu.dma_semaphore, #tpu.memory_space<semaphore_mem>>) src(%dma_wait3A_96 : memref<10240x16xf32, #tpu.memory_space<hbm>>) dst(%dma_wait3A_90 : memref<128x16xf32, #tpu.memory_space<vmem>>)
      %dma_wait3A_99 = arith.constant 0 : i32
      %dma_wait3A_100 = arith.constant 0 : i32
      %dma_wait3A_101 = arith.constant 0 : i32
      %dma_wait3A_102 = arith.constant 0 : i32
      %dma_wait3A_103 = tpu.memref_slice %arg18[%dma_wait3A_99, %dma_wait3A_101, %dma_wait3A_102] : memref<2x128x16xf32, #tpu.memory_space<vmem>> -> memref<1x128x16xf32, #tpu.memory_space<vmem>>
      %dma_wait3A_104 = tpu.memref_squeeze %dma_wait3A_103 : memref<1x128x16xf32, #tpu.memory_space<vmem>> -> memref<128x16xf32, #tpu.memory_space<vmem>>
      %dma_wait3A_105 = arith.constant 0 : i32
      %dma_wait3A_106 = tpu.memref_slice %arg14[%mul3A_81, %dma_wait3A_105] : memref<40x128xi32, #tpu.memory_space<vmem>> -> memref<1x128xi32, #tpu.memory_space<vmem>>
      %dma_wait3A_107 = tpu.memref_squeeze %dma_wait3A_106 : memref<1x128xi32, #tpu.memory_space<vmem>> -> memref<128xi32, #tpu.memory_space<vmem>>
      %dma_wait3A_108 = arith.constant 0 : i32
      %dma_wait3A_109 = arith.constant 0 : i32
      %dma_wait3A_110 = tpu.memref_slice %arg3[%dma_wait3A_108, %dma_wait3A_109] : memref<10240x16xf32, #tpu.memory_space<hbm>> -> memref<10240x16xf32, #tpu.memory_space<hbm>>
      %dma_wait3A_111 = tpu.memref_slice %arg21[%dma_wait3A_100] : memref<2x!tpu.dma_semaphore, #tpu.memory_space<semaphore_mem>> -> memref<1x!tpu.dma_semaphore, #tpu.memory_space<semaphore_mem>>
      %dma_wait3A_112 = tpu.memref_squeeze %dma_wait3A_111 : memref<1x!tpu.dma_semaphore, #tpu.memory_space<semaphore_mem>> -> memref<!tpu.dma_semaphore, #tpu.memory_space<semaphore_mem>>
      tpu.wait_indirect_dma semaphore(%dma_wait3A_112 : memref<!tpu.dma_semaphore, #tpu.memory_space<semaphore_mem>>) src(%dma_wait3A_110 : memref<10240x16xf32, #tpu.memory_space<hbm>>) dst(%dma_wait3A_104 : memref<128x16xf32, #tpu.memory_space<vmem>>)
      %dma_wait3A_113 = arith.constant 0 : i32
      %dma_wait3A_114 = arith.constant 0 : i32
      %dma_wait3A_115 = arith.constant 0 : i32
      %dma_wait3A_116 = arith.constant 0 : i32
      %dma_wait3A_117 = tpu.memref_slice %arg19[%dma_wait3A_113, %dma_wait3A_115, %dma_wait3A_116] : memref<2x128x16xf32, #tpu.memory_space<vmem>> -> memref<1x128x16xf32, #tpu.memory_space<vmem>>
      %dma_wait3A_118 = tpu.memref_squeeze %dma_wait3A_117 : memref<1x128x16xf32, #tpu.memory_space<vmem>> -> memref<128x16xf32, #tpu.memory_space<vmem>>
      %dma_wait3A_119 = arith.constant 0 : i32
      %dma_wait3A_120 = tpu.memref_slice %arg15[%mul3A_81, %dma_wait3A_119] : memref<40x128xi32, #tpu.memory_space<vmem>> -> memref<1x128xi32, #tpu.memory_space<vmem>>
      %dma_wait3A_121 = tpu.memref_squeeze %dma_wait3A_120 : memref<1x128xi32, #tpu.memory_space<vmem>> -> memref<128xi32, #tpu.memory_space<vmem>>
      %dma_wait3A_122 = arith.constant 0 : i32
      %dma_wait3A_123 = arith.constant 0 : i32
      %dma_wait3A_124 = tpu.memref_slice %arg3[%dma_wait3A_122, %dma_wait3A_123] : memref<10240x16xf32, #tpu.memory_space<hbm>> -> memref<10240x16xf32, #tpu.memory_space<hbm>>
      %dma_wait3A_125 = tpu.memref_slice %arg22[%dma_wait3A_114] : memref<2x!tpu.dma_semaphore, #tpu.memory_space<semaphore_mem>> -> memref<1x!tpu.dma_semaphore, #tpu.memory_space<semaphore_mem>>
      %dma_wait3A_126 = tpu.memref_squeeze %dma_wait3A_125 : memref<1x!tpu.dma_semaphore, #tpu.memory_space<semaphore_mem>> -> memref<!tpu.dma_semaphore, #tpu.memory_space<semaphore_mem>>
      tpu.wait_indirect_dma semaphore(%dma_wait3A_126 : memref<!tpu.dma_semaphore, #tpu.memory_space<semaphore_mem>>) src(%dma_wait3A_124 : memref<10240x16xf32, #tpu.memory_space<hbm>>) dst(%dma_wait3A_118 : memref<128x16xf32, #tpu.memory_space<vmem>>)
      %iota3A = tpu.iota {dimensions = array<i32: 0>} : vector<16xi32>
      %lt3A_127 = arith.constant 8 : i32
      %lt3A_128 = vector.broadcast %lt3A_127 : i32 to vector<16xi32>
      %lt3A_129 = arith.cmpi slt, %iota3A, %lt3A_128 : vector<16xi32>
      %convert_element_type3A_130 = arith.extui %lt3A_129 : vector<16xi1> to vector<16xi32>
      %convert_element_type3A_131 = arith.sitofp %convert_element_type3A_130 : vector<16xi32> to vector<16xf32>
      %sub3A = arith.constant 1.000000e+00 : f32
      %sub3A_132 = vector.broadcast %sub3A : f32 to vector<16xf32>
      %sub3A_133 = arith.subf %sub3A_132, %convert_element_type3A_131 : vector<16xf32>
      %scan3A_134 = arith.constant 0 : i32
      %scan3A_135 = arith.constant 0 : i32
      %scan3A_136 = arith.constant 8 : i32
      %scan3A_137 = arith.addi %scan3A_135, %scan3A_136 : i32
      %scan3A_138 = arith.constant 1 : i32
      scf.for %scan3A_211 = %scan3A_135 to %scan3A_137 step %scan3A_138  : i32 {
        %mul3A_212 = arith.constant 1 : i32
        %mul3A_213 = arith.muli %scan3A_211, %mul3A_212 : i32
        %add3A_214 = arith.constant 0 : i32
        %add3A_215 = arith.addi %add3A_214, %mul3A_213 : i32
        %mul3A_216 = arith.constant 16 : i32
        %mul3A_217 = arith.muli %add3A_215, %mul3A_216 : i32
        %get3A = arith.index_cast %mul3A_81 : i32 to index
        %get3A_218 = arith.index_cast %mul3A_217 : i32 to index
        %get3A_219 = tpu.vector_load %arg16[%get3A, %get3A_218] {strides = array<i32>} : memref<40x128xf32, #tpu.memory_space<vmem>>, vector<16xf32>,
        %mul3A_220 = arith.constant 16 : i32
        %mul3A_221 = arith.muli %add3A_215, %mul3A_220 : i32
        %add3A_222 = arith.constant 0 : i32
        %add3A_223 = arith.addi %mul3A_221, %add3A_222 : i32
        %get3A_224 = arith.constant 0 : i32
        %get3A_225 = arith.constant 0 : i32
        %get3A_226 = tpu.memref_slice %arg17[%scan3A_134, %get3A_224, %get3A_225] : memref<2x128x16xf32, #tpu.memory_space<vmem>> -> memref<1x128x16xf32, #tpu.memory_space<vmem>>
        %get3A_227 = tpu.memref_squeeze %get3A_226 : memref<1x128x16xf32, #tpu.memory_space<vmem>> -> memref<128x16xf32, #tpu.memory_space<vmem>>
        %get3A_228 = arith.index_cast %add3A_223 : i32 to index
        %get3A_229 = arith.constant 0 : index
        %get3A_230 = tpu.vector_load %get3A_227[%get3A_228, %get3A_229] {strides = array<i32>} : memref<128x16xf32, #tpu.memory_space<vmem>>, vector<16xf32>,
        %slice3A = vector.extract_strided_slice %get3A_219 {offsets = [0], sizes = [1], strides = [1]} : vector<16xf32> to vector<1xf32>
        %squeeze3A = vector.extract %slice3A[0] : f32 from vector<1xf32>
        %mul3A_231 = vector.broadcast %squeeze3A : f32 to vector<16xf32>
        %mul3A_232 = arith.mulf %convert_element_type3A_131, %mul3A_231 : vector<16xf32>
        %add3A_233 = arith.addf %mul3A_232, %sub3A_133 : vector<16xf32>
        %mul3A_234 = arith.mulf %get3A_230, %add3A_233 : vector<16xf32>
        %swap3A = arith.constant 0 : i32
        %swap3A_235 = arith.constant 0 : i32
        %swap3A_236 = tpu.memref_slice %arg17[%scan3A_134, %swap3A, %swap3A_235] : memref<2x128x16xf32, #tpu.memory_space<vmem>> -> memref<1x128x16xf32, #tpu.memory_space<vmem>>
        %swap3A_237 = tpu.memref_squeeze %swap3A_236 : memref<1x128x16xf32, #tpu.memory_space<vmem>> -> memref<128x16xf32, #tpu.memory_space<vmem>>
        %swap3A_238 = arith.index_cast %add3A_223 : i32 to index
        %swap3A_239 = arith.constant 0 : index
        %swap3A_240 = tpu.vector_load %swap3A_237[%swap3A_238, %swap3A_239] {strides = array<i32>} : memref<128x16xf32, #tpu.memory_space<vmem>>, vector<16xf32>,
        tpu.vector_store %swap3A_237[%swap3A_238, %swap3A_239], %mul3A_234 {strides = array<i32>} : memref<128x16xf32, #tpu.memory_space<vmem>>, vector<16xf32>,
        %mul3A_241 = arith.constant 16 : i32
        %mul3A_242 = arith.muli %add3A_215, %mul3A_241 : i32
        %add3A_243 = arith.constant 1 : i32
        %add3A_244 = arith.addi %mul3A_242, %add3A_243 : i32
        %get3A_245 = arith.constant 0 : i32
        %get3A_246 = arith.constant 0 : i32
        %get3A_247 = tpu.memref_slice %arg17[%scan3A_134, %get3A_245, %get3A_246] : memref<2x128x16xf32, #tpu.memory_space<vmem>> -> memref<1x128x16xf32, #tpu.memory_space<vmem>>
        %get3A_248 = tpu.memref_squeeze %get3A_247 : memref<1x128x16xf32, #tpu.memory_space<vmem>> -> memref<128x16xf32, #tpu.memory_space<vmem>>
        %get3A_249 = arith.index_cast %add3A_244 : i32 to index
        %get3A_250 = arith.constant 0 : index
        %get3A_251 = tpu.vector_load %get3A_248[%get3A_249, %get3A_250] {strides = array<i32>} : memref<128x16xf32, #tpu.memory_space<vmem>>, vector<16xf32>,
        %slice3A_252 = vector.extract_strided_slice %get3A_219 {offsets = [1], sizes = [1], strides = [1]} : vector<16xf32> to vector<1xf32>
        %squeeze3A_253 = vector.extract %slice3A_252[0] : f32 from vector<1xf32>
        %mul3A_254 = vector.broadcast %squeeze3A_253 : f32 to vector<16xf32>
        %mul3A_255 = arith.mulf %convert_element_type3A_131, %mul3A_254 : vector<16xf32>
        %add3A_256 = arith.addf %mul3A_255, %sub3A_133 : vector<16xf32>
        %mul3A_257 = arith.mulf %get3A_251, %add3A_256 : vector<16xf32>
        %swap3A_258 = arith.constant 0 : i32
        %swap3A_259 = arith.constant 0 : i32
        %swap3A_260 = tpu.memref_slice %arg17[%scan3A_134, %swap3A_258, %swap3A_259] : memref<2x128x16xf32, #tpu.memory_space<vmem>> -> memref<1x128x16xf32, #tpu.memory_space<vmem>>
        %swap3A_261 = tpu.memref_squeeze %swap3A_260 : memref<1x128x16xf32, #tpu.memory_space<vmem>> -> memref<128x16xf32, #tpu.memory_space<vmem>>
        %swap3A_262 = arith.index_cast %add3A_244 : i32 to index
        %swap3A_263 = arith.constant 0 : index
        %swap3A_264 = tpu.vector_load %swap3A_261[%swap3A_262, %swap3A_263] {strides = array<i32>} : memref<128x16xf32, #tpu.memory_space<vmem>>, vector<16xf32>,
        tpu.vector_store %swap3A_261[%swap3A_262, %swap3A_263], %mul3A_257 {strides = array<i32>} : memref<128x16xf32, #tpu.memory_space<vmem>>, vector<16xf32>,
        %mul3A_265 = arith.constant 16 : i32
        %mul3A_266 = arith.muli %add3A_215, %mul3A_265 : i32
        %add3A_267 = arith.constant 2 : i32
        %add3A_268 = arith.addi %mul3A_266, %add3A_267 : i32
        %get3A_269 = arith.constant 0 : i32
        %get3A_270 = arith.constant 0 : i32
        %get3A_271 = tpu.memref_slice %arg17[%scan3A_134, %get3A_269, %get3A_270] : memref<2x128x16xf32, #tpu.memory_space<vmem>> -> memref<1x128x16xf32, #tpu.memory_space<vmem>>
        %get3A_272 = tpu.memref_squeeze %get3A_271 : memref<1x128x16xf32, #tpu.memory_space<vmem>> -> memref<128x16xf32, #tpu.memory_space<vmem>>
        %get3A_273 = arith.index_cast %add3A_268 : i32 to index
        %get3A_274 = arith.constant 0 : index
        %get3A_275 = tpu.vector_load %get3A_272[%get3A_273, %get3A_274] {strides = array<i32>} : memref<128x16xf32, #tpu.memory_space<vmem>>, vector<16xf32>,
        %slice3A_276 = vector.extract_strided_slice %get3A_219 {offsets = [2], sizes = [1], strides = [1]} : vector<16xf32> to vector<1xf32>
        %squeeze3A_277 = vector.extract %slice3A_276[0] : f32 from vector<1xf32>
        %mul3A_278 = vector.broadcast %squeeze3A_277 : f32 to vector<16xf32>
        %mul3A_279 = arith.mulf %convert_element_type3A_131, %mul3A_278 : vector<16xf32>
        %add3A_280 = arith.addf %mul3A_279, %sub3A_133 : vector<16xf32>
        %mul3A_281 = arith.mulf %get3A_275, %add3A_280 : vector<16xf32>
        %swap3A_282 = arith.constant 0 : i32
        %swap3A_283 = arith.constant 0 : i32
        %swap3A_284 = tpu.memref_slice %arg17[%scan3A_134, %swap3A_282, %swap3A_283] : memref<2x128x16xf32, #tpu.memory_space<vmem>> -> memref<1x128x16xf32, #tpu.memory_space<vmem>>
        %swap3A_285 = tpu.memref_squeeze %swap3A_284 : memref<1x128x16xf32, #tpu.memory_space<vmem>> -> memref<128x16xf32, #tpu.memory_space<vmem>>
        %swap3A_286 = arith.index_cast %add3A_268 : i32 to index
        %swap3A_287 = arith.constant 0 : index
        %swap3A_288 = tpu.vector_load %swap3A_285[%swap3A_286, %swap3A_287] {strides = array<i32>} : memref<128x16xf32, #tpu.memory_space<vmem>>, vector<16xf32>,
        tpu.vector_store %swap3A_285[%swap3A_286, %swap3A_287], %mul3A_281 {strides = array<i32>} : memref<128x16xf32, #tpu.memory_space<vmem>>, vector<16xf32>,
        %mul3A_289 = arith.constant 16 : i32
        %mul3A_290 = arith.muli %add3A_215, %mul3A_289 : i32
        %add3A_291 = arith.constant 3 : i32
        %add3A_292 = arith.addi %mul3A_290, %add3A_291 : i32
        %get3A_293 = arith.constant 0 : i32
        %get3A_294 = arith.constant 0 : i32
        %get3A_295 = tpu.memref_slice %arg17[%scan3A_134, %get3A_293, %get3A_294] : memref<2x128x16xf32, #tpu.memory_space<vmem>> -> memref<1x128x16xf32, #tpu.memory_space<vmem>>
        %get3A_296 = tpu.memref_squeeze %get3A_295 : memref<1x128x16xf32, #tpu.memory_space<vmem>> -> memref<128x16xf32, #tpu.memory_space<vmem>>
        %get3A_297 = arith.index_cast %add3A_292 : i32 to index
        %get3A_298 = arith.constant 0 : index
        %get3A_299 = tpu.vector_load %get3A_296[%get3A_297, %get3A_298] {strides = array<i32>} : memref<128x16xf32, #tpu.memory_space<vmem>>, vector<16xf32>,
        %slice3A_300 = vector.extract_strided_slice %get3A_219 {offsets = [3], sizes = [1], strides = [1]} : vector<16xf32> to vector<1xf32>
        %squeeze3A_301 = vector.extract %slice3A_300[0] : f32 from vector<1xf32>
        %mul3A_302 = vector.broadcast %squeeze3A_301 : f32 to vector<16xf32>
        %mul3A_303 = arith.mulf %convert_element_type3A_131, %mul3A_302 : vector<16xf32>
        %add3A_304 = arith.addf %mul3A_303, %sub3A_133 : vector<16xf32>
        %mul3A_305 = arith.mulf %get3A_299, %add3A_304 : vector<16xf32>
        %swap3A_306 = arith.constant 0 : i32
        %swap3A_307 = arith.constant 0 : i32
        %swap3A_308 = tpu.memref_slice %arg17[%scan3A_134, %swap3A_306, %swap3A_307] : memref<2x128x16xf32, #tpu.memory_space<vmem>> -> memref<1x128x16xf32, #tpu.memory_space<vmem>>
        %swap3A_309 = tpu.memref_squeeze %swap3A_308 : memref<1x128x16xf32, #tpu.memory_space<vmem>> -> memref<128x16xf32, #tpu.memory_space<vmem>>
        %swap3A_310 = arith.index_cast %add3A_292 : i32 to index
        %swap3A_311 = arith.constant 0 : index
        %swap3A_312 = tpu.vector_load %swap3A_309[%swap3A_310, %swap3A_311] {strides = array<i32>} : memref<128x16xf32, #tpu.memory_space<vmem>>, vector<16xf32>,
        tpu.vector_store %swap3A_309[%swap3A_310, %swap3A_311], %mul3A_305 {strides = array<i32>} : memref<128x16xf32, #tpu.memory_space<vmem>>, vector<16xf32>,
        %mul3A_313 = arith.constant 16 : i32
        %mul3A_314 = arith.muli %add3A_215, %mul3A_313 : i32
        %add3A_315 = arith.constant 4 : i32
        %add3A_316 = arith.addi %mul3A_314, %add3A_315 : i32
        %get3A_317 = arith.constant 0 : i32
        %get3A_318 = arith.constant 0 : i32
        %get3A_319 = tpu.memref_slice %arg17[%scan3A_134, %get3A_317, %get3A_318] : memref<2x128x16xf32, #tpu.memory_space<vmem>> -> memref<1x128x16xf32, #tpu.memory_space<vmem>>
        %get3A_320 = tpu.memref_squeeze %get3A_319 : memref<1x128x16xf32, #tpu.memory_space<vmem>> -> memref<128x16xf32, #tpu.memory_space<vmem>>
        %get3A_321 = arith.index_cast %add3A_316 : i32 to index
        %get3A_322 = arith.constant 0 : index
        %get3A_323 = tpu.vector_load %get3A_320[%get3A_321, %get3A_322] {strides = array<i32>} : memref<128x16xf32, #tpu.memory_space<vmem>>, vector<16xf32>,
        %slice3A_324 = vector.extract_strided_slice %get3A_219 {offsets = [4], sizes = [1], strides = [1]} : vector<16xf32> to vector<1xf32>
        %squeeze3A_325 = vector.extract %slice3A_324[0] : f32 from vector<1xf32>
        %mul3A_326 = vector.broadcast %squeeze3A_325 : f32 to vector<16xf32>
        %mul3A_327 = arith.mulf %convert_element_type3A_131, %mul3A_326 : vector<16xf32>
        %add3A_328 = arith.addf %mul3A_327, %sub3A_133 : vector<16xf32>
        %mul3A_329 = arith.mulf %get3A_323, %add3A_328 : vector<16xf32>
        %swap3A_330 = arith.constant 0 : i32
        %swap3A_331 = arith.constant 0 : i32
        %swap3A_332 = tpu.memref_slice %arg17[%scan3A_134, %swap3A_330, %swap3A_331] : memref<2x128x16xf32, #tpu.memory_space<vmem>> -> memref<1x128x16xf32, #tpu.memory_space<vmem>>
        %swap3A_333 = tpu.memref_squeeze %swap3A_332 : memref<1x128x16xf32, #tpu.memory_space<vmem>> -> memref<128x16xf32, #tpu.memory_space<vmem>>
        %swap3A_334 = arith.index_cast %add3A_316 : i32 to index
        %swap3A_335 = arith.constant 0 : index
        %swap3A_336 = tpu.vector_load %swap3A_333[%swap3A_334, %swap3A_335] {strides = array<i32>} : memref<128x16xf32, #tpu.memory_space<vmem>>, vector<16xf32>,
        tpu.vector_store %swap3A_333[%swap3A_334, %swap3A_335], %mul3A_329 {strides = array<i32>} : memref<128x16xf32, #tpu.memory_space<vmem>>, vector<16xf32>,
        %mul3A_337 = arith.constant 16 : i32
        %mul3A_338 = arith.muli %add3A_215, %mul3A_337 : i32
        %add3A_339 = arith.constant 5 : i32
        %add3A_340 = arith.addi %mul3A_338, %add3A_339 : i32
        %get3A_341 = arith.constant 0 : i32
        %get3A_342 = arith.constant 0 : i32
        %get3A_343 = tpu.memref_slice %arg17[%scan3A_134, %get3A_341, %get3A_342] : memref<2x128x16xf32, #tpu.memory_space<vmem>> -> memref<1x128x16xf32, #tpu.memory_space<vmem>>
        %get3A_344 = tpu.memref_squeeze %get3A_343 : memref<1x128x16xf32, #tpu.memory_space<vmem>> -> memref<128x16xf32, #tpu.memory_space<vmem>>
        %get3A_345 = arith.index_cast %add3A_340 : i32 to index
        %get3A_346 = arith.constant 0 : index
        %get3A_347 = tpu.vector_load %get3A_344[%get3A_345, %get3A_346] {strides = array<i32>} : memref<128x16xf32, #tpu.memory_space<vmem>>, vector<16xf32>,
        %slice3A_348 = vector.extract_strided_slice %get3A_219 {offsets = [5], sizes = [1], strides = [1]} : vector<16xf32> to vector<1xf32>
        %squeeze3A_349 = vector.extract %slice3A_348[0] : f32 from vector<1xf32>
        %mul3A_350 = vector.broadcast %squeeze3A_349 : f32 to vector<16xf32>
        %mul3A_351 = arith.mulf %convert_element_type3A_131, %mul3A_350 : vector<16xf32>
        %add3A_352 = arith.addf %mul3A_351, %sub3A_133 : vector<16xf32>
        %mul3A_353 = arith.mulf %get3A_347, %add3A_352 : vector<16xf32>
        %swap3A_354 = arith.constant 0 : i32
        %swap3A_355 = arith.constant 0 : i32
        %swap3A_356 = tpu.memref_slice %arg17[%scan3A_134, %swap3A_354, %swap3A_355] : memref<2x128x16xf32, #tpu.memory_space<vmem>> -> memref<1x128x16xf32, #tpu.memory_space<vmem>>
        %swap3A_357 = tpu.memref_squeeze %swap3A_356 : memref<1x128x16xf32, #tpu.memory_space<vmem>> -> memref<128x16xf32, #tpu.memory_space<vmem>>
        %swap3A_358 = arith.index_cast %add3A_340 : i32 to index
        %swap3A_359 = arith.constant 0 : index
        %swap3A_360 = tpu.vector_load %swap3A_357[%swap3A_358, %swap3A_359] {strides = array<i32>} : memref<128x16xf32, #tpu.memory_space<vmem>>, vector<16xf32>,
        tpu.vector_store %swap3A_357[%swap3A_358, %swap3A_359], %mul3A_353 {strides = array<i32>} : memref<128x16xf32, #tpu.memory_space<vmem>>, vector<16xf32>,
        %mul3A_361 = arith.constant 16 : i32
        %mul3A_362 = arith.muli %add3A_215, %mul3A_361 : i32
        %add3A_363 = arith.constant 6 : i32
        %add3A_364 = arith.addi %mul3A_362, %add3A_363 : i32
        %get3A_365 = arith.constant 0 : i32
        %get3A_366 = arith.constant 0 : i32
        %get3A_367 = tpu.memref_slice %arg17[%scan3A_134, %get3A_365, %get3A_366] : memref<2x128x16xf32, #tpu.memory_space<vmem>> -> memref<1x128x16xf32, #tpu.memory_space<vmem>>
        %get3A_368 = tpu.memref_squeeze %get3A_367 : memref<1x128x16xf32, #tpu.memory_space<vmem>> -> memref<128x16xf32, #tpu.memory_space<vmem>>
        %get3A_369 = arith.index_cast %add3A_364 : i32 to index
        %get3A_370 = arith.constant 0 : index
        %get3A_371 = tpu.vector_load %get3A_368[%get3A_369, %get3A_370] {strides = array<i32>} : memref<128x16xf32, #tpu.memory_space<vmem>>, vector<16xf32>,
        %slice3A_372 = vector.extract_strided_slice %get3A_219 {offsets = [6], sizes = [1], strides = [1]} : vector<16xf32> to vector<1xf32>
        %squeeze3A_373 = vector.extract %slice3A_372[0] : f32 from vector<1xf32>
        %mul3A_374 = vector.broadcast %squeeze3A_373 : f32 to vector<16xf32>
        %mul3A_375 = arith.mulf %convert_element_type3A_131, %mul3A_374 : vector<16xf32>
        %add3A_376 = arith.addf %mul3A_375, %sub3A_133 : vector<16xf32>
        %mul3A_377 = arith.mulf %get3A_371, %add3A_376 : vector<16xf32>
        %swap3A_378 = arith.constant 0 : i32
        %swap3A_379 = arith.constant 0 : i32
        %swap3A_380 = tpu.memref_slice %arg17[%scan3A_134, %swap3A_378, %swap3A_379] : memref<2x128x16xf32, #tpu.memory_space<vmem>> -> memref<1x128x16xf32, #tpu.memory_space<vmem>>
        %swap3A_381 = tpu.memref_squeeze %swap3A_380 : memref<1x128x16xf32, #tpu.memory_space<vmem>> -> memref<128x16xf32, #tpu.memory_space<vmem>>
        %swap3A_382 = arith.index_cast %add3A_364 : i32 to index
        %swap3A_383 = arith.constant 0 : index
        %swap3A_384 = tpu.vector_load %swap3A_381[%swap3A_382, %swap3A_383] {strides = array<i32>} : memref<128x16xf32, #tpu.memory_space<vmem>>, vector<16xf32>,
        tpu.vector_store %swap3A_381[%swap3A_382, %swap3A_383], %mul3A_377 {strides = array<i32>} : memref<128x16xf32, #tpu.memory_space<vmem>>, vector<16xf32>,
        %mul3A_385 = arith.constant 16 : i32
        %mul3A_386 = arith.muli %add3A_215, %mul3A_385 : i32
        %add3A_387 = arith.constant 7 : i32
        %add3A_388 = arith.addi %mul3A_386, %add3A_387 : i32
        %get3A_389 = arith.constant 0 : i32
        %get3A_390 = arith.constant 0 : i32
        %get3A_391 = tpu.memref_slice %arg17[%scan3A_134, %get3A_389, %get3A_390] : memref<2x128x16xf32, #tpu.memory_space<vmem>> -> memref<1x128x16xf32, #tpu.memory_space<vmem>>
        %get3A_392 = tpu.memref_squeeze %get3A_391 : memref<1x128x16xf32, #tpu.memory_space<vmem>> -> memref<128x16xf32, #tpu.memory_space<vmem>>
        %get3A_393 = arith.index_cast %add3A_388 : i32 to index
        %get3A_394 = arith.constant 0 : index
        %get3A_395 = tpu.vector_load %get3A_392[%get3A_393, %get3A_394] {strides = array<i32>} : memref<128x16xf32, #tpu.memory_space<vmem>>, vector<16xf32>,
        %slice3A_396 = vector.extract_strided_slice %get3A_219 {offsets = [7], sizes = [1], strides = [1]} : vector<16xf32> to vector<1xf32>
        %squeeze3A_397 = vector.extract %slice3A_396[0] : f32 from vector<1xf32>
        %mul3A_398 = vector.broadcast %squeeze3A_397 : f32 to vector<16xf32>
        %mul3A_399 = arith.mulf %convert_element_type3A_131, %mul3A_398 : vector<16xf32>
        %add3A_400 = arith.addf %mul3A_399, %sub3A_133 : vector<16xf32>
        %mul3A_401 = arith.mulf %get3A_395, %add3A_400 : vector<16xf32>
        %swap3A_402 = arith.constant 0 : i32
        %swap3A_403 = arith.constant 0 : i32
        %swap3A_404 = tpu.memref_slice %arg17[%scan3A_134, %swap3A_402, %swap3A_403] : memref<2x128x16xf32, #tpu.memory_space<vmem>> -> memref<1x128x16xf32, #tpu.memory_space<vmem>>
        %swap3A_405 = tpu.memref_squeeze %swap3A_404 : memref<1x128x16xf32, #tpu.memory_space<vmem>> -> memref<128x16xf32, #tpu.memory_space<vmem>>
        %swap3A_406 = arith.index_cast %add3A_388 : i32 to index
        %swap3A_407 = arith.constant 0 : index
        %swap3A_408 = tpu.vector_load %swap3A_405[%swap3A_406, %swap3A_407] {strides = array<i32>} : memref<128x16xf32, #tpu.memory_space<vmem>>, vector<16xf32>,
        tpu.vector_store %swap3A_405[%swap3A_406, %swap3A_407], %mul3A_401 {strides = array<i32>} : memref<128x16xf32, #tpu.memory_space<vmem>>, vector<16xf32>,
        %mul3A_409 = arith.constant 16 : i32
        %mul3A_410 = arith.muli %add3A_215, %mul3A_409 : i32
        %add3A_411 = arith.constant 8 : i32
        %add3A_412 = arith.addi %mul3A_410, %add3A_411 : i32
        %get3A_413 = arith.constant 0 : i32
        %get3A_414 = arith.constant 0 : i32
        %get3A_415 = tpu.memref_slice %arg17[%scan3A_134, %get3A_413, %get3A_414] : memref<2x128x16xf32, #tpu.memory_space<vmem>> -> memref<1x128x16xf32, #tpu.memory_space<vmem>>
        %get3A_416 = tpu.memref_squeeze %get3A_415 : memref<1x128x16xf32, #tpu.memory_space<vmem>> -> memref<128x16xf32, #tpu.memory_space<vmem>>
        %get3A_417 = arith.index_cast %add3A_412 : i32 to index
        %get3A_418 = arith.constant 0 : index
        %get3A_419 = tpu.vector_load %get3A_416[%get3A_417, %get3A_418] {strides = array<i32>} : memref<128x16xf32, #tpu.memory_space<vmem>>, vector<16xf32>,
        %slice3A_420 = vector.extract_strided_slice %get3A_219 {offsets = [8], sizes = [1], strides = [1]} : vector<16xf32> to vector<1xf32>
        %squeeze3A_421 = vector.extract %slice3A_420[0] : f32 from vector<1xf32>
        %mul3A_422 = vector.broadcast %squeeze3A_421 : f32 to vector<16xf32>
        %mul3A_423 = arith.mulf %convert_element_type3A_131, %mul3A_422 : vector<16xf32>
        %add3A_424 = arith.addf %mul3A_423, %sub3A_133 : vector<16xf32>
        %mul3A_425 = arith.mulf %get3A_419, %add3A_424 : vector<16xf32>
        %swap3A_426 = arith.constant 0 : i32
        %swap3A_427 = arith.constant 0 : i32
        %swap3A_428 = tpu.memref_slice %arg17[%scan3A_134, %swap3A_426, %swap3A_427] : memref<2x128x16xf32, #tpu.memory_space<vmem>> -> memref<1x128x16xf32, #tpu.memory_space<vmem>>
        %swap3A_429 = tpu.memref_squeeze %swap3A_428 : memref<1x128x16xf32, #tpu.memory_space<vmem>> -> memref<128x16xf32, #tpu.memory_space<vmem>>
        %swap3A_430 = arith.index_cast %add3A_412 : i32 to index
        %swap3A_431 = arith.constant 0 : index
        %swap3A_432 = tpu.vector_load %swap3A_429[%swap3A_430, %swap3A_431] {strides = array<i32>} : memref<128x16xf32, #tpu.memory_space<vmem>>, vector<16xf32>,
        tpu.vector_store %swap3A_429[%swap3A_430, %swap3A_431], %mul3A_425 {strides = array<i32>} : memref<128x16xf32, #tpu.memory_space<vmem>>, vector<16xf32>,
        %mul3A_433 = arith.constant 16 : i32
        %mul3A_434 = arith.muli %add3A_215, %mul3A_433 : i32
        %add3A_435 = arith.constant 9 : i32
        %add3A_436 = arith.addi %mul3A_434, %add3A_435 : i32
        %get3A_437 = arith.constant 0 : i32
        %get3A_438 = arith.constant 0 : i32
        %get3A_439 = tpu.memref_slice %arg17[%scan3A_134, %get3A_437, %get3A_438] : memref<2x128x16xf32, #tpu.memory_space<vmem>> -> memref<1x128x16xf32, #tpu.memory_space<vmem>>
        %get3A_440 = tpu.memref_squeeze %get3A_439 : memref<1x128x16xf32, #tpu.memory_space<vmem>> -> memref<128x16xf32, #tpu.memory_space<vmem>>
        %get3A_441 = arith.index_cast %add3A_436 : i32 to index
        %get3A_442 = arith.constant 0 : index
        %get3A_443 = tpu.vector_load %get3A_440[%get3A_441, %get3A_442] {strides = array<i32>} : memref<128x16xf32, #tpu.memory_space<vmem>>, vector<16xf32>,
        %slice3A_444 = vector.extract_strided_slice %get3A_219 {offsets = [9], sizes = [1], strides = [1]} : vector<16xf32> to vector<1xf32>
        %squeeze3A_445 = vector.extract %slice3A_444[0] : f32 from vector<1xf32>
        %mul3A_446 = vector.broadcast %squeeze3A_445 : f32 to vector<16xf32>
        %mul3A_447 = arith.mulf %convert_element_type3A_131, %mul3A_446 : vector<16xf32>
        %add3A_448 = arith.addf %mul3A_447, %sub3A_133 : vector<16xf32>
        %mul3A_449 = arith.mulf %get3A_443, %add3A_448 : vector<16xf32>
        %swap3A_450 = arith.constant 0 : i32
        %swap3A_451 = arith.constant 0 : i32
        %swap3A_452 = tpu.memref_slice %arg17[%scan3A_134, %swap3A_450, %swap3A_451] : memref<2x128x16xf32, #tpu.memory_space<vmem>> -> memref<1x128x16xf32, #tpu.memory_space<vmem>>
        %swap3A_453 = tpu.memref_squeeze %swap3A_452 : memref<1x128x16xf32, #tpu.memory_space<vmem>> -> memref<128x16xf32, #tpu.memory_space<vmem>>
        %swap3A_454 = arith.index_cast %add3A_436 : i32 to index
        %swap3A_455 = arith.constant 0 : index
        %swap3A_456 = tpu.vector_load %swap3A_453[%swap3A_454, %swap3A_455] {strides = array<i32>} : memref<128x16xf32, #tpu.memory_space<vmem>>, vector<16xf32>,
        tpu.vector_store %swap3A_453[%swap3A_454, %swap3A_455], %mul3A_449 {strides = array<i32>} : memref<128x16xf32, #tpu.memory_space<vmem>>, vector<16xf32>,
        %mul3A_457 = arith.constant 16 : i32
        %mul3A_458 = arith.muli %add3A_215, %mul3A_457 : i32
        %add3A_459 = arith.constant 10 : i32
        %add3A_460 = arith.addi %mul3A_458, %add3A_459 : i32
        %get3A_461 = arith.constant 0 : i32
        %get3A_462 = arith.constant 0 : i32
        %get3A_463 = tpu.memref_slice %arg17[%scan3A_134, %get3A_461, %get3A_462] : memref<2x128x16xf32, #tpu.memory_space<vmem>> -> memref<1x128x16xf32, #tpu.memory_space<vmem>>
        %get3A_464 = tpu.memref_squeeze %get3A_463 : memref<1x128x16xf32, #tpu.memory_space<vmem>> -> memref<128x16xf32, #tpu.memory_space<vmem>>
        %get3A_465 = arith.index_cast %add3A_460 : i32 to index
        %get3A_466 = arith.constant 0 : index
        %get3A_467 = tpu.vector_load %get3A_464[%get3A_465, %get3A_466] {strides = array<i32>} : memref<128x16xf32, #tpu.memory_space<vmem>>, vector<16xf32>,
        %slice3A_468 = vector.extract_strided_slice %get3A_219 {offsets = [10], sizes = [1], strides = [1]} : vector<16xf32> to vector<1xf32>
        %squeeze3A_469 = vector.extract %slice3A_468[0] : f32 from vector<1xf32>
        %mul3A_470 = vector.broadcast %squeeze3A_469 : f32 to vector<16xf32>
        %mul3A_471 = arith.mulf %convert_element_type3A_131, %mul3A_470 : vector<16xf32>
        %add3A_472 = arith.addf %mul3A_471, %sub3A_133 : vector<16xf32>
        %mul3A_473 = arith.mulf %get3A_467, %add3A_472 : vector<16xf32>
        %swap3A_474 = arith.constant 0 : i32
        %swap3A_475 = arith.constant 0 : i32
        %swap3A_476 = tpu.memref_slice %arg17[%scan3A_134, %swap3A_474, %swap3A_475] : memref<2x128x16xf32, #tpu.memory_space<vmem>> -> memref<1x128x16xf32, #tpu.memory_space<vmem>>
        %swap3A_477 = tpu.memref_squeeze %swap3A_476 : memref<1x128x16xf32, #tpu.memory_space<vmem>> -> memref<128x16xf32, #tpu.memory_space<vmem>>
        %swap3A_478 = arith.index_cast %add3A_460 : i32 to index
        %swap3A_479 = arith.constant 0 : index
        %swap3A_480 = tpu.vector_load %swap3A_477[%swap3A_478, %swap3A_479] {strides = array<i32>} : memref<128x16xf32, #tpu.memory_space<vmem>>, vector<16xf32>,
        tpu.vector_store %swap3A_477[%swap3A_478, %swap3A_479], %mul3A_473 {strides = array<i32>} : memref<128x16xf32, #tpu.memory_space<vmem>>, vector<16xf32>,
        %mul3A_481 = arith.constant 16 : i32
        %mul3A_482 = arith.muli %add3A_215, %mul3A_481 : i32
        %add3A_483 = arith.constant 11 : i32
        %add3A_484 = arith.addi %mul3A_482, %add3A_483 : i32
        %get3A_485 = arith.constant 0 : i32
        %get3A_486 = arith.constant 0 : i32
        %get3A_487 = tpu.memref_slice %arg17[%scan3A_134, %get3A_485, %get3A_486] : memref<2x128x16xf32, #tpu.memory_space<vmem>> -> memref<1x128x16xf32, #tpu.memory_space<vmem>>
        %get3A_488 = tpu.memref_squeeze %get3A_487 : memref<1x128x16xf32, #tpu.memory_space<vmem>> -> memref<128x16xf32, #tpu.memory_space<vmem>>
        %get3A_489 = arith.index_cast %add3A_484 : i32 to index
        %get3A_490 = arith.constant 0 : index
        %get3A_491 = tpu.vector_load %get3A_488[%get3A_489, %get3A_490] {strides = array<i32>} : memref<128x16xf32, #tpu.memory_space<vmem>>, vector<16xf32>,
        %slice3A_492 = vector.extract_strided_slice %get3A_219 {offsets = [11], sizes = [1], strides = [1]} : vector<16xf32> to vector<1xf32>
        %squeeze3A_493 = vector.extract %slice3A_492[0] : f32 from vector<1xf32>
        %mul3A_494 = vector.broadcast %squeeze3A_493 : f32 to vector<16xf32>
        %mul3A_495 = arith.mulf %convert_element_type3A_131, %mul3A_494 : vector<16xf32>
        %add3A_496 = arith.addf %mul3A_495, %sub3A_133 : vector<16xf32>
        %mul3A_497 = arith.mulf %get3A_491, %add3A_496 : vector<16xf32>
        %swap3A_498 = arith.constant 0 : i32
        %swap3A_499 = arith.constant 0 : i32
        %swap3A_500 = tpu.memref_slice %arg17[%scan3A_134, %swap3A_498, %swap3A_499] : memref<2x128x16xf32, #tpu.memory_space<vmem>> -> memref<1x128x16xf32, #tpu.memory_space<vmem>>
        %swap3A_501 = tpu.memref_squeeze %swap3A_500 : memref<1x128x16xf32, #tpu.memory_space<vmem>> -> memref<128x16xf32, #tpu.memory_space<vmem>>
        %swap3A_502 = arith.index_cast %add3A_484 : i32 to index
        %swap3A_503 = arith.constant 0 : index
        %swap3A_504 = tpu.vector_load %swap3A_501[%swap3A_502, %swap3A_503] {strides = array<i32>} : memref<128x16xf32, #tpu.memory_space<vmem>>, vector<16xf32>,
        tpu.vector_store %swap3A_501[%swap3A_502, %swap3A_503], %mul3A_497 {strides = array<i32>} : memref<128x16xf32, #tpu.memory_space<vmem>>, vector<16xf32>,
        %mul3A_505 = arith.constant 16 : i32
        %mul3A_506 = arith.muli %add3A_215, %mul3A_505 : i32
        %add3A_507 = arith.constant 12 : i32
        %add3A_508 = arith.addi %mul3A_506, %add3A_507 : i32
        %get3A_509 = arith.constant 0 : i32
        %get3A_510 = arith.constant 0 : i32
        %get3A_511 = tpu.memref_slice %arg17[%scan3A_134, %get3A_509, %get3A_510] : memref<2x128x16xf32, #tpu.memory_space<vmem>> -> memref<1x128x16xf32, #tpu.memory_space<vmem>>
        %get3A_512 = tpu.memref_squeeze %get3A_511 : memref<1x128x16xf32, #tpu.memory_space<vmem>> -> memref<128x16xf32, #tpu.memory_space<vmem>>
        %get3A_513 = arith.index_cast %add3A_508 : i32 to index
        %get3A_514 = arith.constant 0 : index
        %get3A_515 = tpu.vector_load %get3A_512[%get3A_513, %get3A_514] {strides = array<i32>} : memref<128x16xf32, #tpu.memory_space<vmem>>, vector<16xf32>,
        %slice3A_516 = vector.extract_strided_slice %get3A_219 {offsets = [12], sizes = [1], strides = [1]} : vector<16xf32> to vector<1xf32>
        %squeeze3A_517 = vector.extract %slice3A_516[0] : f32 from vector<1xf32>
        %mul3A_518 = vector.broadcast %squeeze3A_517 : f32 to vector<16xf32>
        %mul3A_519 = arith.mulf %convert_element_type3A_131, %mul3A_518 : vector<16xf32>
        %add3A_520 = arith.addf %mul3A_519, %sub3A_133 : vector<16xf32>
        %mul3A_521 = arith.mulf %get3A_515, %add3A_520 : vector<16xf32>
        %swap3A_522 = arith.constant 0 : i32
        %swap3A_523 = arith.constant 0 : i32
        %swap3A_524 = tpu.memref_slice %arg17[%scan3A_134, %swap3A_522, %swap3A_523] : memref<2x128x16xf32, #tpu.memory_space<vmem>> -> memref<1x128x16xf32, #tpu.memory_space<vmem>>
        %swap3A_525 = tpu.memref_squeeze %swap3A_524 : memref<1x128x16xf32, #tpu.memory_space<vmem>> -> memref<128x16xf32, #tpu.memory_space<vmem>>
        %swap3A_526 = arith.index_cast %add3A_508 : i32 to index
        %swap3A_527 = arith.constant 0 : index
        %swap3A_528 = tpu.vector_load %swap3A_525[%swap3A_526, %swap3A_527] {strides = array<i32>} : memref<128x16xf32, #tpu.memory_space<vmem>>, vector<16xf32>,
        tpu.vector_store %swap3A_525[%swap3A_526, %swap3A_527], %mul3A_521 {strides = array<i32>} : memref<128x16xf32, #tpu.memory_space<vmem>>, vector<16xf32>,
        %mul3A_529 = arith.constant 16 : i32
        %mul3A_530 = arith.muli %add3A_215, %mul3A_529 : i32
        %add3A_531 = arith.constant 13 : i32
        %add3A_532 = arith.addi %mul3A_530, %add3A_531 : i32
        %get3A_533 = arith.constant 0 : i32
        %get3A_534 = arith.constant 0 : i32
        %get3A_535 = tpu.memref_slice %arg17[%scan3A_134, %get3A_533, %get3A_534] : memref<2x128x16xf32, #tpu.memory_space<vmem>> -> memref<1x128x16xf32, #tpu.memory_space<vmem>>
        %get3A_536 = tpu.memref_squeeze %get3A_535 : memref<1x128x16xf32, #tpu.memory_space<vmem>> -> memref<128x16xf32, #tpu.memory_space<vmem>>
        %get3A_537 = arith.index_cast %add3A_532 : i32 to index
        %get3A_538 = arith.constant 0 : index
        %get3A_539 = tpu.vector_load %get3A_536[%get3A_537, %get3A_538] {strides = array<i32>} : memref<128x16xf32, #tpu.memory_space<vmem>>, vector<16xf32>,
        %slice3A_540 = vector.extract_strided_slice %get3A_219 {offsets = [13], sizes = [1], strides = [1]} : vector<16xf32> to vector<1xf32>
        %squeeze3A_541 = vector.extract %slice3A_540[0] : f32 from vector<1xf32>
        %mul3A_542 = vector.broadcast %squeeze3A_541 : f32 to vector<16xf32>
        %mul3A_543 = arith.mulf %convert_element_type3A_131, %mul3A_542 : vector<16xf32>
        %add3A_544 = arith.addf %mul3A_543, %sub3A_133 : vector<16xf32>
        %mul3A_545 = arith.mulf %get3A_539, %add3A_544 : vector<16xf32>
        %swap3A_546 = arith.constant 0 : i32
        %swap3A_547 = arith.constant 0 : i32
        %swap3A_548 = tpu.memref_slice %arg17[%scan3A_134, %swap3A_546, %swap3A_547] : memref<2x128x16xf32, #tpu.memory_space<vmem>> -> memref<1x128x16xf32, #tpu.memory_space<vmem>>
        %swap3A_549 = tpu.memref_squeeze %swap3A_548 : memref<1x128x16xf32, #tpu.memory_space<vmem>> -> memref<128x16xf32, #tpu.memory_space<vmem>>
        %swap3A_550 = arith.index_cast %add3A_532 : i32 to index
        %swap3A_551 = arith.constant 0 : index
        %swap3A_552 = tpu.vector_load %swap3A_549[%swap3A_550, %swap3A_551] {strides = array<i32>} : memref<128x16xf32, #tpu.memory_space<vmem>>, vector<16xf32>,
        tpu.vector_store %swap3A_549[%swap3A_550, %swap3A_551], %mul3A_545 {strides = array<i32>} : memref<128x16xf32, #tpu.memory_space<vmem>>, vector<16xf32>,
        %mul3A_553 = arith.constant 16 : i32
        %mul3A_554 = arith.muli %add3A_215, %mul3A_553 : i32
        %add3A_555 = arith.constant 14 : i32
        %add3A_556 = arith.addi %mul3A_554, %add3A_555 : i32
        %get3A_557 = arith.constant 0 : i32
        %get3A_558 = arith.constant 0 : i32
        %get3A_559 = tpu.memref_slice %arg17[%scan3A_134, %get3A_557, %get3A_558] : memref<2x128x16xf32, #tpu.memory_space<vmem>> -> memref<1x128x16xf32, #tpu.memory_space<vmem>>
        %get3A_560 = tpu.memref_squeeze %get3A_559 : memref<1x128x16xf32, #tpu.memory_space<vmem>> -> memref<128x16xf32, #tpu.memory_space<vmem>>
        %get3A_561 = arith.index_cast %add3A_556 : i32 to index
        %get3A_562 = arith.constant 0 : index
        %get3A_563 = tpu.vector_load %get3A_560[%get3A_561, %get3A_562] {strides = array<i32>} : memref<128x16xf32, #tpu.memory_space<vmem>>, vector<16xf32>,
        %slice3A_564 = vector.extract_strided_slice %get3A_219 {offsets = [14], sizes = [1], strides = [1]} : vector<16xf32> to vector<1xf32>
        %squeeze3A_565 = vector.extract %slice3A_564[0] : f32 from vector<1xf32>
        %mul3A_566 = vector.broadcast %squeeze3A_565 : f32 to vector<16xf32>
        %mul3A_567 = arith.mulf %convert_element_type3A_131, %mul3A_566 : vector<16xf32>
        %add3A_568 = arith.addf %mul3A_567, %sub3A_133 : vector<16xf32>
        %mul3A_569 = arith.mulf %get3A_563, %add3A_568 : vector<16xf32>
        %swap3A_570 = arith.constant 0 : i32
        %swap3A_571 = arith.constant 0 : i32
        %swap3A_572 = tpu.memref_slice %arg17[%scan3A_134, %swap3A_570, %swap3A_571] : memref<2x128x16xf32, #tpu.memory_space<vmem>> -> memref<1x128x16xf32, #tpu.memory_space<vmem>>
        %swap3A_573 = tpu.memref_squeeze %swap3A_572 : memref<1x128x16xf32, #tpu.memory_space<vmem>> -> memref<128x16xf32, #tpu.memory_space<vmem>>
        %swap3A_574 = arith.index_cast %add3A_556 : i32 to index
        %swap3A_575 = arith.constant 0 : index
        %swap3A_576 = tpu.vector_load %swap3A_573[%swap3A_574, %swap3A_575] {strides = array<i32>} : memref<128x16xf32, #tpu.memory_space<vmem>>, vector<16xf32>,
        tpu.vector_store %swap3A_573[%swap3A_574, %swap3A_575], %mul3A_569 {strides = array<i32>} : memref<128x16xf32, #tpu.memory_space<vmem>>, vector<16xf32>,
        %mul3A_577 = arith.constant 16 : i32
        %mul3A_578 = arith.muli %add3A_215, %mul3A_577 : i32
        %add3A_579 = arith.constant 15 : i32
        %add3A_580 = arith.addi %mul3A_578, %add3A_579 : i32
        %get3A_581 = arith.constant 0 : i32
        %get3A_582 = arith.constant 0 : i32
        %get3A_583 = tpu.memref_slice %arg17[%scan3A_134, %get3A_581, %get3A_582] : memref<2x128x16xf32, #tpu.memory_space<vmem>> -> memref<1x128x16xf32, #tpu.memory_space<vmem>>
        %get3A_584 = tpu.memref_squeeze %get3A_583 : memref<1x128x16xf32, #tpu.memory_space<vmem>> -> memref<128x16xf32, #tpu.memory_space<vmem>>
        %get3A_585 = arith.index_cast %add3A_580 : i32 to index
        %get3A_586 = arith.constant 0 : index
        %get3A_587 = tpu.vector_load %get3A_584[%get3A_585, %get3A_586] {strides = array<i32>} : memref<128x16xf32, #tpu.memory_space<vmem>>, vector<16xf32>,
        %slice3A_588 = vector.extract_strided_slice %get3A_219 {offsets = [15], sizes = [1], strides = [1]} : vector<16xf32> to vector<1xf32>
        %squeeze3A_589 = vector.extract %slice3A_588[0] : f32 from vector<1xf32>
        %mul3A_590 = vector.broadcast %squeeze3A_589 : f32 to vector<16xf32>
        %mul3A_591 = arith.mulf %convert_element_type3A_131, %mul3A_590 : vector<16xf32>
        %add3A_592 = arith.addf %mul3A_591, %sub3A_133 : vector<16xf32>
        %mul3A_593 = arith.mulf %get3A_587, %add3A_592 : vector<16xf32>
        %swap3A_594 = arith.constant 0 : i32
        %swap3A_595 = arith.constant 0 : i32
        %swap3A_596 = tpu.memref_slice %arg17[%scan3A_134, %swap3A_594, %swap3A_595] : memref<2x128x16xf32, #tpu.memory_space<vmem>> -> memref<1x128x16xf32, #tpu.memory_space<vmem>>
        %swap3A_597 = tpu.memref_squeeze %swap3A_596 : memref<1x128x16xf32, #tpu.memory_space<vmem>> -> memref<128x16xf32, #tpu.memory_space<vmem>>
        %swap3A_598 = arith.index_cast %add3A_580 : i32 to index
        %swap3A_599 = arith.constant 0 : index
        %swap3A_600 = tpu.vector_load %swap3A_597[%swap3A_598, %swap3A_599] {strides = array<i32>} : memref<128x16xf32, #tpu.memory_space<vmem>>, vector<16xf32>,
        tpu.vector_store %swap3A_597[%swap3A_598, %swap3A_599], %mul3A_593 {strides = array<i32>} : memref<128x16xf32, #tpu.memory_space<vmem>>, vector<16xf32>,
      }
      %scan3A_139 = arith.constant 8 : i32
      %run_scoped3A = arith.constant 0 : i32
      "tpu.region"() ({
        %run_scoped3A_211 = tpu.sem_alloc : memref<!tpu.dma_semaphore, #tpu.memory_space<semaphore_mem>>
        %dma_start3A_212 = arith.constant 0 : i32
        %dma_start3A_213 = arith.constant 0 : i32
        %dma_start3A_214 = tpu.memref_slice %arg17[%run_scoped3A, %dma_start3A_212, %dma_start3A_213] : memref<2x128x16xf32, #tpu.memory_space<vmem>> -> memref<1x128x16xf32, #tpu.memory_space<vmem>>
        %dma_start3A_215 = tpu.memref_squeeze %dma_start3A_214 : memref<1x128x16xf32, #tpu.memory_space<vmem>> -> memref<128x16xf32, #tpu.memory_space<vmem>>
        %dma_start3A_216 = arith.constant 0 : i32
        %dma_start3A_217 = tpu.memref_slice %arg15[%mul3A_81, %dma_start3A_216] : memref<40x128xi32, #tpu.memory_space<vmem>> -> memref<1x128xi32, #tpu.memory_space<vmem>>
        %dma_start3A_218 = tpu.memref_squeeze %dma_start3A_217 : memref<1x128xi32, #tpu.memory_space<vmem>> -> memref<128xi32, #tpu.memory_space<vmem>>
        %dma_start3A_219 = arith.constant 0 : i32
        %dma_start3A_220 = arith.constant 0 : i32
        %dma_start3A_221 = tpu.memref_slice %arg11[%dma_start3A_219, %dma_start3A_220] : memref<10240x16xf32, #tpu.memory_space<vmem_shared>> -> memref<10240x16xf32, #tpu.memory_space<vmem_shared>>
        tpu.enqueue_indirect_dma source(%dma_start3A_215 : memref<128x16xf32, #tpu.memory_space<vmem>>) target(%dma_start3A_221 : memref<10240x16xf32, #tpu.memory_space<vmem_shared>>) offsets(%dma_start3A_218 : memref<128xi32, #tpu.memory_space<vmem>>) semaphore(%run_scoped3A_211 : memref<!tpu.dma_semaphore, #tpu.memory_space<semaphore_mem>>) {add = true}
        %dma_wait3A_222 = arith.constant 0 : i32
        %dma_wait3A_223 = arith.constant 0 : i32
        %dma_wait3A_224 = tpu.memref_slice %arg17[%run_scoped3A, %dma_wait3A_222, %dma_wait3A_223] : memref<2x128x16xf32, #tpu.memory_space<vmem>> -> memref<1x128x16xf32, #tpu.memory_space<vmem>>
        %dma_wait3A_225 = tpu.memref_squeeze %dma_wait3A_224 : memref<1x128x16xf32, #tpu.memory_space<vmem>> -> memref<128x16xf32, #tpu.memory_space<vmem>>
        %dma_wait3A_226 = arith.constant 0 : i32
        %dma_wait3A_227 = tpu.memref_slice %arg15[%mul3A_81, %dma_wait3A_226] : memref<40x128xi32, #tpu.memory_space<vmem>> -> memref<1x128xi32, #tpu.memory_space<vmem>>
        %dma_wait3A_228 = tpu.memref_squeeze %dma_wait3A_227 : memref<1x128xi32, #tpu.memory_space<vmem>> -> memref<128xi32, #tpu.memory_space<vmem>>
        %dma_wait3A_229 = arith.constant 0 : i32
        %dma_wait3A_230 = arith.constant 0 : i32
        %dma_wait3A_231 = tpu.memref_slice %arg11[%dma_wait3A_229, %dma_wait3A_230] : memref<10240x16xf32, #tpu.memory_space<vmem_shared>> -> memref<10240x16xf32, #tpu.memory_space<vmem_shared>>
        tpu.wait_indirect_dma semaphore(%run_scoped3A_211 : memref<!tpu.dma_semaphore, #tpu.memory_space<semaphore_mem>>) src(%dma_wait3A_225 : memref<128x16xf32, #tpu.memory_space<vmem>>) dst(%dma_wait3A_231 : memref<10240x16xf32, #tpu.memory_space<vmem_shared>>)
        tpu.yield
      }) : () -> ()
      %run_scoped3A_140 = arith.constant 0 : i32
      "tpu.region"() ({
        %run_scoped3A_211 = tpu.sem_alloc : memref<!tpu.dma_semaphore, #tpu.memory_space<semaphore_mem>>
        %dma_start3A_212 = arith.constant 0 : i32
        %dma_start3A_213 = arith.constant 0 : i32
        %dma_start3A_214 = tpu.memref_slice %arg18[%run_scoped3A_140, %dma_start3A_212, %dma_start3A_213] : memref<2x128x16xf32, #tpu.memory_space<vmem>> -> memref<1x128x16xf32, #tpu.memory_space<vmem>>
        %dma_start3A_215 = tpu.memref_squeeze %dma_start3A_214 : memref<1x128x16xf32, #tpu.memory_space<vmem>> -> memref<128x16xf32, #tpu.memory_space<vmem>>
        %dma_start3A_216 = arith.constant 0 : i32
        %dma_start3A_217 = tpu.memref_slice %arg15[%mul3A_81, %dma_start3A_216] : memref<40x128xi32, #tpu.memory_space<vmem>> -> memref<1x128xi32, #tpu.memory_space<vmem>>
        %dma_start3A_218 = tpu.memref_squeeze %dma_start3A_217 : memref<1x128xi32, #tpu.memory_space<vmem>> -> memref<128xi32, #tpu.memory_space<vmem>>
        %dma_start3A_219 = arith.constant 0 : i32
        %dma_start3A_220 = arith.constant 0 : i32
        %dma_start3A_221 = tpu.memref_slice %arg13[%dma_start3A_219, %dma_start3A_220] : memref<10240x16xf32, #tpu.memory_space<vmem_shared>> -> memref<10240x16xf32, #tpu.memory_space<vmem_shared>>
        tpu.enqueue_indirect_dma source(%dma_start3A_215 : memref<128x16xf32, #tpu.memory_space<vmem>>) target(%dma_start3A_221 : memref<10240x16xf32, #tpu.memory_space<vmem_shared>>) offsets(%dma_start3A_218 : memref<128xi32, #tpu.memory_space<vmem>>) semaphore(%run_scoped3A_211 : memref<!tpu.dma_semaphore, #tpu.memory_space<semaphore_mem>>) {add = true}
        %dma_wait3A_222 = arith.constant 0 : i32
        %dma_wait3A_223 = arith.constant 0 : i32
        %dma_wait3A_224 = tpu.memref_slice %arg18[%run_scoped3A_140, %dma_wait3A_222, %dma_wait3A_223] : memref<2x128x16xf32, #tpu.memory_space<vmem>> -> memref<1x128x16xf32, #tpu.memory_space<vmem>>
        %dma_wait3A_225 = tpu.memref_squeeze %dma_wait3A_224 : memref<1x128x16xf32, #tpu.memory_space<vmem>> -> memref<128x16xf32, #tpu.memory_space<vmem>>
        %dma_wait3A_226 = arith.constant 0 : i32
        %dma_wait3A_227 = tpu.memref_slice %arg15[%mul3A_81, %dma_wait3A_226] : memref<40x128xi32, #tpu.memory_space<vmem>> -> memref<1x128xi32, #tpu.memory_space<vmem>>
        %dma_wait3A_228 = tpu.memref_squeeze %dma_wait3A_227 : memref<1x128xi32, #tpu.memory_space<vmem>> -> memref<128xi32, #tpu.memory_space<vmem>>
        %dma_wait3A_229 = arith.constant 0 : i32
        %dma_wait3A_230 = arith.constant 0 : i32
        %dma_wait3A_231 = tpu.memref_slice %arg13[%dma_wait3A_229, %dma_wait3A_230] : memref<10240x16xf32, #tpu.memory_space<vmem_shared>> -> memref<10240x16xf32, #tpu.memory_space<vmem_shared>>
        tpu.wait_indirect_dma semaphore(%run_scoped3A_211 : memref<!tpu.dma_semaphore, #tpu.memory_space<semaphore_mem>>) src(%dma_wait3A_225 : memref<128x16xf32, #tpu.memory_space<vmem>>) dst(%dma_wait3A_231 : memref<10240x16xf32, #tpu.memory_space<vmem_shared>>)
        tpu.yield
      }) : () -> ()
      %run_scoped3A_141 = arith.constant 0 : i32
      "tpu.region"() ({
        %run_scoped3A_211 = tpu.sem_alloc : memref<!tpu.dma_semaphore, #tpu.memory_space<semaphore_mem>>
        %dma_start3A_212 = arith.constant 0 : i32
        %dma_start3A_213 = arith.constant 0 : i32
        %dma_start3A_214 = tpu.memref_slice %arg19[%run_scoped3A_141, %dma_start3A_212, %dma_start3A_213] : memref<2x128x16xf32, #tpu.memory_space<vmem>> -> memref<1x128x16xf32, #tpu.memory_space<vmem>>
        %dma_start3A_215 = tpu.memref_squeeze %dma_start3A_214 : memref<1x128x16xf32, #tpu.memory_space<vmem>> -> memref<128x16xf32, #tpu.memory_space<vmem>>
        %dma_start3A_216 = arith.constant 0 : i32
        %dma_start3A_217 = tpu.memref_slice %arg14[%mul3A_81, %dma_start3A_216] : memref<40x128xi32, #tpu.memory_space<vmem>> -> memref<1x128xi32, #tpu.memory_space<vmem>>
        %dma_start3A_218 = tpu.memref_squeeze %dma_start3A_217 : memref<1x128xi32, #tpu.memory_space<vmem>> -> memref<128xi32, #tpu.memory_space<vmem>>
        %dma_start3A_219 = arith.constant 0 : i32
        %dma_start3A_220 = arith.constant 0 : i32
        %dma_start3A_221 = tpu.memref_slice %arg12[%dma_start3A_219, %dma_start3A_220] : memref<10240x16xf32, #tpu.memory_space<vmem_shared>> -> memref<10240x16xf32, #tpu.memory_space<vmem_shared>>
        tpu.enqueue_indirect_dma source(%dma_start3A_215 : memref<128x16xf32, #tpu.memory_space<vmem>>) target(%dma_start3A_221 : memref<10240x16xf32, #tpu.memory_space<vmem_shared>>) offsets(%dma_start3A_218 : memref<128xi32, #tpu.memory_space<vmem>>) semaphore(%run_scoped3A_211 : memref<!tpu.dma_semaphore, #tpu.memory_space<semaphore_mem>>) {add = true}
        %dma_wait3A_222 = arith.constant 0 : i32
        %dma_wait3A_223 = arith.constant 0 : i32
        %dma_wait3A_224 = tpu.memref_slice %arg19[%run_scoped3A_141, %dma_wait3A_222, %dma_wait3A_223] : memref<2x128x16xf32, #tpu.memory_space<vmem>> -> memref<1x128x16xf32, #tpu.memory_space<vmem>>
        %dma_wait3A_225 = tpu.memref_squeeze %dma_wait3A_224 : memref<1x128x16xf32, #tpu.memory_space<vmem>> -> memref<128x16xf32, #tpu.memory_space<vmem>>
        %dma_wait3A_226 = arith.constant 0 : i32
        %dma_wait3A_227 = tpu.memref_slice %arg14[%mul3A_81, %dma_wait3A_226] : memref<40x128xi32, #tpu.memory_space<vmem>> -> memref<1x128xi32, #tpu.memory_space<vmem>>
        %dma_wait3A_228 = tpu.memref_squeeze %dma_wait3A_227 : memref<1x128xi32, #tpu.memory_space<vmem>> -> memref<128xi32, #tpu.memory_space<vmem>>
        %dma_wait3A_229 = arith.constant 0 : i32
        %dma_wait3A_230 = arith.constant 0 : i32
        %dma_wait3A_231 = tpu.memref_slice %arg12[%dma_wait3A_229, %dma_wait3A_230] : memref<10240x16xf32, #tpu.memory_space<vmem_shared>> -> memref<10240x16xf32, #tpu.memory_space<vmem_shared>>
        tpu.wait_indirect_dma semaphore(%run_scoped3A_211 : memref<!tpu.dma_semaphore, #tpu.memory_space<semaphore_mem>>) src(%dma_wait3A_225 : memref<128x16xf32, #tpu.memory_space<vmem>>) dst(%dma_wait3A_231 : memref<10240x16xf32, #tpu.memory_space<vmem_shared>>)
        tpu.yield
      }) : () -> ()
      %add3A_142 = arith.constant 2 : i32
      %add3A_143 = arith.addi %mul3A_81, %add3A_142 : i32
      %lt3A_144 = arith.constant 40 : i32
      %lt3A_145 = arith.cmpi slt, %add3A_143, %lt3A_144 : i32
      %convert_element_type3A_146 = arith.extui %lt3A_145 : i1 to i32
      %cond3A_147 = arith.constant 0 : i32
      %cond3A_148 = arith.cmpi ne, %convert_element_type3A_146, %cond3A_147 : i32
      scf.if %cond3A_148 {
        %add3A_211 = arith.constant 2 : i32
        %add3A_212 = arith.addi %mul3A_81, %add3A_211 : i32
        %dma_start3A_213 = arith.constant 0 : i32
        %dma_start3A_214 = arith.constant 0 : i32
        %dma_start3A_215 = arith.constant 0 : i32
        %dma_start3A_216 = arith.constant 0 : i32
        %dma_start3A_217 = tpu.memref_slice %arg17[%dma_start3A_213, %dma_start3A_215, %dma_start3A_216] : memref<2x128x16xf32, #tpu.memory_space<vmem>> -> memref<1x128x16xf32, #tpu.memory_space<vmem>>
        %dma_start3A_218 = tpu.memref_squeeze %dma_start3A_217 : memref<1x128x16xf32, #tpu.memory_space<vmem>> -> memref<128x16xf32, #tpu.memory_space<vmem>>
        %dma_start3A_219 = arith.constant 0 : i32
        %dma_start3A_220 = tpu.memref_slice %arg14[%add3A_212, %dma_start3A_219] : memref<40x128xi32, #tpu.memory_space<vmem>> -> memref<1x128xi32, #tpu.memory_space<vmem>>
        %dma_start3A_221 = tpu.memref_squeeze %dma_start3A_220 : memref<1x128xi32, #tpu.memory_space<vmem>> -> memref<128xi32, #tpu.memory_space<vmem>>
        %dma_start3A_222 = arith.constant 0 : i32
        %dma_start3A_223 = arith.constant 0 : i32
        %dma_start3A_224 = tpu.memref_slice %arg2[%dma_start3A_222, %dma_start3A_223] : memref<10240x16xf32, #tpu.memory_space<hbm>> -> memref<10240x16xf32, #tpu.memory_space<hbm>>
        %dma_start3A_225 = tpu.memref_slice %arg20[%dma_start3A_214] : memref<2x!tpu.dma_semaphore, #tpu.memory_space<semaphore_mem>> -> memref<1x!tpu.dma_semaphore, #tpu.memory_space<semaphore_mem>>
        %dma_start3A_226 = tpu.memref_squeeze %dma_start3A_225 : memref<1x!tpu.dma_semaphore, #tpu.memory_space<semaphore_mem>> -> memref<!tpu.dma_semaphore, #tpu.memory_space<semaphore_mem>>
        tpu.enqueue_indirect_dma source(%dma_start3A_224 : memref<10240x16xf32, #tpu.memory_space<hbm>>) target(%dma_start3A_218 : memref<128x16xf32, #tpu.memory_space<vmem>>) offsets(%dma_start3A_221 : memref<128xi32, #tpu.memory_space<vmem>>) semaphore(%dma_start3A_226 : memref<!tpu.dma_semaphore, #tpu.memory_space<semaphore_mem>>)
        %dma_start3A_227 = arith.constant 0 : i32
        %dma_start3A_228 = arith.constant 0 : i32
        %dma_start3A_229 = arith.constant 0 : i32
        %dma_start3A_230 = arith.constant 0 : i32
        %dma_start3A_231 = tpu.memref_slice %arg18[%dma_start3A_227, %dma_start3A_229, %dma_start3A_230] : memref<2x128x16xf32, #tpu.memory_space<vmem>> -> memref<1x128x16xf32, #tpu.memory_space<vmem>>
        %dma_start3A_232 = tpu.memref_squeeze %dma_start3A_231 : memref<1x128x16xf32, #tpu.memory_space<vmem>> -> memref<128x16xf32, #tpu.memory_space<vmem>>
        %dma_start3A_233 = arith.constant 0 : i32
        %dma_start3A_234 = tpu.memref_slice %arg14[%add3A_212, %dma_start3A_233] : memref<40x128xi32, #tpu.memory_space<vmem>> -> memref<1x128xi32, #tpu.memory_space<vmem>>
        %dma_start3A_235 = tpu.memref_squeeze %dma_start3A_234 : memref<1x128xi32, #tpu.memory_space<vmem>> -> memref<128xi32, #tpu.memory_space<vmem>>
        %dma_start3A_236 = arith.constant 0 : i32
        %dma_start3A_237 = arith.constant 0 : i32
        %dma_start3A_238 = tpu.memref_slice %arg3[%dma_start3A_236, %dma_start3A_237] : memref<10240x16xf32, #tpu.memory_space<hbm>> -> memref<10240x16xf32, #tpu.memory_space<hbm>>
        %dma_start3A_239 = tpu.memref_slice %arg21[%dma_start3A_228] : memref<2x!tpu.dma_semaphore, #tpu.memory_space<semaphore_mem>> -> memref<1x!tpu.dma_semaphore, #tpu.memory_space<semaphore_mem>>
        %dma_start3A_240 = tpu.memref_squeeze %dma_start3A_239 : memref<1x!tpu.dma_semaphore, #tpu.memory_space<semaphore_mem>> -> memref<!tpu.dma_semaphore, #tpu.memory_space<semaphore_mem>>
        tpu.enqueue_indirect_dma source(%dma_start3A_238 : memref<10240x16xf32, #tpu.memory_space<hbm>>) target(%dma_start3A_232 : memref<128x16xf32, #tpu.memory_space<vmem>>) offsets(%dma_start3A_235 : memref<128xi32, #tpu.memory_space<vmem>>) semaphore(%dma_start3A_240 : memref<!tpu.dma_semaphore, #tpu.memory_space<semaphore_mem>>)
        %dma_start3A_241 = arith.constant 0 : i32
        %dma_start3A_242 = arith.constant 0 : i32
        %dma_start3A_243 = arith.constant 0 : i32
        %dma_start3A_244 = arith.constant 0 : i32
        %dma_start3A_245 = tpu.memref_slice %arg19[%dma_start3A_241, %dma_start3A_243, %dma_start3A_244] : memref<2x128x16xf32, #tpu.memory_space<vmem>> -> memref<1x128x16xf32, #tpu.memory_space<vmem>>
        %dma_start3A_246 = tpu.memref_squeeze %dma_start3A_245 : memref<1x128x16xf32, #tpu.memory_space<vmem>> -> memref<128x16xf32, #tpu.memory_space<vmem>>
        %dma_start3A_247 = arith.constant 0 : i32
        %dma_start3A_248 = tpu.memref_slice %arg15[%add3A_212, %dma_start3A_247] : memref<40x128xi32, #tpu.memory_space<vmem>> -> memref<1x128xi32, #tpu.memory_space<vmem>>
        %dma_start3A_249 = tpu.memref_squeeze %dma_start3A_248 : memref<1x128xi32, #tpu.memory_space<vmem>> -> memref<128xi32, #tpu.memory_space<vmem>>
        %dma_start3A_250 = arith.constant 0 : i32
        %dma_start3A_251 = arith.constant 0 : i32
        %dma_start3A_252 = tpu.memref_slice %arg3[%dma_start3A_250, %dma_start3A_251] : memref<10240x16xf32, #tpu.memory_space<hbm>> -> memref<10240x16xf32, #tpu.memory_space<hbm>>
        %dma_start3A_253 = tpu.memref_slice %arg22[%dma_start3A_242] : memref<2x!tpu.dma_semaphore, #tpu.memory_space<semaphore_mem>> -> memref<1x!tpu.dma_semaphore, #tpu.memory_space<semaphore_mem>>
        %dma_start3A_254 = tpu.memref_squeeze %dma_start3A_253 : memref<1x!tpu.dma_semaphore, #tpu.memory_space<semaphore_mem>> -> memref<!tpu.dma_semaphore, #tpu.memory_space<semaphore_mem>>
        tpu.enqueue_indirect_dma source(%dma_start3A_252 : memref<10240x16xf32, #tpu.memory_space<hbm>>) target(%dma_start3A_246 : memref<128x16xf32, #tpu.memory_space<vmem>>) offsets(%dma_start3A_249 : memref<128xi32, #tpu.memory_space<vmem>>) semaphore(%dma_start3A_254 : memref<!tpu.dma_semaphore, #tpu.memory_space<semaphore_mem>>)
      } else {
      }
      %add3A_149 = arith.constant 1 : i32
      %add3A_150 = arith.addi %mul3A_81, %add3A_149 : i32
      %dma_wait3A_151 = arith.constant 1 : i32
      %dma_wait3A_152 = arith.constant 1 : i32
      %dma_wait3A_153 = arith.constant 0 : i32
      %dma_wait3A_154 = arith.constant 0 : i32
      %dma_wait3A_155 = tpu.memref_slice %arg17[%dma_wait3A_151, %dma_wait3A_153, %dma_wait3A_154] : memref<2x128x16xf32, #tpu.memory_space<vmem>> -> memref<1x128x16xf32, #tpu.memory_space<vmem>>
      %dma_wait3A_156 = tpu.memref_squeeze %dma_wait3A_155 : memref<1x128x16xf32, #tpu.memory_space<vmem>> -> memref<128x16xf32, #tpu.memory_space<vmem>>
      %dma_wait3A_157 = arith.constant 0 : i32
      %dma_wait3A_158 = tpu.memref_slice %arg14[%add3A_150, %dma_wait3A_157] : memref<40x128xi32, #tpu.memory_space<vmem>> -> memref<1x128xi32, #tpu.memory_space<vmem>>
      %dma_wait3A_159 = tpu.memref_squeeze %dma_wait3A_158 : memref<1x128xi32, #tpu.memory_space<vmem>> -> memref<128xi32, #tpu.memory_space<vmem>>
      %dma_wait3A_160 = arith.constant 0 : i32
      %dma_wait3A_161 = arith.constant 0 : i32
      %dma_wait3A_162 = tpu.memref_slice %arg2[%dma_wait3A_160, %dma_wait3A_161] : memref<10240x16xf32, #tpu.memory_space<hbm>> -> memref<10240x16xf32, #tpu.memory_space<hbm>>
      %dma_wait3A_163 = tpu.memref_slice %arg20[%dma_wait3A_152] : memref<2x!tpu.dma_semaphore, #tpu.memory_space<semaphore_mem>> -> memref<1x!tpu.dma_semaphore, #tpu.memory_space<semaphore_mem>>
      %dma_wait3A_164 = tpu.memref_squeeze %dma_wait3A_163 : memref<1x!tpu.dma_semaphore, #tpu.memory_space<semaphore_mem>> -> memref<!tpu.dma_semaphore, #tpu.memory_space<semaphore_mem>>
      tpu.wait_indirect_dma semaphore(%dma_wait3A_164 : memref<!tpu.dma_semaphore, #tpu.memory_space<semaphore_mem>>) src(%dma_wait3A_162 : memref<10240x16xf32, #tpu.memory_space<hbm>>) dst(%dma_wait3A_156 : memref<128x16xf32, #tpu.memory_space<vmem>>)
      %dma_wait3A_165 = arith.constant 1 : i32
      %dma_wait3A_166 = arith.constant 1 : i32
      %dma_wait3A_167 = arith.constant 0 : i32
      %dma_wait3A_168 = arith.constant 0 : i32
      %dma_wait3A_169 = tpu.memref_slice %arg18[%dma_wait3A_165, %dma_wait3A_167, %dma_wait3A_168] : memref<2x128x16xf32, #tpu.memory_space<vmem>> -> memref<1x128x16xf32, #tpu.memory_space<vmem>>
      %dma_wait3A_170 = tpu.memref_squeeze %dma_wait3A_169 : memref<1x128x16xf32, #tpu.memory_space<vmem>> -> memref<128x16xf32, #tpu.memory_space<vmem>>
      %dma_wait3A_171 = arith.constant 0 : i32
      %dma_wait3A_172 = tpu.memref_slice %arg14[%add3A_150, %dma_wait3A_171] : memref<40x128xi32, #tpu.memory_space<vmem>> -> memref<1x128xi32, #tpu.memory_space<vmem>>
      %dma_wait3A_173 = tpu.memref_squeeze %dma_wait3A_172 : memref<1x128xi32, #tpu.memory_space<vmem>> -> memref<128xi32, #tpu.memory_space<vmem>>
      %dma_wait3A_174 = arith.constant 0 : i32
      %dma_wait3A_175 = arith.constant 0 : i32
      %dma_wait3A_176 = tpu.memref_slice %arg3[%dma_wait3A_174, %dma_wait3A_175] : memref<10240x16xf32, #tpu.memory_space<hbm>> -> memref<10240x16xf32, #tpu.memory_space<hbm>>
      %dma_wait3A_177 = tpu.memref_slice %arg21[%dma_wait3A_166] : memref<2x!tpu.dma_semaphore, #tpu.memory_space<semaphore_mem>> -> memref<1x!tpu.dma_semaphore, #tpu.memory_space<semaphore_mem>>
      %dma_wait3A_178 = tpu.memref_squeeze %dma_wait3A_177 : memref<1x!tpu.dma_semaphore, #tpu.memory_space<semaphore_mem>> -> memref<!tpu.dma_semaphore, #tpu.memory_space<semaphore_mem>>
      tpu.wait_indirect_dma semaphore(%dma_wait3A_178 : memref<!tpu.dma_semaphore, #tpu.memory_space<semaphore_mem>>) src(%dma_wait3A_176 : memref<10240x16xf32, #tpu.memory_space<hbm>>) dst(%dma_wait3A_170 : memref<128x16xf32, #tpu.memory_space<vmem>>)
      %dma_wait3A_179 = arith.constant 1 : i32
      %dma_wait3A_180 = arith.constant 1 : i32
      %dma_wait3A_181 = arith.constant 0 : i32
      %dma_wait3A_182 = arith.constant 0 : i32
      %dma_wait3A_183 = tpu.memref_slice %arg19[%dma_wait3A_179, %dma_wait3A_181, %dma_wait3A_182] : memref<2x128x16xf32, #tpu.memory_space<vmem>> -> memref<1x128x16xf32, #tpu.memory_space<vmem>>
      %dma_wait3A_184 = tpu.memref_squeeze %dma_wait3A_183 : memref<1x128x16xf32, #tpu.memory_space<vmem>> -> memref<128x16xf32, #tpu.memory_space<vmem>>
      %dma_wait3A_185 = arith.constant 0 : i32
      %dma_wait3A_186 = tpu.memref_slice %arg15[%add3A_150, %dma_wait3A_185] : memref<40x128xi32, #tpu.memory_space<vmem>> -> memref<1x128xi32, #tpu.memory_space<vmem>>
      %dma_wait3A_187 = tpu.memref_squeeze %dma_wait3A_186 : memref<1x128xi32, #tpu.memory_space<vmem>> -> memref<128xi32, #tpu.memory_space<vmem>>
      %dma_wait3A_188 = arith.constant 0 : i32
      %dma_wait3A_189 = arith.constant 0 : i32
      %dma_wait3A_190 = tpu.memref_slice %arg3[%dma_wait3A_188, %dma_wait3A_189] : memref<10240x16xf32, #tpu.memory_space<hbm>> -> memref<10240x16xf32, #tpu.memory_space<hbm>>
      %dma_wait3A_191 = tpu.memref_slice %arg22[%dma_wait3A_180] : memref<2x!tpu.dma_semaphore, #tpu.memory_space<semaphore_mem>> -> memref<1x!tpu.dma_semaphore, #tpu.memory_space<semaphore_mem>>
      %dma_wait3A_192 = tpu.memref_squeeze %dma_wait3A_191 : memref<1x!tpu.dma_semaphore, #tpu.memory_space<semaphore_mem>> -> memref<!tpu.dma_semaphore, #tpu.memory_space<semaphore_mem>>
      tpu.wait_indirect_dma semaphore(%dma_wait3A_192 : memref<!tpu.dma_semaphore, #tpu.memory_space<semaphore_mem>>) src(%dma_wait3A_190 : memref<10240x16xf32, #tpu.memory_space<hbm>>) dst(%dma_wait3A_184 : memref<128x16xf32, #tpu.memory_space<vmem>>)
      %iota3A_193 = tpu.iota {dimensions = array<i32: 0>} : vector<16xi32>
      %lt3A_194 = arith.constant 8 : i32
      %lt3A_195 = vector.broadcast %lt3A_194 : i32 to vector<16xi32>
      %lt3A_196 = arith.cmpi slt, %iota3A_193, %lt3A_195 : vector<16xi32>
      %convert_element_type3A_197 = arith.extui %lt3A_196 : vector<16xi1> to vector<16xi32>
      %convert_element_type3A_198 = arith.sitofp %convert_element_type3A_197 : vector<16xi32> to vector<16xf32>
      %sub3A_199 = arith.constant 1.000000e+00 : f32
      %sub3A_200 = vector.broadcast %sub3A_199 : f32 to vector<16xf32>
      %sub3A_201 = arith.subf %sub3A_200, %convert_element_type3A_198 : vector<16xf32>
      %scan3A_202 = arith.constant 1 : i32
      %scan3A_203 = arith.constant 0 : i32
      %scan3A_204 = arith.constant 8 : i32
      %scan3A_205 = arith.addi %scan3A_203, %scan3A_204 : i32
      %scan3A_206 = arith.constant 1 : i32
      scf.for %scan3A_211 = %scan3A_203 to %scan3A_205 step %scan3A_206  : i32 {
        %mul3A_212 = arith.constant 1 : i32
        %mul3A_213 = arith.muli %scan3A_211, %mul3A_212 : i32
        %add3A_214 = arith.constant 0 : i32
        %add3A_215 = arith.addi %add3A_214, %mul3A_213 : i32
        %mul3A_216 = arith.constant 16 : i32
        %mul3A_217 = arith.muli %add3A_215, %mul3A_216 : i32
        %get3A = arith.index_cast %add3A_150 : i32 to index
        %get3A_218 = arith.index_cast %mul3A_217 : i32 to index
        %get3A_219 = tpu.vector_load %arg16[%get3A, %get3A_218] {strides = array<i32>} : memref<40x128xf32, #tpu.memory_space<vmem>>, vector<16xf32>,
        %mul3A_220 = arith.constant 16 : i32
        %mul3A_221 = arith.muli %add3A_215, %mul3A_220 : i32
        %add3A_222 = arith.constant 0 : i32
        %add3A_223 = arith.addi %mul3A_221, %add3A_222 : i32
        %get3A_224 = arith.constant 0 : i32
        %get3A_225 = arith.constant 0 : i32
        %get3A_226 = tpu.memref_slice %arg17[%scan3A_202, %get3A_224, %get3A_225] : memref<2x128x16xf32, #tpu.memory_space<vmem>> -> memref<1x128x16xf32, #tpu.memory_space<vmem>>
        %get3A_227 = tpu.memref_squeeze %get3A_226 : memref<1x128x16xf32, #tpu.memory_space<vmem>> -> memref<128x16xf32, #tpu.memory_space<vmem>>
        %get3A_228 = arith.index_cast %add3A_223 : i32 to index
        %get3A_229 = arith.constant 0 : index
        %get3A_230 = tpu.vector_load %get3A_227[%get3A_228, %get3A_229] {strides = array<i32>} : memref<128x16xf32, #tpu.memory_space<vmem>>, vector<16xf32>,
        %slice3A = vector.extract_strided_slice %get3A_219 {offsets = [0], sizes = [1], strides = [1]} : vector<16xf32> to vector<1xf32>
        %squeeze3A = vector.extract %slice3A[0] : f32 from vector<1xf32>
        %mul3A_231 = vector.broadcast %squeeze3A : f32 to vector<16xf32>
        %mul3A_232 = arith.mulf %convert_element_type3A_198, %mul3A_231 : vector<16xf32>
        %add3A_233 = arith.addf %mul3A_232, %sub3A_201 : vector<16xf32>
        %mul3A_234 = arith.mulf %get3A_230, %add3A_233 : vector<16xf32>
        %swap3A = arith.constant 0 : i32
        %swap3A_235 = arith.constant 0 : i32
        %swap3A_236 = tpu.memref_slice %arg17[%scan3A_202, %swap3A, %swap3A_235] : memref<2x128x16xf32, #tpu.memory_space<vmem>> -> memref<1x128x16xf32, #tpu.memory_space<vmem>>
        %swap3A_237 = tpu.memref_squeeze %swap3A_236 : memref<1x128x16xf32, #tpu.memory_space<vmem>> -> memref<128x16xf32, #tpu.memory_space<vmem>>
        %swap3A_238 = arith.index_cast %add3A_223 : i32 to index
        %swap3A_239 = arith.constant 0 : index
        %swap3A_240 = tpu.vector_load %swap3A_237[%swap3A_238, %swap3A_239] {strides = array<i32>} : memref<128x16xf32, #tpu.memory_space<vmem>>, vector<16xf32>,
        tpu.vector_store %swap3A_237[%swap3A_238, %swap3A_239], %mul3A_234 {strides = array<i32>} : memref<128x16xf32, #tpu.memory_space<vmem>>, vector<16xf32>,
        %mul3A_241 = arith.constant 16 : i32
        %mul3A_242 = arith.muli %add3A_215, %mul3A_241 : i32
        %add3A_243 = arith.constant 1 : i32
        %add3A_244 = arith.addi %mul3A_242, %add3A_243 : i32
        %get3A_245 = arith.constant 0 : i32
        %get3A_246 = arith.constant 0 : i32
        %get3A_247 = tpu.memref_slice %arg17[%scan3A_202, %get3A_245, %get3A_246] : memref<2x128x16xf32, #tpu.memory_space<vmem>> -> memref<1x128x16xf32, #tpu.memory_space<vmem>>
        %get3A_248 = tpu.memref_squeeze %get3A_247 : memref<1x128x16xf32, #tpu.memory_space<vmem>> -> memref<128x16xf32, #tpu.memory_space<vmem>>
        %get3A_249 = arith.index_cast %add3A_244 : i32 to index
        %get3A_250 = arith.constant 0 : index
        %get3A_251 = tpu.vector_load %get3A_248[%get3A_249, %get3A_250] {strides = array<i32>} : memref<128x16xf32, #tpu.memory_space<vmem>>, vector<16xf32>,
        %slice3A_252 = vector.extract_strided_slice %get3A_219 {offsets = [1], sizes = [1], strides = [1]} : vector<16xf32> to vector<1xf32>
        %squeeze3A_253 = vector.extract %slice3A_252[0] : f32 from vector<1xf32>
        %mul3A_254 = vector.broadcast %squeeze3A_253 : f32 to vector<16xf32>
        %mul3A_255 = arith.mulf %convert_element_type3A_198, %mul3A_254 : vector<16xf32>
        %add3A_256 = arith.addf %mul3A_255, %sub3A_201 : vector<16xf32>
        %mul3A_257 = arith.mulf %get3A_251, %add3A_256 : vector<16xf32>
        %swap3A_258 = arith.constant 0 : i32
        %swap3A_259 = arith.constant 0 : i32
        %swap3A_260 = tpu.memref_slice %arg17[%scan3A_202, %swap3A_258, %swap3A_259] : memref<2x128x16xf32, #tpu.memory_space<vmem>> -> memref<1x128x16xf32, #tpu.memory_space<vmem>>
        %swap3A_261 = tpu.memref_squeeze %swap3A_260 : memref<1x128x16xf32, #tpu.memory_space<vmem>> -> memref<128x16xf32, #tpu.memory_space<vmem>>
        %swap3A_262 = arith.index_cast %add3A_244 : i32 to index
        %swap3A_263 = arith.constant 0 : index
        %swap3A_264 = tpu.vector_load %swap3A_261[%swap3A_262, %swap3A_263] {strides = array<i32>} : memref<128x16xf32, #tpu.memory_space<vmem>>, vector<16xf32>,
        tpu.vector_store %swap3A_261[%swap3A_262, %swap3A_263], %mul3A_257 {strides = array<i32>} : memref<128x16xf32, #tpu.memory_space<vmem>>, vector<16xf32>,
        %mul3A_265 = arith.constant 16 : i32
        %mul3A_266 = arith.muli %add3A_215, %mul3A_265 : i32
        %add3A_267 = arith.constant 2 : i32
        %add3A_268 = arith.addi %mul3A_266, %add3A_267 : i32
        %get3A_269 = arith.constant 0 : i32
        %get3A_270 = arith.constant 0 : i32
        %get3A_271 = tpu.memref_slice %arg17[%scan3A_202, %get3A_269, %get3A_270] : memref<2x128x16xf32, #tpu.memory_space<vmem>> -> memref<1x128x16xf32, #tpu.memory_space<vmem>>
        %get3A_272 = tpu.memref_squeeze %get3A_271 : memref<1x128x16xf32, #tpu.memory_space<vmem>> -> memref<128x16xf32, #tpu.memory_space<vmem>>
        %get3A_273 = arith.index_cast %add3A_268 : i32 to index
        %get3A_274 = arith.constant 0 : index
        %get3A_275 = tpu.vector_load %get3A_272[%get3A_273, %get3A_274] {strides = array<i32>} : memref<128x16xf32, #tpu.memory_space<vmem>>, vector<16xf32>,
        %slice3A_276 = vector.extract_strided_slice %get3A_219 {offsets = [2], sizes = [1], strides = [1]} : vector<16xf32> to vector<1xf32>
        %squeeze3A_277 = vector.extract %slice3A_276[0] : f32 from vector<1xf32>
        %mul3A_278 = vector.broadcast %squeeze3A_277 : f32 to vector<16xf32>
        %mul3A_279 = arith.mulf %convert_element_type3A_198, %mul3A_278 : vector<16xf32>
        %add3A_280 = arith.addf %mul3A_279, %sub3A_201 : vector<16xf32>
        %mul3A_281 = arith.mulf %get3A_275, %add3A_280 : vector<16xf32>
        %swap3A_282 = arith.constant 0 : i32
        %swap3A_283 = arith.constant 0 : i32
        %swap3A_284 = tpu.memref_slice %arg17[%scan3A_202, %swap3A_282, %swap3A_283] : memref<2x128x16xf32, #tpu.memory_space<vmem>> -> memref<1x128x16xf32, #tpu.memory_space<vmem>>
        %swap3A_285 = tpu.memref_squeeze %swap3A_284 : memref<1x128x16xf32, #tpu.memory_space<vmem>> -> memref<128x16xf32, #tpu.memory_space<vmem>>
        %swap3A_286 = arith.index_cast %add3A_268 : i32 to index
        %swap3A_287 = arith.constant 0 : index
        %swap3A_288 = tpu.vector_load %swap3A_285[%swap3A_286, %swap3A_287] {strides = array<i32>} : memref<128x16xf32, #tpu.memory_space<vmem>>, vector<16xf32>,
        tpu.vector_store %swap3A_285[%swap3A_286, %swap3A_287], %mul3A_281 {strides = array<i32>} : memref<128x16xf32, #tpu.memory_space<vmem>>, vector<16xf32>,
        %mul3A_289 = arith.constant 16 : i32
        %mul3A_290 = arith.muli %add3A_215, %mul3A_289 : i32
        %add3A_291 = arith.constant 3 : i32
        %add3A_292 = arith.addi %mul3A_290, %add3A_291 : i32
        %get3A_293 = arith.constant 0 : i32
        %get3A_294 = arith.constant 0 : i32
        %get3A_295 = tpu.memref_slice %arg17[%scan3A_202, %get3A_293, %get3A_294] : memref<2x128x16xf32, #tpu.memory_space<vmem>> -> memref<1x128x16xf32, #tpu.memory_space<vmem>>
        %get3A_296 = tpu.memref_squeeze %get3A_295 : memref<1x128x16xf32, #tpu.memory_space<vmem>> -> memref<128x16xf32, #tpu.memory_space<vmem>>
        %get3A_297 = arith.index_cast %add3A_292 : i32 to index
        %get3A_298 = arith.constant 0 : index
        %get3A_299 = tpu.vector_load %get3A_296[%get3A_297, %get3A_298] {strides = array<i32>} : memref<128x16xf32, #tpu.memory_space<vmem>>, vector<16xf32>,
        %slice3A_300 = vector.extract_strided_slice %get3A_219 {offsets = [3], sizes = [1], strides = [1]} : vector<16xf32> to vector<1xf32>
        %squeeze3A_301 = vector.extract %slice3A_300[0] : f32 from vector<1xf32>
        %mul3A_302 = vector.broadcast %squeeze3A_301 : f32 to vector<16xf32>
        %mul3A_303 = arith.mulf %convert_element_type3A_198, %mul3A_302 : vector<16xf32>
        %add3A_304 = arith.addf %mul3A_303, %sub3A_201 : vector<16xf32>
        %mul3A_305 = arith.mulf %get3A_299, %add3A_304 : vector<16xf32>
        %swap3A_306 = arith.constant 0 : i32
        %swap3A_307 = arith.constant 0 : i32
        %swap3A_308 = tpu.memref_slice %arg17[%scan3A_202, %swap3A_306, %swap3A_307] : memref<2x128x16xf32, #tpu.memory_space<vmem>> -> memref<1x128x16xf32, #tpu.memory_space<vmem>>
        %swap3A_309 = tpu.memref_squeeze %swap3A_308 : memref<1x128x16xf32, #tpu.memory_space<vmem>> -> memref<128x16xf32, #tpu.memory_space<vmem>>
        %swap3A_310 = arith.index_cast %add3A_292 : i32 to index
        %swap3A_311 = arith.constant 0 : index
        %swap3A_312 = tpu.vector_load %swap3A_309[%swap3A_310, %swap3A_311] {strides = array<i32>} : memref<128x16xf32, #tpu.memory_space<vmem>>, vector<16xf32>,
        tpu.vector_store %swap3A_309[%swap3A_310, %swap3A_311], %mul3A_305 {strides = array<i32>} : memref<128x16xf32, #tpu.memory_space<vmem>>, vector<16xf32>,
        %mul3A_313 = arith.constant 16 : i32
        %mul3A_314 = arith.muli %add3A_215, %mul3A_313 : i32
        %add3A_315 = arith.constant 4 : i32
        %add3A_316 = arith.addi %mul3A_314, %add3A_315 : i32
        %get3A_317 = arith.constant 0 : i32
        %get3A_318 = arith.constant 0 : i32
        %get3A_319 = tpu.memref_slice %arg17[%scan3A_202, %get3A_317, %get3A_318] : memref<2x128x16xf32, #tpu.memory_space<vmem>> -> memref<1x128x16xf32, #tpu.memory_space<vmem>>
        %get3A_320 = tpu.memref_squeeze %get3A_319 : memref<1x128x16xf32, #tpu.memory_space<vmem>> -> memref<128x16xf32, #tpu.memory_space<vmem>>
        %get3A_321 = arith.index_cast %add3A_316 : i32 to index
        %get3A_322 = arith.constant 0 : index
        %get3A_323 = tpu.vector_load %get3A_320[%get3A_321, %get3A_322] {strides = array<i32>} : memref<128x16xf32, #tpu.memory_space<vmem>>, vector<16xf32>,
        %slice3A_324 = vector.extract_strided_slice %get3A_219 {offsets = [4], sizes = [1], strides = [1]} : vector<16xf32> to vector<1xf32>
        %squeeze3A_325 = vector.extract %slice3A_324[0] : f32 from vector<1xf32>
        %mul3A_326 = vector.broadcast %squeeze3A_325 : f32 to vector<16xf32>
        %mul3A_327 = arith.mulf %convert_element_type3A_198, %mul3A_326 : vector<16xf32>
        %add3A_328 = arith.addf %mul3A_327, %sub3A_201 : vector<16xf32>
        %mul3A_329 = arith.mulf %get3A_323, %add3A_328 : vector<16xf32>
        %swap3A_330 = arith.constant 0 : i32
        %swap3A_331 = arith.constant 0 : i32
        %swap3A_332 = tpu.memref_slice %arg17[%scan3A_202, %swap3A_330, %swap3A_331] : memref<2x128x16xf32, #tpu.memory_space<vmem>> -> memref<1x128x16xf32, #tpu.memory_space<vmem>>
        %swap3A_333 = tpu.memref_squeeze %swap3A_332 : memref<1x128x16xf32, #tpu.memory_space<vmem>> -> memref<128x16xf32, #tpu.memory_space<vmem>>
        %swap3A_334 = arith.index_cast %add3A_316 : i32 to index
        %swap3A_335 = arith.constant 0 : index
        %swap3A_336 = tpu.vector_load %swap3A_333[%swap3A_334, %swap3A_335] {strides = array<i32>} : memref<128x16xf32, #tpu.memory_space<vmem>>, vector<16xf32>,
        tpu.vector_store %swap3A_333[%swap3A_334, %swap3A_335], %mul3A_329 {strides = array<i32>} : memref<128x16xf32, #tpu.memory_space<vmem>>, vector<16xf32>,
        %mul3A_337 = arith.constant 16 : i32
        %mul3A_338 = arith.muli %add3A_215, %mul3A_337 : i32
        %add3A_339 = arith.constant 5 : i32
        %add3A_340 = arith.addi %mul3A_338, %add3A_339 : i32
        %get3A_341 = arith.constant 0 : i32
        %get3A_342 = arith.constant 0 : i32
        %get3A_343 = tpu.memref_slice %arg17[%scan3A_202, %get3A_341, %get3A_342] : memref<2x128x16xf32, #tpu.memory_space<vmem>> -> memref<1x128x16xf32, #tpu.memory_space<vmem>>
        %get3A_344 = tpu.memref_squeeze %get3A_343 : memref<1x128x16xf32, #tpu.memory_space<vmem>> -> memref<128x16xf32, #tpu.memory_space<vmem>>
        %get3A_345 = arith.index_cast %add3A_340 : i32 to index
        %get3A_346 = arith.constant 0 : index
        %get3A_347 = tpu.vector_load %get3A_344[%get3A_345, %get3A_346] {strides = array<i32>} : memref<128x16xf32, #tpu.memory_space<vmem>>, vector<16xf32>,
        %slice3A_348 = vector.extract_strided_slice %get3A_219 {offsets = [5], sizes = [1], strides = [1]} : vector<16xf32> to vector<1xf32>
        %squeeze3A_349 = vector.extract %slice3A_348[0] : f32 from vector<1xf32>
        %mul3A_350 = vector.broadcast %squeeze3A_349 : f32 to vector<16xf32>
        %mul3A_351 = arith.mulf %convert_element_type3A_198, %mul3A_350 : vector<16xf32>
        %add3A_352 = arith.addf %mul3A_351, %sub3A_201 : vector<16xf32>
        %mul3A_353 = arith.mulf %get3A_347, %add3A_352 : vector<16xf32>
        %swap3A_354 = arith.constant 0 : i32
        %swap3A_355 = arith.constant 0 : i32
        %swap3A_356 = tpu.memref_slice %arg17[%scan3A_202, %swap3A_354, %swap3A_355] : memref<2x128x16xf32, #tpu.memory_space<vmem>> -> memref<1x128x16xf32, #tpu.memory_space<vmem>>
        %swap3A_357 = tpu.memref_squeeze %swap3A_356 : memref<1x128x16xf32, #tpu.memory_space<vmem>> -> memref<128x16xf32, #tpu.memory_space<vmem>>
        %swap3A_358 = arith.index_cast %add3A_340 : i32 to index
        %swap3A_359 = arith.constant 0 : index
        %swap3A_360 = tpu.vector_load %swap3A_357[%swap3A_358, %swap3A_359] {strides = array<i32>} : memref<128x16xf32, #tpu.memory_space<vmem>>, vector<16xf32>,
        tpu.vector_store %swap3A_357[%swap3A_358, %swap3A_359], %mul3A_353 {strides = array<i32>} : memref<128x16xf32, #tpu.memory_space<vmem>>, vector<16xf32>,
        %mul3A_361 = arith.constant 16 : i32
        %mul3A_362 = arith.muli %add3A_215, %mul3A_361 : i32
        %add3A_363 = arith.constant 6 : i32
        %add3A_364 = arith.addi %mul3A_362, %add3A_363 : i32
        %get3A_365 = arith.constant 0 : i32
        %get3A_366 = arith.constant 0 : i32
        %get3A_367 = tpu.memref_slice %arg17[%scan3A_202, %get3A_365, %get3A_366] : memref<2x128x16xf32, #tpu.memory_space<vmem>> -> memref<1x128x16xf32, #tpu.memory_space<vmem>>
        %get3A_368 = tpu.memref_squeeze %get3A_367 : memref<1x128x16xf32, #tpu.memory_space<vmem>> -> memref<128x16xf32, #tpu.memory_space<vmem>>
        %get3A_369 = arith.index_cast %add3A_364 : i32 to index
        %get3A_370 = arith.constant 0 : index
        %get3A_371 = tpu.vector_load %get3A_368[%get3A_369, %get3A_370] {strides = array<i32>} : memref<128x16xf32, #tpu.memory_space<vmem>>, vector<16xf32>,
        %slice3A_372 = vector.extract_strided_slice %get3A_219 {offsets = [6], sizes = [1], strides = [1]} : vector<16xf32> to vector<1xf32>
        %squeeze3A_373 = vector.extract %slice3A_372[0] : f32 from vector<1xf32>
        %mul3A_374 = vector.broadcast %squeeze3A_373 : f32 to vector<16xf32>
        %mul3A_375 = arith.mulf %convert_element_type3A_198, %mul3A_374 : vector<16xf32>
        %add3A_376 = arith.addf %mul3A_375, %sub3A_201 : vector<16xf32>
        %mul3A_377 = arith.mulf %get3A_371, %add3A_376 : vector<16xf32>
        %swap3A_378 = arith.constant 0 : i32
        %swap3A_379 = arith.constant 0 : i32
        %swap3A_380 = tpu.memref_slice %arg17[%scan3A_202, %swap3A_378, %swap3A_379] : memref<2x128x16xf32, #tpu.memory_space<vmem>> -> memref<1x128x16xf32, #tpu.memory_space<vmem>>
        %swap3A_381 = tpu.memref_squeeze %swap3A_380 : memref<1x128x16xf32, #tpu.memory_space<vmem>> -> memref<128x16xf32, #tpu.memory_space<vmem>>
        %swap3A_382 = arith.index_cast %add3A_364 : i32 to index
        %swap3A_383 = arith.constant 0 : index
        %swap3A_384 = tpu.vector_load %swap3A_381[%swap3A_382, %swap3A_383] {strides = array<i32>} : memref<128x16xf32, #tpu.memory_space<vmem>>, vector<16xf32>,
        tpu.vector_store %swap3A_381[%swap3A_382, %swap3A_383], %mul3A_377 {strides = array<i32>} : memref<128x16xf32, #tpu.memory_space<vmem>>, vector<16xf32>,
        %mul3A_385 = arith.constant 16 : i32
        %mul3A_386 = arith.muli %add3A_215, %mul3A_385 : i32
        %add3A_387 = arith.constant 7 : i32
        %add3A_388 = arith.addi %mul3A_386, %add3A_387 : i32
        %get3A_389 = arith.constant 0 : i32
        %get3A_390 = arith.constant 0 : i32
        %get3A_391 = tpu.memref_slice %arg17[%scan3A_202, %get3A_389, %get3A_390] : memref<2x128x16xf32, #tpu.memory_space<vmem>> -> memref<1x128x16xf32, #tpu.memory_space<vmem>>
        %get3A_392 = tpu.memref_squeeze %get3A_391 : memref<1x128x16xf32, #tpu.memory_space<vmem>> -> memref<128x16xf32, #tpu.memory_space<vmem>>
        %get3A_393 = arith.index_cast %add3A_388 : i32 to index
        %get3A_394 = arith.constant 0 : index
        %get3A_395 = tpu.vector_load %get3A_392[%get3A_393, %get3A_394] {strides = array<i32>} : memref<128x16xf32, #tpu.memory_space<vmem>>, vector<16xf32>,
        %slice3A_396 = vector.extract_strided_slice %get3A_219 {offsets = [7], sizes = [1], strides = [1]} : vector<16xf32> to vector<1xf32>
        %squeeze3A_397 = vector.extract %slice3A_396[0] : f32 from vector<1xf32>
        %mul3A_398 = vector.broadcast %squeeze3A_397 : f32 to vector<16xf32>
        %mul3A_399 = arith.mulf %convert_element_type3A_198, %mul3A_398 : vector<16xf32>
        %add3A_400 = arith.addf %mul3A_399, %sub3A_201 : vector<16xf32>
        %mul3A_401 = arith.mulf %get3A_395, %add3A_400 : vector<16xf32>
        %swap3A_402 = arith.constant 0 : i32
        %swap3A_403 = arith.constant 0 : i32
        %swap3A_404 = tpu.memref_slice %arg17[%scan3A_202, %swap3A_402, %swap3A_403] : memref<2x128x16xf32, #tpu.memory_space<vmem>> -> memref<1x128x16xf32, #tpu.memory_space<vmem>>
        %swap3A_405 = tpu.memref_squeeze %swap3A_404 : memref<1x128x16xf32, #tpu.memory_space<vmem>> -> memref<128x16xf32, #tpu.memory_space<vmem>>
        %swap3A_406 = arith.index_cast %add3A_388 : i32 to index
        %swap3A_407 = arith.constant 0 : index
        %swap3A_408 = tpu.vector_load %swap3A_405[%swap3A_406, %swap3A_407] {strides = array<i32>} : memref<128x16xf32, #tpu.memory_space<vmem>>, vector<16xf32>,
        tpu.vector_store %swap3A_405[%swap3A_406, %swap3A_407], %mul3A_401 {strides = array<i32>} : memref<128x16xf32, #tpu.memory_space<vmem>>, vector<16xf32>,
        %mul3A_409 = arith.constant 16 : i32
        %mul3A_410 = arith.muli %add3A_215, %mul3A_409 : i32
        %add3A_411 = arith.constant 8 : i32
        %add3A_412 = arith.addi %mul3A_410, %add3A_411 : i32
        %get3A_413 = arith.constant 0 : i32
        %get3A_414 = arith.constant 0 : i32
        %get3A_415 = tpu.memref_slice %arg17[%scan3A_202, %get3A_413, %get3A_414] : memref<2x128x16xf32, #tpu.memory_space<vmem>> -> memref<1x128x16xf32, #tpu.memory_space<vmem>>
        %get3A_416 = tpu.memref_squeeze %get3A_415 : memref<1x128x16xf32, #tpu.memory_space<vmem>> -> memref<128x16xf32, #tpu.memory_space<vmem>>
        %get3A_417 = arith.index_cast %add3A_412 : i32 to index
        %get3A_418 = arith.constant 0 : index
        %get3A_419 = tpu.vector_load %get3A_416[%get3A_417, %get3A_418] {strides = array<i32>} : memref<128x16xf32, #tpu.memory_space<vmem>>, vector<16xf32>,
        %slice3A_420 = vector.extract_strided_slice %get3A_219 {offsets = [8], sizes = [1], strides = [1]} : vector<16xf32> to vector<1xf32>
        %squeeze3A_421 = vector.extract %slice3A_420[0] : f32 from vector<1xf32>
        %mul3A_422 = vector.broadcast %squeeze3A_421 : f32 to vector<16xf32>
        %mul3A_423 = arith.mulf %convert_element_type3A_198, %mul3A_422 : vector<16xf32>
        %add3A_424 = arith.addf %mul3A_423, %sub3A_201 : vector<16xf32>
        %mul3A_425 = arith.mulf %get3A_419, %add3A_424 : vector<16xf32>
        %swap3A_426 = arith.constant 0 : i32
        %swap3A_427 = arith.constant 0 : i32
        %swap3A_428 = tpu.memref_slice %arg17[%scan3A_202, %swap3A_426, %swap3A_427] : memref<2x128x16xf32, #tpu.memory_space<vmem>> -> memref<1x128x16xf32, #tpu.memory_space<vmem>>
        %swap3A_429 = tpu.memref_squeeze %swap3A_428 : memref<1x128x16xf32, #tpu.memory_space<vmem>> -> memref<128x16xf32, #tpu.memory_space<vmem>>
        %swap3A_430 = arith.index_cast %add3A_412 : i32 to index
        %swap3A_431 = arith.constant 0 : index
        %swap3A_432 = tpu.vector_load %swap3A_429[%swap3A_430, %swap3A_431] {strides = array<i32>} : memref<128x16xf32, #tpu.memory_space<vmem>>, vector<16xf32>,
        tpu.vector_store %swap3A_429[%swap3A_430, %swap3A_431], %mul3A_425 {strides = array<i32>} : memref<128x16xf32, #tpu.memory_space<vmem>>, vector<16xf32>,
        %mul3A_433 = arith.constant 16 : i32
        %mul3A_434 = arith.muli %add3A_215, %mul3A_433 : i32
        %add3A_435 = arith.constant 9 : i32
        %add3A_436 = arith.addi %mul3A_434, %add3A_435 : i32
        %get3A_437 = arith.constant 0 : i32
        %get3A_438 = arith.constant 0 : i32
        %get3A_439 = tpu.memref_slice %arg17[%scan3A_202, %get3A_437, %get3A_438] : memref<2x128x16xf32, #tpu.memory_space<vmem>> -> memref<1x128x16xf32, #tpu.memory_space<vmem>>
        %get3A_440 = tpu.memref_squeeze %get3A_439 : memref<1x128x16xf32, #tpu.memory_space<vmem>> -> memref<128x16xf32, #tpu.memory_space<vmem>>
        %get3A_441 = arith.index_cast %add3A_436 : i32 to index
        %get3A_442 = arith.constant 0 : index
        %get3A_443 = tpu.vector_load %get3A_440[%get3A_441, %get3A_442] {strides = array<i32>} : memref<128x16xf32, #tpu.memory_space<vmem>>, vector<16xf32>,
        %slice3A_444 = vector.extract_strided_slice %get3A_219 {offsets = [9], sizes = [1], strides = [1]} : vector<16xf32> to vector<1xf32>
        %squeeze3A_445 = vector.extract %slice3A_444[0] : f32 from vector<1xf32>
        %mul3A_446 = vector.broadcast %squeeze3A_445 : f32 to vector<16xf32>
        %mul3A_447 = arith.mulf %convert_element_type3A_198, %mul3A_446 : vector<16xf32>
        %add3A_448 = arith.addf %mul3A_447, %sub3A_201 : vector<16xf32>
        %mul3A_449 = arith.mulf %get3A_443, %add3A_448 : vector<16xf32>
        %swap3A_450 = arith.constant 0 : i32
        %swap3A_451 = arith.constant 0 : i32
        %swap3A_452 = tpu.memref_slice %arg17[%scan3A_202, %swap3A_450, %swap3A_451] : memref<2x128x16xf32, #tpu.memory_space<vmem>> -> memref<1x128x16xf32, #tpu.memory_space<vmem>>
        %swap3A_453 = tpu.memref_squeeze %swap3A_452 : memref<1x128x16xf32, #tpu.memory_space<vmem>> -> memref<128x16xf32, #tpu.memory_space<vmem>>
        %swap3A_454 = arith.index_cast %add3A_436 : i32 to index
        %swap3A_455 = arith.constant 0 : index
        %swap3A_456 = tpu.vector_load %swap3A_453[%swap3A_454, %swap3A_455] {strides = array<i32>} : memref<128x16xf32, #tpu.memory_space<vmem>>, vector<16xf32>,
        tpu.vector_store %swap3A_453[%swap3A_454, %swap3A_455], %mul3A_449 {strides = array<i32>} : memref<128x16xf32, #tpu.memory_space<vmem>>, vector<16xf32>,
        %mul3A_457 = arith.constant 16 : i32
        %mul3A_458 = arith.muli %add3A_215, %mul3A_457 : i32
        %add3A_459 = arith.constant 10 : i32
        %add3A_460 = arith.addi %mul3A_458, %add3A_459 : i32
        %get3A_461 = arith.constant 0 : i32
        %get3A_462 = arith.constant 0 : i32
        %get3A_463 = tpu.memref_slice %arg17[%scan3A_202, %get3A_461, %get3A_462] : memref<2x128x16xf32, #tpu.memory_space<vmem>> -> memref<1x128x16xf32, #tpu.memory_space<vmem>>
        %get3A_464 = tpu.memref_squeeze %get3A_463 : memref<1x128x16xf32, #tpu.memory_space<vmem>> -> memref<128x16xf32, #tpu.memory_space<vmem>>
        %get3A_465 = arith.index_cast %add3A_460 : i32 to index
        %get3A_466 = arith.constant 0 : index
        %get3A_467 = tpu.vector_load %get3A_464[%get3A_465, %get3A_466] {strides = array<i32>} : memref<128x16xf32, #tpu.memory_space<vmem>>, vector<16xf32>,
        %slice3A_468 = vector.extract_strided_slice %get3A_219 {offsets = [10], sizes = [1], strides = [1]} : vector<16xf32> to vector<1xf32>
        %squeeze3A_469 = vector.extract %slice3A_468[0] : f32 from vector<1xf32>
        %mul3A_470 = vector.broadcast %squeeze3A_469 : f32 to vector<16xf32>
        %mul3A_471 = arith.mulf %convert_element_type3A_198, %mul3A_470 : vector<16xf32>
        %add3A_472 = arith.addf %mul3A_471, %sub3A_201 : vector<16xf32>
        %mul3A_473 = arith.mulf %get3A_467, %add3A_472 : vector<16xf32>
        %swap3A_474 = arith.constant 0 : i32
        %swap3A_475 = arith.constant 0 : i32
        %swap3A_476 = tpu.memref_slice %arg17[%scan3A_202, %swap3A_474, %swap3A_475] : memref<2x128x16xf32, #tpu.memory_space<vmem>> -> memref<1x128x16xf32, #tpu.memory_space<vmem>>
        %swap3A_477 = tpu.memref_squeeze %swap3A_476 : memref<1x128x16xf32, #tpu.memory_space<vmem>> -> memref<128x16xf32, #tpu.memory_space<vmem>>
        %swap3A_478 = arith.index_cast %add3A_460 : i32 to index
        %swap3A_479 = arith.constant 0 : index
        %swap3A_480 = tpu.vector_load %swap3A_477[%swap3A_478, %swap3A_479] {strides = array<i32>} : memref<128x16xf32, #tpu.memory_space<vmem>>, vector<16xf32>,
        tpu.vector_store %swap3A_477[%swap3A_478, %swap3A_479], %mul3A_473 {strides = array<i32>} : memref<128x16xf32, #tpu.memory_space<vmem>>, vector<16xf32>,
        %mul3A_481 = arith.constant 16 : i32
        %mul3A_482 = arith.muli %add3A_215, %mul3A_481 : i32
        %add3A_483 = arith.constant 11 : i32
        %add3A_484 = arith.addi %mul3A_482, %add3A_483 : i32
        %get3A_485 = arith.constant 0 : i32
        %get3A_486 = arith.constant 0 : i32
        %get3A_487 = tpu.memref_slice %arg17[%scan3A_202, %get3A_485, %get3A_486] : memref<2x128x16xf32, #tpu.memory_space<vmem>> -> memref<1x128x16xf32, #tpu.memory_space<vmem>>
        %get3A_488 = tpu.memref_squeeze %get3A_487 : memref<1x128x16xf32, #tpu.memory_space<vmem>> -> memref<128x16xf32, #tpu.memory_space<vmem>>
        %get3A_489 = arith.index_cast %add3A_484 : i32 to index
        %get3A_490 = arith.constant 0 : index
        %get3A_491 = tpu.vector_load %get3A_488[%get3A_489, %get3A_490] {strides = array<i32>} : memref<128x16xf32, #tpu.memory_space<vmem>>, vector<16xf32>,
        %slice3A_492 = vector.extract_strided_slice %get3A_219 {offsets = [11], sizes = [1], strides = [1]} : vector<16xf32> to vector<1xf32>
        %squeeze3A_493 = vector.extract %slice3A_492[0] : f32 from vector<1xf32>
        %mul3A_494 = vector.broadcast %squeeze3A_493 : f32 to vector<16xf32>
        %mul3A_495 = arith.mulf %convert_element_type3A_198, %mul3A_494 : vector<16xf32>
        %add3A_496 = arith.addf %mul3A_495, %sub3A_201 : vector<16xf32>
        %mul3A_497 = arith.mulf %get3A_491, %add3A_496 : vector<16xf32>
        %swap3A_498 = arith.constant 0 : i32
        %swap3A_499 = arith.constant 0 : i32
        %swap3A_500 = tpu.memref_slice %arg17[%scan3A_202, %swap3A_498, %swap3A_499] : memref<2x128x16xf32, #tpu.memory_space<vmem>> -> memref<1x128x16xf32, #tpu.memory_space<vmem>>
        %swap3A_501 = tpu.memref_squeeze %swap3A_500 : memref<1x128x16xf32, #tpu.memory_space<vmem>> -> memref<128x16xf32, #tpu.memory_space<vmem>>
        %swap3A_502 = arith.index_cast %add3A_484 : i32 to index
        %swap3A_503 = arith.constant 0 : index
        %swap3A_504 = tpu.vector_load %swap3A_501[%swap3A_502, %swap3A_503] {strides = array<i32>} : memref<128x16xf32, #tpu.memory_space<vmem>>, vector<16xf32>,
        tpu.vector_store %swap3A_501[%swap3A_502, %swap3A_503], %mul3A_497 {strides = array<i32>} : memref<128x16xf32, #tpu.memory_space<vmem>>, vector<16xf32>,
        %mul3A_505 = arith.constant 16 : i32
        %mul3A_506 = arith.muli %add3A_215, %mul3A_505 : i32
        %add3A_507 = arith.constant 12 : i32
        %add3A_508 = arith.addi %mul3A_506, %add3A_507 : i32
        %get3A_509 = arith.constant 0 : i32
        %get3A_510 = arith.constant 0 : i32
        %get3A_511 = tpu.memref_slice %arg17[%scan3A_202, %get3A_509, %get3A_510] : memref<2x128x16xf32, #tpu.memory_space<vmem>> -> memref<1x128x16xf32, #tpu.memory_space<vmem>>
        %get3A_512 = tpu.memref_squeeze %get3A_511 : memref<1x128x16xf32, #tpu.memory_space<vmem>> -> memref<128x16xf32, #tpu.memory_space<vmem>>
        %get3A_513 = arith.index_cast %add3A_508 : i32 to index
        %get3A_514 = arith.constant 0 : index
        %get3A_515 = tpu.vector_load %get3A_512[%get3A_513, %get3A_514] {strides = array<i32>} : memref<128x16xf32, #tpu.memory_space<vmem>>, vector<16xf32>,
        %slice3A_516 = vector.extract_strided_slice %get3A_219 {offsets = [12], sizes = [1], strides = [1]} : vector<16xf32> to vector<1xf32>
        %squeeze3A_517 = vector.extract %slice3A_516[0] : f32 from vector<1xf32>
        %mul3A_518 = vector.broadcast %squeeze3A_517 : f32 to vector<16xf32>
        %mul3A_519 = arith.mulf %convert_element_type3A_198, %mul3A_518 : vector<16xf32>
        %add3A_520 = arith.addf %mul3A_519, %sub3A_201 : vector<16xf32>
        %mul3A_521 = arith.mulf %get3A_515, %add3A_520 : vector<16xf32>
        %swap3A_522 = arith.constant 0 : i32
        %swap3A_523 = arith.constant 0 : i32
        %swap3A_524 = tpu.memref_slice %arg17[%scan3A_202, %swap3A_522, %swap3A_523] : memref<2x128x16xf32, #tpu.memory_space<vmem>> -> memref<1x128x16xf32, #tpu.memory_space<vmem>>
        %swap3A_525 = tpu.memref_squeeze %swap3A_524 : memref<1x128x16xf32, #tpu.memory_space<vmem>> -> memref<128x16xf32, #tpu.memory_space<vmem>>
        %swap3A_526 = arith.index_cast %add3A_508 : i32 to index
        %swap3A_527 = arith.constant 0 : index
        %swap3A_528 = tpu.vector_load %swap3A_525[%swap3A_526, %swap3A_527] {strides = array<i32>} : memref<128x16xf32, #tpu.memory_space<vmem>>, vector<16xf32>,
        tpu.vector_store %swap3A_525[%swap3A_526, %swap3A_527], %mul3A_521 {strides = array<i32>} : memref<128x16xf32, #tpu.memory_space<vmem>>, vector<16xf32>,
        %mul3A_529 = arith.constant 16 : i32
        %mul3A_530 = arith.muli %add3A_215, %mul3A_529 : i32
        %add3A_531 = arith.constant 13 : i32
        %add3A_532 = arith.addi %mul3A_530, %add3A_531 : i32
        %get3A_533 = arith.constant 0 : i32
        %get3A_534 = arith.constant 0 : i32
        %get3A_535 = tpu.memref_slice %arg17[%scan3A_202, %get3A_533, %get3A_534] : memref<2x128x16xf32, #tpu.memory_space<vmem>> -> memref<1x128x16xf32, #tpu.memory_space<vmem>>
        %get3A_536 = tpu.memref_squeeze %get3A_535 : memref<1x128x16xf32, #tpu.memory_space<vmem>> -> memref<128x16xf32, #tpu.memory_space<vmem>>
        %get3A_537 = arith.index_cast %add3A_532 : i32 to index
        %get3A_538 = arith.constant 0 : index
        %get3A_539 = tpu.vector_load %get3A_536[%get3A_537, %get3A_538] {strides = array<i32>} : memref<128x16xf32, #tpu.memory_space<vmem>>, vector<16xf32>,
        %slice3A_540 = vector.extract_strided_slice %get3A_219 {offsets = [13], sizes = [1], strides = [1]} : vector<16xf32> to vector<1xf32>
        %squeeze3A_541 = vector.extract %slice3A_540[0] : f32 from vector<1xf32>
        %mul3A_542 = vector.broadcast %squeeze3A_541 : f32 to vector<16xf32>
        %mul3A_543 = arith.mulf %convert_element_type3A_198, %mul3A_542 : vector<16xf32>
        %add3A_544 = arith.addf %mul3A_543, %sub3A_201 : vector<16xf32>
        %mul3A_545 = arith.mulf %get3A_539, %add3A_544 : vector<16xf32>
        %swap3A_546 = arith.constant 0 : i32
        %swap3A_547 = arith.constant 0 : i32
        %swap3A_548 = tpu.memref_slice %arg17[%scan3A_202, %swap3A_546, %swap3A_547] : memref<2x128x16xf32, #tpu.memory_space<vmem>> -> memref<1x128x16xf32, #tpu.memory_space<vmem>>
        %swap3A_549 = tpu.memref_squeeze %swap3A_548 : memref<1x128x16xf32, #tpu.memory_space<vmem>> -> memref<128x16xf32, #tpu.memory_space<vmem>>
        %swap3A_550 = arith.index_cast %add3A_532 : i32 to index
        %swap3A_551 = arith.constant 0 : index
        %swap3A_552 = tpu.vector_load %swap3A_549[%swap3A_550, %swap3A_551] {strides = array<i32>} : memref<128x16xf32, #tpu.memory_space<vmem>>, vector<16xf32>,
        tpu.vector_store %swap3A_549[%swap3A_550, %swap3A_551], %mul3A_545 {strides = array<i32>} : memref<128x16xf32, #tpu.memory_space<vmem>>, vector<16xf32>,
        %mul3A_553 = arith.constant 16 : i32
        %mul3A_554 = arith.muli %add3A_215, %mul3A_553 : i32
        %add3A_555 = arith.constant 14 : i32
        %add3A_556 = arith.addi %mul3A_554, %add3A_555 : i32
        %get3A_557 = arith.constant 0 : i32
        %get3A_558 = arith.constant 0 : i32
        %get3A_559 = tpu.memref_slice %arg17[%scan3A_202, %get3A_557, %get3A_558] : memref<2x128x16xf32, #tpu.memory_space<vmem>> -> memref<1x128x16xf32, #tpu.memory_space<vmem>>
        %get3A_560 = tpu.memref_squeeze %get3A_559 : memref<1x128x16xf32, #tpu.memory_space<vmem>> -> memref<128x16xf32, #tpu.memory_space<vmem>>
        %get3A_561 = arith.index_cast %add3A_556 : i32 to index
        %get3A_562 = arith.constant 0 : index
        %get3A_563 = tpu.vector_load %get3A_560[%get3A_561, %get3A_562] {strides = array<i32>} : memref<128x16xf32, #tpu.memory_space<vmem>>, vector<16xf32>,
        %slice3A_564 = vector.extract_strided_slice %get3A_219 {offsets = [14], sizes = [1], strides = [1]} : vector<16xf32> to vector<1xf32>
        %squeeze3A_565 = vector.extract %slice3A_564[0] : f32 from vector<1xf32>
        %mul3A_566 = vector.broadcast %squeeze3A_565 : f32 to vector<16xf32>
        %mul3A_567 = arith.mulf %convert_element_type3A_198, %mul3A_566 : vector<16xf32>
        %add3A_568 = arith.addf %mul3A_567, %sub3A_201 : vector<16xf32>
        %mul3A_569 = arith.mulf %get3A_563, %add3A_568 : vector<16xf32>
        %swap3A_570 = arith.constant 0 : i32
        %swap3A_571 = arith.constant 0 : i32
        %swap3A_572 = tpu.memref_slice %arg17[%scan3A_202, %swap3A_570, %swap3A_571] : memref<2x128x16xf32, #tpu.memory_space<vmem>> -> memref<1x128x16xf32, #tpu.memory_space<vmem>>
        %swap3A_573 = tpu.memref_squeeze %swap3A_572 : memref<1x128x16xf32, #tpu.memory_space<vmem>> -> memref<128x16xf32, #tpu.memory_space<vmem>>
        %swap3A_574 = arith.index_cast %add3A_556 : i32 to index
        %swap3A_575 = arith.constant 0 : index
        %swap3A_576 = tpu.vector_load %swap3A_573[%swap3A_574, %swap3A_575] {strides = array<i32>} : memref<128x16xf32, #tpu.memory_space<vmem>>, vector<16xf32>,
        tpu.vector_store %swap3A_573[%swap3A_574, %swap3A_575], %mul3A_569 {strides = array<i32>} : memref<128x16xf32, #tpu.memory_space<vmem>>, vector<16xf32>,
        %mul3A_577 = arith.constant 16 : i32
        %mul3A_578 = arith.muli %add3A_215, %mul3A_577 : i32
        %add3A_579 = arith.constant 15 : i32
        %add3A_580 = arith.addi %mul3A_578, %add3A_579 : i32
        %get3A_581 = arith.constant 0 : i32
        %get3A_582 = arith.constant 0 : i32
        %get3A_583 = tpu.memref_slice %arg17[%scan3A_202, %get3A_581, %get3A_582] : memref<2x128x16xf32, #tpu.memory_space<vmem>> -> memref<1x128x16xf32, #tpu.memory_space<vmem>>
        %get3A_584 = tpu.memref_squeeze %get3A_583 : memref<1x128x16xf32, #tpu.memory_space<vmem>> -> memref<128x16xf32, #tpu.memory_space<vmem>>
        %get3A_585 = arith.index_cast %add3A_580 : i32 to index
        %get3A_586 = arith.constant 0 : index
        %get3A_587 = tpu.vector_load %get3A_584[%get3A_585, %get3A_586] {strides = array<i32>} : memref<128x16xf32, #tpu.memory_space<vmem>>, vector<16xf32>,
        %slice3A_588 = vector.extract_strided_slice %get3A_219 {offsets = [15], sizes = [1], strides = [1]} : vector<16xf32> to vector<1xf32>
        %squeeze3A_589 = vector.extract %slice3A_588[0] : f32 from vector<1xf32>
        %mul3A_590 = vector.broadcast %squeeze3A_589 : f32 to vector<16xf32>
        %mul3A_591 = arith.mulf %convert_element_type3A_198, %mul3A_590 : vector<16xf32>
        %add3A_592 = arith.addf %mul3A_591, %sub3A_201 : vector<16xf32>
        %mul3A_593 = arith.mulf %get3A_587, %add3A_592 : vector<16xf32>
        %swap3A_594 = arith.constant 0 : i32
        %swap3A_595 = arith.constant 0 : i32
        %swap3A_596 = tpu.memref_slice %arg17[%scan3A_202, %swap3A_594, %swap3A_595] : memref<2x128x16xf32, #tpu.memory_space<vmem>> -> memref<1x128x16xf32, #tpu.memory_space<vmem>>
        %swap3A_597 = tpu.memref_squeeze %swap3A_596 : memref<1x128x16xf32, #tpu.memory_space<vmem>> -> memref<128x16xf32, #tpu.memory_space<vmem>>
        %swap3A_598 = arith.index_cast %add3A_580 : i32 to index
        %swap3A_599 = arith.constant 0 : index
        %swap3A_600 = tpu.vector_load %swap3A_597[%swap3A_598, %swap3A_599] {strides = array<i32>} : memref<128x16xf32, #tpu.memory_space<vmem>>, vector<16xf32>,
        tpu.vector_store %swap3A_597[%swap3A_598, %swap3A_599], %mul3A_593 {strides = array<i32>} : memref<128x16xf32, #tpu.memory_space<vmem>>, vector<16xf32>,
      }
      %scan3A_207 = arith.constant 8 : i32
      %run_scoped3A_208 = arith.constant 1 : i32
      "tpu.region"() ({
        %run_scoped3A_211 = tpu.sem_alloc : memref<!tpu.dma_semaphore, #tpu.memory_space<semaphore_mem>>
        %dma_start3A_212 = arith.constant 0 : i32
        %dma_start3A_213 = arith.constant 0 : i32
        %dma_start3A_214 = tpu.memref_slice %arg17[%run_scoped3A_208, %dma_start3A_212, %dma_start3A_213] : memref<2x128x16xf32, #tpu.memory_space<vmem>> -> memref<1x128x16xf32, #tpu.memory_space<vmem>>
        %dma_start3A_215 = tpu.memref_squeeze %dma_start3A_214 : memref<1x128x16xf32, #tpu.memory_space<vmem>> -> memref<128x16xf32, #tpu.memory_space<vmem>>
        %dma_start3A_216 = arith.constant 0 : i32
        %dma_start3A_217 = tpu.memref_slice %arg15[%add3A_150, %dma_start3A_216] : memref<40x128xi32, #tpu.memory_space<vmem>> -> memref<1x128xi32, #tpu.memory_space<vmem>>
        %dma_start3A_218 = tpu.memref_squeeze %dma_start3A_217 : memref<1x128xi32, #tpu.memory_space<vmem>> -> memref<128xi32, #tpu.memory_space<vmem>>
        %dma_start3A_219 = arith.constant 0 : i32
        %dma_start3A_220 = arith.constant 0 : i32
        %dma_start3A_221 = tpu.memref_slice %arg11[%dma_start3A_219, %dma_start3A_220] : memref<10240x16xf32, #tpu.memory_space<vmem_shared>> -> memref<10240x16xf32, #tpu.memory_space<vmem_shared>>
        tpu.enqueue_indirect_dma source(%dma_start3A_215 : memref<128x16xf32, #tpu.memory_space<vmem>>) target(%dma_start3A_221 : memref<10240x16xf32, #tpu.memory_space<vmem_shared>>) offsets(%dma_start3A_218 : memref<128xi32, #tpu.memory_space<vmem>>) semaphore(%run_scoped3A_211 : memref<!tpu.dma_semaphore, #tpu.memory_space<semaphore_mem>>) {add = true}
        %dma_wait3A_222 = arith.constant 0 : i32
        %dma_wait3A_223 = arith.constant 0 : i32
        %dma_wait3A_224 = tpu.memref_slice %arg17[%run_scoped3A_208, %dma_wait3A_222, %dma_wait3A_223] : memref<2x128x16xf32, #tpu.memory_space<vmem>> -> memref<1x128x16xf32, #tpu.memory_space<vmem>>
        %dma_wait3A_225 = tpu.memref_squeeze %dma_wait3A_224 : memref<1x128x16xf32, #tpu.memory_space<vmem>> -> memref<128x16xf32, #tpu.memory_space<vmem>>
        %dma_wait3A_226 = arith.constant 0 : i32
        %dma_wait3A_227 = tpu.memref_slice %arg15[%add3A_150, %dma_wait3A_226] : memref<40x128xi32, #tpu.memory_space<vmem>> -> memref<1x128xi32, #tpu.memory_space<vmem>>
        %dma_wait3A_228 = tpu.memref_squeeze %dma_wait3A_227 : memref<1x128xi32, #tpu.memory_space<vmem>> -> memref<128xi32, #tpu.memory_space<vmem>>
        %dma_wait3A_229 = arith.constant 0 : i32
        %dma_wait3A_230 = arith.constant 0 : i32
        %dma_wait3A_231 = tpu.memref_slice %arg11[%dma_wait3A_229, %dma_wait3A_230] : memref<10240x16xf32, #tpu.memory_space<vmem_shared>> -> memref<10240x16xf32, #tpu.memory_space<vmem_shared>>
        tpu.wait_indirect_dma semaphore(%run_scoped3A_211 : memref<!tpu.dma_semaphore, #tpu.memory_space<semaphore_mem>>) src(%dma_wait3A_225 : memref<128x16xf32, #tpu.memory_space<vmem>>) dst(%dma_wait3A_231 : memref<10240x16xf32, #tpu.memory_space<vmem_shared>>)
        tpu.yield
      }) : () -> ()
      %run_scoped3A_209 = arith.constant 1 : i32
      "tpu.region"() ({
        %run_scoped3A_211 = tpu.sem_alloc : memref<!tpu.dma_semaphore, #tpu.memory_space<semaphore_mem>>
        %dma_start3A_212 = arith.constant 0 : i32
        %dma_start3A_213 = arith.constant 0 : i32
        %dma_start3A_214 = tpu.memref_slice %arg18[%run_scoped3A_209, %dma_start3A_212, %dma_start3A_213] : memref<2x128x16xf32, #tpu.memory_space<vmem>> -> memref<1x128x16xf32, #tpu.memory_space<vmem>>
        %dma_start3A_215 = tpu.memref_squeeze %dma_start3A_214 : memref<1x128x16xf32, #tpu.memory_space<vmem>> -> memref<128x16xf32, #tpu.memory_space<vmem>>
        %dma_start3A_216 = arith.constant 0 : i32
        %dma_start3A_217 = tpu.memref_slice %arg15[%add3A_150, %dma_start3A_216] : memref<40x128xi32, #tpu.memory_space<vmem>> -> memref<1x128xi32, #tpu.memory_space<vmem>>
        %dma_start3A_218 = tpu.memref_squeeze %dma_start3A_217 : memref<1x128xi32, #tpu.memory_space<vmem>> -> memref<128xi32, #tpu.memory_space<vmem>>
        %dma_start3A_219 = arith.constant 0 : i32
        %dma_start3A_220 = arith.constant 0 : i32
        %dma_start3A_221 = tpu.memref_slice %arg13[%dma_start3A_219, %dma_start3A_220] : memref<10240x16xf32, #tpu.memory_space<vmem_shared>> -> memref<10240x16xf32, #tpu.memory_space<vmem_shared>>
        tpu.enqueue_indirect_dma source(%dma_start3A_215 : memref<128x16xf32, #tpu.memory_space<vmem>>) target(%dma_start3A_221 : memref<10240x16xf32, #tpu.memory_space<vmem_shared>>) offsets(%dma_start3A_218 : memref<128xi32, #tpu.memory_space<vmem>>) semaphore(%run_scoped3A_211 : memref<!tpu.dma_semaphore, #tpu.memory_space<semaphore_mem>>) {add = true}
        %dma_wait3A_222 = arith.constant 0 : i32
        %dma_wait3A_223 = arith.constant 0 : i32
        %dma_wait3A_224 = tpu.memref_slice %arg18[%run_scoped3A_209, %dma_wait3A_222, %dma_wait3A_223] : memref<2x128x16xf32, #tpu.memory_space<vmem>> -> memref<1x128x16xf32, #tpu.memory_space<vmem>>
        %dma_wait3A_225 = tpu.memref_squeeze %dma_wait3A_224 : memref<1x128x16xf32, #tpu.memory_space<vmem>> -> memref<128x16xf32, #tpu.memory_space<vmem>>
        %dma_wait3A_226 = arith.constant 0 : i32
        %dma_wait3A_227 = tpu.memref_slice %arg15[%add3A_150, %dma_wait3A_226] : memref<40x128xi32, #tpu.memory_space<vmem>> -> memref<1x128xi32, #tpu.memory_space<vmem>>
        %dma_wait3A_228 = tpu.memref_squeeze %dma_wait3A_227 : memref<1x128xi32, #tpu.memory_space<vmem>> -> memref<128xi32, #tpu.memory_space<vmem>>
        %dma_wait3A_229 = arith.constant 0 : i32
        %dma_wait3A_230 = arith.constant 0 : i32
        %dma_wait3A_231 = tpu.memref_slice %arg13[%dma_wait3A_229, %dma_wait3A_230] : memref<10240x16xf32, #tpu.memory_space<vmem_shared>> -> memref<10240x16xf32, #tpu.memory_space<vmem_shared>>
        tpu.wait_indirect_dma semaphore(%run_scoped3A_211 : memref<!tpu.dma_semaphore, #tpu.memory_space<semaphore_mem>>) src(%dma_wait3A_225 : memref<128x16xf32, #tpu.memory_space<vmem>>) dst(%dma_wait3A_231 : memref<10240x16xf32, #tpu.memory_space<vmem_shared>>)
        tpu.yield
      }) : () -> ()
      %run_scoped3A_210 = arith.constant 1 : i32
      "tpu.region"() ({
        %run_scoped3A_211 = tpu.sem_alloc : memref<!tpu.dma_semaphore, #tpu.memory_space<semaphore_mem>>
        %dma_start3A_212 = arith.constant 0 : i32
        %dma_start3A_213 = arith.constant 0 : i32
        %dma_start3A_214 = tpu.memref_slice %arg19[%run_scoped3A_210, %dma_start3A_212, %dma_start3A_213] : memref<2x128x16xf32, #tpu.memory_space<vmem>> -> memref<1x128x16xf32, #tpu.memory_space<vmem>>
        %dma_start3A_215 = tpu.memref_squeeze %dma_start3A_214 : memref<1x128x16xf32, #tpu.memory_space<vmem>> -> memref<128x16xf32, #tpu.memory_space<vmem>>
        %dma_start3A_216 = arith.constant 0 : i32
        %dma_start3A_217 = tpu.memref_slice %arg14[%add3A_150, %dma_start3A_216] : memref<40x128xi32, #tpu.memory_space<vmem>> -> memref<1x128xi32, #tpu.memory_space<vmem>>
        %dma_start3A_218 = tpu.memref_squeeze %dma_start3A_217 : memref<1x128xi32, #tpu.memory_space<vmem>> -> memref<128xi32, #tpu.memory_space<vmem>>
        %dma_start3A_219 = arith.constant 0 : i32
        %dma_start3A_220 = arith.constant 0 : i32
        %dma_start3A_221 = tpu.memref_slice %arg12[%dma_start3A_219, %dma_start3A_220] : memref<10240x16xf32, #tpu.memory_space<vmem_shared>> -> memref<10240x16xf32, #tpu.memory_space<vmem_shared>>
        tpu.enqueue_indirect_dma source(%dma_start3A_215 : memref<128x16xf32, #tpu.memory_space<vmem>>) target(%dma_start3A_221 : memref<10240x16xf32, #tpu.memory_space<vmem_shared>>) offsets(%dma_start3A_218 : memref<128xi32, #tpu.memory_space<vmem>>) semaphore(%run_scoped3A_211 : memref<!tpu.dma_semaphore, #tpu.memory_space<semaphore_mem>>) {add = true}
        %dma_wait3A_222 = arith.constant 0 : i32
        %dma_wait3A_223 = arith.constant 0 : i32
        %dma_wait3A_224 = tpu.memref_slice %arg19[%run_scoped3A_210, %dma_wait3A_222, %dma_wait3A_223] : memref<2x128x16xf32, #tpu.memory_space<vmem>> -> memref<1x128x16xf32, #tpu.memory_space<vmem>>
        %dma_wait3A_225 = tpu.memref_squeeze %dma_wait3A_224 : memref<1x128x16xf32, #tpu.memory_space<vmem>> -> memref<128x16xf32, #tpu.memory_space<vmem>>
        %dma_wait3A_226 = arith.constant 0 : i32
        %dma_wait3A_227 = tpu.memref_slice %arg14[%add3A_150, %dma_wait3A_226] : memref<40x128xi32, #tpu.memory_space<vmem>> -> memref<1x128xi32, #tpu.memory_space<vmem>>
        %dma_wait3A_228 = tpu.memref_squeeze %dma_wait3A_227 : memref<1x128xi32, #tpu.memory_space<vmem>> -> memref<128xi32, #tpu.memory_space<vmem>>
        %dma_wait3A_229 = arith.constant 0 : i32
        %dma_wait3A_230 = arith.constant 0 : i32
        %dma_wait3A_231 = tpu.memref_slice %arg12[%dma_wait3A_229, %dma_wait3A_230] : memref<10240x16xf32, #tpu.memory_space<vmem_shared>> -> memref<10240x16xf32, #tpu.memory_space<vmem_shared>>
        tpu.wait_indirect_dma semaphore(%run_scoped3A_211 : memref<!tpu.dma_semaphore, #tpu.memory_space<semaphore_mem>>) src(%dma_wait3A_225 : memref<128x16xf32, #tpu.memory_space<vmem>>) dst(%dma_wait3A_231 : memref<10240x16xf32, #tpu.memory_space<vmem_shared>>)
        tpu.yield
      }) : () -> ()
    }
    %scan3A_62 = arith.constant 20 : i32
    %barrier3A_63 = arith.constant 0 : index
    tpu.barrier barrier_id(%barrier3A_63)
    %mul3A_64 = arith.constant 10240 : i32
    %mul3A_65 = arith.muli %arg0, %mul3A_64 : i32
    %mul3A_66 = arith.constant 640 : i32
    %mul3A_67 = arith.muli %arg1, %mul3A_66 : i32
    %add3A_68 = arith.addi %mul3A_65, %mul3A_67 : i32
    %mul3A_69 = arith.constant 640 : i32
    %mul3A_70 = arith.muli %arg1, %mul3A_69 : i32
    "tpu.region"() ({
      %run_scoped3A = tpu.sem_alloc : memref<!tpu.dma_semaphore, #tpu.memory_space<semaphore_mem>>
      %dma_start3A_75 = arith.constant 0 : i32
      %dma_start3A_76 = tpu.memref_slice %arg8[%add3A_68, %dma_start3A_75] : memref<20480x16xf32, #tpu.memory_space<hbm>> -> memref<640x16xf32, #tpu.memory_space<hbm>>
      %dma_start3A_77 = arith.constant 0 : i32
      %dma_start3A_78 = tpu.memref_slice %arg11[%mul3A_70, %dma_start3A_77] : memref<10240x16xf32, #tpu.memory_space<vmem_shared>> -> memref<640x16xf32, #tpu.memory_space<vmem_shared>>
      tpu.enqueue_dma source(%dma_start3A_78 : memref<640x16xf32, #tpu.memory_space<vmem_shared>>) target(%dma_start3A_76 : memref<640x16xf32, #tpu.memory_space<hbm>>) target_semaphore(%run_scoped3A : memref<!tpu.dma_semaphore, #tpu.memory_space<semaphore_mem>>)
      %dma_wait3A = arith.constant 0 : i32
      %dma_wait3A_79 = tpu.memref_slice %arg8[%add3A_68, %dma_wait3A] : memref<20480x16xf32, #tpu.memory_space<hbm>> -> memref<640x16xf32, #tpu.memory_space<hbm>>
      %dma_wait3A_80 = arith.constant 0 : i32
      %dma_wait3A_81 = tpu.memref_slice %arg11[%mul3A_70, %dma_wait3A_80] : memref<10240x16xf32, #tpu.memory_space<vmem_shared>> -> memref<640x16xf32, #tpu.memory_space<vmem_shared>>
      tpu.wait_dma2 semaphore(%run_scoped3A : memref<!tpu.dma_semaphore, #tpu.memory_space<semaphore_mem>>) src(%dma_wait3A_81 : memref<640x16xf32, #tpu.memory_space<vmem_shared>>) dst(%dma_wait3A_79 : memref<640x16xf32, #tpu.memory_space<hbm>>)
      tpu.yield
    }) : () -> ()
    %mul3A_71 = arith.constant 640 : i32
    %mul3A_72 = arith.muli %arg1, %mul3A_71 : i32
    "tpu.region"() ({
      %run_scoped3A = tpu.sem_alloc : memref<!tpu.dma_semaphore, #tpu.memory_space<semaphore_mem>>
      %dma_start3A_75 = arith.constant 0 : i32
      %dma_start3A_76 = tpu.memref_slice %arg9[%add3A_68, %dma_start3A_75] : memref<20480x16xf32, #tpu.memory_space<hbm>> -> memref<640x16xf32, #tpu.memory_space<hbm>>
      %dma_start3A_77 = arith.constant 0 : i32
      %dma_start3A_78 = tpu.memref_slice %arg12[%mul3A_72, %dma_start3A_77] : memref<10240x16xf32, #tpu.memory_space<vmem_shared>> -> memref<640x16xf32, #tpu.memory_space<vmem_shared>>
      tpu.enqueue_dma source(%dma_start3A_78 : memref<640x16xf32, #tpu.memory_space<vmem_shared>>) target(%dma_start3A_76 : memref<640x16xf32, #tpu.memory_space<hbm>>) target_semaphore(%run_scoped3A : memref<!tpu.dma_semaphore, #tpu.memory_space<semaphore_mem>>)
      %dma_wait3A = arith.constant 0 : i32
      %dma_wait3A_79 = tpu.memref_slice %arg9[%add3A_68, %dma_wait3A] : memref<20480x16xf32, #tpu.memory_space<hbm>> -> memref<640x16xf32, #tpu.memory_space<hbm>>
      %dma_wait3A_80 = arith.constant 0 : i32
      %dma_wait3A_81 = tpu.memref_slice %arg12[%mul3A_72, %dma_wait3A_80] : memref<10240x16xf32, #tpu.memory_space<vmem_shared>> -> memref<640x16xf32, #tpu.memory_space<vmem_shared>>
      tpu.wait_dma2 semaphore(%run_scoped3A : memref<!tpu.dma_semaphore, #tpu.memory_space<semaphore_mem>>) src(%dma_wait3A_81 : memref<640x16xf32, #tpu.memory_space<vmem_shared>>) dst(%dma_wait3A_79 : memref<640x16xf32, #tpu.memory_space<hbm>>)
      tpu.yield
    }) : () -> ()
    %mul3A_73 = arith.constant 640 : i32
    %mul3A_74 = arith.muli %arg1, %mul3A_73 : i32
    "tpu.region"() ({
      %run_scoped3A = tpu.sem_alloc : memref<!tpu.dma_semaphore, #tpu.memory_space<semaphore_mem>>
      %dma_start3A_75 = arith.constant 0 : i32
      %dma_start3A_76 = tpu.memref_slice %arg10[%add3A_68, %dma_start3A_75] : memref<20480x16xf32, #tpu.memory_space<hbm>> -> memref<640x16xf32, #tpu.memory_space<hbm>>
      %dma_start3A_77 = arith.constant 0 : i32
      %dma_start3A_78 = tpu.memref_slice %arg13[%mul3A_74, %dma_start3A_77] : memref<10240x16xf32, #tpu.memory_space<vmem_shared>> -> memref<640x16xf32, #tpu.memory_space<vmem_shared>>
      tpu.enqueue_dma source(%dma_start3A_78 : memref<640x16xf32, #tpu.memory_space<vmem_shared>>) target(%dma_start3A_76 : memref<640x16xf32, #tpu.memory_space<hbm>>) target_semaphore(%run_scoped3A : memref<!tpu.dma_semaphore, #tpu.memory_space<semaphore_mem>>)
      %dma_wait3A = arith.constant 0 : i32
      %dma_wait3A_79 = tpu.memref_slice %arg10[%add3A_68, %dma_wait3A] : memref<20480x16xf32, #tpu.memory_space<hbm>> -> memref<640x16xf32, #tpu.memory_space<hbm>>
      %dma_wait3A_80 = arith.constant 0 : i32
      %dma_wait3A_81 = tpu.memref_slice %arg13[%mul3A_74, %dma_wait3A_80] : memref<10240x16xf32, #tpu.memory_space<vmem_shared>> -> memref<640x16xf32, #tpu.memory_space<vmem_shared>>
      tpu.wait_dma2 semaphore(%run_scoped3A : memref<!tpu.dma_semaphore, #tpu.memory_space<semaphore_mem>>) src(%dma_wait3A_81 : memref<640x16xf32, #tpu.memory_space<vmem_shared>>) dst(%dma_wait3A_79 : memref<640x16xf32, #tpu.memory_space<hbm>>)
      tpu.yield
    }) : () -> ()
    return
  }
}

#map = affine_map<(d0, d1) -> (0, 0)>
module attributes {stable_mosaic.version = 14 : i64} {
  func.func @_sc_agg(%arg0: i32, %arg1: i32, %arg2: memref<10240x16xf32, #tpu.memory_space<hbm>>, %arg3: memref<1280x128xi32, #tpu.memory_space<hbm>>, %arg4: memref<1280x128xi32, #tpu.memory_space<hbm>>, %arg5: memref<10240x16xf32, #tpu.memory_space<hbm>>, %arg6: memref<20480x16xf32, #tpu.memory_space<hbm>>, %arg7: memref<10240x16xf32, #tpu.memory_space<vmem_shared>>, %arg8: memref<40x128xi32, #tpu.memory_space<vmem>>, %arg9: memref<40x128xi32, #tpu.memory_space<vmem>>, %arg10: memref<2x128x16xf32, #tpu.memory_space<vmem>>, %arg11: memref<2x!tpu.dma_semaphore, #tpu.memory_space<semaphore_mem>>) attributes {dimension_semantics = [#tpu.dimension_semantics<core_parallel>, #tpu.dimension_semantics<subcore_parallel>], iteration_bounds = array<i64: 2, 16>, scalar_prefetch = 0 : i64, scratch_operands = 5 : i64, tpu.core_type = #tpu.core_type<sc_vector_subcore>, window_params = [{transform_indices = #map}, {transform_indices = #map}, {transform_indices = #map}, {transform_indices = #map}, {transform_indices = #map}]} {
    %mul3A = arith.constant 2 : i32
    %mul3A_0 = arith.muli %arg1, %mul3A : i32
    %add3A = arith.addi %mul3A_0, %arg0 : i32
    %mul3A_1 = arith.constant 640 : i32
    %mul3A_2 = arith.muli %arg1, %mul3A_1 : i32
    %mul3A_3 = arith.constant 640 : i32
    %mul3A_4 = arith.muli %arg1, %mul3A_3 : i32
    "tpu.region"() ({
      %run_scoped3A = tpu.sem_alloc : memref<!tpu.dma_semaphore, #tpu.memory_space<semaphore_mem>>
      %dma_start3A_33 = arith.constant 0 : i32
      %dma_start3A_34 = tpu.memref_slice %arg7[%mul3A_4, %dma_start3A_33] : memref<10240x16xf32, #tpu.memory_space<vmem_shared>> -> memref<640x16xf32, #tpu.memory_space<vmem_shared>>
      %dma_start3A_35 = arith.constant 0 : i32
      %dma_start3A_36 = tpu.memref_slice %arg5[%mul3A_2, %dma_start3A_35] : memref<10240x16xf32, #tpu.memory_space<hbm>> -> memref<640x16xf32, #tpu.memory_space<hbm>>
      tpu.enqueue_dma source(%dma_start3A_36 : memref<640x16xf32, #tpu.memory_space<hbm>>) target(%dma_start3A_34 : memref<640x16xf32, #tpu.memory_space<vmem_shared>>) target_semaphore(%run_scoped3A : memref<!tpu.dma_semaphore, #tpu.memory_space<semaphore_mem>>)
      %dma_wait3A = arith.constant 0 : i32
      %dma_wait3A_37 = tpu.memref_slice %arg7[%mul3A_4, %dma_wait3A] : memref<10240x16xf32, #tpu.memory_space<vmem_shared>> -> memref<640x16xf32, #tpu.memory_space<vmem_shared>>
      %dma_wait3A_38 = arith.constant 0 : i32
      %dma_wait3A_39 = tpu.memref_slice %arg5[%mul3A_2, %dma_wait3A_38] : memref<10240x16xf32, #tpu.memory_space<hbm>> -> memref<640x16xf32, #tpu.memory_space<hbm>>
      tpu.wait_dma2 semaphore(%run_scoped3A : memref<!tpu.dma_semaphore, #tpu.memory_space<semaphore_mem>>) src(%dma_wait3A_39 : memref<640x16xf32, #tpu.memory_space<hbm>>) dst(%dma_wait3A_37 : memref<640x16xf32, #tpu.memory_space<vmem_shared>>)
      tpu.yield
    }) : () -> ()
    %barrier3A = arith.constant 0 : index
    tpu.barrier barrier_id(%barrier3A)
    %mul3A_5 = arith.constant 40 : i32
    %mul3A_6 = arith.muli %add3A, %mul3A_5 : i32
    "tpu.region"() ({
      %run_scoped3A = tpu.sem_alloc : memref<!tpu.dma_semaphore, #tpu.memory_space<semaphore_mem>>
      %dma_start3A_33 = arith.constant 0 : i32
      %dma_start3A_34 = tpu.memref_slice %arg3[%mul3A_6, %dma_start3A_33] : memref<1280x128xi32, #tpu.memory_space<hbm>> -> memref<40x128xi32, #tpu.memory_space<hbm>>
      %dma_start3A_35 = arith.constant 0 : i32
      %dma_start3A_36 = tpu.memref_slice %arg3[%mul3A_6, %dma_start3A_35] : memref<1280x128xi32, #tpu.memory_space<hbm>> -> memref<40x128xi32, #tpu.memory_space<hbm>>
      tpu.enqueue_dma source(%dma_start3A_36 : memref<40x128xi32, #tpu.memory_space<hbm>>) target(%arg8 : memref<40x128xi32, #tpu.memory_space<vmem>>) target_semaphore(%run_scoped3A : memref<!tpu.dma_semaphore, #tpu.memory_space<semaphore_mem>>)
      %dma_wait3A = arith.constant 0 : i32
      %dma_wait3A_37 = tpu.memref_slice %arg3[%mul3A_6, %dma_wait3A] : memref<1280x128xi32, #tpu.memory_space<hbm>> -> memref<40x128xi32, #tpu.memory_space<hbm>>
      %dma_wait3A_38 = arith.constant 0 : i32
      %dma_wait3A_39 = tpu.memref_slice %arg3[%mul3A_6, %dma_wait3A_38] : memref<1280x128xi32, #tpu.memory_space<hbm>> -> memref<40x128xi32, #tpu.memory_space<hbm>>
      tpu.wait_dma2 semaphore(%run_scoped3A : memref<!tpu.dma_semaphore, #tpu.memory_space<semaphore_mem>>) src(%dma_wait3A_39 : memref<40x128xi32, #tpu.memory_space<hbm>>) dst(%arg8 : memref<40x128xi32, #tpu.memory_space<vmem>>)
      tpu.yield
    }) : () -> ()
    "tpu.region"() ({
      %run_scoped3A = tpu.sem_alloc : memref<!tpu.dma_semaphore, #tpu.memory_space<semaphore_mem>>
      %dma_start3A_33 = arith.constant 0 : i32
      %dma_start3A_34 = tpu.memref_slice %arg4[%mul3A_6, %dma_start3A_33] : memref<1280x128xi32, #tpu.memory_space<hbm>> -> memref<40x128xi32, #tpu.memory_space<hbm>>
      %dma_start3A_35 = arith.constant 0 : i32
      %dma_start3A_36 = tpu.memref_slice %arg4[%mul3A_6, %dma_start3A_35] : memref<1280x128xi32, #tpu.memory_space<hbm>> -> memref<40x128xi32, #tpu.memory_space<hbm>>
      tpu.enqueue_dma source(%dma_start3A_36 : memref<40x128xi32, #tpu.memory_space<hbm>>) target(%arg9 : memref<40x128xi32, #tpu.memory_space<vmem>>) target_semaphore(%run_scoped3A : memref<!tpu.dma_semaphore, #tpu.memory_space<semaphore_mem>>)
      %dma_wait3A = arith.constant 0 : i32
      %dma_wait3A_37 = tpu.memref_slice %arg4[%mul3A_6, %dma_wait3A] : memref<1280x128xi32, #tpu.memory_space<hbm>> -> memref<40x128xi32, #tpu.memory_space<hbm>>
      %dma_wait3A_38 = arith.constant 0 : i32
      %dma_wait3A_39 = tpu.memref_slice %arg4[%mul3A_6, %dma_wait3A_38] : memref<1280x128xi32, #tpu.memory_space<hbm>> -> memref<40x128xi32, #tpu.memory_space<hbm>>
      tpu.wait_dma2 semaphore(%run_scoped3A : memref<!tpu.dma_semaphore, #tpu.memory_space<semaphore_mem>>) src(%dma_wait3A_39 : memref<40x128xi32, #tpu.memory_space<hbm>>) dst(%arg9 : memref<40x128xi32, #tpu.memory_space<vmem>>)
      tpu.yield
    }) : () -> ()
    %dma_start3A = arith.constant 0 : i32
    %dma_start3A_7 = arith.constant 0 : i32
    %dma_start3A_8 = arith.constant 0 : i32
    %dma_start3A_9 = arith.constant 0 : i32
    %dma_start3A_10 = arith.constant 0 : i32
    %dma_start3A_11 = tpu.memref_slice %arg10[%dma_start3A_7, %dma_start3A_9, %dma_start3A_10] : memref<2x128x16xf32, #tpu.memory_space<vmem>> -> memref<1x128x16xf32, #tpu.memory_space<vmem>>
    %dma_start3A_12 = tpu.memref_squeeze %dma_start3A_11 : memref<1x128x16xf32, #tpu.memory_space<vmem>> -> memref<128x16xf32, #tpu.memory_space<vmem>>
    %dma_start3A_13 = arith.constant 0 : i32
    %dma_start3A_14 = tpu.memref_slice %arg8[%dma_start3A, %dma_start3A_13] : memref<40x128xi32, #tpu.memory_space<vmem>> -> memref<1x128xi32, #tpu.memory_space<vmem>>
    %dma_start3A_15 = tpu.memref_squeeze %dma_start3A_14 : memref<1x128xi32, #tpu.memory_space<vmem>> -> memref<128xi32, #tpu.memory_space<vmem>>
    %dma_start3A_16 = arith.constant 0 : i32
    %dma_start3A_17 = arith.constant 0 : i32
    %dma_start3A_18 = tpu.memref_slice %arg2[%dma_start3A_16, %dma_start3A_17] : memref<10240x16xf32, #tpu.memory_space<hbm>> -> memref<10240x16xf32, #tpu.memory_space<hbm>>
    %dma_start3A_19 = tpu.memref_slice %arg11[%dma_start3A_8] : memref<2x!tpu.dma_semaphore, #tpu.memory_space<semaphore_mem>> -> memref<1x!tpu.dma_semaphore, #tpu.memory_space<semaphore_mem>>
    %dma_start3A_20 = tpu.memref_squeeze %dma_start3A_19 : memref<1x!tpu.dma_semaphore, #tpu.memory_space<semaphore_mem>> -> memref<!tpu.dma_semaphore, #tpu.memory_space<semaphore_mem>>
    tpu.enqueue_indirect_dma source(%dma_start3A_18 : memref<10240x16xf32, #tpu.memory_space<hbm>>) target(%dma_start3A_12 : memref<128x16xf32, #tpu.memory_space<vmem>>) offsets(%dma_start3A_15 : memref<128xi32, #tpu.memory_space<vmem>>) semaphore(%dma_start3A_20 : memref<!tpu.dma_semaphore, #tpu.memory_space<semaphore_mem>>)
    %scan3A = arith.constant 0 : i32
    %scan3A_21 = arith.constant 20 : i32
    %scan3A_22 = arith.addi %scan3A, %scan3A_21 : i32
    %scan3A_23 = arith.constant 1 : i32
    scf.for %scan3A_33 = %scan3A to %scan3A_22 step %scan3A_23  : i32 {
      %mul3A_34 = arith.constant 1 : i32
      %mul3A_35 = arith.muli %scan3A_33, %mul3A_34 : i32
      %add3A_36 = arith.constant 0 : i32
      %add3A_37 = arith.addi %add3A_36, %mul3A_35 : i32
      %mul3A_38 = arith.constant 2 : i32
      %mul3A_39 = arith.muli %mul3A_38, %add3A_37 : i32
      %add3A_40 = arith.constant 1 : i32
      %add3A_41 = arith.addi %mul3A_39, %add3A_40 : i32
      %lt3A = arith.constant 40 : i32
      %lt3A_42 = arith.cmpi slt, %add3A_41, %lt3A : i32
      %convert_element_type3A = arith.extui %lt3A_42 : i1 to i32
      %cond3A = arith.constant 0 : i32
      %cond3A_43 = arith.cmpi ne, %convert_element_type3A, %cond3A : i32
      scf.if %cond3A_43 {
        %add3A_81 = arith.constant 1 : i32
        %add3A_82 = arith.addi %mul3A_39, %add3A_81 : i32
        %dma_start3A_83 = arith.constant 1 : i32
        %dma_start3A_84 = arith.constant 1 : i32
        %dma_start3A_85 = arith.constant 0 : i32
        %dma_start3A_86 = arith.constant 0 : i32
        %dma_start3A_87 = tpu.memref_slice %arg10[%dma_start3A_83, %dma_start3A_85, %dma_start3A_86] : memref<2x128x16xf32, #tpu.memory_space<vmem>> -> memref<1x128x16xf32, #tpu.memory_space<vmem>>
        %dma_start3A_88 = tpu.memref_squeeze %dma_start3A_87 : memref<1x128x16xf32, #tpu.memory_space<vmem>> -> memref<128x16xf32, #tpu.memory_space<vmem>>
        %dma_start3A_89 = arith.constant 0 : i32
        %dma_start3A_90 = tpu.memref_slice %arg8[%add3A_82, %dma_start3A_89] : memref<40x128xi32, #tpu.memory_space<vmem>> -> memref<1x128xi32, #tpu.memory_space<vmem>>
        %dma_start3A_91 = tpu.memref_squeeze %dma_start3A_90 : memref<1x128xi32, #tpu.memory_space<vmem>> -> memref<128xi32, #tpu.memory_space<vmem>>
        %dma_start3A_92 = arith.constant 0 : i32
        %dma_start3A_93 = arith.constant 0 : i32
        %dma_start3A_94 = tpu.memref_slice %arg2[%dma_start3A_92, %dma_start3A_93] : memref<10240x16xf32, #tpu.memory_space<hbm>> -> memref<10240x16xf32, #tpu.memory_space<hbm>>
        %dma_start3A_95 = tpu.memref_slice %arg11[%dma_start3A_84] : memref<2x!tpu.dma_semaphore, #tpu.memory_space<semaphore_mem>> -> memref<1x!tpu.dma_semaphore, #tpu.memory_space<semaphore_mem>>
        %dma_start3A_96 = tpu.memref_squeeze %dma_start3A_95 : memref<1x!tpu.dma_semaphore, #tpu.memory_space<semaphore_mem>> -> memref<!tpu.dma_semaphore, #tpu.memory_space<semaphore_mem>>
        tpu.enqueue_indirect_dma source(%dma_start3A_94 : memref<10240x16xf32, #tpu.memory_space<hbm>>) target(%dma_start3A_88 : memref<128x16xf32, #tpu.memory_space<vmem>>) offsets(%dma_start3A_91 : memref<128xi32, #tpu.memory_space<vmem>>) semaphore(%dma_start3A_96 : memref<!tpu.dma_semaphore, #tpu.memory_space<semaphore_mem>>)
      } else {
      }
      %dma_wait3A = arith.constant 0 : i32
      %dma_wait3A_44 = arith.constant 0 : i32
      %dma_wait3A_45 = arith.constant 0 : i32
      %dma_wait3A_46 = arith.constant 0 : i32
      %dma_wait3A_47 = tpu.memref_slice %arg10[%dma_wait3A, %dma_wait3A_45, %dma_wait3A_46] : memref<2x128x16xf32, #tpu.memory_space<vmem>> -> memref<1x128x16xf32, #tpu.memory_space<vmem>>
      %dma_wait3A_48 = tpu.memref_squeeze %dma_wait3A_47 : memref<1x128x16xf32, #tpu.memory_space<vmem>> -> memref<128x16xf32, #tpu.memory_space<vmem>>
      %dma_wait3A_49 = arith.constant 0 : i32
      %dma_wait3A_50 = tpu.memref_slice %arg8[%mul3A_39, %dma_wait3A_49] : memref<40x128xi32, #tpu.memory_space<vmem>> -> memref<1x128xi32, #tpu.memory_space<vmem>>
      %dma_wait3A_51 = tpu.memref_squeeze %dma_wait3A_50 : memref<1x128xi32, #tpu.memory_space<vmem>> -> memref<128xi32, #tpu.memory_space<vmem>>
      %dma_wait3A_52 = arith.constant 0 : i32
      %dma_wait3A_53 = arith.constant 0 : i32
      %dma_wait3A_54 = tpu.memref_slice %arg2[%dma_wait3A_52, %dma_wait3A_53] : memref<10240x16xf32, #tpu.memory_space<hbm>> -> memref<10240x16xf32, #tpu.memory_space<hbm>>
      %dma_wait3A_55 = tpu.memref_slice %arg11[%dma_wait3A_44] : memref<2x!tpu.dma_semaphore, #tpu.memory_space<semaphore_mem>> -> memref<1x!tpu.dma_semaphore, #tpu.memory_space<semaphore_mem>>
      %dma_wait3A_56 = tpu.memref_squeeze %dma_wait3A_55 : memref<1x!tpu.dma_semaphore, #tpu.memory_space<semaphore_mem>> -> memref<!tpu.dma_semaphore, #tpu.memory_space<semaphore_mem>>
      tpu.wait_indirect_dma semaphore(%dma_wait3A_56 : memref<!tpu.dma_semaphore, #tpu.memory_space<semaphore_mem>>) src(%dma_wait3A_54 : memref<10240x16xf32, #tpu.memory_space<hbm>>) dst(%dma_wait3A_48 : memref<128x16xf32, #tpu.memory_space<vmem>>)
      %run_scoped3A = arith.constant 0 : i32
      "tpu.region"() ({
        %run_scoped3A_81 = tpu.sem_alloc : memref<!tpu.dma_semaphore, #tpu.memory_space<semaphore_mem>>
        %dma_start3A_82 = arith.constant 0 : i32
        %dma_start3A_83 = arith.constant 0 : i32
        %dma_start3A_84 = tpu.memref_slice %arg10[%run_scoped3A, %dma_start3A_82, %dma_start3A_83] : memref<2x128x16xf32, #tpu.memory_space<vmem>> -> memref<1x128x16xf32, #tpu.memory_space<vmem>>
        %dma_start3A_85 = tpu.memref_squeeze %dma_start3A_84 : memref<1x128x16xf32, #tpu.memory_space<vmem>> -> memref<128x16xf32, #tpu.memory_space<vmem>>
        %dma_start3A_86 = arith.constant 0 : i32
        %dma_start3A_87 = tpu.memref_slice %arg9[%mul3A_39, %dma_start3A_86] : memref<40x128xi32, #tpu.memory_space<vmem>> -> memref<1x128xi32, #tpu.memory_space<vmem>>
        %dma_start3A_88 = tpu.memref_squeeze %dma_start3A_87 : memref<1x128xi32, #tpu.memory_space<vmem>> -> memref<128xi32, #tpu.memory_space<vmem>>
        %dma_start3A_89 = arith.constant 0 : i32
        %dma_start3A_90 = arith.constant 0 : i32
        %dma_start3A_91 = tpu.memref_slice %arg7[%dma_start3A_89, %dma_start3A_90] : memref<10240x16xf32, #tpu.memory_space<vmem_shared>> -> memref<10240x16xf32, #tpu.memory_space<vmem_shared>>
        tpu.enqueue_indirect_dma source(%dma_start3A_85 : memref<128x16xf32, #tpu.memory_space<vmem>>) target(%dma_start3A_91 : memref<10240x16xf32, #tpu.memory_space<vmem_shared>>) offsets(%dma_start3A_88 : memref<128xi32, #tpu.memory_space<vmem>>) semaphore(%run_scoped3A_81 : memref<!tpu.dma_semaphore, #tpu.memory_space<semaphore_mem>>) {add = true}
        %dma_wait3A_92 = arith.constant 0 : i32
        %dma_wait3A_93 = arith.constant 0 : i32
        %dma_wait3A_94 = tpu.memref_slice %arg10[%run_scoped3A, %dma_wait3A_92, %dma_wait3A_93] : memref<2x128x16xf32, #tpu.memory_space<vmem>> -> memref<1x128x16xf32, #tpu.memory_space<vmem>>
        %dma_wait3A_95 = tpu.memref_squeeze %dma_wait3A_94 : memref<1x128x16xf32, #tpu.memory_space<vmem>> -> memref<128x16xf32, #tpu.memory_space<vmem>>
        %dma_wait3A_96 = arith.constant 0 : i32
        %dma_wait3A_97 = tpu.memref_slice %arg9[%mul3A_39, %dma_wait3A_96] : memref<40x128xi32, #tpu.memory_space<vmem>> -> memref<1x128xi32, #tpu.memory_space<vmem>>
        %dma_wait3A_98 = tpu.memref_squeeze %dma_wait3A_97 : memref<1x128xi32, #tpu.memory_space<vmem>> -> memref<128xi32, #tpu.memory_space<vmem>>
        %dma_wait3A_99 = arith.constant 0 : i32
        %dma_wait3A_100 = arith.constant 0 : i32
        %dma_wait3A_101 = tpu.memref_slice %arg7[%dma_wait3A_99, %dma_wait3A_100] : memref<10240x16xf32, #tpu.memory_space<vmem_shared>> -> memref<10240x16xf32, #tpu.memory_space<vmem_shared>>
        tpu.wait_indirect_dma semaphore(%run_scoped3A_81 : memref<!tpu.dma_semaphore, #tpu.memory_space<semaphore_mem>>) src(%dma_wait3A_95 : memref<128x16xf32, #tpu.memory_space<vmem>>) dst(%dma_wait3A_101 : memref<10240x16xf32, #tpu.memory_space<vmem_shared>>)
        tpu.yield
      }) : () -> ()
      %add3A_57 = arith.constant 2 : i32
      %add3A_58 = arith.addi %mul3A_39, %add3A_57 : i32
      %lt3A_59 = arith.constant 40 : i32
      %lt3A_60 = arith.cmpi slt, %add3A_58, %lt3A_59 : i32
      %convert_element_type3A_61 = arith.extui %lt3A_60 : i1 to i32
      %cond3A_62 = arith.constant 0 : i32
      %cond3A_63 = arith.cmpi ne, %convert_element_type3A_61, %cond3A_62 : i32
      scf.if %cond3A_63 {
        %add3A_81 = arith.constant 2 : i32
        %add3A_82 = arith.addi %mul3A_39, %add3A_81 : i32
        %dma_start3A_83 = arith.constant 0 : i32
        %dma_start3A_84 = arith.constant 0 : i32
        %dma_start3A_85 = arith.constant 0 : i32
        %dma_start3A_86 = arith.constant 0 : i32
        %dma_start3A_87 = tpu.memref_slice %arg10[%dma_start3A_83, %dma_start3A_85, %dma_start3A_86] : memref<2x128x16xf32, #tpu.memory_space<vmem>> -> memref<1x128x16xf32, #tpu.memory_space<vmem>>
        %dma_start3A_88 = tpu.memref_squeeze %dma_start3A_87 : memref<1x128x16xf32, #tpu.memory_space<vmem>> -> memref<128x16xf32, #tpu.memory_space<vmem>>
        %dma_start3A_89 = arith.constant 0 : i32
        %dma_start3A_90 = tpu.memref_slice %arg8[%add3A_82, %dma_start3A_89] : memref<40x128xi32, #tpu.memory_space<vmem>> -> memref<1x128xi32, #tpu.memory_space<vmem>>
        %dma_start3A_91 = tpu.memref_squeeze %dma_start3A_90 : memref<1x128xi32, #tpu.memory_space<vmem>> -> memref<128xi32, #tpu.memory_space<vmem>>
        %dma_start3A_92 = arith.constant 0 : i32
        %dma_start3A_93 = arith.constant 0 : i32
        %dma_start3A_94 = tpu.memref_slice %arg2[%dma_start3A_92, %dma_start3A_93] : memref<10240x16xf32, #tpu.memory_space<hbm>> -> memref<10240x16xf32, #tpu.memory_space<hbm>>
        %dma_start3A_95 = tpu.memref_slice %arg11[%dma_start3A_84] : memref<2x!tpu.dma_semaphore, #tpu.memory_space<semaphore_mem>> -> memref<1x!tpu.dma_semaphore, #tpu.memory_space<semaphore_mem>>
        %dma_start3A_96 = tpu.memref_squeeze %dma_start3A_95 : memref<1x!tpu.dma_semaphore, #tpu.memory_space<semaphore_mem>> -> memref<!tpu.dma_semaphore, #tpu.memory_space<semaphore_mem>>
        tpu.enqueue_indirect_dma source(%dma_start3A_94 : memref<10240x16xf32, #tpu.memory_space<hbm>>) target(%dma_start3A_88 : memref<128x16xf32, #tpu.memory_space<vmem>>) offsets(%dma_start3A_91 : memref<128xi32, #tpu.memory_space<vmem>>) semaphore(%dma_start3A_96 : memref<!tpu.dma_semaphore, #tpu.memory_space<semaphore_mem>>)
      } else {
      }
      %add3A_64 = arith.constant 1 : i32
      %add3A_65 = arith.addi %mul3A_39, %add3A_64 : i32
      %dma_wait3A_66 = arith.constant 1 : i32
      %dma_wait3A_67 = arith.constant 1 : i32
      %dma_wait3A_68 = arith.constant 0 : i32
      %dma_wait3A_69 = arith.constant 0 : i32
      %dma_wait3A_70 = tpu.memref_slice %arg10[%dma_wait3A_66, %dma_wait3A_68, %dma_wait3A_69] : memref<2x128x16xf32, #tpu.memory_space<vmem>> -> memref<1x128x16xf32, #tpu.memory_space<vmem>>
      %dma_wait3A_71 = tpu.memref_squeeze %dma_wait3A_70 : memref<1x128x16xf32, #tpu.memory_space<vmem>> -> memref<128x16xf32, #tpu.memory_space<vmem>>
      %dma_wait3A_72 = arith.constant 0 : i32
      %dma_wait3A_73 = tpu.memref_slice %arg8[%add3A_65, %dma_wait3A_72] : memref<40x128xi32, #tpu.memory_space<vmem>> -> memref<1x128xi32, #tpu.memory_space<vmem>>
      %dma_wait3A_74 = tpu.memref_squeeze %dma_wait3A_73 : memref<1x128xi32, #tpu.memory_space<vmem>> -> memref<128xi32, #tpu.memory_space<vmem>>
      %dma_wait3A_75 = arith.constant 0 : i32
      %dma_wait3A_76 = arith.constant 0 : i32
      %dma_wait3A_77 = tpu.memref_slice %arg2[%dma_wait3A_75, %dma_wait3A_76] : memref<10240x16xf32, #tpu.memory_space<hbm>> -> memref<10240x16xf32, #tpu.memory_space<hbm>>
      %dma_wait3A_78 = tpu.memref_slice %arg11[%dma_wait3A_67] : memref<2x!tpu.dma_semaphore, #tpu.memory_space<semaphore_mem>> -> memref<1x!tpu.dma_semaphore, #tpu.memory_space<semaphore_mem>>
      %dma_wait3A_79 = tpu.memref_squeeze %dma_wait3A_78 : memref<1x!tpu.dma_semaphore, #tpu.memory_space<semaphore_mem>> -> memref<!tpu.dma_semaphore, #tpu.memory_space<semaphore_mem>>
      tpu.wait_indirect_dma semaphore(%dma_wait3A_79 : memref<!tpu.dma_semaphore, #tpu.memory_space<semaphore_mem>>) src(%dma_wait3A_77 : memref<10240x16xf32, #tpu.memory_space<hbm>>) dst(%dma_wait3A_71 : memref<128x16xf32, #tpu.memory_space<vmem>>)
      %run_scoped3A_80 = arith.constant 1 : i32
      "tpu.region"() ({
        %run_scoped3A_81 = tpu.sem_alloc : memref<!tpu.dma_semaphore, #tpu.memory_space<semaphore_mem>>
        %dma_start3A_82 = arith.constant 0 : i32
        %dma_start3A_83 = arith.constant 0 : i32
        %dma_start3A_84 = tpu.memref_slice %arg10[%run_scoped3A_80, %dma_start3A_82, %dma_start3A_83] : memref<2x128x16xf32, #tpu.memory_space<vmem>> -> memref<1x128x16xf32, #tpu.memory_space<vmem>>
        %dma_start3A_85 = tpu.memref_squeeze %dma_start3A_84 : memref<1x128x16xf32, #tpu.memory_space<vmem>> -> memref<128x16xf32, #tpu.memory_space<vmem>>
        %dma_start3A_86 = arith.constant 0 : i32
        %dma_start3A_87 = tpu.memref_slice %arg9[%add3A_65, %dma_start3A_86] : memref<40x128xi32, #tpu.memory_space<vmem>> -> memref<1x128xi32, #tpu.memory_space<vmem>>
        %dma_start3A_88 = tpu.memref_squeeze %dma_start3A_87 : memref<1x128xi32, #tpu.memory_space<vmem>> -> memref<128xi32, #tpu.memory_space<vmem>>
        %dma_start3A_89 = arith.constant 0 : i32
        %dma_start3A_90 = arith.constant 0 : i32
        %dma_start3A_91 = tpu.memref_slice %arg7[%dma_start3A_89, %dma_start3A_90] : memref<10240x16xf32, #tpu.memory_space<vmem_shared>> -> memref<10240x16xf32, #tpu.memory_space<vmem_shared>>
        tpu.enqueue_indirect_dma source(%dma_start3A_85 : memref<128x16xf32, #tpu.memory_space<vmem>>) target(%dma_start3A_91 : memref<10240x16xf32, #tpu.memory_space<vmem_shared>>) offsets(%dma_start3A_88 : memref<128xi32, #tpu.memory_space<vmem>>) semaphore(%run_scoped3A_81 : memref<!tpu.dma_semaphore, #tpu.memory_space<semaphore_mem>>) {add = true}
        %dma_wait3A_92 = arith.constant 0 : i32
        %dma_wait3A_93 = arith.constant 0 : i32
        %dma_wait3A_94 = tpu.memref_slice %arg10[%run_scoped3A_80, %dma_wait3A_92, %dma_wait3A_93] : memref<2x128x16xf32, #tpu.memory_space<vmem>> -> memref<1x128x16xf32, #tpu.memory_space<vmem>>
        %dma_wait3A_95 = tpu.memref_squeeze %dma_wait3A_94 : memref<1x128x16xf32, #tpu.memory_space<vmem>> -> memref<128x16xf32, #tpu.memory_space<vmem>>
        %dma_wait3A_96 = arith.constant 0 : i32
        %dma_wait3A_97 = tpu.memref_slice %arg9[%add3A_65, %dma_wait3A_96] : memref<40x128xi32, #tpu.memory_space<vmem>> -> memref<1x128xi32, #tpu.memory_space<vmem>>
        %dma_wait3A_98 = tpu.memref_squeeze %dma_wait3A_97 : memref<1x128xi32, #tpu.memory_space<vmem>> -> memref<128xi32, #tpu.memory_space<vmem>>
        %dma_wait3A_99 = arith.constant 0 : i32
        %dma_wait3A_100 = arith.constant 0 : i32
        %dma_wait3A_101 = tpu.memref_slice %arg7[%dma_wait3A_99, %dma_wait3A_100] : memref<10240x16xf32, #tpu.memory_space<vmem_shared>> -> memref<10240x16xf32, #tpu.memory_space<vmem_shared>>
        tpu.wait_indirect_dma semaphore(%run_scoped3A_81 : memref<!tpu.dma_semaphore, #tpu.memory_space<semaphore_mem>>) src(%dma_wait3A_95 : memref<128x16xf32, #tpu.memory_space<vmem>>) dst(%dma_wait3A_101 : memref<10240x16xf32, #tpu.memory_space<vmem_shared>>)
        tpu.yield
      }) : () -> ()
    }
    %scan3A_24 = arith.constant 20 : i32
    %barrier3A_25 = arith.constant 0 : index
    tpu.barrier barrier_id(%barrier3A_25)
    %mul3A_26 = arith.constant 10240 : i32
    %mul3A_27 = arith.muli %arg0, %mul3A_26 : i32
    %mul3A_28 = arith.constant 640 : i32
    %mul3A_29 = arith.muli %arg1, %mul3A_28 : i32
    %add3A_30 = arith.addi %mul3A_27, %mul3A_29 : i32
    %mul3A_31 = arith.constant 640 : i32
    %mul3A_32 = arith.muli %arg1, %mul3A_31 : i32
    "tpu.region"() ({
      %run_scoped3A = tpu.sem_alloc : memref<!tpu.dma_semaphore, #tpu.memory_space<semaphore_mem>>
      %dma_start3A_33 = arith.constant 0 : i32
      %dma_start3A_34 = tpu.memref_slice %arg6[%add3A_30, %dma_start3A_33] : memref<20480x16xf32, #tpu.memory_space<hbm>> -> memref<640x16xf32, #tpu.memory_space<hbm>>
      %dma_start3A_35 = arith.constant 0 : i32
      %dma_start3A_36 = tpu.memref_slice %arg7[%mul3A_32, %dma_start3A_35] : memref<10240x16xf32, #tpu.memory_space<vmem_shared>> -> memref<640x16xf32, #tpu.memory_space<vmem_shared>>
      tpu.enqueue_dma source(%dma_start3A_36 : memref<640x16xf32, #tpu.memory_space<vmem_shared>>) target(%dma_start3A_34 : memref<640x16xf32, #tpu.memory_space<hbm>>) target_semaphore(%run_scoped3A : memref<!tpu.dma_semaphore, #tpu.memory_space<semaphore_mem>>)
      %dma_wait3A = arith.constant 0 : i32
      %dma_wait3A_37 = tpu.memref_slice %arg6[%add3A_30, %dma_wait3A] : memref<20480x16xf32, #tpu.memory_space<hbm>> -> memref<640x16xf32, #tpu.memory_space<hbm>>
      %dma_wait3A_38 = arith.constant 0 : i32
      %dma_wait3A_39 = tpu.memref_slice %arg7[%mul3A_32, %dma_wait3A_38] : memref<10240x16xf32, #tpu.memory_space<vmem_shared>> -> memref<640x16xf32, #tpu.memory_space<vmem_shared>>
      tpu.wait_dma2 semaphore(%run_scoped3A : memref<!tpu.dma_semaphore, #tpu.memory_space<semaphore_mem>>) src(%dma_wait3A_39 : memref<640x16xf32, #tpu.memory_space<vmem_shared>>) dst(%dma_wait3A_37 : memref<640x16xf32, #tpu.memory_space<hbm>>)
      tpu.yield
    }) : () -> ()
    return
  }
}

module attributes {stable_mosaic.version = 14 : i64} {
  func.func @_tca_body(%arg0: memref<10240x128xf32, #tpu.memory_space<vmem>>, %arg1: memref<128x16xf32, #tpu.memory_space<vmem>>, %arg2: memref<1280x128xf32, #tpu.memory_space<vmem>>, %arg3: memref<1x1xf32, #tpu.memory_space<vmem>>, %arg4: memref<1x1xf32, #tpu.memory_space<vmem>>, %arg5: memref<10240x16xf32, #tpu.memory_space<vmem>>, %arg6: memref<1280x128xf32, #tpu.memory_space<vmem>>) attributes {dimension_semantics = [], scalar_prefetch = 0 : i64, scratch_operands = 0 : i64, tpu.core_type = #tpu.core_type<tc>} {
    %get3A = arith.constant 0 : index
    %get3A_0 = arith.constant 0 : index
    %get3A_1 = vector.load %arg0[%get3A, %get3A_0] : memref<10240x128xf32, #tpu.memory_space<vmem>>, vector<10240x128xf32>
    %get3A_2 = arith.constant 0 : index
    %get3A_3 = arith.constant 0 : index
    %get3A_4 = vector.load %arg1[%get3A_2, %get3A_3] : memref<128x16xf32, #tpu.memory_space<vmem>>, vector<128x16xf32>
    %dot_general3A = arith.constant dense<0.000000e+00> : vector<10240x16xf32>
    %dot_general3A_5 = tpu.matmul %get3A_1, %get3A_4, %dot_general3A {dimension_numbers = #tpu.dot_dimension_numbers<[1], [0], [0], [1], [0, 0, 1, 1], [], []>, transpose_lhs_hint = false} : vector<10240x128xf32>, vector<128x16xf32>, vector<10240x16xf32> -> vector<10240x16xf32>
    %swap3A = arith.constant 0 : index
    %swap3A_6 = arith.constant 0 : index
    %swap3A_7 = vector.load %arg5[%swap3A, %swap3A_6] : memref<10240x16xf32, #tpu.memory_space<vmem>>, vector<10240x16xf32>
    tpu.vector_store %arg5[%swap3A, %swap3A_6], %dot_general3A_5 {strides = array<i32>} : memref<10240x16xf32, #tpu.memory_space<vmem>>, vector<10240x16xf32>,
    %get3A_8 = arith.constant 0 : index
    %get3A_9 = arith.constant 0 : index
    %get3A_10 = vector.load %arg2[%get3A_8, %get3A_9] : memref<1280x128xf32, #tpu.memory_space<vmem>>, vector<1280x128xf32>
    %get3A_11 = arith.constant 0 : index
    %get3A_12 = arith.constant 0 : index
    %get3A_13 = vector.load %arg3[%get3A_11, %get3A_12] : memref<1x1xf32, #tpu.memory_space<vmem>>, vector<1x1xf32>
    %get3A_14 = vector.extract %get3A_13[0, 0] : f32 from vector<1x1xf32>
    %mul3A = vector.broadcast %get3A_14 : f32 to vector<1280x128xf32>
    %mul3A_15 = arith.mulf %get3A_10, %mul3A : vector<1280x128xf32>
    %get3A_16 = arith.constant 0 : index
    %get3A_17 = arith.constant 0 : index
    %get3A_18 = vector.load %arg4[%get3A_16, %get3A_17] : memref<1x1xf32, #tpu.memory_space<vmem>>, vector<1x1xf32>
    %get3A_19 = vector.extract %get3A_18[0, 0] : f32 from vector<1x1xf32>
    %add3A = vector.broadcast %get3A_19 : f32 to vector<1280x128xf32>
    %add3A_20 = arith.addf %mul3A_15, %add3A : vector<1280x128xf32>
    %max3A = arith.constant 0.000000e+00 : f32
    %max3A_21 = vector.broadcast %max3A : f32 to vector<1280x128xf32>
    %max3A_22 = arith.maximumf %add3A_20, %max3A_21 : vector<1280x128xf32>
    %swap3A_23 = arith.constant 0 : index
    %swap3A_24 = arith.constant 0 : index
    %swap3A_25 = vector.load %arg6[%swap3A_23, %swap3A_24] : memref<1280x128xf32, #tpu.memory_space<vmem>>, vector<1280x128xf32>
    tpu.vector_store %arg6[%swap3A_23, %swap3A_24], %max3A_22 {strides = array<i32>} : memref<1280x128xf32, #tpu.memory_space<vmem>>, vector<1280x128xf32>,
    return
  }
}

module attributes {stable_mosaic.version = 14 : i64} {
  func.func @_tcb_body(%arg0: memref<10240x16xf32, #tpu.memory_space<vmem>>, %arg1: memref<10240x16xf32, #tpu.memory_space<vmem>>, %arg2: memref<10240x16xf32, #tpu.memory_space<vmem>>, %arg3: memref<1x8xf32, #tpu.memory_space<vmem>>, %arg4: memref<1x8xf32, #tpu.memory_space<vmem>>, %arg5: memref<10240x8xf32, #tpu.memory_space<vmem>>, %arg6: memref<10240x16xf32, #tpu.memory_space<vmem>>, %arg7: memref<10240x16xf32, #tpu.memory_space<vmem>>) attributes {dimension_semantics = [], scalar_prefetch = 0 : i64, scratch_operands = 0 : i64, tpu.core_type = #tpu.core_type<tc>} {
    %get3A = arith.constant 0 : index
    %get3A_0 = arith.constant 0 : index
    %get3A_1 = vector.load %arg0[%get3A, %get3A_0] : memref<10240x16xf32, #tpu.memory_space<vmem>>, vector<10240x8xf32>
    %get3A_2 = arith.constant 0 : index
    %get3A_3 = arith.constant 8 : index
    %get3A_4 = vector.load %arg0[%get3A_2, %get3A_3] : memref<10240x16xf32, #tpu.memory_space<vmem>>, vector<10240x8xf32>
    %add3A = arith.addf %get3A_1, %get3A_4 : vector<10240x8xf32>
    %get3A_5 = arith.constant 0 : index
    %get3A_6 = arith.constant 0 : index
    %get3A_7 = vector.load %arg3[%get3A_5, %get3A_6] : memref<1x8xf32, #tpu.memory_space<vmem>>, vector<1x8xf32>
    %add3A_8 = vector.broadcast %get3A_7 : vector<1x8xf32> to vector<10240x8xf32>
    %add3A_9 = arith.addf %add3A, %add3A_8 : vector<10240x8xf32>
    %swap3A = arith.constant 0 : index
    %swap3A_10 = arith.constant 0 : index
    %swap3A_11 = vector.load %arg5[%swap3A, %swap3A_10] : memref<10240x8xf32, #tpu.memory_space<vmem>>, vector<10240x8xf32>
    tpu.vector_store %arg5[%swap3A, %swap3A_10], %add3A_9 {strides = array<i32>} : memref<10240x8xf32, #tpu.memory_space<vmem>>, vector<10240x8xf32>,
    %get3A_12 = arith.constant 0 : index
    %get3A_13 = arith.constant 0 : index
    %get3A_14 = vector.load %arg1[%get3A_12, %get3A_13] : memref<10240x16xf32, #tpu.memory_space<vmem>>, vector<10240x1xf32>
    %max3A = arith.constant 1.000000e+00 : f32
    %max3A_15 = vector.broadcast %max3A : f32 to vector<10240x1xf32>
    %max3A_16 = arith.maximumf %get3A_14, %max3A_15 : vector<10240x1xf32>
    %get3A_17 = arith.constant 0 : index
    %get3A_18 = arith.constant 0 : index
    %get3A_19 = vector.load %arg2[%get3A_17, %get3A_18] : memref<10240x16xf32, #tpu.memory_space<vmem>>, vector<10240x1xf32>
    %max3A_20 = arith.constant 1.000000e+00 : f32
    %max3A_21 = vector.broadcast %max3A_20 : f32 to vector<10240x1xf32>
    %max3A_22 = arith.maximumf %get3A_19, %max3A_21 : vector<10240x1xf32>
    %rsqrt3A = math.rsqrt %max3A_22 : vector<10240x1xf32>
    %broadcast_in_dim3A = vector.shape_cast %rsqrt3A : vector<10240x1xf32> to vector<10240x1xf32>
    %broadcast_in_dim3A_23 = vector.broadcast %broadcast_in_dim3A : vector<10240x1xf32> to vector<10240x16xf32>
    %swap3A_24 = arith.constant 0 : index
    %swap3A_25 = arith.constant 0 : index
    %swap3A_26 = vector.load %arg7[%swap3A_24, %swap3A_25] : memref<10240x16xf32, #tpu.memory_space<vmem>>, vector<10240x16xf32>
    tpu.vector_store %arg7[%swap3A_24, %swap3A_25], %broadcast_in_dim3A_23 {strides = array<i32>} : memref<10240x16xf32, #tpu.memory_space<vmem>>, vector<10240x16xf32>,
    %get3A_27 = arith.constant 0 : index
    %get3A_28 = arith.constant 0 : index
    %get3A_29 = vector.load %arg4[%get3A_27, %get3A_28] : memref<1x8xf32, #tpu.memory_space<vmem>>, vector<1x8xf32>
    %mul3A = vector.broadcast %get3A_29 : vector<1x8xf32> to vector<10240x8xf32>
    %mul3A_30 = arith.mulf %add3A_9, %mul3A : vector<10240x8xf32>
    %reduce_sum3A = arith.constant dense<0.000000e+00> : vector<10240xf32>
    %reduce_sum3A_31 = vector.multi_reduction <add>, %mul3A_30, %reduce_sum3A [1] : vector<10240x8xf32> to vector<10240xf32>
    %broadcast_in_dim3A_32 = vector.shape_cast %reduce_sum3A_31 : vector<10240xf32> to vector<10240x1xf32>
    %rsqrt3A_33 = math.rsqrt %max3A_16 : vector<10240x1xf32>
    %mul3A_34 = arith.mulf %broadcast_in_dim3A_32, %rsqrt3A_33 : vector<10240x1xf32>
    %broadcast_in_dim3A_35 = vector.shape_cast %mul3A_34 : vector<10240x1xf32> to vector<10240x1xf32>
    %broadcast_in_dim3A_36 = vector.broadcast %broadcast_in_dim3A_35 : vector<10240x1xf32> to vector<10240x16xf32>
    %swap3A_37 = arith.constant 0 : index
    %swap3A_38 = arith.constant 0 : index
    %swap3A_39 = vector.load %arg6[%swap3A_37, %swap3A_38] : memref<10240x16xf32, #tpu.memory_space<vmem>>, vector<10240x16xf32>
    tpu.vector_store %arg6[%swap3A_37, %swap3A_38], %broadcast_in_dim3A_36 {strides = array<i32>} : memref<10240x16xf32, #tpu.memory_space<vmem>>, vector<10240x16xf32>,
    return
  }
}

module attributes {stable_mosaic.version = 14 : i64} {
  func.func @_tcc_body(%arg0: memref<10240x16xf32, #tpu.memory_space<vmem>>, %arg1: memref<10240x16xf32, #tpu.memory_space<vmem>>, %arg2: memref<1x1xf32, #tpu.memory_space<vmem>>, %arg3: memref<10240x16xf32, #tpu.memory_space<vmem>>) attributes {dimension_semantics = [], scalar_prefetch = 0 : i64, scratch_operands = 0 : i64, tpu.core_type = #tpu.core_type<tc>} {
    %get3A = arith.constant 0 : index
    %get3A_0 = arith.constant 0 : index
    %get3A_1 = vector.load %arg0[%get3A, %get3A_0] : memref<10240x16xf32, #tpu.memory_space<vmem>>, vector<10240x16xf32>
    %get3A_2 = arith.constant 0 : index
    %get3A_3 = arith.constant 0 : index
    %get3A_4 = vector.load %arg1[%get3A_2, %get3A_3] : memref<10240x16xf32, #tpu.memory_space<vmem>>, vector<10240x16xf32>
    %mul3A = arith.mulf %get3A_1, %get3A_4 : vector<10240x16xf32>
    %get3A_5 = arith.constant 0 : index
    %get3A_6 = arith.constant 0 : index
    %get3A_7 = vector.load %arg2[%get3A_5, %get3A_6] : memref<1x1xf32, #tpu.memory_space<vmem>>, vector<1x1xf32>
    %get3A_8 = vector.extract %get3A_7[0, 0] : f32 from vector<1x1xf32>
    %add3A = vector.broadcast %get3A_8 : f32 to vector<10240x16xf32>
    %add3A_9 = arith.addf %mul3A, %add3A : vector<10240x16xf32>
    %neg3A = arith.constant 0.000000e+00 : f32
    %neg3A_10 = vector.broadcast %neg3A : f32 to vector<10240x16xf32>
    %neg3A_11 = arith.subf %neg3A_10, %add3A_9 : vector<10240x16xf32>
    %exp3A = math.exp %neg3A_11 : vector<10240x16xf32>
    %add3A_12 = arith.constant 1.000000e+00 : f32
    %add3A_13 = vector.broadcast %add3A_12 : f32 to vector<10240x16xf32>
    %add3A_14 = arith.addf %add3A_13, %exp3A : vector<10240x16xf32>
    %div3A = arith.constant 1.000000e+00 : f32
    %div3A_15 = vector.broadcast %div3A : f32 to vector<10240x16xf32>
    %div3A_16 = arith.divf %div3A_15, %add3A_14 : vector<10240x16xf32>
    %swap3A = arith.constant 0 : index
    %swap3A_17 = arith.constant 0 : index
    %swap3A_18 = vector.load %arg3[%swap3A, %swap3A_17] : memref<10240x16xf32, #tpu.memory_space<vmem>>, vector<10240x16xf32>
    tpu.vector_store %arg3[%swap3A, %swap3A_17], %div3A_16 {strides = array<i32>} : memref<10240x16xf32, #tpu.memory_space<vmem>>, vector<10240x16xf32>,
    return
  }
}

module attributes {stable_mosaic.version = 14 : i64} {
  func.func @_tcd_body(%arg0: memref<10240x8xf32, #tpu.memory_space<vmem>>, %arg1: memref<10240x16xf32, #tpu.memory_space<vmem>>, %arg2: memref<1x1xf32, #tpu.memory_space<vmem>>, %arg3: memref<1x1xi32, #tpu.memory_space<vmem>>, %arg4: memref<8x16xf32, #tpu.memory_space<vmem>>, %arg5: memref<1280x128xf32, #tpu.memory_space<vmem>>, %arg6: memref<1x1xf32, #tpu.memory_space<vmem>>, %arg7: memref<1x1xf32, #tpu.memory_space<vmem>>, %arg8: memref<10240x8xf32, #tpu.memory_space<vmem>>, %arg9: memref<10240x16xf32, #tpu.memory_space<vmem>>, %arg10: memref<10240x16xf32, #tpu.memory_space<vmem>>, %arg11: memref<1280x128xf32, #tpu.memory_space<vmem>>, %arg12: memref<10240x1xf32, #tpu.memory_space<vmem>>) attributes {dimension_semantics = [], scalar_prefetch = 0 : i64, scratch_operands = 0 : i64, tpu.core_type = #tpu.core_type<tc>} {
    %get3A = arith.constant 0 : index
    %get3A_0 = arith.constant 0 : index
    %get3A_1 = vector.load %arg1[%get3A, %get3A_0] : memref<10240x16xf32, #tpu.memory_space<vmem>>, vector<10240x1xf32>
    %iota3A = tpu.iota {dimensions = array<i32: 0>} : vector<10240x1xi32>
    %get3A_2 = arith.constant 0 : index
    %get3A_3 = arith.constant 0 : index
    %get3A_4 = vector.load %arg2[%get3A_2, %get3A_3] : memref<1x1xf32, #tpu.memory_space<vmem>>, vector<1x1xf32>
    %get3A_5 = vector.extract %get3A_4[0, 0] : f32 from vector<1x1xf32>
    %get3A_6 = arith.constant 0 : index
    %get3A_7 = arith.constant 0 : index
    %get3A_8 = vector.load %arg3[%get3A_6, %get3A_7] : memref<1x1xi32, #tpu.memory_space<vmem>>, vector<1x1xi32>
    %get3A_9 = vector.extract %get3A_8[0, 0] : i32 from vector<1x1xi32>
    %gt3A = vector.broadcast %get3A_5 : f32 to vector<10240x1xf32>
    %gt3A_10 = arith.cmpf ogt, %get3A_1, %gt3A : vector<10240x1xf32>
    %eq3A = vector.broadcast %get3A_5 : f32 to vector<10240x1xf32>
    %eq3A_11 = arith.cmpf oeq, %get3A_1, %eq3A : vector<10240x1xf32>
    %le3A = vector.broadcast %get3A_9 : i32 to vector<10240x1xi32>
    %le3A_12 = arith.cmpi sle, %iota3A, %le3A : vector<10240x1xi32>
    %and3A = arith.andi %eq3A_11, %le3A_12 : vector<10240x1xi1>
    %or3A = arith.ori %gt3A_10, %and3A : vector<10240x1xi1>
    %lt3A = arith.constant 10000 : i32
    %lt3A_13 = vector.broadcast %lt3A : i32 to vector<10240x1xi32>
    %lt3A_14 = arith.cmpi slt, %iota3A, %lt3A_13 : vector<10240x1xi32>
    %and3A_15 = arith.andi %or3A, %lt3A_14 : vector<10240x1xi1>
    %convert_element_type3A = arith.extui %and3A_15 : vector<10240x1xi1> to vector<10240x1xi32>
    %convert_element_type3A_16 = arith.sitofp %convert_element_type3A : vector<10240x1xi32> to vector<10240x1xf32>
    %swap3A = arith.constant 0 : index
    %swap3A_17 = arith.constant 0 : index
    %swap3A_18 = vector.load %arg12[%swap3A, %swap3A_17] : memref<10240x1xf32, #tpu.memory_space<vmem>>, vector<10240x1xf32>
    tpu.vector_store %arg12[%swap3A, %swap3A_17], %convert_element_type3A_16 {strides = array<i32>} : memref<10240x1xf32, #tpu.memory_space<vmem>>, vector<10240x1xf32>,
    %get3A_19 = arith.constant 0 : index
    %get3A_20 = arith.constant 0 : index
    %get3A_21 = vector.load %arg0[%get3A_19, %get3A_20] : memref<10240x8xf32, #tpu.memory_space<vmem>>, vector<10240x8xf32>
    %mul3A = vector.broadcast %get3A_1 : vector<10240x1xf32> to vector<10240x8xf32>
    %mul3A_22 = arith.mulf %get3A_21, %mul3A : vector<10240x8xf32>
    %mul3A_23 = vector.broadcast %convert_element_type3A_16 : vector<10240x1xf32> to vector<10240x8xf32>
    %mul3A_24 = arith.mulf %mul3A_22, %mul3A_23 : vector<10240x8xf32>
    %swap3A_25 = arith.constant 0 : index
    %swap3A_26 = arith.constant 0 : index
    %swap3A_27 = vector.load %arg8[%swap3A_25, %swap3A_26] : memref<10240x8xf32, #tpu.memory_space<vmem>>, vector<10240x8xf32>
    tpu.vector_store %arg8[%swap3A_25, %swap3A_26], %mul3A_24 {strides = array<i32>} : memref<10240x8xf32, #tpu.memory_space<vmem>>, vector<10240x8xf32>,
    %get3A_28 = arith.constant 0 : index
    %get3A_29 = arith.constant 0 : index
    %get3A_30 = vector.load %arg4[%get3A_28, %get3A_29] : memref<8x16xf32, #tpu.memory_space<vmem>>, vector<8x16xf32>
    %dot_general3A = arith.constant dense<0.000000e+00> : vector<10240x16xf32>
    %dot_general3A_31 = tpu.matmul %mul3A_24, %get3A_30, %dot_general3A {dimension_numbers = #tpu.dot_dimension_numbers<[1], [0], [0], [1], [0, 0, 1, 1], [], []>, transpose_lhs_hint = false} : vector<10240x8xf32>, vector<8x16xf32>, vector<10240x16xf32> -> vector<10240x16xf32>
    %swap3A_32 = arith.constant 0 : index
    %swap3A_33 = arith.constant 0 : index
    %swap3A_34 = vector.load %arg9[%swap3A_32, %swap3A_33] : memref<10240x16xf32, #tpu.memory_space<vmem>>, vector<10240x16xf32>
    tpu.vector_store %arg9[%swap3A_32, %swap3A_33], %dot_general3A_31 {strides = array<i32>} : memref<10240x16xf32, #tpu.memory_space<vmem>>, vector<10240x16xf32>,
    %broadcast_in_dim3A = vector.shape_cast %convert_element_type3A_16 : vector<10240x1xf32> to vector<10240x1xf32>
    %broadcast_in_dim3A_35 = vector.broadcast %broadcast_in_dim3A : vector<10240x1xf32> to vector<10240x16xf32>
    %swap3A_36 = arith.constant 0 : index
    %swap3A_37 = arith.constant 0 : index
    %swap3A_38 = vector.load %arg10[%swap3A_36, %swap3A_37] : memref<10240x16xf32, #tpu.memory_space<vmem>>, vector<10240x16xf32>
    tpu.vector_store %arg10[%swap3A_36, %swap3A_37], %broadcast_in_dim3A_35 {strides = array<i32>} : memref<10240x16xf32, #tpu.memory_space<vmem>>, vector<10240x16xf32>,
    %get3A_39 = arith.constant 0 : index
    %get3A_40 = arith.constant 0 : index
    %get3A_41 = vector.load %arg5[%get3A_39, %get3A_40] : memref<1280x128xf32, #tpu.memory_space<vmem>>, vector<1280x128xf32>
    %get3A_42 = arith.constant 0 : index
    %get3A_43 = arith.constant 0 : index
    %get3A_44 = vector.load %arg6[%get3A_42, %get3A_43] : memref<1x1xf32, #tpu.memory_space<vmem>>, vector<1x1xf32>
    %get3A_45 = vector.extract %get3A_44[0, 0] : f32 from vector<1x1xf32>
    %mul3A_46 = vector.broadcast %get3A_45 : f32 to vector<1280x128xf32>
    %mul3A_47 = arith.mulf %get3A_41, %mul3A_46 : vector<1280x128xf32>
    %get3A_48 = arith.constant 0 : index
    %get3A_49 = arith.constant 0 : index
    %get3A_50 = vector.load %arg7[%get3A_48, %get3A_49] : memref<1x1xf32, #tpu.memory_space<vmem>>, vector<1x1xf32>
    %get3A_51 = vector.extract %get3A_50[0, 0] : f32 from vector<1x1xf32>
    %add3A = vector.broadcast %get3A_51 : f32 to vector<1280x128xf32>
    %add3A_52 = arith.addf %mul3A_47, %add3A : vector<1280x128xf32>
    %max3A = arith.constant 0.000000e+00 : f32
    %max3A_53 = vector.broadcast %max3A : f32 to vector<1280x128xf32>
    %max3A_54 = arith.maximumf %add3A_52, %max3A_53 : vector<1280x128xf32>
    %swap3A_55 = arith.constant 0 : index
    %swap3A_56 = arith.constant 0 : index
    %swap3A_57 = vector.load %arg11[%swap3A_55, %swap3A_56] : memref<1280x128xf32, #tpu.memory_space<vmem>>, vector<1280x128xf32>
    tpu.vector_store %arg11[%swap3A_55, %swap3A_56], %max3A_54 {strides = array<i32>} : memref<1280x128xf32, #tpu.memory_space<vmem>>, vector<1280x128xf32>,
    return
  }
}

module attributes {stable_mosaic.version = 14 : i64} {
  func.func @_tce_body(%arg0: memref<10240x16xf32, #tpu.memory_space<vmem>>, %arg1: memref<10240x16xf32, #tpu.memory_space<vmem>>, %arg2: memref<10240x16xf32, #tpu.memory_space<vmem>>, %arg3: memref<1x8xf32, #tpu.memory_space<vmem>>, %arg4: memref<10240x1xf32, #tpu.memory_space<vmem>>, %arg5: memref<1x8xf32, #tpu.memory_space<vmem>>, %arg6: memref<10240x8xf32, #tpu.memory_space<vmem>>, %arg7: memref<10240x16xf32, #tpu.memory_space<vmem>>, %arg8: memref<10240x16xf32, #tpu.memory_space<vmem>>) attributes {dimension_semantics = [], scalar_prefetch = 0 : i64, scratch_operands = 0 : i64, tpu.core_type = #tpu.core_type<tc>} {
    %get3A = arith.constant 0 : index
    %get3A_0 = arith.constant 0 : index
    %get3A_1 = vector.load %arg4[%get3A, %get3A_0] : memref<10240x1xf32, #tpu.memory_space<vmem>>, vector<10240x1xf32>
    %get3A_2 = arith.constant 0 : index
    %get3A_3 = arith.constant 0 : index
    %get3A_4 = vector.load %arg0[%get3A_2, %get3A_3] : memref<10240x16xf32, #tpu.memory_space<vmem>>, vector<10240x8xf32>
    %get3A_5 = arith.constant 0 : index
    %get3A_6 = arith.constant 8 : index
    %get3A_7 = vector.load %arg0[%get3A_5, %get3A_6] : memref<10240x16xf32, #tpu.memory_space<vmem>>, vector<10240x8xf32>
    %add3A = arith.addf %get3A_4, %get3A_7 : vector<10240x8xf32>
    %get3A_8 = arith.constant 0 : index
    %get3A_9 = arith.constant 0 : index
    %get3A_10 = vector.load %arg3[%get3A_8, %get3A_9] : memref<1x8xf32, #tpu.memory_space<vmem>>, vector<1x8xf32>
    %add3A_11 = vector.broadcast %get3A_10 : vector<1x8xf32> to vector<10240x8xf32>
    %add3A_12 = arith.addf %add3A, %add3A_11 : vector<10240x8xf32>
    %mul3A = vector.broadcast %get3A_1 : vector<10240x1xf32> to vector<10240x8xf32>
    %mul3A_13 = arith.mulf %add3A_12, %mul3A : vector<10240x8xf32>
    %swap3A = arith.constant 0 : index
    %swap3A_14 = arith.constant 0 : index
    %swap3A_15 = vector.load %arg6[%swap3A, %swap3A_14] : memref<10240x8xf32, #tpu.memory_space<vmem>>, vector<10240x8xf32>
    tpu.vector_store %arg6[%swap3A, %swap3A_14], %mul3A_13 {strides = array<i32>} : memref<10240x8xf32, #tpu.memory_space<vmem>>, vector<10240x8xf32>,
    %get3A_16 = arith.constant 0 : index
    %get3A_17 = arith.constant 0 : index
    %get3A_18 = vector.load %arg1[%get3A_16, %get3A_17] : memref<10240x16xf32, #tpu.memory_space<vmem>>, vector<10240x1xf32>
    %mul3A_19 = arith.mulf %get3A_18, %get3A_1 : vector<10240x1xf32>
    %max3A = arith.constant 1.000000e+00 : f32
    %max3A_20 = vector.broadcast %max3A : f32 to vector<10240x1xf32>
    %max3A_21 = arith.maximumf %mul3A_19, %max3A_20 : vector<10240x1xf32>
    %get3A_22 = arith.constant 0 : index
    %get3A_23 = arith.constant 0 : index
    %get3A_24 = vector.load %arg2[%get3A_22, %get3A_23] : memref<10240x16xf32, #tpu.memory_space<vmem>>, vector<10240x1xf32>
    %mul3A_25 = arith.mulf %get3A_24, %get3A_1 : vector<10240x1xf32>
    %max3A_26 = arith.constant 1.000000e+00 : f32
    %max3A_27 = vector.broadcast %max3A_26 : f32 to vector<10240x1xf32>
    %max3A_28 = arith.maximumf %mul3A_25, %max3A_27 : vector<10240x1xf32>
    %rsqrt3A = math.rsqrt %max3A_28 : vector<10240x1xf32>
    %broadcast_in_dim3A = vector.shape_cast %rsqrt3A : vector<10240x1xf32> to vector<10240x1xf32>
    %broadcast_in_dim3A_29 = vector.broadcast %broadcast_in_dim3A : vector<10240x1xf32> to vector<10240x16xf32>
    %swap3A_30 = arith.constant 0 : index
    %swap3A_31 = arith.constant 0 : index
    %swap3A_32 = vector.load %arg8[%swap3A_30, %swap3A_31] : memref<10240x16xf32, #tpu.memory_space<vmem>>, vector<10240x16xf32>
    tpu.vector_store %arg8[%swap3A_30, %swap3A_31], %broadcast_in_dim3A_29 {strides = array<i32>} : memref<10240x16xf32, #tpu.memory_space<vmem>>, vector<10240x16xf32>,
    %get3A_33 = arith.constant 0 : index
    %get3A_34 = arith.constant 0 : index
    %get3A_35 = vector.load %arg5[%get3A_33, %get3A_34] : memref<1x8xf32, #tpu.memory_space<vmem>>, vector<1x8xf32>
    %mul3A_36 = vector.broadcast %get3A_35 : vector<1x8xf32> to vector<10240x8xf32>
    %mul3A_37 = arith.mulf %mul3A_13, %mul3A_36 : vector<10240x8xf32>
    %reduce_sum3A = arith.constant dense<0.000000e+00> : vector<10240xf32>
    %reduce_sum3A_38 = vector.multi_reduction <add>, %mul3A_37, %reduce_sum3A [1] : vector<10240x8xf32> to vector<10240xf32>
    %broadcast_in_dim3A_39 = vector.shape_cast %reduce_sum3A_38 : vector<10240xf32> to vector<10240x1xf32>
    %rsqrt3A_40 = math.rsqrt %max3A_21 : vector<10240x1xf32>
    %mul3A_41 = arith.mulf %broadcast_in_dim3A_39, %rsqrt3A_40 : vector<10240x1xf32>
    %broadcast_in_dim3A_42 = vector.shape_cast %mul3A_41 : vector<10240x1xf32> to vector<10240x1xf32>
    %broadcast_in_dim3A_43 = vector.broadcast %broadcast_in_dim3A_42 : vector<10240x1xf32> to vector<10240x16xf32>
    %swap3A_44 = arith.constant 0 : index
    %swap3A_45 = arith.constant 0 : index
    %swap3A_46 = vector.load %arg7[%swap3A_44, %swap3A_45] : memref<10240x16xf32, #tpu.memory_space<vmem>>, vector<10240x16xf32>
    tpu.vector_store %arg7[%swap3A_44, %swap3A_45], %broadcast_in_dim3A_43 {strides = array<i32>} : memref<10240x16xf32, #tpu.memory_space<vmem>>, vector<10240x16xf32>,
    return
  }
}

module attributes {stable_mosaic.version = 14 : i64} {
  func.func @_tcf_body(%arg0: memref<10240x16xf32, #tpu.memory_space<vmem>>, %arg1: memref<10240x16xf32, #tpu.memory_space<vmem>>, %arg2: memref<1x1xf32, #tpu.memory_space<vmem>>, %arg3: memref<10240x1xf32, #tpu.memory_space<vmem>>, %arg4: memref<10240x16xf32, #tpu.memory_space<vmem>>, %arg5: memref<10240x16xf32, #tpu.memory_space<vmem>>) attributes {dimension_semantics = [], scalar_prefetch = 0 : i64, scratch_operands = 0 : i64, tpu.core_type = #tpu.core_type<tc>} {
    %get3A = arith.constant 0 : index
    %get3A_0 = arith.constant 0 : index
    %get3A_1 = vector.load %arg0[%get3A, %get3A_0] : memref<10240x16xf32, #tpu.memory_space<vmem>>, vector<10240x16xf32>
    %get3A_2 = arith.constant 0 : index
    %get3A_3 = arith.constant 0 : index
    %get3A_4 = vector.load %arg1[%get3A_2, %get3A_3] : memref<10240x16xf32, #tpu.memory_space<vmem>>, vector<10240x16xf32>
    %mul3A = arith.mulf %get3A_1, %get3A_4 : vector<10240x16xf32>
    %get3A_5 = arith.constant 0 : index
    %get3A_6 = arith.constant 0 : index
    %get3A_7 = vector.load %arg2[%get3A_5, %get3A_6] : memref<1x1xf32, #tpu.memory_space<vmem>>, vector<1x1xf32>
    %get3A_8 = vector.extract %get3A_7[0, 0] : f32 from vector<1x1xf32>
    %add3A = vector.broadcast %get3A_8 : f32 to vector<10240x16xf32>
    %add3A_9 = arith.addf %mul3A, %add3A : vector<10240x16xf32>
    %neg3A = arith.constant 0.000000e+00 : f32
    %neg3A_10 = vector.broadcast %neg3A : f32 to vector<10240x16xf32>
    %neg3A_11 = arith.subf %neg3A_10, %add3A_9 : vector<10240x16xf32>
    %exp3A = math.exp %neg3A_11 : vector<10240x16xf32>
    %add3A_12 = arith.constant 1.000000e+00 : f32
    %add3A_13 = vector.broadcast %add3A_12 : f32 to vector<10240x16xf32>
    %add3A_14 = arith.addf %add3A_13, %exp3A : vector<10240x16xf32>
    %div3A = arith.constant 1.000000e+00 : f32
    %div3A_15 = vector.broadcast %div3A : f32 to vector<10240x16xf32>
    %div3A_16 = arith.divf %div3A_15, %add3A_14 : vector<10240x16xf32>
    %swap3A = arith.constant 0 : index
    %swap3A_17 = arith.constant 0 : index
    %swap3A_18 = vector.load %arg4[%swap3A, %swap3A_17] : memref<10240x16xf32, #tpu.memory_space<vmem>>, vector<10240x16xf32>
    tpu.vector_store %arg4[%swap3A, %swap3A_17], %div3A_16 {strides = array<i32>} : memref<10240x16xf32, #tpu.memory_space<vmem>>, vector<10240x16xf32>,
    %get3A_19 = arith.constant 0 : index
    %get3A_20 = arith.constant 0 : index
    %get3A_21 = vector.load %arg3[%get3A_19, %get3A_20] : memref<10240x1xf32, #tpu.memory_space<vmem>>, vector<10240x1xf32>
    %gt3A = arith.constant 0.000000e+00 : f32
    %gt3A_22 = vector.broadcast %gt3A : f32 to vector<10240x1xf32>
    %gt3A_23 = arith.cmpf ogt, %get3A_21, %gt3A_22 : vector<10240x1xf32>
    %jit3A = arith.constant -1.000000e+00 : f32
    %broadcast_in_dim3A = vector.shape_cast %gt3A_23 : vector<10240x1xi1> to vector<10240x1xi1>
    %broadcast_in_dim3A_24 = vector.broadcast %broadcast_in_dim3A : vector<10240x1xi1> to vector<10240x16xi1>
    %broadcast_in_dim3A_25 = vector.broadcast %jit3A : f32 to vector<10240x16xf32>
    %select_n3A = arith.select %broadcast_in_dim3A_24, %div3A_16, %broadcast_in_dim3A_25 : vector<10240x16xi1>, vector<10240x16xf32>
    %swap3A_26 = arith.constant 0 : index
    %swap3A_27 = arith.constant 0 : index
    %swap3A_28 = vector.load %arg5[%swap3A_26, %swap3A_27] : memref<10240x16xf32, #tpu.memory_space<vmem>>, vector<10240x16xf32>
    tpu.vector_store %arg5[%swap3A_26, %swap3A_27], %select_n3A {strides = array<i32>} : memref<10240x16xf32, #tpu.memory_space<vmem>>, vector<10240x16xf32>,
    return
  }
}

module attributes {stable_mosaic.version = 14 : i64} {
  func.func @_tcg_body(%arg0: memref<10240x8xf32, #tpu.memory_space<vmem>>, %arg1: memref<10240x1xf32, #tpu.memory_space<vmem>>, %arg2: memref<10240x8xf32, #tpu.memory_space<vmem>>, %arg3: memref<10240x16xf32, #tpu.memory_space<vmem>>, %arg4: memref<10240x16xf32, #tpu.memory_space<vmem>>, %arg5: memref<1x1xf32, #tpu.memory_space<vmem>>, %arg6: memref<1x1xi32, #tpu.memory_space<vmem>>, %arg7: memref<32x64xf32, #tpu.memory_space<vmem>>, %arg8: memref<1x64xf32, #tpu.memory_space<vmem>>, %arg9: memref<64x8xf32, #tpu.memory_space<vmem>>, %arg10: memref<1x8xf32, #tpu.memory_space<vmem>>, %arg11: memref<8x10xf32, #tpu.memory_space<vmem>>, %arg12: memref<1x10xf32, #tpu.memory_space<vmem>>, %arg13: memref<1x10xf32, #tpu.memory_space<vmem>>) attributes {dimension_semantics = [], scalar_prefetch = 0 : i64, scratch_operands = 0 : i64, tpu.core_type = #tpu.core_type<tc>} {
    %get3A = arith.constant 0 : index
    %get3A_0 = arith.constant 0 : index
    %get3A_1 = vector.load %arg0[%get3A, %get3A_0] : memref<10240x8xf32, #tpu.memory_space<vmem>>, vector<10240x8xf32>
    %reduce_sum3A = arith.constant dense<0.000000e+00> : vector<8xf32>
    %reduce_sum3A_2 = vector.multi_reduction <add>, %get3A_1, %reduce_sum3A [0] : vector<10240x8xf32> to vector<8xf32>
    %broadcast_in_dim3A = vector.shape_cast %reduce_sum3A_2 : vector<8xf32> to vector<1x8xf32>
    %mul3A = arith.constant 2.000000e-04 : f32
    %mul3A_3 = vector.broadcast %mul3A : f32 to vector<1x8xf32>
    %mul3A_4 = arith.mulf %broadcast_in_dim3A, %mul3A_3 : vector<1x8xf32>
    %get3A_5 = arith.constant 0 : index
    %get3A_6 = arith.constant 0 : index
    %get3A_7 = vector.load %arg1[%get3A_5, %get3A_6] : memref<10240x1xf32, #tpu.memory_space<vmem>>, vector<10240x1xf32>
    %gt3A = arith.constant 0.000000e+00 : f32
    %gt3A_8 = vector.broadcast %gt3A : f32 to vector<10240x1xf32>
    %gt3A_9 = arith.cmpf ogt, %get3A_7, %gt3A_8 : vector<10240x1xf32>
    %jit3A = arith.constant 0xFF800000 : f32
    %broadcast_in_dim3A_10 = vector.shape_cast %gt3A_9 : vector<10240x1xi1> to vector<10240x1xi1>
    %broadcast_in_dim3A_11 = vector.broadcast %broadcast_in_dim3A_10 : vector<10240x1xi1> to vector<10240x8xi1>
    %broadcast_in_dim3A_12 = vector.broadcast %jit3A : f32 to vector<10240x8xf32>
    %select_n3A = arith.select %broadcast_in_dim3A_11, %get3A_1, %broadcast_in_dim3A_12 : vector<10240x8xi1>, vector<10240x8xf32>
    %reduce_max3A = arith.constant dense<0xFF800000> : vector<8xf32>
    %reduce_max3A_13 = vector.multi_reduction <maximumf>, %select_n3A, %reduce_max3A [0] : vector<10240x8xf32> to vector<8xf32>
    %broadcast_in_dim3A_14 = vector.shape_cast %reduce_max3A_13 : vector<8xf32> to vector<1x8xf32>
    %get3A_15 = arith.constant 0 : index
    %get3A_16 = arith.constant 0 : index
    %get3A_17 = vector.load %arg4[%get3A_15, %get3A_16] : memref<10240x16xf32, #tpu.memory_space<vmem>>, vector<10240x1xf32>
    %iota3A = tpu.iota {dimensions = array<i32: 0>} : vector<10240x1xi32>
    %get3A_18 = arith.constant 0 : index
    %get3A_19 = arith.constant 0 : index
    %get3A_20 = vector.load %arg5[%get3A_18, %get3A_19] : memref<1x1xf32, #tpu.memory_space<vmem>>, vector<1x1xf32>
    %get3A_21 = vector.extract %get3A_20[0, 0] : f32 from vector<1x1xf32>
    %get3A_22 = arith.constant 0 : index
    %get3A_23 = arith.constant 0 : index
    %get3A_24 = vector.load %arg6[%get3A_22, %get3A_23] : memref<1x1xi32, #tpu.memory_space<vmem>>, vector<1x1xi32>
    %get3A_25 = vector.extract %get3A_24[0, 0] : i32 from vector<1x1xi32>
    %gt3A_26 = vector.broadcast %get3A_21 : f32 to vector<10240x1xf32>
    %gt3A_27 = arith.cmpf ogt, %get3A_17, %gt3A_26 : vector<10240x1xf32>
    %eq3A = vector.broadcast %get3A_21 : f32 to vector<10240x1xf32>
    %eq3A_28 = arith.cmpf oeq, %get3A_17, %eq3A : vector<10240x1xf32>
    %le3A = vector.broadcast %get3A_25 : i32 to vector<10240x1xi32>
    %le3A_29 = arith.cmpi sle, %iota3A, %le3A : vector<10240x1xi32>
    %and3A = arith.andi %eq3A_28, %le3A_29 : vector<10240x1xi1>
    %or3A = arith.ori %gt3A_27, %and3A : vector<10240x1xi1>
    %lt3A = arith.constant 10000 : i32
    %lt3A_30 = vector.broadcast %lt3A : i32 to vector<10240x1xi32>
    %lt3A_31 = arith.cmpi slt, %iota3A, %lt3A_30 : vector<10240x1xi32>
    %and3A_32 = arith.andi %or3A, %lt3A_31 : vector<10240x1xi1>
    %convert_element_type3A = arith.extui %and3A_32 : vector<10240x1xi1> to vector<10240x1xi32>
    %convert_element_type3A_33 = arith.sitofp %convert_element_type3A : vector<10240x1xi32> to vector<10240x1xf32>
    %get3A_34 = arith.constant 0 : index
    %get3A_35 = arith.constant 0 : index
    %get3A_36 = vector.load %arg2[%get3A_34, %get3A_35] : memref<10240x8xf32, #tpu.memory_space<vmem>>, vector<10240x8xf32>
    %get3A_37 = arith.constant 0 : index
    %get3A_38 = arith.constant 0 : index
    %get3A_39 = vector.load %arg3[%get3A_37, %get3A_38] : memref<10240x16xf32, #tpu.memory_space<vmem>>, vector<10240x1xf32>
    %mul3A_40 = vector.broadcast %get3A_39 : vector<10240x1xf32> to vector<10240x8xf32>
    %mul3A_41 = arith.mulf %get3A_36, %mul3A_40 : vector<10240x8xf32>
    %mul3A_42 = vector.broadcast %convert_element_type3A_33 : vector<10240x1xf32> to vector<10240x8xf32>
    %mul3A_43 = arith.mulf %mul3A_41, %mul3A_42 : vector<10240x8xf32>
    %reduce_sum3A_44 = arith.constant dense<0.000000e+00> : vector<8xf32>
    %reduce_sum3A_45 = vector.multi_reduction <add>, %mul3A_43, %reduce_sum3A_44 [0] : vector<10240x8xf32> to vector<8xf32>
    %broadcast_in_dim3A_46 = vector.shape_cast %reduce_sum3A_45 : vector<8xf32> to vector<1x8xf32>
    %mul3A_47 = arith.constant 4.000000e-04 : f32
    %mul3A_48 = vector.broadcast %mul3A_47 : f32 to vector<1x8xf32>
    %mul3A_49 = arith.mulf %broadcast_in_dim3A_46, %mul3A_48 : vector<1x8xf32>
    %gt3A_50 = arith.constant 0.000000e+00 : f32
    %gt3A_51 = vector.broadcast %gt3A_50 : f32 to vector<10240x1xf32>
    %gt3A_52 = arith.cmpf ogt, %convert_element_type3A_33, %gt3A_51 : vector<10240x1xf32>
    %jit3A_53 = arith.constant 0xFF800000 : f32
    %broadcast_in_dim3A_54 = vector.shape_cast %gt3A_52 : vector<10240x1xi1> to vector<10240x1xi1>
    %broadcast_in_dim3A_55 = vector.broadcast %broadcast_in_dim3A_54 : vector<10240x1xi1> to vector<10240x8xi1>
    %broadcast_in_dim3A_56 = vector.broadcast %jit3A_53 : f32 to vector<10240x8xf32>
    %select_n3A_57 = arith.select %broadcast_in_dim3A_55, %mul3A_43, %broadcast_in_dim3A_56 : vector<10240x8xi1>, vector<10240x8xf32>
    %reduce_max3A_58 = arith.constant dense<0xFF800000> : vector<8xf32>
    %reduce_max3A_59 = vector.multi_reduction <maximumf>, %select_n3A_57, %reduce_max3A_58 [0] : vector<10240x8xf32> to vector<8xf32>
    %broadcast_in_dim3A_60 = vector.shape_cast %reduce_max3A_59 : vector<8xf32> to vector<1x8xf32>
    %concatenate3A = tpu.concatenate %mul3A_4, %broadcast_in_dim3A_14, %mul3A_49, %broadcast_in_dim3A_60 in 1 : vector<1x8xf32>, vector<1x8xf32>, vector<1x8xf32>, vector<1x8xf32> -> vector<1x32xf32>
    %get3A_61 = arith.constant 0 : index
    %get3A_62 = arith.constant 0 : index
    %get3A_63 = vector.load %arg7[%get3A_61, %get3A_62] : memref<32x64xf32, #tpu.memory_space<vmem>>, vector<32x64xf32>
    %dot_general3A = arith.constant dense<0.000000e+00> : vector<1x64xf32>
    %dot_general3A_64 = tpu.matmul %concatenate3A, %get3A_63, %dot_general3A {dimension_numbers = #tpu.dot_dimension_numbers<[1], [0], [0], [1], [0, 0, 1, 1], [], []>, transpose_lhs_hint = false} : vector<1x32xf32>, vector<32x64xf32>, vector<1x64xf32> -> vector<1x64xf32>
    %get3A_65 = arith.constant 0 : index
    %get3A_66 = arith.constant 0 : index
    %get3A_67 = vector.load %arg8[%get3A_65, %get3A_66] : memref<1x64xf32, #tpu.memory_space<vmem>>, vector<1x64xf32>
    %add3A = arith.addf %dot_general3A_64, %get3A_67 : vector<1x64xf32>
    %max3A = arith.constant 0.000000e+00 : f32
    %max3A_68 = vector.broadcast %max3A : f32 to vector<1x64xf32>
    %max3A_69 = arith.maximumf %add3A, %max3A_68 : vector<1x64xf32>
    %get3A_70 = arith.constant 0 : index
    %get3A_71 = arith.constant 0 : index
    %get3A_72 = vector.load %arg9[%get3A_70, %get3A_71] : memref<64x8xf32, #tpu.memory_space<vmem>>, vector<64x8xf32>
    %dot_general3A_73 = arith.constant dense<0.000000e+00> : vector<1x8xf32>
    %dot_general3A_74 = tpu.matmul %max3A_69, %get3A_72, %dot_general3A_73 {dimension_numbers = #tpu.dot_dimension_numbers<[1], [0], [0], [1], [0, 0, 1, 1], [], []>, transpose_lhs_hint = false} : vector<1x64xf32>, vector<64x8xf32>, vector<1x8xf32> -> vector<1x8xf32>
    %get3A_75 = arith.constant 0 : index
    %get3A_76 = arith.constant 0 : index
    %get3A_77 = vector.load %arg10[%get3A_75, %get3A_76] : memref<1x8xf32, #tpu.memory_space<vmem>>, vector<1x8xf32>
    %add3A_78 = arith.addf %dot_general3A_74, %get3A_77 : vector<1x8xf32>
    %max3A_79 = arith.constant 0.000000e+00 : f32
    %max3A_80 = vector.broadcast %max3A_79 : f32 to vector<1x8xf32>
    %max3A_81 = arith.maximumf %add3A_78, %max3A_80 : vector<1x8xf32>
    %get3A_82 = arith.constant 0 : index
    %get3A_83 = arith.constant 0 : index
    %get3A_84 = vector.load %arg11[%get3A_82, %get3A_83] : memref<8x10xf32, #tpu.memory_space<vmem>>, vector<8x10xf32>
    %dot_general3A_85 = arith.constant dense<0.000000e+00> : vector<1x10xf32>
    %dot_general3A_86 = tpu.matmul %max3A_81, %get3A_84, %dot_general3A_85 {dimension_numbers = #tpu.dot_dimension_numbers<[1], [0], [0], [1], [0, 0, 1, 1], [], []>, transpose_lhs_hint = false} : vector<1x8xf32>, vector<8x10xf32>, vector<1x10xf32> -> vector<1x10xf32>
    %get3A_87 = arith.constant 0 : index
    %get3A_88 = arith.constant 0 : index
    %get3A_89 = vector.load %arg12[%get3A_87, %get3A_88] : memref<1x10xf32, #tpu.memory_space<vmem>>, vector<1x10xf32>
    %add3A_90 = arith.addf %dot_general3A_86, %get3A_89 : vector<1x10xf32>
    %reduce_max3A_91 = arith.constant dense<0xFF800000> : vector<1xf32>
    %reduce_max3A_92 = vector.multi_reduction <maximumf>, %add3A_90, %reduce_max3A_91 [1] : vector<1x10xf32> to vector<1xf32>
    %broadcast_in_dim3A_93 = vector.shape_cast %reduce_max3A_92 : vector<1xf32> to vector<1x1xf32>
    %sub3A = vector.broadcast %broadcast_in_dim3A_93 : vector<1x1xf32> to vector<1x10xf32>
    %sub3A_94 = arith.subf %add3A_90, %sub3A : vector<1x10xf32>
    %exp3A = math.exp %sub3A_94 : vector<1x10xf32>
    %reduce_sum3A_95 = arith.constant dense<0.000000e+00> : vector<1xf32>
    %reduce_sum3A_96 = vector.multi_reduction <add>, %exp3A, %reduce_sum3A_95 [1] : vector<1x10xf32> to vector<1xf32>
    %broadcast_in_dim3A_97 = vector.shape_cast %reduce_sum3A_96 : vector<1xf32> to vector<1x1xf32>
    %log3A = math.log %broadcast_in_dim3A_97 : vector<1x1xf32>
    %sub3A_98 = vector.broadcast %log3A : vector<1x1xf32> to vector<1x10xf32>
    %sub3A_99 = arith.subf %sub3A_94, %sub3A_98 : vector<1x10xf32>
    %swap3A = arith.constant 0 : index
    %swap3A_100 = arith.constant 0 : index
    %swap3A_101 = vector.load %arg13[%swap3A, %swap3A_100] : memref<1x10xf32, #tpu.memory_space<vmem>>, vector<1x10xf32>
    tpu.vector_store %arg13[%swap3A, %swap3A_100], %sub3A_99 {strides = array<i32>} : memref<1x10xf32, #tpu.memory_space<vmem>>, vector<1x10xf32>,
    return
  }
}

</mosaic_0001>

<sc_bundles>
// kernel: kernel.13.cloned.1.call-start
scs
__scs_entry_jumppad:
0x0: {  	(pc) =	sbr.rel $0x88, $3  }
0x1: {  	(tag) =	ssettag $0x0;
	lr =	simm.s32 $0x1  }
0x2: {  	[smem:$0x3F8A] =	sst lr;
	_ =	strace $0xD0000000  }
0x3: {  	_ = 	snop  }
0x4: {  	_ = 	snop  }
0x5: {  	_ = 	snop  }
0x6: {  	_ = 	snop  }
0x7: {  	_ = 	snop  }
__scs_overlays_trampoline_lowered:
0x8: {  	[smem:$0x3F99] =	sst s0  }
0x9: {  	[smem:$0x3F9A] =	sst s1  }
0xa: {  	[smem:$0x3F9B] =	sst s2  }
0xb: {  	[smem:$0x3F9C] =	sst s3  }
0xc: {  	[smem:$0x3F9D] =	sst s4  }
0xd: {  	[smem:$0x3F9E] =	sst s5  }
0xe: {  	[smem:$0x3F9F] =	sst s6  }
0xf: {  	[smem:$0x3FA0] =	sst s7  }
0x10: {  	[smem:$0x3FA1] =	sst s8  }
0x11: {  	[smem:$0x3FA2] =	sst s9;
	s0 =	simm.s32 @!p0 $0x0  }
0x12: {  	s1 =	sld [smem:$0x3F88];
	s0 =	simm.s32 @p0 $0x1  }
0x13: {  	[smem:$0x3FA3] =	sst s0;
	s0 =	simm.s32 @!p1 $0x0  }
0x14: {  	s2 =	sld [smem:$0x3F87];
	s0 =	simm.s32 @p1 $0x1  }
0x15: {  	[smem:$0x3FA4] =	sst s0;
	s0 =	simm.s32 @!p2 $0x0  }
0x16: {  	s3 =	sld [smem:$0x3FDB];
	s0 =	simm.s32 @p2 $0x1  }
0x17: {  	s4 =	simm.s32 $0x1BF5;
	[smem:$0x3FA6] =	sst s0  }
0x18: {  	s0 =	sld [smem:$0x3F89];
	_ =	swait.ge [sflag:s4], $0x0  }
0x19: {  	s7 =	sld [smem:$0x3F8A]  }
0x1a: {  	s8 =	sadd.s32 $0xFFFFE003, lr  }
0x1b: {  	s9 =	sadd.s32 $0xFFFFFEF7, lr;
	s5 =	simm.s32 $0xFFFFFFFF;
	p2 =	slt.u32 s8, $0xFFFFF086  }
0x1c: {  	p1 =	slt.u32 s9, $0xF7A;
	s5 =	simm.s32 @!p2 $0x0  }
0x1d: {  	s5 =	simm.s32 @p1 $0x1;
	p0 =	seq.s32 s7, s2  }
0x1e: {  	s7 =	smul.u32 @!p0 $0xF7A, s2;
	p2 =	seq.s32 @!p0 s5, $0x0  }
0x1f: {  	s9 =	smul.u32 $0xF7A, s1;
	s8 =	simm.s32 @!p0 $0x1BF5;
	p2 =	por !p2, p0  }
0x20: {  	[sflag:s8] =	ssyncset.s32 @!p0 $0xFFFFF086;
	s6 =	sadd.s32 @!p0 s3, s7;
	s7 =	simm.s32 @!p0 $0x108  }
0x21: {  	s3 =	sadd.s32 s3, s9;
	s6 =	sadd.s32 @!p0 $0x88, s6;
	s7 =	simm.s32 @p2 $0x1082  }
0x22: {  	[simem:s7], [sflag:s8] =	dma.local @!p0 [hbm:s6], $0xF7A  }
0x23: {  	s9 =	sor.u32 $0xD0000000, s2;
	s6 =	simm.s32 $0x108;
	_ =	swait.ge @!p0 [sflag:s8], $0x0  }
0x24: {  	s3 =	sadd.s32 $0x88, s3;
	s6 =	simm.s32 @!p1 $0x1082;
	[sflag:s4] =	ssyncset.s32 $0xFFFFF086  }
0x25: {  	[simem:s6], [sflag:s4] =	dma.local [hbm:s3], $0xF7A  }
0x26: {  	[smem:$0x3F8A] =	sst s1;
	(tag) =	ssettag s2;
	_ =	strace s9  }
0x27: {  	s1 =	sld [smem:$0x3F9A]  }
0x28: {  	s2 =	sld [smem:$0x3F9B]  }
0x29: {  	s4 =	sld [smem:$0x3F9D]  }
0x2a: {  	p0 =	seq.s32 s5, $0x0;
	s5 =	sld [smem:$0x3F9E]  }
0x2b: {  	s6 =	sld [smem:$0x3F9F]  }
0x2c: {  	s7 =	sld [smem:$0x3FA0]  }
0x2d: {  	s3 =	simm.s32 $0x108;
	s8 =	sld [smem:$0x3FA1]  }
0x2e: {  	s3 =	simm.s32 @!p0 $0x1082;
	s9 =	sld [smem:$0x3FA2]  }
0x2f: {  	lr =	sadd.s32 s0, s3;
	s0 =	sld [smem:$0x3F99]  }
0x30: {  	s3 =	sld [smem:$0x3F9C]  }
0x31: {  	[smem:$0x3FA5] =	sst s10  }
0x32: {  	s10 =	sld [smem:$0x3FA3];
	_ =	sdelay $0x3  }
0x33: {  	p0 =	seq.s32 s10, $0x1;
	s10 =	sld [smem:$0x3FA5];
	_ =	sdelay $0x3  }
0x34: {  	[smem:$0x3FA5] =	sst s10  }
0x35: {  	s10 =	sld [smem:$0x3FA4];
	_ =	sdelay $0x3  }
0x36: {  	p1 =	seq.s32 s10, $0x1;
	s10 =	sld [smem:$0x3FA5];
	_ =	sdelay $0x3  }
0x37: {  	[smem:$0x3FA5] =	sst s10  }
0x38: {  	s10 =	sld [smem:$0x3FA6]  }
0x39: {  	_ = 	snop;
	(pc) =	sbr.ind lr, $3  }
0x3a: {  	_ = 	snop  }
0x3b: {  	_ = 	snop  }
0x3c: {  	p2 =	seq.s32 s10, $0x1;
	s10 =	sld [smem:$0x3FA5]  }
0x3d: {  	_ =	shalt  }
0x3e: {  	_ =	shalt  }
0x3f: {  	_ =	shalt  }
0x40: {  	_ =	shalt  }
0x41: {  	_ =	shalt  }
0x42: {  	_ =	shalt  }
0x43: {  	_ =	shalt  }
0x44: {  	_ =	shalt  }
0x45: {  	_ =	shalt  }
0x46: {  	_ =	shalt  }
0x47: {  	_ =	shalt  }
0x48: {  	_ =	shalt  }
0x49: {  	_ =	shalt  }
0x4a: {  	_ =	shalt  }
0x4b: {  	_ =	shalt  }
0x4c: {  	_ =	shalt  }
0x4d: {  	_ =	shalt  }
0x4e: {  	_ =	shalt  }
0x4f: {  	_ =	shalt  }
0x50: {  	_ =	shalt  }
0x51: {  	_ =	shalt  }
0x52: {  	_ =	shalt  }
0x53: {  	_ =	shalt  }
0x54: {  	_ =	shalt  }
0x55: {  	_ =	shalt  }
0x56: {  	_ =	shalt  }
0x57: {  	_ =	shalt  }
0x58: {  	_ =	shalt  }
0x59: {  	_ =	shalt  }
0x5a: {  	_ =	shalt  }
0x5b: {  	_ =	shalt  }
0x5c: {  	_ =	shalt  }
0x5d: {  	_ =	shalt  }
0x5e: {  	_ =	shalt  }
0x5f: {  	_ =	shalt  }
0x60: {  	_ =	shalt  }
0x61: {  	_ =	shalt  }
0x62: {  	_ =	shalt  }
0x63: {  	_ =	shalt  }
0x64: {  	_ =	shalt  }
0x65: {  	_ =	shalt  }
0x66: {  	_ =	shalt  }
0x67: {  	_ =	shalt  }
0x68: {  	_ =	shalt  }
0x69: {  	_ =	shalt  }
0x6a: {  	_ =	shalt  }
0x6b: {  	_ =	shalt  }
0x6c: {  	_ =	shalt  }
0x6d: {  	_ =	shalt  }
0x6e: {  	_ =	shalt  }
0x6f: {  	_ =	shalt  }
0x70: {  	_ =	shalt  }
0x71: {  	_ =	shalt  }
0x72: {  	_ =	shalt  }
0x73: {  	_ =	shalt  }
0x74: {  	_ =	shalt  }
0x75: {  	_ =	shalt  }
0x76: {  	_ =	shalt  }
0x77: {  	_ =	shalt  }
0x78: {  	_ =	shalt  }
0x79: {  	_ =	shalt  }
0x7a: {  	_ =	shalt  }
0x7b: {  	_ =	shalt  }
0x7c: {  	_ =	shalt  }
0x7d: {  	_ =	shalt  }
0x7e: {  	_ =	shalt  }
0x7f: {  	_ =	shalt  }
0x80: {  	_ =	shalt  }
0x81: {  	_ =	shalt  }
0x82: {  	_ =	shalt  }
0x83: {  	_ =	shalt  }
0x84: {  	_ =	shalt  }
0x85: {  	_ =	shalt  }
0x86: {  	_ =	shalt  }
0x87: {  	_ =	shalt  }
.Lfunc_end0:
.L_simem_size_0:
called_computation_lowered:
.L_overlay_start_0:
0x88: {  	s2 =	sld [smem:$0x3FD9]  }
0x89: {  	s3 =	sld [smem:$0x3FFE];
	_ =	sdelay $0x1  }
0x8a: {  	s1 =	srdreg.scid  }
0x8b: {  	s0 =	sand.u32 $0x1, s1  }
0x8c: {  	s16 =	sshll.u32 s0, $0xA;
	s2 =	sadd.s32 s3, s2  }
0x8d: {  	s2 =	sadd.s32 s2, s16  }
0x8e: {  	[smem:$0x3FB1] =	sst s2  }
0x8f: {  	_ = 	snop  }
0x90: {  	(tm) =	ssettm $0x1  }
0x91: {  	s17 =	sld [smem:$0x3FFB];
	_ =	sdelay $0x3  }
0x92: {  	_ =	strace s17  }
0x93: {  	s2 =	sld [smem:$0x3FFC];
	_ =	sdelay $0x3  }
0x94: {  	_ =	strace s2  }
0x95: {  	s2 =	sld [smem:$0x3FFD];
	_ =	sdelay $0x3  }
0x96: {  	_ =	strace s2  }
0x97: {  	_ =	strace $0x8FFFFFFF  }
0x98: {  	s18 =	sld [smem:$0x3FDB];
	_ =	sdelay $0x1  }
0x99: {  	s19 =	simm.s32 $_scs_section_size  }
0x9a: {  	s4 =	simm.s32 $_size__tile_overlayer_lowered;
	s5 =	simm.s32 $_tile_overlayer_lowered  }
0x9b: {  	s22 =	simm.s32 $0x1BFF;
	s21 =	sshll.u32 s5, $0x1;
	s2 =	sadd.s32 s19, s18  }
0x9c: {  	s6 =	simm.s32 $0x0;
	s20 =	sshll.u32 s4, $0x1;
	s4 =	sadd.s32 s21, s2  }
0x9d: {  	[timem:s6], [sflag:s22] =	dma.local [hbm:s4], s20  }
0x9e: {  	_ =	swait.ge [sflag:s22], s20  }
0x9f: {  	s3 =	ssub.s32 $0x0, s20;
	[sflag:s22] =	ssyncset.done $0x0  }
0xa0: {  	[sflag:s22] =	ssyncadd.s32 s3;
	_ =	sdelay $0x1  }
0xa1: {  	s23 =	simm.s32 $0x1B8B  }
0xa2: {  	_ =	swait.ge [sflag:s23], $0x1  }
0xa3: {  	[sflag:s23] =	ssyncset.done $0x0  }
0xa4: {  	s25 =	simm.s32 $0x1B8E;
	s24 =	sld [smem:$0x3FFE];
	[sflag:s23] =	ssyncadd.s32 $0xFFFFFFFF  }
0xa5: {  	s26 =	simm.s32 $execute0_lowered;
	[smem:$0x3FD2] =	sst s25  }
0xa6: {  	s4 =	sshll.u32 s26, $0x1;
	_ =	strace $0x80000046;
	[dreg:$0x1] =	wrdreg $0xFFFFFFFF  }
0xa7: {  	s28 =	simm.s32 $_size_execute0_lowered;
	s2 =	sadd.s32 s2, s4;
	[dreg:$0x0] =	wrdreg $0x0  }
0xa8: {  	s4 =	sshll.u32 s28, $0x1;
	[dreg:$0x2] =	wrdreg s2  }
0xa9: {  	[dreg:$0x3] =	wrdreg s4  }
0xaa: {  	[dreg:$0x4] =	wrdreg $0xC0  }
0xab: {  	_ =	task [dreg:s6], $0x5FFFF  }
0xac: {  	[dreg:$0x1] =	wrdreg $0xFFFFFFFF  }
0xad: {  	[dreg:$0x0] =	wrdreg $0x60  }
0xae: {  	[dreg:$0x2] =	wrdreg s24  }
0xaf: {  	[dreg:$0x3] =	wrdreg $0x0  }
0xb0: {  	[dreg:$0x4] =	wrdreg $0x28000  }
0xb1: {  	[dreg:$0x5] =	wrdreg $0x50000  }
0xb2: {  	[dreg:$0x6] =	wrdreg $0x9  }
0xb3: {  	_ =	task.clear_ibuf [dreg:s6], $0x7FFFF;
	_ =	strace $0x90000046  }
0xb4: {  	s29 =	simm.s32 $0x9;
	_ =	strace $0x80000048  }
0xb5: {  	_ =	swait.ge [sflag:s29], $0x1  }
0xb6: {  	[sflag:s29] =	ssyncadd.s32 $0xFFFFFFFF  }
0xb7: {  	_ =	strace $0x90000048  }
0xb8: {  	_ =	sfence  }
0xb9: {  	s30 =	sld [smem:$0x0];
	_ =	sdelay $0x2  }
0xba: {  	s31 =	sshll.u32 s1, $0xD;
	s1 =	sshrl.u32 s1, $0x2  }
0xbb: {  	s3 =	sand.u32 $0x4000, s31;
	s1 =	sadd.s32 s1, s30  }
0xbc: {  	s0 =	sor.u32 s3, s0;
	s1 =	sshll.u32 s1, $0x11  }
0xbd: {  	s0 =	sor.u32 s1, s0  }
0xbe: {  	s0 =	sadd.s32 $0x8F2B, s0  }
0xbf: {  	[sflag:s0] =	ssyncadd.remote.s32 $0x1  }
0xc0: {  	_ =	sfence.sel $0xFFFF  }
0xc1: {  	[dreg:$0x0] =	wrdreg $0xFFFFFFFF;
	(pc) =	sbr.abs _section_cstart, $3  }
0xc2: {  	[dreg:$0x1] =	wrdreg $0xFFFFFFFF  }
0xc3: {  	_ =	task.clear_ibuf [dreg:s6], $0x2FFFF;
	_ =	strace $0x9FFFFFFF  }
0xc4: {  	(tm) =	ssettm $0x7FFFFFFF  }
0xc5: {  	_ =	shalt  }
tec
execute0_lowered:
.L_overlay_start_1:
0x0: {  	(tag) =	ssettag $0x1  }
0x1: {  	s0 =	rddreg [dreg:$0x0]  }
0x2: {  	s2 =	rddreg [dreg:$0x1]  }
0x3: {  	s3 =	rddreg [dreg:$0x2]  }
0x4: {  	s4 =	rddreg [dreg:$0x3];
	s13 =	stileid.u32;
	s6 =	simm.s32 $0x0  }
0x5: {  	s5 =	srdreg.scid;
	s28 =	simm.s32 $0xBC00;
	s29 =	simm.s32 $0xCC00  }
0x6: {  	s30 =	simm.s32 $0xDC00;
	s31 =	simm.s32 $0x1;
	s14 =	simm.s32 $0x0  }
0x7: {  	s1 =	smul.u32 $0x2800, s13;
	[smem:$0x7FF] =	sst s6;
	s5 =	sand.u32 $0x1, s5  }
0x8: {  	s8 =	smul.u32 $0x280, s13;
	s6 =	sadd.s32 $0x5000, s0;
	s7 =	sadd.s32 $0xA000, s0  }
0x9: {  	s11 =	sshll.u32 s13, $0x1;
	s18 =	sshll.u32 s13, $0x6;
	_ =	strace $0x80000047  }
0xa: {  	s10 =	smul.u32 $0x2800, s5;
	s16 =	ssub.s32 $0x2, s5;
	s5 =	sor.u32 s5, s11  }
0xb: {  	s13 =	sor.u32 $0x1C07, s18;
	s18 =	simm.s32 $0x7;
	s11 =	simm.s32 $0x4  }
0xc: {  	s9 =	sshrl.u32 s1, $0x3;
	s12 =	sshrl.u32 s16, $0x1;
	s5 =	smul.u32 $0x280, s5  }
0xd: {  	s17 =	sadd.s32 s1, s2;
	s19 =	sadd.s32 s1, s3;
	s9 =	sadd.s32 s9, s0  }
0xe: {  	[dreg:$0x6] =	wrdreg s13;
	s8 =	sadd.s32 s8, s10;
	s9 =	sadd.s32 $0x19000, s9  }
0xf: {  	s10 =	ssub.s32 s16, s12;
	s5 =	sadd.s32 s0, s5;
	[dreg:$0x5] =	wrdreg s9  }
0x10: {  	s20 =	sadd.s32 s1, s4;
	s26 =	smax.u32 s10, $0x1;
	[dreg:$0x7] =	wrdreg s5  }
0x11: {  	s1 =	simm.s32 $0x5;
	s10 =	sshrl.u32 s20, $0x3;
	[dreg:$0xd] =	wrdreg s26  }
0x12: {  	s12 =	simm.s32 $0x6;
	s21 =	sadd.s32 $0xF000, s5;
	[dreg:$0x10] =	wrdreg s10  }
0x13: {  	s8 =	sshll.u32 s8, $0x1;
	s22 =	sadd.s32 $0x14000, s5;
	[dreg:$0x8] =	wrdreg s21  }
0x14: {  	s8 =	sadd.s32 s8, s0;
	s9 =	sshrl.u32 s19, $0x3;
	[dreg:$0x9] =	wrdreg s22  }
0x15: {  	s26 =	simm.s32 $0xD400;
	s23 =	sadd.s32 $0x1E000, s8;
	[dreg:$0xf] =	wrdreg s9  }
0x16: {  	s0 =	simm.s32 $0x3;
	s24 =	sadd.s32 $0x32000, s8;
	[dreg:$0xa] =	wrdreg s23  }
0x17: {  	s25 =	sadd.s32 $0x28000, s8;
	s8 =	sshrl.u32 s17, $0x3;
	[dreg:$0xb] =	wrdreg s24  }
0x18: {  	vm0 =	vcmask $0x1F00;
	v0 =	vimm.f32 $0.0e+00;
	v1 =	vimm.f32 $1.000000000e+00;
	s22 =	simm.s32 $0x2;
	[dreg:$0xc] =	wrdreg s25;
	s23 =	simm.s32 $0x80  }
0x19: {  	v0 =	vsel vm0, $0x3F800000, v0;
	v1 =	vsel vm0, $0x0, v1;
	s24 =	simm.s32 $0xB400;
	s25 =	simm.s32 $0xC400;
	[dreg:$0xe] =	wrdreg s8  }
.LBB2_1:
0x1a: {  	[dreg:$0x11] =	wrdreg s14  }
0x1b: {  	s5 =	rddreg [dreg:$0x5]  }
0x1c: {  	[spmem:s8], [sflag:s13] =	dma.local [hbm:s5], $0x500  }
0x1d: {  	_ =	swait.ge [sflag:s18], $0x500  }
0x1e: {  	[sflag:s18] =	ssyncset.done $0x0  }
0x1f: {  	[sflag:s18] =	ssyncadd.s32 $0xFFFFFB00  }
0x20: {  	[spmem:s9], [sflag:s13] =	dma.local [hbm:s5], $0x500  }
0x21: {  	_ =	swait.ge [sflag:s18], $0x500  }
0x22: {  	[sflag:s18] =	ssyncset.done $0x0  }
0x23: {  	[sflag:s18] =	ssyncadd.s32 $0xFFFFFB00  }
0x24: {  	[spmem:s10], [sflag:s13] =	dma.local [hbm:s5], $0x500  }
0x25: {  	_ =	swait.ge [sflag:s18], $0x500  }
0x26: {  	[sflag:s18] =	ssyncset.done $0x0  }
0x27: {  	[sflag:s18] =	ssyncadd.s32 $0xFFFFFB00  }
0x28: {  	[bflag:$0x0] =	sbarrier.arrive $0xFFFF  }
0x29: {  	s15 =	simm.s32 $0x0;
	s17 =	simm.s32 $0x7800;
	s16 =	rddreg [dreg:$0x8]  }
0x2a: {  	[tilespmem:s17], [sflag:$0x7] =	stream.linear.gather [hbm4b:s16+s15], $0x1400, $0x38;
	[tilespmem:$0xE400] =	vst v63  }
0x2b: {  	_ =	swait.ge [sflag:s18], $0x1400  }
0x2c: {  	[sflag:s18] =	ssyncset.done $0x0  }
0x2d: {  	s20 =	simm.s32 $0x8C00;
	s19 =	rddreg [dreg:$0x9];
	[sflag:s18] =	ssyncadd.s32 $0xFFFFEC00  }
0x2e: {  	[tilespmem:s20], [sflag:$0x7] =	stream.linear.gather [hbm4b:s19+s15], $0x1400, $0x38;
	[tilespmem:$0xE400] =	vst v63  }
0x2f: {  	_ =	swait.ge [sflag:s18], $0x1400  }
0x30: {  	[sflag:s18] =	ssyncset.done $0x0  }
0x31: {  	s14 =	simm.s32 $0xA000;
	s21 =	rddreg [dreg:$0x7];
	[sflag:s18] =	ssyncadd.s32 $0xFFFFEC00  }
0x32: {  	[tilespmem:s14], [sflag:$0x7] =	stream.linear.gather [hbm4b:s21+s15], $0x1400, $0x38;
	[tilespmem:$0xE400] =	vst v63  }
0x33: {  	_ =	swait.ge [sflag:s18], $0x1400  }
0x34: {  	[sflag:s18] =	ssyncset.done $0x0  }
0x35: {  	[sflag:s18] =	ssyncadd.s32 $0xFFFFEC00  }
0x36: {  	[tilespmem:s24], [sflag:$0x1] =	stream.indirect.gather [hbm4b:s6+s23], $0x10, s17, s23, $0xb8;
	[tilespmem:$0xE400] =	vst v63  }
0x37: {  	_ = 	snop  }
0x38: {  	[tilespmem:s25], [sflag:$0x3] =	stream.indirect.gather [hbm4b:s7+s23], $0x10, s17, s23, $0xb8;
	[tilespmem:$0xE400] =	vst v63  }
0x39: {  	s16 =	simm.s32 $0x0;
	s15 =	simm.s32 $0xA080  }
0x3a: {  	[tilespmem:s26], [sflag:$0x5] =	stream.indirect.gather [hbm4b:s7+s23], $0x10, s20, s23, $0xb8;
	[tilespmem:$0xE400] =	vst v63  }
.LBB2_2:
0x3b: {  	s21 =	sshll.u32 s16, $0x8  }
0x3c: {  	s10 =	sadd.s32 $0x7880, s21  }
0x3d: {  	[tilespmem:s28], [sflag:$0x2] =	stream.indirect.gather [hbm4b:s6+s23], $0x10, s10, s23, $0xb8;
	[tilespmem:$0xE400] =	vst v63  }
0x3e: {  	_ = 	snop  }
0x3f: {  	[tilespmem:s29], [sflag:$0x4] =	stream.indirect.gather [hbm4b:s7+s23], $0x10, s10, s23, $0xb8;
	[tilespmem:$0xE400] =	vst v63  }
0x40: {  	s5 =	sadd.s32 $0x8C80, s21  }
0x41: {  	[tilespmem:s30], [sflag:$0x6] =	stream.indirect.gather [hbm4b:s7+s23], $0x10, s5, s23, $0xb8;
	[tilespmem:$0xE400] =	vst v63  }
0x42: {  	_ =	swait.ge [sflag:s31], $0x800  }
0x43: {  	[sflag:s31] =	ssyncset.done $0x0  }
0x44: {  	[sflag:s31] =	ssyncadd.s32 $0xFFFFF800  }
0x45: {  	_ =	swait.ge [sflag:s0], $0x800  }
0x46: {  	v2 =	vmov s14;
	[sflag:s0] =	ssyncset.done $0x0  }
0x47: {  	[sflag:s0] =	ssyncadd.s32 $0xFFFFF800  }
0x48: {  	_ =	swait.ge [sflag:s1], $0x800  }
0x49: {  	[sflag:s1] =	ssyncset.done $0x0  }
0x4a: {  	s8 =	simm.s32 $0x0;
	[sflag:s1] =	ssyncadd.s32 $0xFFFFF800  }
0x4b: {  	v4 =	vld.idx.msk [tilespmem:v2+s8+$0x0 ss:$0x1], $0xffff;
	_ =	sdelay $0x4  }
0x4c: {  	v3 =	vbroadcast v4, $0x0;
	v8 =	vbroadcast v4, $0x4  }
0x4d: {  	v9 =	vbroadcast v4, $0xB;
	v5 =	vbroadcast v4, $0xC  }
0x4e: {  	v12 =	vbroadcast v4, $0x1;
	v7 =	vbroadcast v4, $0x6  }
0x4f: {  	v10 =	vbroadcast v4, $0x5;
	v11 =	vbroadcast v4, $0xE  }
0x50: {  	v14 =	vbroadcast v4, $0x3;
	v15 =	vbroadcast v4, $0x9  }
0x51: {  	s19 =	simm.s32 $0xB480;
	v17 =	vbroadcast v4, $0xF;
	v18 =	vbroadcast v4, $0x7  }
0x52: {  	v13 =	vld [tilespmem:s19+$0xFFFFFF80];
	v21 =	vbroadcast v4, $0xA;
	v22 =	vbroadcast v4, $0x2  }
0x53: {  	v16 =	vld [tilespmem:s19+$0x40];
	v25 =	vbroadcast v4, $0x8;
	v6 =	vmul.f32 v0, v3  }
0x54: {  	v19 =	vld [tilespmem:s19+$0x60];
	v3 =	vbroadcast v4, $0xD;
	v7 =	vmul.f32 v0, v7  }
0x55: {  	v20 =	vld [tilespmem:s19+$0x10];
	v5 =	vmul.f32 v0, v5;
	v11 =	vmul.f32 v0, v11  }
0x56: {  	v24 =	vld [tilespmem:s19+$0x70];
	v15 =	vmul.f32 v0, v15;
	v17 =	vmul.f32 v0, v17  }
0x57: {  	v58 =	vld [tilespmem:s19+$0xFFFFFFF0];
	v18 =	vmul.f32 v0, v18;
	v25 =	vmul.f32 v0, v25;
	v5 =	vadd.f32 v1, v5  }
0x58: {  	v23 =	vld [tilespmem:s19+$0x20];
	v14 =	vmul.f32 v0, v14;
	v10 =	vmul.f32 v0, v10;
	v4 =	vadd.f32 v1, v11  }
0x59: {  	v59 =	vld [tilespmem:s19+$0x0];
	v6 =	vadd.f32 v1, v6;
	v11 =	vmul.f32 v0, v21;
	v5 =	vmul.f32 v16, v5  }
0x5a: {  	v17 =	vadd.f32 v1, v17;
	v18 =	vadd.f32 v1, v18;
	v16 =	vld [tilespmem:s19+$0xFFFFFFE0];
	v19 =	vmul.f32 v19, v4  }
0x5b: {  	v62 =	vmul.f32 v0, v8;
	v8 =	vld [tilespmem:s19+$0x50];
	v11 =	vadd.f32 v1, v11;
	v13 =	vmul.f32 v6, v13;
	[tilespmem:s19+$0x40] =	vst v5  }
0x5c: {  	v15 =	vadd.f32 v1, v15;
	v18 =	vmul.f32 v58, v18;
	[tilespmem:s19+$0x60] =	vst v19;
	v5 =	vmul.f32 v24, v17;
	v17 =	vld [tilespmem:s19+$0xFFFFFFD0]  }
0x5d: {  	v61 =	vmul.f32 v0, v9;
	v60 =	vadd.f32 v1, v7;
	v7 =	vld [tilespmem:s19+$0x30];
	v11 =	vmul.f32 v23, v11;
	[tilespmem:s19+$0xFFFFFF80] =	vst v13  }
0x5e: {  	v63 =	vadd.f32 v1, v10;
	v4 =	vld [tilespmem:s19+$0xFFFFFFB0];
	v15 =	vmul.f32 v20, v15;
	v13 =	vmul.f32 v0, v22;
	[tilespmem:s19+$0xFFFFFFF0] =	vst v18  }
0x5f: {  	v6 =	vld [tilespmem:s19+$0xFFFFFFC0];
	v19 =	vadd.f32 v1, v25;
	[tilespmem:s19+$0x20] =	vst v11;
	v11 =	vadd.f32 v1, v14;
	v23 =	vmul.f32 v16, v60  }
0x60: {  	s20 =	simm.s32 $0x80;
	v10 =	vld [tilespmem:s19+$0xFFFFFF90];
	[tilespmem:s19+$0x10] =	vst v15;
	v14 =	vmul.f32 v0, v12;
	v9 =	vadd.f32 v1, v13;
	v13 =	vadd.f32 v1, v61  }
0x61: {  	s9 =	simm.s32 $0x10;
	s17 =	simm.s32 $0xB580;
	s8 =	simm.s32 $0xB580;
	v12 =	vld [tilespmem:s19+$0xFFFFFFA0];
	v16 =	vadd.f32 v1, v62;
	v15 =	vmul.f32 v17, v63;
	[tilespmem:s19+$0xFFFFFFE0] =	vst v23;
	v17 =	vmul.f32 v59, v19  }
.LBB2_3:
0x62: {  	p0 =	sne.s32 s20, $0x1C0  }
0x63: {  	s8 =	sadd.s32 $0x100, s8;
	v4 =	vmul.f32 v4, v11;
	v3 =	vmul.f32 v0, v3;
	[tilespmem:s19+$0x70] =	vst v5;
	s13 =	smov.u32 s20;
	s20 =	sadd.s32 $0x40, s20  }
0x64: {  	v5 =	vadd.f32 v1, v14;
	v6 =	vmul.f32 v6, v16;
	[tilespmem:s19+$0x0] =	vst v17;
	v7 =	vmul.f32 v7, v13  }
0x65: {  	[tilespmem:s19+$0xFFFFFFB0] =	vst v4;
	v3 =	vadd.f32 v1, v3  }
0x66: {  	v4 =	vmul.f32 v5, v10;
	[tilespmem:s19+$0xFFFFFFD0] =	vst v15  }
0x67: {  	v5 =	vmul.f32 v12, v9;
	[tilespmem:s19+$0xFFFFFFC0] =	vst v6;
	v3 =	vmul.f32 v8, v3  }
0x68: {  	[tilespmem:s19+$0xFFFFFF90] =	vst v4  }
0x69: {  	[tilespmem:s19+$0x50] =	vst v3  }
0x6a: {  	[tilespmem:s19+$0xFFFFFFA0] =	vst v5  }
0x6b: {  	[tilespmem:s19+$0x30] =	vst v7;
	s19 =	smov.u32 s17;
	s17 =	smov.u32 s8  }
0x6c: {  	v4 =	vld.idx.msk [tilespmem:v2+s9+$0x0 ss:$0x1], $0xffff;
	_ =	sdelay $0x4  }
0x6d: {  	v8 =	vld [tilespmem:s19+$0xFFFFFFE0]  }
0x6e: {  	v3 =	vbroadcast v4, $0x0;
	v9 =	vbroadcast v4, $0x4  }
0x6f: {  	v10 =	vbroadcast v4, $0xB;
	v5 =	vbroadcast v4, $0xC  }
0x70: {  	v12 =	vbroadcast v4, $0x1;
	v6 =	vmul.f32 v0, v3  }
0x71: {  	v7 =	vbroadcast v4, $0x6;
	v3 =	vbroadcast v4, $0xD  }
0x72: {  	v11 =	vbroadcast v4, $0x5;
	v13 =	vbroadcast v4, $0xE  }
0x73: {  	v15 =	vbroadcast v4, $0x3;
	v16 =	vbroadcast v4, $0x9;
	v6 =	vadd.f32 v1, v6;
	v14 =	vld [tilespmem:s19+$0xFFFFFF80]  }
0x74: {  	s9 =	sshra.s32 s13, $0x2;
	v18 =	vbroadcast v4, $0xF;
	v7 =	vmul.f32 v0, v7;
	v17 =	vld [tilespmem:s19+$0x40]  }
0x75: {  	v19 =	vbroadcast v4, $0x7;
	v5 =	vmul.f32 v0, v5;
	v20 =	vld [tilespmem:s19+$0x60]  }
0x76: {  	v22 =	vbroadcast v4, $0xA;
	v13 =	vmul.f32 v0, v13;
	v21 =	vld [tilespmem:s19+$0x10]  }
0x77: {  	v23 =	vbroadcast v4, $0x2;
	v16 =	vmul.f32 v0, v16;
	v5 =	vadd.f32 v1, v5;
	v24 =	vld [tilespmem:s19+$0x70]  }
0x78: {  	v25 =	vbroadcast v4, $0x8;
	v4 =	vadd.f32 v1, v13;
	v13 =	vmul.f32 v0, v18;
	v26 =	vld [tilespmem:s19+$0x20]  }
0x79: {  	v22 =	vmul.f32 v0, v22;
	v16 =	vadd.f32 v1, v16;
	v18 =	vld [tilespmem:s19+$0xFFFFFFF0];
	v5 =	vmul.f32 v17, v5  }
0x7a: {  	v13 =	vadd.f32 v1, v13;
	v17 =	vmul.f32 v0, v19;
	v19 =	vmul.f32 v20, v4  }
0x7b: {  	v20 =	vmul.f32 v0, v25;
	v4 =	vld [tilespmem:s19+$0xFFFFFFB0];
	v16 =	vmul.f32 v21, v16;
	v21 =	vadd.f32 v1, v22;
	[tilespmem:s19+$0x40] =	vst v5  }
0x7c: {  	v6 =	vmul.f32 v6, v14;
	v14 =	vadd.f32 v1, v17;
	v17 =	vld [tilespmem:s19+$0x0];
	[tilespmem:s19+$0x60] =	vst v19;
	v5 =	vmul.f32 v24, v13  }
0x7d: {  	v13 =	vmul.f32 v0, v15;
	v19 =	vadd.f32 v1, v20;
	v15 =	vld [tilespmem:s19+$0xFFFFFFD0];
	v20 =	vmul.f32 v26, v21  }
.Ltmp0:
0x7e: {  	v22 =	vadd.f32 v1, v7;
	v21 =	vmul.f32 v0, v11;
	[tilespmem:s19+$0xFFFFFF80] =	vst v6;
	v6 =	vld [tilespmem:s19+$0xFFFFFFC0];
	v14 =	vmul.f32 v18, v14;
	(pc) =	sbr.rel @p0 .LBB2_3-.Ltmp0, $4  }
0x7f: {  	v18 =	vmul.f32 v0, v23;
	v11 =	vadd.f32 v1, v13;
	v13 =	vmul.f32 v0, v10;
	[tilespmem:s19+$0x20] =	vst v20;
	v7 =	vld [tilespmem:s19+$0x30]  }
0x80: {  	v22 =	vmul.f32 v8, v22;
	v20 =	vmul.f32 v0, v9;
	v21 =	vadd.f32 v1, v21;
	[tilespmem:s19+$0xFFFFFFF0] =	vst v14;
	v8 =	vld [tilespmem:s19+$0x50]  }
0x81: {  	v14 =	vmul.f32 v0, v12;
	v9 =	vadd.f32 v1, v18;
	v13 =	vadd.f32 v1, v13;
	v10 =	vld [tilespmem:s19+$0xFFFFFF90];
	[tilespmem:s19+$0x10] =	vst v16  }
0x82: {  	v16 =	vadd.f32 v1, v20;
	v17 =	vmul.f32 v17, v19;
	v12 =	vld [tilespmem:s19+$0xFFFFFFA0];
	v15 =	vmul.f32 v15, v21;
	[tilespmem:s19+$0xFFFFFFE0] =	vst v22  }
0x83: {  	v3 =	vmul.f32 v0, v3;
	[tilespmem:s19+$0x70] =	vst v5  }
0x84: {  	v4 =	vmul.f32 v4, v11;
	v5 =	vadd.f32 v1, v14;
	[tilespmem:s19+$0x0] =	vst v17  }
0x85: {  	v6 =	vmul.f32 v6, v16;
	[tilespmem:s19+$0xFFFFFFD0] =	vst v15;
	v3 =	vadd.f32 v1, v3  }
0x86: {  	[tilespmem:s19+$0xFFFFFFB0] =	vst v4;
	v4 =	vmul.f32 v5, v10  }
0x87: {  	[tilespmem:s19+$0xFFFFFFC0] =	vst v6;
	v3 =	vmul.f32 v8, v3  }
0x88: {  	v5 =	vmul.f32 v12, v9;
	[tilespmem:s19+$0xFFFFFF90] =	vst v4  }
0x89: {  	v4 =	vmul.f32 v7, v13;
	[tilespmem:s19+$0x50] =	vst v3  }
0x8a: {  	[tilespmem:s19+$0xFFFFFFA0] =	vst v5  }
0x8b: {  	[tilespmem:s19+$0x30] =	vst v4  }
0x8c: {  	v2 =	vld.idx.msk [tilespmem:v2+s9+$0x0 ss:$0x1], $0xffff;
	_ =	sdelay $0x4  }
0x8d: {  	v3 =	vbroadcast v2, $0x0;
	v4 =	vbroadcast v2, $0x4  }
0x8e: {  	v5 =	vbroadcast v2, $0xB;
	v6 =	vbroadcast v2, $0xC  }
0x8f: {  	v7 =	vbroadcast v2, $0x1;
	v8 =	vbroadcast v2, $0x6  }
0x90: {  	v9 =	vbroadcast v2, $0xD;
	v11 =	vbroadcast v2, $0x5  }
0x91: {  	v12 =	vbroadcast v2, $0xE;
	v13 =	vbroadcast v2, $0x3  }
0x92: {  	v15 =	vld [tilespmem:s17+$0x40];
	v14 =	vbroadcast v2, $0x9;
	v18 =	vbroadcast v2, $0xA  }
0x93: {  	v16 =	vld [tilespmem:s17+$0x60];
	v19 =	vbroadcast v2, $0xF;
	v6 =	vmul.f32 v0, v6  }
0x94: {  	v17 =	vld [tilespmem:s17+$0xFFFFFF80];
	v20 =	vbroadcast v2, $0x7;
	v12 =	vmul.f32 v0, v12  }
0x95: {  	v24 =	vld [tilespmem:s17+$0x10];
	v22 =	vbroadcast v2, $0x2;
	v3 =	vmul.f32 v0, v3;
	v6 =	vadd.f32 v1, v6  }
0x96: {  	v21 =	vld [tilespmem:s17+$0x20];
	v2 =	vbroadcast v2, $0x8;
	v14 =	vmul.f32 v0, v14;
	v12 =	vadd.f32 v1, v12  }
0x97: {  	v23 =	vld [tilespmem:s17+$0xFFFFFFF0];
	v18 =	vmul.f32 v0, v18;
	v3 =	vadd.f32 v1, v3;
	v6 =	vmul.f32 v15, v6  }
0x98: {  	v10 =	vld [tilespmem:s17+$0xFFFFFFE0];
	v14 =	vadd.f32 v1, v14;
	v15 =	vmul.f32 v0, v20;
	v12 =	vmul.f32 v16, v12  }
0x99: {  	v8 =	vmul.f32 v0, v8;
	v16 =	vadd.f32 v1, v18;
	v3 =	vmul.f32 v3, v17;
	v17 =	vld [tilespmem:s17+$0x0];
	[tilespmem:s17+$0x40] =	vst v6  }
0x9a: {  	v53 =	vld [tilespmem:s17+$0x70];
	v2 =	vmul.f32 v0, v2;
	v14 =	vmul.f32 v24, v14;
	v6 =	vadd.f32 v1, v15;
	[tilespmem:s17+$0x60] =	vst v12  }
0x9b: {  	v15 =	vmul.f32 v0, v19;
	v12 =	vmul.f32 v21, v16;
	v16 =	vld [tilespmem:s17+$0xFFFFFFD0];
	[tilespmem:s17+$0xFFFFFF80] =	vst v3;
	v3 =	vadd.f32 v1, v8  }
0x9c: {  	v11 =	vmul.f32 v0, v11;
	v2 =	vadd.f32 v1, v2;
	v18 =	vld [tilespmem:s17+$0xFFFFFFB0];
	[tilespmem:s17+$0x10] =	vst v14;
	v6 =	vmul.f32 v23, v6  }
0x9d: {  	v13 =	vmul.f32 v0, v13;
	v8 =	vadd.f32 v1, v15;
	v15 =	vld [tilespmem:s17+$0xFFFFFFC0];
	[tilespmem:s17+$0x20] =	vst v12;
	v3 =	vmul.f32 v10, v3  }
0x9e: {  	v4 =	vmul.f32 v0, v4;
	v11 =	vadd.f32 v1, v11;
	v10 =	vld [tilespmem:s17+$0xFFFFFF90];
	v2 =	vmul.f32 v17, v2;
	[tilespmem:s17+$0xFFFFFFF0] =	vst v6  }
0x9f: {  	v7 =	vmul.f32 v0, v7;
	v6 =	vmul.f32 v53, v8;
	v8 =	vadd.f32 v1, v13;
	v13 =	vld [tilespmem:s17+$0x50];
	[tilespmem:s17+$0xFFFFFFE0] =	vst v3  }
0xa0: {  	v9 =	vmul.f32 v0, v9;
	v4 =	vadd.f32 v1, v4;
	v12 =	vld [tilespmem:s17+$0x30];
	v11 =	vmul.f32 v16, v11;
	[tilespmem:s17+$0x0] =	vst v2  }
0xa1: {  	v7 =	vadd.f32 v1, v7;
	v3 =	vld [tilespmem:s17+$0xFFFFFFA0];
	v2 =	vmul.f32 v0, v5;
	v8 =	vmul.f32 v18, v8;
	[tilespmem:s17+$0x70] =	vst v6  }
0xa2: {  	v5 =	vadd.f32 v1, v9;
	v6 =	vmul.f32 v0, v22;
	v4 =	vmul.f32 v15, v4;
	[tilespmem:s17+$0xFFFFFFD0] =	vst v11  }
0xa3: {  	v7 =	vmul.f32 v7, v10;
	v2 =	vadd.f32 v1, v2;
	[tilespmem:s17+$0xFFFFFFB0] =	vst v8  }
0xa4: {  	v6 =	vadd.f32 v1, v6;
	[tilespmem:s17+$0xFFFFFFC0] =	vst v4;
	v4 =	vmul.f32 v13, v5  }
0xa5: {  	[tilespmem:s17+$0xFFFFFF90] =	vst v7;
	v2 =	vmul.f32 v12, v2  }
0xa6: {  	v3 =	vmul.f32 v3, v6;
	[tilespmem:s17+$0x50] =	vst v4  }
0xa7: {  	[tilespmem:s17+$0x30] =	vst v2  }
0xa8: {  	s8 =	sadd.s32 $0x8C00, s21;
	[tilespmem:s17+$0xFFFFFFA0] =	vst v3  }
0xa9: {  	[spmem:s2] =	stream.indirect.scatter.add.f32 [tilespmem:s24], [sflag:$0x7], $0x10, s8, s23, $0xb8;
	[tilespmem:$0xE400] =	vst v63  }
0xaa: {  	_ =	swait.ge [sflag:s18], $0x800  }
0xab: {  	[sflag:s18] =	ssyncset.done $0x0  }
0xac: {  	[sflag:s18] =	ssyncadd.s32 $0xFFFFF800  }
0xad: {  	[spmem:s4] =	stream.indirect.scatter.add.f32 [tilespmem:s25], [sflag:$0x7], $0x10, s8, s23, $0xb8;
	[tilespmem:$0xE400] =	vst v63  }
0xae: {  	_ =	swait.ge [sflag:s18], $0x800  }
0xaf: {  	[sflag:s18] =	ssyncset.done $0x0  }
0xb0: {  	s20 =	sadd.s32 $0x7800, s21;
	[sflag:s18] =	ssyncadd.s32 $0xFFFFF800  }
0xb1: {  	[spmem:s3] =	stream.indirect.scatter.add.f32 [tilespmem:s26], [sflag:$0x7], $0x10, s20, s23, $0xb8;
	[tilespmem:$0xE400] =	vst v63  }
0xb2: {  	p0 =	seq.s32 s16, $0x13;
	_ =	swait.ge [sflag:s18], $0x800  }
0xb3: {  	s13 =	simm.s32 @!p0 $0xB400;
	[sflag:s18] =	ssyncset.done $0x0  }
0xb4: {  	s9 =	simm.s32 @!p0 $0x80;
	s8 =	sadd.s32 @!p0 $0x7900, s21;
	[sflag:s18] =	ssyncadd.s32 $0xFFFFF800  }
0xb5: {  	[tilespmem:s13], [sflag:$0x1] =	stream.indirect.gather @!p0 [hbm4b:s6+s9], $0x10, s8, s9, $0xb8;
	[tilespmem:$0xE400] =	vst v63  }
0xb6: {  	s13 =	simm.s32 @!p0 $0xC400  }
0xb7: {  	[tilespmem:s13], [sflag:$0x3] =	stream.indirect.gather @!p0 [hbm4b:s7+s9], $0x10, s8, s9, $0xb8;
	[tilespmem:$0xE400] =	vst v63  }
0xb8: {  	s8 =	sadd.s32 @!p0 $0x8D00, s21;
	s13 =	simm.s32 @!p0 $0xD400  }
0xb9: {  	[tilespmem:s13], [sflag:$0x5] =	stream.indirect.gather @!p0 [hbm4b:s7+s9], $0x10, s8, s9, $0xb8;
	[tilespmem:$0xE400] =	vst v63  }
0xba: {  	_ =	swait.ge [sflag:s22], $0x800  }
0xbb: {  	[sflag:s22] =	ssyncset.done $0x0  }
0xbc: {  	[sflag:s22] =	ssyncadd.s32 $0xFFFFF800  }
0xbd: {  	_ =	swait.ge [sflag:s11], $0x800  }
0xbe: {  	v2 =	vmov s15;
	[sflag:s11] =	ssyncset.done $0x0  }
0xbf: {  	[sflag:s11] =	ssyncadd.s32 $0xFFFFF800  }
0xc0: {  	_ =	swait.ge [sflag:s12], $0x800  }
0xc1: {  	[sflag:s12] =	ssyncset.done $0x0  }
0xc2: {  	s21 =	simm.s32 $0x0;
	[sflag:s12] =	ssyncadd.s32 $0xFFFFF800  }
0xc3: {  	v4 =	vld.idx.msk [tilespmem:v2+s21+$0x0 ss:$0x1], $0xffff;
	_ =	sdelay $0x4  }
0xc4: {  	v3 =	vbroadcast v4, $0x0;
	v8 =	vbroadcast v4, $0x4  }
0xc5: {  	v9 =	vbroadcast v4, $0xB;
	v5 =	vbroadcast v4, $0xC  }
0xc6: {  	v12 =	vbroadcast v4, $0x1;
	v7 =	vbroadcast v4, $0x6  }
0xc7: {  	v10 =	vbroadcast v4, $0x5;
	v11 =	vbroadcast v4, $0xE  }
0xc8: {  	v13 =	vbroadcast v4, $0x3;
	v14 =	vbroadcast v4, $0x9  }
0xc9: {  	s19 =	simm.s32 $0xBCF0;
	v17 =	vbroadcast v4, $0xF;
	v19 =	vbroadcast v4, $0x7  }
0xca: {  	v15 =	vld [tilespmem:s19+$0xFFFFFFF0];
	v55 =	vbroadcast v4, $0xA;
	v56 =	vbroadcast v4, $0x2  }
0xcb: {  	v16 =	vld [tilespmem:s19+$0xFFFFFFD0];
	v25 =	vbroadcast v4, $0x8;
	v6 =	vmul.f32 v0, v3  }
0xcc: {  	v18 =	vld [tilespmem:s19+$0xFFFFFF10];
	v3 =	vbroadcast v4, $0xD;
	v7 =	vmul.f32 v0, v7  }
0xcd: {  	v54 =	vld [tilespmem:s19+$0xFFFFFFA0];
	v5 =	vmul.f32 v0, v5;
	v11 =	vmul.f32 v0, v11  }
0xce: {  	v57 =	vld [tilespmem:s19+$0xFFFFFFB0];
	v14 =	vmul.f32 v0, v14;
	v17 =	vmul.f32 v0, v17  }
0xcf: {  	v58 =	vld [tilespmem:s19+$0x0];
	v19 =	vmul.f32 v0, v19;
	v25 =	vmul.f32 v0, v25;
	v5 =	vadd.f32 v1, v5  }
0xd0: {  	v59 =	vld [tilespmem:s19+$0xFFFFFF80];
	v62 =	vmul.f32 v0, v8;
	v4 =	vadd.f32 v1, v11;
	v11 =	vmul.f32 v0, v55  }
0xd1: {  	v8 =	vld [tilespmem:s19+$0xFFFFFFE0];
	v6 =	vadd.f32 v1, v6;
	v14 =	vadd.f32 v1, v14;
	v5 =	vmul.f32 v16, v5  }
0xd2: {  	v10 =	vmul.f32 v0, v10;
	v16 =	vld [tilespmem:s19+$0xFFFFFF70];
	v15 =	vmul.f32 v15, v4;
	v11 =	vadd.f32 v1, v11  }
0xd3: {  	v20 =	vmul.f32 v54, v14;
	v14 =	vmul.f32 v6, v18;
	v18 =	vadd.f32 v1, v19;
	v19 =	vld [tilespmem:s19+$0xFFFFFF90];
	[tilespmem:s19+$0xFFFFFFD0] =	vst v5  }
0xd4: {  	v13 =	vmul.f32 v0, v13;
	v61 =	vmul.f32 v0, v56;
	v17 =	vadd.f32 v1, v17;
	[tilespmem:s19+$0xFFFFFFF0] =	vst v15;
	v15 =	vld [tilespmem:s19+$0xFFFFFF60]  }
0xd5: {  	v60 =	vadd.f32 v1, v7;
	v7 =	vld [tilespmem:s19+$0xFFFFFFC0];
	v63 =	vadd.f32 v1, v10;
	v11 =	vmul.f32 v57, v11;
	[tilespmem:s19+$0xFFFFFF10] =	vst v14  }
0xd6: {  	v4 =	vld [tilespmem:s19+$0xFFFFFF40];
	v5 =	vmul.f32 v58, v17;
	v17 =	vadd.f32 v1, v25;
	v18 =	vmul.f32 v59, v18;
	[tilespmem:s19+$0xFFFFFFA0] =	vst v20  }
0xd7: {  	v6 =	vld [tilespmem:s19+$0xFFFFFF50];
	[tilespmem:s19+$0xFFFFFFB0] =	vst v11;
	v11 =	vadd.f32 v1, v13;
	v13 =	vmul.f32 v0, v9;
	v23 =	vmul.f32 v16, v60  }
0xd8: {  	s17 =	simm.s32 $0xBDF0;
	v10 =	vld [tilespmem:s19+$0xFFFFFF20];
	v14 =	vmul.f32 v0, v12;
	[tilespmem:s19+$0xFFFFFF80] =	vst v18;
	v9 =	vadd.f32 v1, v61;
	v16 =	vadd.f32 v1, v62  }
0xd9: {  	s20 =	simm.s32 $0x80;
	s8 =	simm.s32 $0xBDF0;
	s9 =	simm.s32 $0x10;
	v12 =	vld [tilespmem:s19+$0xFFFFFF30];
	v17 =	vmul.f32 v19, v17;
	v13 =	vadd.f32 v1, v13;
	v15 =	vmul.f32 v15, v63;
	[tilespmem:s19+$0xFFFFFF70] =	vst v23  }
.LBB2_5:
0xda: {  	p0 =	sne.s32 s20, $0x1C0  }
0xdb: {  	s8 =	sadd.s32 $0x100, s8;
	v4 =	vmul.f32 v4, v11;
	v3 =	vmul.f32 v0, v3;
	[tilespmem:s19+$0x0] =	vst v5;
	s13 =	smov.u32 s20;
	s20 =	sadd.s32 $0x40, s20  }
0xdc: {  	v5 =	vadd.f32 v1, v14;
	v6 =	vmul.f32 v6, v16;
	[tilespmem:s19+$0xFFFFFF90] =	vst v17;
	v7 =	vmul.f32 v7, v13  }
0xdd: {  	[tilespmem:s19+$0xFFFFFF40] =	vst v4;
	v3 =	vadd.f32 v1, v3  }
0xde: {  	v4 =	vmul.f32 v5, v10;
	[tilespmem:s19+$0xFFFFFF60] =	vst v15  }
0xdf: {  	v5 =	vmul.f32 v12, v9;
	[tilespmem:s19+$0xFFFFFF50] =	vst v6;
	v3 =	vmul.f32 v8, v3  }
0xe0: {  	[tilespmem:s19+$0xFFFFFF20] =	vst v4  }
0xe1: {  	[tilespmem:s19+$0xFFFFFFE0] =	vst v3  }
0xe2: {  	[tilespmem:s19+$0xFFFFFF30] =	vst v5  }
0xe3: {  	[tilespmem:s19+$0xFFFFFFC0] =	vst v7;
	s19 =	smov.u32 s17;
	s17 =	smov.u32 s8  }
0xe4: {  	v4 =	vld.idx.msk [tilespmem:v2+s9+$0x0 ss:$0x1], $0xffff;
	_ =	sdelay $0x4  }
0xe5: {  	v8 =	vld [tilespmem:s19+$0xFFFFFF70]  }
0xe6: {  	v3 =	vbroadcast v4, $0x0;
	v9 =	vbroadcast v4, $0x4  }
0xe7: {  	v10 =	vbroadcast v4, $0xB;
	v5 =	vbroadcast v4, $0xC  }
0xe8: {  	v12 =	vbroadcast v4, $0x1;
	v6 =	vmul.f32 v0, v3  }
0xe9: {  	v7 =	vbroadcast v4, $0x6;
	v3 =	vbroadcast v4, $0xD  }
0xea: {  	v11 =	vbroadcast v4, $0x5;
	v13 =	vbroadcast v4, $0xE  }
0xeb: {  	v14 =	vbroadcast v4, $0x3;
	v15 =	vbroadcast v4, $0x9;
	v6 =	vadd.f32 v1, v6;
	v16 =	vld [tilespmem:s19+$0xFFFFFFF0]  }
0xec: {  	s9 =	sshra.s32 s13, $0x2;
	v18 =	vbroadcast v4, $0xF;
	v7 =	vmul.f32 v0, v7;
	v17 =	vld [tilespmem:s19+$0xFFFFFFD0]  }
0xed: {  	v20 =	vbroadcast v4, $0x7;
	v5 =	vmul.f32 v0, v5;
	v19 =	vld [tilespmem:s19+$0xFFFFFF10]  }
0xee: {  	v22 =	vbroadcast v4, $0xA;
	v13 =	vmul.f32 v0, v13;
	v21 =	vld [tilespmem:s19+$0xFFFFFFA0]  }
0xef: {  	v23 =	vbroadcast v4, $0x2;
	v15 =	vmul.f32 v0, v15;
	v5 =	vadd.f32 v1, v5;
	v24 =	vld [tilespmem:s19+$0x0]  }
0xf0: {  	v25 =	vbroadcast v4, $0x8;
	v4 =	vadd.f32 v1, v13;
	v13 =	vmul.f32 v0, v18;
	v26 =	vld [tilespmem:s19+$0xFFFFFFB0]  }
0xf1: {  	v22 =	vmul.f32 v0, v22;
	v15 =	vadd.f32 v1, v15;
	v18 =	vld [tilespmem:s19+$0xFFFFFF80];
	v5 =	vmul.f32 v17, v5  }
0xf2: {  	v13 =	vadd.f32 v1, v13;
	v16 =	vmul.f32 v16, v4;
	v17 =	vmul.f32 v0, v20  }
0xf3: {  	v20 =	vmul.f32 v0, v25;
	v4 =	vld [tilespmem:s19+$0xFFFFFF40];
	v15 =	vmul.f32 v21, v15;
	v21 =	vadd.f32 v1, v22;
	[tilespmem:s19+$0xFFFFFFD0] =	vst v5  }
0xf4: {  	v6 =	vmul.f32 v6, v19;
	v17 =	vadd.f32 v1, v17;
	v19 =	vld [tilespmem:s19+$0xFFFFFF90];
	[tilespmem:s19+$0xFFFFFFF0] =	vst v16;
	v5 =	vmul.f32 v24, v13  }
0xf5: {  	v20 =	vadd.f32 v1, v20;
	v13 =	vmul.f32 v0, v14;
	v22 =	vld [tilespmem:s19+$0xFFFFFF60];
	v14 =	vmul.f32 v26, v21  }
.Ltmp1:
0xf6: {  	v16 =	vmul.f32 v0, v11;
	v21 =	vadd.f32 v1, v7;
	[tilespmem:s19+$0xFFFFFF10] =	vst v6;
	v6 =	vld [tilespmem:s19+$0xFFFFFF50];
	v17 =	vmul.f32 v18, v17;
	(pc) =	sbr.rel @p0 .LBB2_5-.Ltmp1, $4  }
0xf7: {  	v18 =	vmul.f32 v0, v23;
	v11 =	vadd.f32 v1, v13;
	v13 =	vmul.f32 v0, v10;
	[tilespmem:s19+$0xFFFFFFB0] =	vst v14;
	v7 =	vld [tilespmem:s19+$0xFFFFFFC0]  }
0xf8: {  	v23 =	vmul.f32 v0, v9;
	v24 =	vadd.f32 v1, v16;
	v21 =	vmul.f32 v8, v21;
	[tilespmem:s19+$0xFFFFFF80] =	vst v17;
	v8 =	vld [tilespmem:s19+$0xFFFFFFE0]  }
0xf9: {  	v14 =	vmul.f32 v0, v12;
	v9 =	vadd.f32 v1, v18;
	v13 =	vadd.f32 v1, v13;
	v10 =	vld [tilespmem:s19+$0xFFFFFF20];
	[tilespmem:s19+$0xFFFFFFA0] =	vst v15  }
0xfa: {  	v16 =	vadd.f32 v1, v23;
	v17 =	vmul.f32 v19, v20;
	v12 =	vld [tilespmem:s19+$0xFFFFFF30];
	v15 =	vmul.f32 v22, v24;
	[tilespmem:s19+$0xFFFFFF70] =	vst v21  }
0xfb: {  	[tilespmem:s19+$0x0] =	vst v5  }
0xfc: {  	v4 =	vmul.f32 v4, v11;
	v3 =	vmul.f32 v0, v3;
	[tilespmem:s19+$0xFFFFFF90] =	vst v17  }
0xfd: {  	v27 =	vadd.f32 v1, v14;
	v6 =	vmul.f32 v6, v16;
	[tilespmem:s19+$0xFFFFFF60] =	vst v15  }
0xfe: {  	v30 =	vmul.f32 v7, v13;
	[tilespmem:s19+$0xFFFFFF40] =	vst v4;
	v3 =	vadd.f32 v1, v3  }
0xff: {  	v28 =	vmul.f32 v27, v10;
	[tilespmem:s19+$0xFFFFFF50] =	vst v6  }
0x100: {  	[tilespmem:s19+$0xFFFFFFC0] =	vst v30;
	v3 =	vmul.f32 v8, v3  }
0x101: {  	v29 =	vmul.f32 v12, v9;
	[tilespmem:s19+$0xFFFFFF20] =	vst v28  }
0x102: {  	[tilespmem:s19+$0xFFFFFFE0] =	vst v3  }
0x103: {  	[tilespmem:s19+$0xFFFFFF30] =	vst v29  }
0x104: {  	v2 =	vld.idx.msk [tilespmem:v2+s9+$0x0 ss:$0x1], $0xffff;
	_ =	sdelay $0x4  }
0x105: {  	v3 =	vbroadcast v2, $0x0;
	v31 =	vbroadcast v2, $0x4  }
0x106: {  	v32 =	vbroadcast v2, $0xB;
	v33 =	vbroadcast v2, $0xC  }
0x107: {  	v34 =	vbroadcast v2, $0x1;
	v35 =	vbroadcast v2, $0x6  }
0x108: {  	v36 =	vbroadcast v2, $0xD;
	v38 =	vbroadcast v2, $0x5  }
0x109: {  	v39 =	vbroadcast v2, $0xE;
	v40 =	vbroadcast v2, $0x3  }
0x10a: {  	v42 =	vld [tilespmem:s17+$0xFFFFFFD0];
	v41 =	vbroadcast v2, $0x9;
	v18 =	vbroadcast v2, $0xA  }
0x10b: {  	v43 =	vld [tilespmem:s17+$0xFFFFFFF0];
	v19 =	vbroadcast v2, $0xF;
	v6 =	vmul.f32 v0, v33  }
0x10c: {  	v44 =	vld [tilespmem:s17+$0xFFFFFF10];
	v20 =	vbroadcast v2, $0x7;
	v12 =	vmul.f32 v0, v39  }
0x10d: {  	v21 =	vld [tilespmem:s17+$0xFFFFFFB0];
	v22 =	vbroadcast v2, $0x2;
	v3 =	vmul.f32 v0, v3;
	v6 =	vadd.f32 v1, v6  }
0x10e: {  	v24 =	vld [tilespmem:s17+$0xFFFFFFA0];
	v2 =	vbroadcast v2, $0x8;
	v18 =	vmul.f32 v0, v18;
	v12 =	vadd.f32 v1, v12  }
0x10f: {  	v46 =	vld [tilespmem:s17+$0x0];
	v14 =	vmul.f32 v0, v41;
	v3 =	vadd.f32 v1, v3;
	v6 =	vmul.f32 v42, v6  }
0x110: {  	v51 =	vld [tilespmem:s17+$0xFFFFFF90];
	v50 =	vmul.f32 v0, v19;
	v47 =	vadd.f32 v1, v18;
	v12 =	vmul.f32 v43, v12  }
0x111: {  	v53 =	vld [tilespmem:s17+$0xFFFFFF60];
	v2 =	vmul.f32 v0, v2;
	v14 =	vadd.f32 v1, v14;
	v3 =	vmul.f32 v3, v44;
	[tilespmem:s17+$0xFFFFFFD0] =	vst v6  }
0x112: {  	v37 =	vld [tilespmem:s17+$0xFFFFFF70];
	v11 =	vmul.f32 v0, v38;
	v54 =	vadd.f32 v1, v50;
	v52 =	vmul.f32 v21, v47;
	[tilespmem:s17+$0xFFFFFFF0] =	vst v12  }
0x113: {  	v55 =	vld [tilespmem:s17+$0xFFFFFF50];
	v8 =	vmul.f32 v0, v35;
	v2 =	vadd.f32 v1, v2;
	v14 =	vmul.f32 v24, v14;
	[tilespmem:s17+$0xFFFFFF10] =	vst v3  }
0x114: {  	v59 =	vld [tilespmem:s17+$0xFFFFFF20];
	v4 =	vmul.f32 v0, v31;
	v11 =	vadd.f32 v1, v11;
	v57 =	vmul.f32 v46, v54;
	[tilespmem:s17+$0xFFFFFFB0] =	vst v52  }
0x115: {  	v23 =	vld [tilespmem:s17+$0xFFFFFF80];
	v7 =	vmul.f32 v0, v34;
	v2 =	vmul.f32 v51, v2;
	v3 =	vadd.f32 v1, v8;
	[tilespmem:s17+$0xFFFFFFA0] =	vst v14  }
0x116: {  	v60 =	vld [tilespmem:s17+$0xFFFFFFE0];
	v45 =	vmul.f32 v0, v20;
	v4 =	vadd.f32 v1, v4;
	v11 =	vmul.f32 v53, v11;
	[tilespmem:s17+$0x0] =	vst v57  }
0x117: {  	v48 =	vld [tilespmem:s17+$0xFFFFFF40];
	v9 =	vmul.f32 v0, v36;
	v7 =	vadd.f32 v1, v7;
	[tilespmem:s17+$0xFFFFFF90] =	vst v2;
	v3 =	vmul.f32 v37, v3  }
0x118: {  	v56 =	vld [tilespmem:s17+$0xFFFFFFC0];
	v13 =	vmul.f32 v0, v40;
	v49 =	vadd.f32 v1, v45;
	v4 =	vmul.f32 v55, v4;
	[tilespmem:s17+$0xFFFFFF60] =	vst v11  }
0x119: {  	v62 =	vadd.f32 v1, v9;
	v7 =	vmul.f32 v7, v59;
	v2 =	vmul.f32 v0, v32;
	[tilespmem:s17+$0xFFFFFF70] =	vst v3;
	v3 =	vld [tilespmem:s17+$0xFFFFFF30]  }
0x11a: {  	v61 =	vmul.f32 v0, v22;
	v58 =	vadd.f32 v1, v13;
	v6 =	vmul.f32 v23, v49;
	[tilespmem:s17+$0xFFFFFF50] =	vst v4  }
0x11b: {  	v63 =	vmul.f32 v60, v62;
	[tilespmem:s17+$0xFFFFFF20] =	vst v7;
	v2 =	vadd.f32 v1, v2  }
0x11c: {  	v8 =	vmul.f32 v48, v58;
	[tilespmem:s17+$0xFFFFFF80] =	vst v6;
	v6 =	vadd.f32 v1, v61  }
0x11d: {  	[tilespmem:s17+$0xFFFFFFE0] =	vst v63;
	v2 =	vmul.f32 v56, v2  }
0x11e: {  	[tilespmem:s17+$0xFFFFFF40] =	vst v8;
	v3 =	vmul.f32 v3, v6  }
0x11f: {  	[tilespmem:s17+$0xFFFFFFC0] =	vst v2  }
0x120: {  	[tilespmem:s17+$0xFFFFFF30] =	vst v3  }
0x121: {  	[spmem:s2] =	stream.indirect.scatter.add.f32 [tilespmem:s28], [sflag:$0x7], $0x10, s5, s23, $0xb8;
	[tilespmem:$0xE400] =	vst v63  }
0x122: {  	_ =	swait.ge [sflag:s18], $0x800  }
0x123: {  	[sflag:s18] =	ssyncset.done $0x0  }
0x124: {  	[sflag:s18] =	ssyncadd.s32 $0xFFFFF800  }
0x125: {  	[spmem:s4] =	stream.indirect.scatter.add.f32 [tilespmem:s29], [sflag:$0x7], $0x10, s5, s23, $0xb8;
	[tilespmem:$0xE400] =	vst v63  }
0x126: {  	s16 =	sadd.s32 $0x1, s16;
	_ =	swait.ge [sflag:s18], $0x800  }
0x127: {  	p0 =	sne.s32 s16, $0x14;
	[sflag:s18] =	ssyncset.done $0x0  }
.Ltmp2:
0x128: {  	[sflag:s18] =	ssyncadd.s32 $0xFFFFF800;
	(pc) =	sbr.rel @p0 .LBB2_2-.Ltmp2, $4  }
0x129: {  	[spmem:s3] =	stream.indirect.scatter.add.f32 [tilespmem:s30], [sflag:$0x7], $0x10, s10, s23, $0xb8;
	[tilespmem:$0xE400] =	vst v63  }
0x12a: {  	_ =	swait.ge [sflag:s18], $0x800  }
0x12b: {  	[sflag:s18] =	ssyncset.done $0x0  }
0x12c: {  	s14 =	sadd.s32 $0x100, s14;
	s15 =	sadd.s32 $0x100, s15;
	[sflag:s18] =	ssyncadd.s32 $0xFFFFF800  }
0x12d: {  	[bflag:$0x0] =	sbarrier.arrive $0xFFFF  }
0x12e: {  	s13 =	rddreg [dreg:$0x6]  }
0x12f: {  	s5 =	rddreg [dreg:$0xa]  }
0x130: {  	s8 =	rddreg [dreg:$0xe]  }
0x131: {  	[hbm:s5], [sflag:s13] =	dma.local [spmem:s8], $0x500  }
0x132: {  	_ =	swait.ge [sflag:s18], $0x500  }
0x133: {  	[sflag:s18] =	ssyncset.done $0x0;
	s19 =	rddreg [dreg:$0xb]  }
0x134: {  	s9 =	rddreg [dreg:$0xf];
	[sflag:s18] =	ssyncadd.s32 $0xFFFFFB00  }
0x135: {  	[hbm:s19], [sflag:s13] =	dma.local [spmem:s9], $0x500  }
0x136: {  	_ =	swait.ge [sflag:s18], $0x500  }
0x137: {  	[sflag:s18] =	ssyncset.done $0x0;
	s20 =	rddreg [dreg:$0xc]  }
0x138: {  	s10 =	rddreg [dreg:$0x10];
	[sflag:s18] =	ssyncadd.s32 $0xFFFFFB00  }
0x139: {  	[hbm:s20], [sflag:s13] =	dma.local [spmem:s10], $0x500  }
0x13a: {  	_ =	swait.ge [sflag:s18], $0x500  }
0x13b: {  	s14 =	rddreg [dreg:$0x11]  }
0x13c: {  	s21 =	rddreg [dreg:$0xd];
	s14 =	sadd.s32 $0x1, s14  }
0x13d: {  	p0 =	sne.s32 s14, s21  }
.Ltmp3:
0x13e: {  	_ = 	snop;
	(pc) =	sbr.rel @p0 .LBB2_1-.Ltmp3, $3  }
0x13f: {  	_ =	sdelay $0x1  }
0x140: {  	[sflag:s18] =	ssyncset.done $0x0  }
0x141: {  	[sflag:s18] =	ssyncadd.s32 $0xFFFFFB00  }
0x142: {  	_ =	sfence.sel $0x180000  }
0x143: {  	[bflag:$0x0] =	sbarrier.arrive $0xFFFF  }
0x144: {  	_ =	strace $0x90000047  }
0x145: {  	s0 =	stileid.u32;
	[bflag:$0x2] =	sbarrier.arrive $0xFFFF  }
0x146: {  	p0 =	sne.s32 s0, $0x0;
	s0 =	rddreg [dreg:$0x4]  }
0x147: {  	s0 =	sadd.s32 @!p0 $0x100000, s0  }
0x148: {  	[sflag:s0] =	ssyncadd.tile.s32 @!p0 $0x1;
	_ =	shalt  }
.Lfunc_end2:
_tile_overlayer_lowered:
.L_overlay_start_2:
0x149: {  	(tag) =	ssettag $0x2  }
0x14a: {  	s0 =	rddreg [dreg:$0x0];
	s2 =	stileid.u32  }
0x14b: {  	s1 =	rddreg [dreg:$0x1];
	p0 =	sne.s32 s2, $0x0  }
0x14c: {  	s3 =	rddreg [dreg:$0x2];
	[bflag:$0x3] =	sbarrier.arrive $0xFFFF;
	s2 =	simm.s32 @!p0 $0x1C07  }
0x14d: {  	[timem:s3], [sflag:s2] =	dma.local @!p0 [hbm:s0], s1  }
0x14e: {  	s0 =	simm.s32 @!p0 $0x7  }
0x14f: {  	_ =	swait.ge @!p0 [sflag:s0], s1  }
0x150: {  	s1 =	ssub.s32 @!p0 $0x0, s1;
	[sflag:s0] =	ssyncset.done @!p0 $0x0  }
0x151: {  	[sflag:s0] =	ssyncadd.s32 @!p0 s1  }
0x152: {  	[bflag:$0x3] =	sbarrier.arrive $0xFFFF  }
0x153: {  	_ =	shalt  }

// kernel: kernel.16.cloned.1.call-start
scs
__scs_entry_jumppad:
0x0: {  	(pc) =	sbr.rel $0x88, $3  }
0x1: {  	(tag) =	ssettag $0x0;
	lr =	simm.s32 $0x1  }
0x2: {  	[smem:$0x3F8A] =	sst lr;
	_ =	strace $0xD0000000  }
0x3: {  	_ = 	snop  }
0x4: {  	_ = 	snop  }
0x5: {  	_ = 	snop  }
0x6: {  	_ = 	snop  }
0x7: {  	_ = 	snop  }
__scs_overlays_trampoline_lowered:
0x8: {  	[smem:$0x3F99] =	sst s0  }
0x9: {  	[smem:$0x3F9A] =	sst s1  }
0xa: {  	[smem:$0x3F9B] =	sst s2  }
0xb: {  	[smem:$0x3F9C] =	sst s3  }
0xc: {  	[smem:$0x3F9D] =	sst s4  }
0xd: {  	[smem:$0x3F9E] =	sst s5  }
0xe: {  	[smem:$0x3F9F] =	sst s6  }
0xf: {  	[smem:$0x3FA0] =	sst s7  }
0x10: {  	[smem:$0x3FA1] =	sst s8  }
0x11: {  	[smem:$0x3FA2] =	sst s9;
	s0 =	simm.s32 @!p0 $0x0  }
0x12: {  	s1 =	sld [smem:$0x3F88];
	s0 =	simm.s32 @p0 $0x1  }
0x13: {  	[smem:$0x3FA3] =	sst s0;
	s0 =	simm.s32 @!p1 $0x0  }
0x14: {  	s2 =	sld [smem:$0x3F87];
	s0 =	simm.s32 @p1 $0x1  }
0x15: {  	[smem:$0x3FA4] =	sst s0;
	s0 =	simm.s32 @!p2 $0x0  }
0x16: {  	s3 =	sld [smem:$0x3FDB];
	s0 =	simm.s32 @p2 $0x1  }
0x17: {  	s4 =	simm.s32 $0x1BF5;
	[smem:$0x3FA6] =	sst s0  }
0x18: {  	s0 =	sld [smem:$0x3F89];
	_ =	swait.ge [sflag:s4], $0x0  }
0x19: {  	s7 =	sld [smem:$0x3F8A]  }
0x1a: {  	s8 =	sadd.s32 $0xFFFFE003, lr  }
0x1b: {  	s9 =	sadd.s32 $0xFFFFFEF7, lr;
	s5 =	simm.s32 $0xFFFFFFFF;
	p2 =	slt.u32 s8, $0xFFFFF086  }
0x1c: {  	p1 =	slt.u32 s9, $0xF7A;
	s5 =	simm.s32 @!p2 $0x0  }
0x1d: {  	s5 =	simm.s32 @p1 $0x1;
	p0 =	seq.s32 s7, s2  }
0x1e: {  	s7 =	smul.u32 @!p0 $0xF7A, s2;
	p2 =	seq.s32 @!p0 s5, $0x0  }
0x1f: {  	s9 =	smul.u32 $0xF7A, s1;
	s8 =	simm.s32 @!p0 $0x1BF5;
	p2 =	por !p2, p0  }
0x20: {  	[sflag:s8] =	ssyncset.s32 @!p0 $0xFFFFF086;
	s6 =	sadd.s32 @!p0 s3, s7;
	s7 =	simm.s32 @!p0 $0x108  }
0x21: {  	s3 =	sadd.s32 s3, s9;
	s6 =	sadd.s32 @!p0 $0x88, s6;
	s7 =	simm.s32 @p2 $0x1082  }
0x22: {  	[simem:s7], [sflag:s8] =	dma.local @!p0 [hbm:s6], $0xF7A  }
0x23: {  	s9 =	sor.u32 $0xD0000000, s2;
	s6 =	simm.s32 $0x108;
	_ =	swait.ge @!p0 [sflag:s8], $0x0  }
0x24: {  	s3 =	sadd.s32 $0x88, s3;
	s6 =	simm.s32 @!p1 $0x1082;
	[sflag:s4] =	ssyncset.s32 $0xFFFFF086  }
0x25: {  	[simem:s6], [sflag:s4] =	dma.local [hbm:s3], $0xF7A  }
0x26: {  	[smem:$0x3F8A] =	sst s1;
	(tag) =	ssettag s2;
	_ =	strace s9  }
0x27: {  	s1 =	sld [smem:$0x3F9A]  }
0x28: {  	s2 =	sld [smem:$0x3F9B]  }
0x29: {  	s4 =	sld [smem:$0x3F9D]  }
0x2a: {  	p0 =	seq.s32 s5, $0x0;
	s5 =	sld [smem:$0x3F9E]  }
0x2b: {  	s6 =	sld [smem:$0x3F9F]  }
0x2c: {  	s7 =	sld [smem:$0x3FA0]  }
0x2d: {  	s3 =	simm.s32 $0x108;
	s8 =	sld [smem:$0x3FA1]  }
0x2e: {  	s3 =	simm.s32 @!p0 $0x1082;
	s9 =	sld [smem:$0x3FA2]  }
0x2f: {  	lr =	sadd.s32 s0, s3;
	s0 =	sld [smem:$0x3F99]  }
0x30: {  	s3 =	sld [smem:$0x3F9C]  }
0x31: {  	[smem:$0x3FA5] =	sst s10  }
0x32: {  	s10 =	sld [smem:$0x3FA3];
	_ =	sdelay $0x3  }
0x33: {  	p0 =	seq.s32 s10, $0x1;
	s10 =	sld [smem:$0x3FA5];
	_ =	sdelay $0x3  }
0x34: {  	[smem:$0x3FA5] =	sst s10  }
0x35: {  	s10 =	sld [smem:$0x3FA4];
	_ =	sdelay $0x3  }
0x36: {  	p1 =	seq.s32 s10, $0x1;
	s10 =	sld [smem:$0x3FA5];
	_ =	sdelay $0x3  }
0x37: {  	[smem:$0x3FA5] =	sst s10  }
0x38: {  	s10 =	sld [smem:$0x3FA6]  }
0x39: {  	_ = 	snop;
	(pc) =	sbr.ind lr, $3  }
0x3a: {  	_ = 	snop  }
0x3b: {  	_ = 	snop  }
0x3c: {  	p2 =	seq.s32 s10, $0x1;
	s10 =	sld [smem:$0x3FA5]  }
0x3d: {  	_ =	shalt  }
0x3e: {  	_ =	shalt  }
0x3f: {  	_ =	shalt  }
0x40: {  	_ =	shalt  }
0x41: {  	_ =	shalt  }
0x42: {  	_ =	shalt  }
0x43: {  	_ =	shalt  }
0x44: {  	_ =	shalt  }
0x45: {  	_ =	shalt  }
0x46: {  	_ =	shalt  }
0x47: {  	_ =	shalt  }
0x48: {  	_ =	shalt  }
0x49: {  	_ =	shalt  }
0x4a: {  	_ =	shalt  }
0x4b: {  	_ =	shalt  }
0x4c: {  	_ =	shalt  }
0x4d: {  	_ =	shalt  }
0x4e: {  	_ =	shalt  }
0x4f: {  	_ =	shalt  }
0x50: {  	_ =	shalt  }
0x51: {  	_ =	shalt  }
0x52: {  	_ =	shalt  }
0x53: {  	_ =	shalt  }
0x54: {  	_ =	shalt  }
0x55: {  	_ =	shalt  }
0x56: {  	_ =	shalt  }
0x57: {  	_ =	shalt  }
0x58: {  	_ =	shalt  }
0x59: {  	_ =	shalt  }
0x5a: {  	_ =	shalt  }
0x5b: {  	_ =	shalt  }
0x5c: {  	_ =	shalt  }
0x5d: {  	_ =	shalt  }
0x5e: {  	_ =	shalt  }
0x5f: {  	_ =	shalt  }
0x60: {  	_ =	shalt  }
0x61: {  	_ =	shalt  }
0x62: {  	_ =	shalt  }
0x63: {  	_ =	shalt  }
0x64: {  	_ =	shalt  }
0x65: {  	_ =	shalt  }
0x66: {  	_ =	shalt  }
0x67: {  	_ =	shalt  }
0x68: {  	_ =	shalt  }
0x69: {  	_ =	shalt  }
0x6a: {  	_ =	shalt  }
0x6b: {  	_ =	shalt  }
0x6c: {  	_ =	shalt  }
0x6d: {  	_ =	shalt  }
0x6e: {  	_ =	shalt  }
0x6f: {  	_ =	shalt  }
0x70: {  	_ =	shalt  }
0x71: {  	_ =	shalt  }
0x72: {  	_ =	shalt  }
0x73: {  	_ =	shalt  }
0x74: {  	_ =	shalt  }
0x75: {  	_ =	shalt  }
0x76: {  	_ =	shalt  }
0x77: {  	_ =	shalt  }
0x78: {  	_ =	shalt  }
0x79: {  	_ =	shalt  }
0x7a: {  	_ =	shalt  }
0x7b: {  	_ =	shalt  }
0x7c: {  	_ =	shalt  }
0x7d: {  	_ =	shalt  }
0x7e: {  	_ =	shalt  }
0x7f: {  	_ =	shalt  }
0x80: {  	_ =	shalt  }
0x81: {  	_ =	shalt  }
0x82: {  	_ =	shalt  }
0x83: {  	_ =	shalt  }
0x84: {  	_ =	shalt  }
0x85: {  	_ =	shalt  }
0x86: {  	_ =	shalt  }
0x87: {  	_ =	shalt  }
.Lfunc_end0:
.L_simem_size_0:
called_computation.1_lowered:
.L_overlay_start_0:
0x88: {  	s2 =	sld [smem:$0x3FD9]  }
0x89: {  	s3 =	sld [smem:$0x3FFE];
	_ =	sdelay $0x1  }
0x8a: {  	s1 =	srdreg.scid  }
0x8b: {  	s0 =	sand.u32 $0x1, s1  }
0x8c: {  	s16 =	sshll.u32 s0, $0xA;
	s2 =	sadd.s32 s3, s2  }
0x8d: {  	s2 =	sadd.s32 s2, s16  }
0x8e: {  	[smem:$0x3FB1] =	sst s2  }
0x8f: {  	_ = 	snop  }
0x90: {  	(tm) =	ssettm $0x1  }
0x91: {  	s17 =	sld [smem:$0x3FFB];
	_ =	sdelay $0x3  }
0x92: {  	_ =	strace s17  }
0x93: {  	s2 =	sld [smem:$0x3FFC];
	_ =	sdelay $0x3  }
0x94: {  	_ =	strace s2  }
0x95: {  	s2 =	sld [smem:$0x3FFD];
	_ =	sdelay $0x3  }
0x96: {  	_ =	strace s2  }
0x97: {  	_ =	strace $0x8FFFFFFF  }
0x98: {  	s18 =	sld [smem:$0x3FDB];
	_ =	sdelay $0x1  }
0x99: {  	s19 =	simm.s32 $_scs_section_size  }
0x9a: {  	s4 =	simm.s32 $_size__tile_overlayer_lowered;
	s5 =	simm.s32 $_tile_overlayer_lowered  }
0x9b: {  	s22 =	simm.s32 $0x1BFF;
	s21 =	sshll.u32 s5, $0x1;
	s2 =	sadd.s32 s19, s18  }
0x9c: {  	s6 =	simm.s32 $0x0;
	s20 =	sshll.u32 s4, $0x1;
	s4 =	sadd.s32 s21, s2  }
0x9d: {  	[timem:s6], [sflag:s22] =	dma.local [hbm:s4], s20  }
0x9e: {  	_ =	swait.ge [sflag:s22], s20  }
0x9f: {  	s3 =	ssub.s32 $0x0, s20;
	[sflag:s22] =	ssyncset.done $0x0  }
0xa0: {  	[sflag:s22] =	ssyncadd.s32 s3;
	_ =	sdelay $0x1  }
0xa1: {  	s23 =	simm.s32 $0x1B8B  }
0xa2: {  	_ =	swait.ge [sflag:s23], $0x1  }
0xa3: {  	[sflag:s23] =	ssyncset.done $0x0  }
0xa4: {  	s25 =	simm.s32 $0x1B8E;
	s24 =	sld [smem:$0x3FFE];
	[sflag:s23] =	ssyncadd.s32 $0xFFFFFFFF  }
0xa5: {  	s26 =	simm.s32 $execute0_lowered;
	[smem:$0x3FD2] =	sst s25  }
0xa6: {  	s4 =	sshll.u32 s26, $0x1;
	_ =	strace $0x80000049;
	[dreg:$0x1] =	wrdreg $0xFFFFFFFF  }
0xa7: {  	s28 =	simm.s32 $_size_execute0_lowered;
	s2 =	sadd.s32 s2, s4;
	[dreg:$0x0] =	wrdreg $0x0  }
0xa8: {  	s4 =	sshll.u32 s28, $0x1;
	[dreg:$0x2] =	wrdreg s2  }
0xa9: {  	[dreg:$0x3] =	wrdreg s4  }
0xaa: {  	[dreg:$0x4] =	wrdreg $0xC0  }
0xab: {  	_ =	task [dreg:s6], $0x5FFFF  }
0xac: {  	[dreg:$0x1] =	wrdreg $0xFFFFFFFF  }
0xad: {  	[dreg:$0x0] =	wrdreg $0x60  }
0xae: {  	[dreg:$0x2] =	wrdreg s24  }
0xaf: {  	[dreg:$0x3] =	wrdreg $0x0  }
0xb0: {  	[dreg:$0x4] =	wrdreg $0x9  }
0xb1: {  	_ =	task.clear_ibuf [dreg:s6], $0x5FFFF;
	_ =	strace $0x90000049  }
0xb2: {  	s29 =	simm.s32 $0x9;
	_ =	strace $0x8000004B  }
0xb3: {  	_ =	swait.ge [sflag:s29], $0x1  }
0xb4: {  	[sflag:s29] =	ssyncadd.s32 $0xFFFFFFFF  }
0xb5: {  	_ =	strace $0x9000004B  }
0xb6: {  	_ =	sfence  }
0xb7: {  	s30 =	sld [smem:$0x0];
	_ =	sdelay $0x2  }
0xb8: {  	s31 =	sshll.u32 s1, $0xD;
	s1 =	sshrl.u32 s1, $0x2  }
0xb9: {  	s3 =	sand.u32 $0x4000, s31;
	s1 =	sadd.s32 s1, s30  }
0xba: {  	s0 =	sor.u32 s3, s0;
	s1 =	sshll.u32 s1, $0x11  }
0xbb: {  	s0 =	sor.u32 s1, s0  }
0xbc: {  	s0 =	sadd.s32 $0x8F2B, s0  }
0xbd: {  	[sflag:s0] =	ssyncadd.remote.s32 $0x1  }
0xbe: {  	_ =	sfence.sel $0xFFFF  }
0xbf: {  	[dreg:$0x0] =	wrdreg $0xFFFFFFFF;
	(pc) =	sbr.abs _section_cstart, $3  }
0xc0: {  	[dreg:$0x1] =	wrdreg $0xFFFFFFFF  }
0xc1: {  	_ =	task.clear_ibuf [dreg:s6], $0x2FFFF;
	_ =	strace $0x9FFFFFFF  }
0xc2: {  	(tm) =	ssettm $0x7FFFFFFF  }
0xc3: {  	_ =	shalt  }
tec
execute0_lowered:
.L_overlay_start_1:
0x0: {  	(tag) =	ssettag $0x1  }
0x1: {  	s1 =	srdreg.scid;
	s2 =	rddreg [dreg:$0x0]  }
0x2: {  	s0 =	stileid.u32;
	s3 =	rddreg [dreg:$0x1];
	s4 =	simm.s32 $0x0  }
0x3: {  	s14 =	simm.s32 $0x3C00;
	s15 =	simm.s32 $0x80;
	s16 =	simm.s32 $0x5000  }
0x4: {  	s17 =	simm.s32 $0x5800;
	s18 =	simm.s32 $0x1;
	s19 =	simm.s32 $0x2  }
0x5: {  	s20 =	simm.s32 $0x3B80;
	s21 =	simm.s32 $0x4F00;
	s22 =	simm.s32 $0x4F80  }
0x6: {  	s23 =	simm.s32 $0x0;
	s5 =	sand.u32 $0x1, s1;
	s7 =	smul.u32 $0x2800, s0  }
0x7: {  	s28 =	sshll.u32 s0, $0x1;
	s8 =	smul.u32 $0x500, s0;
	[smem:$0x7FF] =	sst s4  }
0x8: {  	s31 =	sshll.u32 s0, $0x6;
	s1 =	sor.u32 s5, s28;
	s9 =	smul.u32 $0x5000, s5  }
0x9: {  	s5 =	ssub.s32 $0x2, s5;
	s6 =	smul.u32 $0x280, s1;
	s1 =	rddreg [dreg:$0x2]  }
0xa: {  	_ =	strace $0x8000004A;
	s29 =	sshrl.u32 s7, $0x3;
	s30 =	sshrl.u32 s5, $0x1  }
0xb: {  	s13 =	sadd.s32 s7, s3;
	s8 =	sadd.s32 s8, s9;
	s12 =	ssub.s32 s5, s30  }
0xc: {  	s10 =	sadd.s32 s6, s2;
	s6 =	sadd.s32 s29, s2;
	s11 =	sadd.s32 s8, s2  }
0xd: {  	s5 =	sadd.s32 $0x19000, s6;
	s6 =	sor.u32 $0x1C03, s31;
	s7 =	sadd.s32 $0xF000, s10  }
0xe: {  	s8 =	sadd.s32 $0x14000, s10;
	s9 =	sadd.s32 $0x5000, s11;
	s10 =	smax.u32 s12, $0x1  }
0xf: {  	s11 =	sshrl.u32 s13, $0x3;
	s12 =	simm.s32 $0x3;
	s13 =	simm.s32 $0x2800  }
.LBB2_1:
0x10: {  	[spmem:s11], [sflag:s6] =	dma.local [hbm:s5], $0x500  }
0x11: {  	_ =	swait.ge [sflag:s12], $0x500  }
0x12: {  	[sflag:s12] =	ssyncset.done $0x0  }
0x13: {  	[sflag:s12] =	ssyncadd.s32 $0xFFFFFB00  }
0x14: {  	[bflag:$0x0] =	sbarrier.arrive $0xFFFF  }
0x15: {  	[tilespmem:s13], [sflag:$0x3] =	stream.linear.gather [hbm4b:s7+s4], $0x1400, $0x38;
	[tilespmem:$0x6000] =	vst v63  }
0x16: {  	_ =	swait.ge [sflag:s12], $0x1400  }
0x17: {  	[sflag:s12] =	ssyncset.done $0x0  }
0x18: {  	[sflag:s12] =	ssyncadd.s32 $0xFFFFEC00  }
0x19: {  	[tilespmem:s14], [sflag:$0x3] =	stream.linear.gather [hbm4b:s8+s4], $0x1400, $0x38;
	[tilespmem:$0x6000] =	vst v63  }
0x1a: {  	_ =	swait.ge [sflag:s12], $0x1400  }
0x1b: {  	[sflag:s12] =	ssyncset.done $0x0  }
0x1c: {  	[sflag:s12] =	ssyncadd.s32 $0xFFFFEC00  }
0x1d: {  	[tilespmem:s16], [sflag:$0x1] =	stream.indirect.gather [hbm4b:s2+s15], $0x10, s13, s15, $0xb8;
	[tilespmem:$0x6000] =	vst v63  }
0x1e: {  	s24 =	simm.s32 $0x2880  }
0x1f: {  	[tilespmem:s17], [sflag:$0x2] =	stream.indirect.gather [hbm4b:s2+s15], $0x10, s24, s15, $0xb8;
	[tilespmem:$0x6000] =	vst v63  }
0x20: {  	_ =	swait.ge [sflag:s18], $0x800  }
0x21: {  	[sflag:s18] =	ssyncset.done $0x0  }
0x22: {  	s29 =	simm.s32 $0x3C00;
	[sflag:s18] =	ssyncadd.s32 $0xFFFFF800  }
0x23: {  	[spmem:s3] =	stream.indirect.scatter.add.f32 [tilespmem:s16], [sflag:$0x3], $0x10, s29, s15, $0xb8;
	[tilespmem:$0x6000] =	vst v63  }
0x24: {  	_ =	swait.ge [sflag:s12], $0x800  }
0x25: {  	[sflag:s12] =	ssyncset.done $0x0  }
0x26: {  	s30 =	simm.s32 $0x2900;
	[sflag:s12] =	ssyncadd.s32 $0xFFFFF800  }
0x27: {  	[tilespmem:s16], [sflag:$0x1] =	stream.indirect.gather [hbm4b:s2+s15], $0x10, s30, s15, $0xb8;
	[tilespmem:$0x6000] =	vst v63  }
0x28: {  	_ =	swait.ge [sflag:s19], $0x800  }
0x29: {  	[sflag:s19] =	ssyncset.done $0x0  }
0x2a: {  	s31 =	simm.s32 $0x3C80;
	[sflag:s19] =	ssyncadd.s32 $0xFFFFF800  }
0x2b: {  	[spmem:s3] =	stream.indirect.scatter.add.f32 [tilespmem:s17], [sflag:$0x3], $0x10, s31, s15, $0xb8;
	[tilespmem:$0x6000] =	vst v63  }
0x2c: {  	_ =	swait.ge [sflag:s12], $0x800  }
0x2d: {  	s25 =	simm.s32 $0x800;
	s24 =	simm.s32 $0x100;
	[sflag:s12] =	ssyncset.done $0x0  }
.LBB2_2:
0x2e: {  	s26 =	sadd.s32 $0x2880, s24  }
0x2f: {  	[sflag:s12] =	ssyncadd.s32 $0xFFFFF800;
	s28 =	smov.u32 s25;
	s29 =	sadd.s32 $0x400, s25  }
0x30: {  	[tilespmem:s17], [sflag:$0x2] =	stream.indirect.gather [hbm4b:s2+s15], $0x10, s26, s15, $0xb8;
	[tilespmem:$0x6000] =	vst v63  }
0x31: {  	p0 =	sne.s32 s25, $0x4800;
	_ =	swait.ge [sflag:s18], $0x800  }
0x32: {  	[sflag:s18] =	ssyncset.done $0x0  }
0x33: {  	s25 =	sadd.s32 $0x3C00, s24;
	[sflag:s18] =	ssyncadd.s32 $0xFFFFF800  }
0x34: {  	[spmem:s3] =	stream.indirect.scatter.add.f32 [tilespmem:s16], [sflag:$0x3], $0x10, s25, s15, $0xb8;
	[tilespmem:$0x6000] =	vst v63  }
0x35: {  	_ =	swait.ge [sflag:s12], $0x800  }
0x36: {  	[sflag:s12] =	ssyncset.done $0x0  }
0x37: {  	s25 =	sadd.s32 $0x2900, s24;
	[sflag:s12] =	ssyncadd.s32 $0xFFFFF800  }
0x38: {  	[tilespmem:s16], [sflag:$0x1] =	stream.indirect.gather [hbm4b:s2+s15], $0x10, s25, s15, $0xb8;
	[tilespmem:$0x6000] =	vst v63  }
0x39: {  	_ =	swait.ge [sflag:s19], $0x800  }
.Ltmp0:
0x3a: {  	[sflag:s19] =	ssyncset.done $0x0;
	(pc) =	sbr.rel @p0 .LBB2_2-.Ltmp0, $4  }
0x3b: {  	s24 =	sadd.s32 $0x3C80, s24;
	[sflag:s19] =	ssyncadd.s32 $0xFFFFF800  }
0x3c: {  	[spmem:s3] =	stream.indirect.scatter.add.f32 [tilespmem:s17], [sflag:$0x3], $0x10, s24, s15, $0xb8;
	[tilespmem:$0x6000] =	vst v63  }
0x3d: {  	_ =	swait.ge [sflag:s12], $0x800  }
0x3e: {  	s25 =	smov.u32 s29;
	s24 =	sshra.s32 s28, $0x2;
	[sflag:s12] =	ssyncset.done $0x0  }
0x3f: {  	s25 =	sadd.s32 $0x2880, s24;
	[sflag:s12] =	ssyncadd.s32 $0xFFFFF800  }
0x40: {  	[tilespmem:s17], [sflag:$0x2] =	stream.indirect.gather [hbm4b:s2+s15], $0x10, s25, s15, $0xb8;
	[tilespmem:$0x6000] =	vst v63  }
0x41: {  	_ =	swait.ge [sflag:s18], $0x800  }
0x42: {  	[sflag:s18] =	ssyncset.done $0x0  }
0x43: {  	s29 =	sadd.s32 $0x3C00, s24;
	[sflag:s18] =	ssyncadd.s32 $0xFFFFF800  }
0x44: {  	[spmem:s3] =	stream.indirect.scatter.add.f32 [tilespmem:s16], [sflag:$0x3], $0x10, s29, s15, $0xb8;
	[tilespmem:$0x6000] =	vst v63  }
0x45: {  	_ =	swait.ge [sflag:s12], $0x800  }
0x46: {  	[sflag:s12] =	ssyncset.done $0x0  }
0x47: {  	s30 =	sadd.s32 $0x2900, s24;
	[sflag:s12] =	ssyncadd.s32 $0xFFFFF800  }
0x48: {  	[tilespmem:s16], [sflag:$0x1] =	stream.indirect.gather [hbm4b:s2+s15], $0x10, s30, s15, $0xb8;
	[tilespmem:$0x6000] =	vst v63  }
0x49: {  	_ =	swait.ge [sflag:s19], $0x800  }
0x4a: {  	[sflag:s19] =	ssyncset.done $0x0  }
0x4b: {  	s31 =	sadd.s32 $0x3C80, s24;
	[sflag:s19] =	ssyncadd.s32 $0xFFFFF800  }
0x4c: {  	[spmem:s3] =	stream.indirect.scatter.add.f32 [tilespmem:s17], [sflag:$0x3], $0x10, s31, s15, $0xb8;
	[tilespmem:$0x6000] =	vst v63  }
0x4d: {  	_ =	swait.ge [sflag:s12], $0x800  }
0x4e: {  	[sflag:s12] =	ssyncset.done $0x0  }
0x4f: {  	[sflag:s12] =	ssyncadd.s32 $0xFFFFF800  }
0x50: {  	[tilespmem:s17], [sflag:$0x2] =	stream.indirect.gather [hbm4b:s2+s15], $0x10, s20, s15, $0xb8;
	[tilespmem:$0x6000] =	vst v63  }
0x51: {  	_ =	swait.ge [sflag:s18], $0x800  }
0x52: {  	[sflag:s18] =	ssyncset.done $0x0  }
0x53: {  	[sflag:s18] =	ssyncadd.s32 $0xFFFFF800  }
0x54: {  	[spmem:s3] =	stream.indirect.scatter.add.f32 [tilespmem:s16], [sflag:$0x3], $0x10, s21, s15, $0xb8;
	[tilespmem:$0x6000] =	vst v63  }
0x55: {  	_ =	swait.ge [sflag:s12], $0x800  }
0x56: {  	[sflag:s12] =	ssyncset.done $0x0  }
0x57: {  	[sflag:s12] =	ssyncadd.s32 $0xFFFFF800  }
0x58: {  	_ =	swait.ge [sflag:s19], $0x800  }
0x59: {  	[sflag:s19] =	ssyncset.done $0x0  }
0x5a: {  	[sflag:s19] =	ssyncadd.s32 $0xFFFFF800  }
0x5b: {  	[spmem:s3] =	stream.indirect.scatter.add.f32 [tilespmem:s17], [sflag:$0x3], $0x10, s22, s15, $0xb8;
	[tilespmem:$0x6000] =	vst v63  }
0x5c: {  	_ =	swait.ge [sflag:s12], $0x800  }
0x5d: {  	s23 =	sadd.s32 $0x1, s23;
	[sflag:s12] =	ssyncset.done $0x0  }
0x5e: {  	p0 =	sne.s32 s23, s10;
	[sflag:s12] =	ssyncadd.s32 $0xFFFFF800  }
.Ltmp1:
0x5f: {  	[bflag:$0x0] =	sbarrier.arrive $0xFFFF;
	(pc) =	sbr.rel @p0 .LBB2_1-.Ltmp1, $4  }
0x60: {  	[hbm:s9], [sflag:s6] =	dma.local [spmem:s11], $0x500  }
0x61: {  	_ =	swait.ge [sflag:s12], $0x500  }
0x62: {  	[sflag:s12] =	ssyncset.done $0x0  }
0x63: {  	[sflag:s12] =	ssyncadd.s32 $0xFFFFFB00  }
0x64: {  	_ =	sfence.sel $0x180000  }
0x65: {  	[bflag:$0x0] =	sbarrier.arrive $0xFFFF  }
0x66: {  	p0 =	sne.s32 s0, $0x0;
	_ =	strace $0x9000004A  }
0x67: {  	s0 =	sadd.s32 @!p0 $0x100000, s1;
	[bflag:$0x2] =	sbarrier.arrive $0xFFFF  }
0x68: {  	[sflag:s0] =	ssyncadd.tile.s32 @!p0 $0x1;
	_ =	shalt  }
.Lfunc_end2:
_tile_overlayer_lowered:
.L_overlay_start_2:
0x69: {  	(tag) =	ssettag $0x2  }
0x6a: {  	s0 =	rddreg [dreg:$0x0];
	s2 =	stileid.u32  }
0x6b: {  	s1 =	rddreg [dreg:$0x1];
	p0 =	sne.s32 s2, $0x0  }
0x6c: {  	s3 =	rddreg [dreg:$0x2];
	[bflag:$0x3] =	sbarrier.arrive $0xFFFF;
	s2 =	simm.s32 @!p0 $0x1C03  }
0x6d: {  	[timem:s3], [sflag:s2] =	dma.local @!p0 [hbm:s0], s1  }
0x6e: {  	s0 =	simm.s32 @!p0 $0x3  }
0x6f: {  	_ =	swait.ge @!p0 [sflag:s0], s1  }
0x70: {  	s1 =	ssub.s32 @!p0 $0x0, s1;
	[sflag:s0] =	ssyncset.done @!p0 $0x0  }
0x71: {  	[sflag:s0] =	ssyncadd.s32 @!p0 s1  }
0x72: {  	[bflag:$0x3] =	sbarrier.arrive $0xFFFF  }
0x73: {  	_ =	shalt  }

// kernel: kernel.19.cloned.1.call-start
scs
__scs_entry_jumppad:
0x0: {  	(pc) =	sbr.rel $0x88, $3  }
0x1: {  	(tag) =	ssettag $0x0;
	lr =	simm.s32 $0x1  }
0x2: {  	[smem:$0x3F8A] =	sst lr;
	_ =	strace $0xD0000000  }
0x3: {  	_ = 	snop  }
0x4: {  	_ = 	snop  }
0x5: {  	_ = 	snop  }
0x6: {  	_ = 	snop  }
0x7: {  	_ = 	snop  }
__scs_overlays_trampoline_lowered:
0x8: {  	[smem:$0x3F99] =	sst s0  }
0x9: {  	[smem:$0x3F9A] =	sst s1  }
0xa: {  	[smem:$0x3F9B] =	sst s2  }
0xb: {  	[smem:$0x3F9C] =	sst s3  }
0xc: {  	[smem:$0x3F9D] =	sst s4  }
0xd: {  	[smem:$0x3F9E] =	sst s5  }
0xe: {  	[smem:$0x3F9F] =	sst s6  }
0xf: {  	[smem:$0x3FA0] =	sst s7  }
0x10: {  	[smem:$0x3FA1] =	sst s8  }
0x11: {  	[smem:$0x3FA2] =	sst s9;
	s0 =	simm.s32 @!p0 $0x0  }
0x12: {  	s1 =	sld [smem:$0x3F88];
	s0 =	simm.s32 @p0 $0x1  }
0x13: {  	[smem:$0x3FA3] =	sst s0;
	s0 =	simm.s32 @!p1 $0x0  }
0x14: {  	s2 =	sld [smem:$0x3F87];
	s0 =	simm.s32 @p1 $0x1  }
0x15: {  	[smem:$0x3FA4] =	sst s0;
	s0 =	simm.s32 @!p2 $0x0  }
0x16: {  	s3 =	sld [smem:$0x3FDB];
	s0 =	simm.s32 @p2 $0x1  }
0x17: {  	s4 =	simm.s32 $0x1BF5;
	[smem:$0x3FA6] =	sst s0  }
0x18: {  	s0 =	sld [smem:$0x3F89];
	_ =	swait.ge [sflag:s4], $0x0  }
0x19: {  	s7 =	sld [smem:$0x3F8A]  }
0x1a: {  	s8 =	sadd.s32 $0xFFFFE003, lr  }
0x1b: {  	s9 =	sadd.s32 $0xFFFFFEF7, lr;
	s5 =	simm.s32 $0xFFFFFFFF;
	p2 =	slt.u32 s8, $0xFFFFF086  }
0x1c: {  	p1 =	slt.u32 s9, $0xF7A;
	s5 =	simm.s32 @!p2 $0x0  }
0x1d: {  	s5 =	simm.s32 @p1 $0x1;
	p0 =	seq.s32 s7, s2  }
0x1e: {  	s7 =	smul.u32 @!p0 $0xF7A, s2;
	p2 =	seq.s32 @!p0 s5, $0x0  }
0x1f: {  	s9 =	smul.u32 $0xF7A, s1;
	s8 =	simm.s32 @!p0 $0x1BF5;
	p2 =	por !p2, p0  }
0x20: {  	[sflag:s8] =	ssyncset.s32 @!p0 $0xFFFFF086;
	s6 =	sadd.s32 @!p0 s3, s7;
	s7 =	simm.s32 @!p0 $0x108  }
0x21: {  	s3 =	sadd.s32 s3, s9;
	s6 =	sadd.s32 @!p0 $0x88, s6;
	s7 =	simm.s32 @p2 $0x1082  }
0x22: {  	[simem:s7], [sflag:s8] =	dma.local @!p0 [hbm:s6], $0xF7A  }
0x23: {  	s9 =	sor.u32 $0xD0000000, s2;
	s6 =	simm.s32 $0x108;
	_ =	swait.ge @!p0 [sflag:s8], $0x0  }
0x24: {  	s3 =	sadd.s32 $0x88, s3;
	s6 =	simm.s32 @!p1 $0x1082;
	[sflag:s4] =	ssyncset.s32 $0xFFFFF086  }
0x25: {  	[simem:s6], [sflag:s4] =	dma.local [hbm:s3], $0xF7A  }
0x26: {  	[smem:$0x3F8A] =	sst s1;
	(tag) =	ssettag s2;
	_ =	strace s9  }
0x27: {  	s1 =	sld [smem:$0x3F9A]  }
0x28: {  	s2 =	sld [smem:$0x3F9B]  }
0x29: {  	s4 =	sld [smem:$0x3F9D]  }
0x2a: {  	p0 =	seq.s32 s5, $0x0;
	s5 =	sld [smem:$0x3F9E]  }
0x2b: {  	s6 =	sld [smem:$0x3F9F]  }
0x2c: {  	s7 =	sld [smem:$0x3FA0]  }
0x2d: {  	s3 =	simm.s32 $0x108;
	s8 =	sld [smem:$0x3FA1]  }
0x2e: {  	s3 =	simm.s32 @!p0 $0x1082;
	s9 =	sld [smem:$0x3FA2]  }
0x2f: {  	lr =	sadd.s32 s0, s3;
	s0 =	sld [smem:$0x3F99]  }
0x30: {  	s3 =	sld [smem:$0x3F9C]  }
0x31: {  	[smem:$0x3FA5] =	sst s10  }
0x32: {  	s10 =	sld [smem:$0x3FA3];
	_ =	sdelay $0x3  }
0x33: {  	p0 =	seq.s32 s10, $0x1;
	s10 =	sld [smem:$0x3FA5];
	_ =	sdelay $0x3  }
0x34: {  	[smem:$0x3FA5] =	sst s10  }
0x35: {  	s10 =	sld [smem:$0x3FA4];
	_ =	sdelay $0x3  }
0x36: {  	p1 =	seq.s32 s10, $0x1;
	s10 =	sld [smem:$0x3FA5];
	_ =	sdelay $0x3  }
0x37: {  	[smem:$0x3FA5] =	sst s10  }
0x38: {  	s10 =	sld [smem:$0x3FA6]  }
0x39: {  	_ = 	snop;
	(pc) =	sbr.ind lr, $3  }
0x3a: {  	_ = 	snop  }
0x3b: {  	_ = 	snop  }
0x3c: {  	p2 =	seq.s32 s10, $0x1;
	s10 =	sld [smem:$0x3FA5]  }
0x3d: {  	_ =	shalt  }
0x3e: {  	_ =	shalt  }
0x3f: {  	_ =	shalt  }
0x40: {  	_ =	shalt  }
0x41: {  	_ =	shalt  }
0x42: {  	_ =	shalt  }
0x43: {  	_ =	shalt  }
0x44: {  	_ =	shalt  }
0x45: {  	_ =	shalt  }
0x46: {  	_ =	shalt  }
0x47: {  	_ =	shalt  }
0x48: {  	_ =	shalt  }
0x49: {  	_ =	shalt  }
0x4a: {  	_ =	shalt  }
0x4b: {  	_ =	shalt  }
0x4c: {  	_ =	shalt  }
0x4d: {  	_ =	shalt  }
0x4e: {  	_ =	shalt  }
0x4f: {  	_ =	shalt  }
0x50: {  	_ =	shalt  }
0x51: {  	_ =	shalt  }
0x52: {  	_ =	shalt  }
0x53: {  	_ =	shalt  }
0x54: {  	_ =	shalt  }
0x55: {  	_ =	shalt  }
0x56: {  	_ =	shalt  }
0x57: {  	_ =	shalt  }
0x58: {  	_ =	shalt  }
0x59: {  	_ =	shalt  }
0x5a: {  	_ =	shalt  }
0x5b: {  	_ =	shalt  }
0x5c: {  	_ =	shalt  }
0x5d: {  	_ =	shalt  }
0x5e: {  	_ =	shalt  }
0x5f: {  	_ =	shalt  }
0x60: {  	_ =	shalt  }
0x61: {  	_ =	shalt  }
0x62: {  	_ =	shalt  }
0x63: {  	_ =	shalt  }
0x64: {  	_ =	shalt  }
0x65: {  	_ =	shalt  }
0x66: {  	_ =	shalt  }
0x67: {  	_ =	shalt  }
0x68: {  	_ =	shalt  }
0x69: {  	_ =	shalt  }
0x6a: {  	_ =	shalt  }
0x6b: {  	_ =	shalt  }
0x6c: {  	_ =	shalt  }
0x6d: {  	_ =	shalt  }
0x6e: {  	_ =	shalt  }
0x6f: {  	_ =	shalt  }
0x70: {  	_ =	shalt  }
0x71: {  	_ =	shalt  }
0x72: {  	_ =	shalt  }
0x73: {  	_ =	shalt  }
0x74: {  	_ =	shalt  }
0x75: {  	_ =	shalt  }
0x76: {  	_ =	shalt  }
0x77: {  	_ =	shalt  }
0x78: {  	_ =	shalt  }
0x79: {  	_ =	shalt  }
0x7a: {  	_ =	shalt  }
0x7b: {  	_ =	shalt  }
0x7c: {  	_ =	shalt  }
0x7d: {  	_ =	shalt  }
0x7e: {  	_ =	shalt  }
0x7f: {  	_ =	shalt  }
0x80: {  	_ =	shalt  }
0x81: {  	_ =	shalt  }
0x82: {  	_ =	shalt  }
0x83: {  	_ =	shalt  }
0x84: {  	_ =	shalt  }
0x85: {  	_ =	shalt  }
0x86: {  	_ =	shalt  }
0x87: {  	_ =	shalt  }
.Lfunc_end0:
.L_simem_size_0:
called_computation.2_lowered:
.L_overlay_start_0:
0x88: {  	s2 =	sld [smem:$0x3FD9]  }
0x89: {  	s3 =	sld [smem:$0x3FFE];
	_ =	sdelay $0x1  }
0x8a: {  	s1 =	srdreg.scid  }
0x8b: {  	s0 =	sand.u32 $0x1, s1  }
0x8c: {  	s16 =	sshll.u32 s0, $0xA;
	s2 =	sadd.s32 s3, s2  }
0x8d: {  	s2 =	sadd.s32 s2, s16  }
0x8e: {  	[smem:$0x3FB1] =	sst s2  }
0x8f: {  	_ = 	snop  }
0x90: {  	(tm) =	ssettm $0x1  }
0x91: {  	s17 =	sld [smem:$0x3FFB];
	_ =	sdelay $0x3  }
0x92: {  	_ =	strace s17  }
0x93: {  	s2 =	sld [smem:$0x3FFC];
	_ =	sdelay $0x3  }
0x94: {  	_ =	strace s2  }
0x95: {  	s2 =	sld [smem:$0x3FFD];
	_ =	sdelay $0x3  }
0x96: {  	_ =	strace s2  }
0x97: {  	_ =	strace $0x8FFFFFFF  }
0x98: {  	s18 =	sld [smem:$0x3FDB];
	_ =	sdelay $0x1  }
0x99: {  	s19 =	simm.s32 $_scs_section_size  }
0x9a: {  	s4 =	simm.s32 $_size__tile_overlayer_lowered;
	s5 =	simm.s32 $_tile_overlayer_lowered  }
0x9b: {  	s22 =	simm.s32 $0x1BFF;
	s21 =	sshll.u32 s5, $0x1;
	s2 =	sadd.s32 s19, s18  }
0x9c: {  	s6 =	simm.s32 $0x0;
	s20 =	sshll.u32 s4, $0x1;
	s4 =	sadd.s32 s21, s2  }
0x9d: {  	[timem:s6], [sflag:s22] =	dma.local [hbm:s4], s20  }
0x9e: {  	_ =	swait.ge [sflag:s22], s20  }
0x9f: {  	s3 =	ssub.s32 $0x0, s20;
	[sflag:s22] =	ssyncset.done $0x0  }
0xa0: {  	[sflag:s22] =	ssyncadd.s32 s3;
	_ =	sdelay $0x1  }
0xa1: {  	s23 =	simm.s32 $0x1B8B  }
0xa2: {  	_ =	swait.ge [sflag:s23], $0x1  }
0xa3: {  	[sflag:s23] =	ssyncset.done $0x0  }
0xa4: {  	s25 =	simm.s32 $0x1B8E;
	s24 =	sld [smem:$0x3FFE];
	[sflag:s23] =	ssyncadd.s32 $0xFFFFFFFF  }
0xa5: {  	s26 =	simm.s32 $execute0_lowered;
	[smem:$0x3FD2] =	sst s25  }
0xa6: {  	s4 =	sshll.u32 s26, $0x1;
	_ =	strace $0x8000004C;
	[dreg:$0x1] =	wrdreg $0xFFFFFFFF  }
0xa7: {  	s28 =	simm.s32 $_size_execute0_lowered;
	s2 =	sadd.s32 s2, s4;
	[dreg:$0x0] =	wrdreg $0x0  }
0xa8: {  	s4 =	sshll.u32 s28, $0x1;
	[dreg:$0x2] =	wrdreg s2  }
0xa9: {  	[dreg:$0x3] =	wrdreg s4  }
0xaa: {  	[dreg:$0x4] =	wrdreg $0xC0  }
0xab: {  	_ =	task [dreg:s6], $0x5FFFF  }
0xac: {  	[dreg:$0x1] =	wrdreg $0xFFFFFFFF  }
0xad: {  	[dreg:$0x0] =	wrdreg $0x60  }
0xae: {  	[dreg:$0x2] =	wrdreg s24  }
0xaf: {  	[dreg:$0x3] =	wrdreg $0x0  }
0xb0: {  	[dreg:$0x4] =	wrdreg $0x28000  }
0xb1: {  	[dreg:$0x5] =	wrdreg $0x50000  }
0xb2: {  	[dreg:$0x6] =	wrdreg $0x9  }
0xb3: {  	_ =	task.clear_ibuf [dreg:s6], $0x7FFFF;
	_ =	strace $0x9000004C  }
0xb4: {  	s29 =	simm.s32 $0x9;
	_ =	strace $0x8000004E  }
0xb5: {  	_ =	swait.ge [sflag:s29], $0x1  }
0xb6: {  	[sflag:s29] =	ssyncadd.s32 $0xFFFFFFFF  }
0xb7: {  	_ =	strace $0x9000004E  }
0xb8: {  	_ =	sfence  }
0xb9: {  	s30 =	sld [smem:$0x0];
	_ =	sdelay $0x2  }
0xba: {  	s31 =	sshll.u32 s1, $0xD;
	s1 =	sshrl.u32 s1, $0x2  }
0xbb: {  	s3 =	sand.u32 $0x4000, s31;
	s1 =	sadd.s32 s1, s30  }
0xbc: {  	s0 =	sor.u32 s3, s0;
	s1 =	sshll.u32 s1, $0x11  }
0xbd: {  	s0 =	sor.u32 s1, s0  }
0xbe: {  	s0 =	sadd.s32 $0x8F2B, s0  }
0xbf: {  	[sflag:s0] =	ssyncadd.remote.s32 $0x1  }
0xc0: {  	_ =	sfence.sel $0xFFFF  }
0xc1: {  	[dreg:$0x0] =	wrdreg $0xFFFFFFFF;
	(pc) =	sbr.abs _section_cstart, $3  }
0xc2: {  	[dreg:$0x1] =	wrdreg $0xFFFFFFFF  }
0xc3: {  	_ =	task.clear_ibuf [dreg:s6], $0x2FFFF;
	_ =	strace $0x9FFFFFFF  }
0xc4: {  	(tm) =	ssettm $0x7FFFFFFF  }
0xc5: {  	_ =	shalt  }
tec
execute0_lowered:
.L_overlay_start_1:
0x0: {  	(tag) =	ssettag $0x1  }
0x1: {  	s0 =	rddreg [dreg:$0x0]  }
0x2: {  	s2 =	rddreg [dreg:$0x1]  }
0x3: {  	s3 =	rddreg [dreg:$0x2]  }
0x4: {  	s4 =	rddreg [dreg:$0x3];
	s13 =	stileid.u32;
	s6 =	simm.s32 $0x0  }
0x5: {  	s5 =	srdreg.scid;
	s28 =	simm.s32 $0xBC00;
	s29 =	simm.s32 $0xCC00  }
0x6: {  	s30 =	simm.s32 $0xDC00;
	s31 =	simm.s32 $0x1;
	s14 =	simm.s32 $0x0  }
0x7: {  	s1 =	smul.u32 $0x2800, s13;
	[smem:$0x7FF] =	sst s6;
	s5 =	sand.u32 $0x1, s5  }
0x8: {  	s8 =	smul.u32 $0x280, s13;
	s6 =	sadd.s32 $0x5000, s0;
	s7 =	sadd.s32 $0xA000, s0  }
0x9: {  	s11 =	sshll.u32 s13, $0x1;
	s18 =	sshll.u32 s13, $0x6;
	_ =	strace $0x8000004D  }
0xa: {  	s10 =	smul.u32 $0x2800, s5;
	s16 =	ssub.s32 $0x2, s5;
	s5 =	sor.u32 s5, s11  }
0xb: {  	s13 =	sor.u32 $0x1C07, s18;
	s18 =	simm.s32 $0x7;
	s11 =	simm.s32 $0x4  }
0xc: {  	s9 =	sshrl.u32 s1, $0x3;
	s12 =	sshrl.u32 s16, $0x1;
	s5 =	smul.u32 $0x280, s5  }
0xd: {  	s17 =	sadd.s32 s1, s2;
	s19 =	sadd.s32 s1, s3;
	s9 =	sadd.s32 s9, s0  }
0xe: {  	[dreg:$0x6] =	wrdreg s13;
	s8 =	sadd.s32 s8, s10;
	s9 =	sadd.s32 $0x19000, s9  }
0xf: {  	s10 =	ssub.s32 s16, s12;
	s5 =	sadd.s32 s0, s5;
	[dreg:$0x5] =	wrdreg s9  }
0x10: {  	s20 =	sadd.s32 s1, s4;
	s26 =	smax.u32 s10, $0x1;
	[dreg:$0x7] =	wrdreg s5  }
0x11: {  	s1 =	simm.s32 $0x5;
	s10 =	sshrl.u32 s20, $0x3;
	[dreg:$0xd] =	wrdreg s26  }
0x12: {  	s12 =	simm.s32 $0x6;
	s21 =	sadd.s32 $0xF000, s5;
	[dreg:$0x10] =	wrdreg s10  }
0x13: {  	s8 =	sshll.u32 s8, $0x1;
	s22 =	sadd.s32 $0x14000, s5;
	[dreg:$0x8] =	wrdreg s21  }
0x14: {  	s8 =	sadd.s32 s8, s0;
	s9 =	sshrl.u32 s19, $0x3;
	[dreg:$0x9] =	wrdreg s22  }
0x15: {  	s26 =	simm.s32 $0xD400;
	s23 =	sadd.s32 $0x6E000, s8;
	[dreg:$0xf] =	wrdreg s9  }
0x16: {  	s0 =	simm.s32 $0x3;
	s24 =	sadd.s32 $0x78000, s8;
	[dreg:$0xa] =	wrdreg s23  }
0x17: {  	s25 =	sadd.s32 $0x82000, s8;
	s8 =	sshrl.u32 s17, $0x3;
	[dreg:$0xb] =	wrdreg s24  }
0x18: {  	vm0 =	vcmask $0x1F00;
	v0 =	vimm.f32 $0.0e+00;
	v1 =	vimm.f32 $1.000000000e+00;
	s22 =	simm.s32 $0x2;
	[dreg:$0xc] =	wrdreg s25;
	s23 =	simm.s32 $0x80  }
0x19: {  	v0 =	vsel vm0, $0x3F800000, v0;
	v1 =	vsel vm0, $0x0, v1;
	s24 =	simm.s32 $0xB400;
	s25 =	simm.s32 $0xC400;
	[dreg:$0xe] =	wrdreg s8  }
.LBB2_1:
0x1a: {  	[dreg:$0x11] =	wrdreg s14  }
0x1b: {  	s5 =	rddreg [dreg:$0x5]  }
0x1c: {  	[spmem:s8], [sflag:s13] =	dma.local [hbm:s5], $0x500  }
0x1d: {  	_ =	swait.ge [sflag:s18], $0x500  }
0x1e: {  	[sflag:s18] =	ssyncset.done $0x0  }
0x1f: {  	[sflag:s18] =	ssyncadd.s32 $0xFFFFFB00  }
0x20: {  	[spmem:s9], [sflag:s13] =	dma.local [hbm:s5], $0x500  }
0x21: {  	_ =	swait.ge [sflag:s18], $0x500  }
0x22: {  	[sflag:s18] =	ssyncset.done $0x0  }
0x23: {  	[sflag:s18] =	ssyncadd.s32 $0xFFFFFB00  }
0x24: {  	[spmem:s10], [sflag:s13] =	dma.local [hbm:s5], $0x500  }
0x25: {  	_ =	swait.ge [sflag:s18], $0x500  }
0x26: {  	[sflag:s18] =	ssyncset.done $0x0  }
0x27: {  	[sflag:s18] =	ssyncadd.s32 $0xFFFFFB00  }
0x28: {  	[bflag:$0x0] =	sbarrier.arrive $0xFFFF  }
0x29: {  	s15 =	simm.s32 $0x0;
	s17 =	simm.s32 $0x7800;
	s16 =	rddreg [dreg:$0x8]  }
0x2a: {  	[tilespmem:s17], [sflag:$0x7] =	stream.linear.gather [hbm4b:s16+s15], $0x1400, $0x38;
	[tilespmem:$0xE400] =	vst v63  }
0x2b: {  	_ =	swait.ge [sflag:s18], $0x1400  }
0x2c: {  	[sflag:s18] =	ssyncset.done $0x0  }
0x2d: {  	s20 =	simm.s32 $0x8C00;
	s19 =	rddreg [dreg:$0x9];
	[sflag:s18] =	ssyncadd.s32 $0xFFFFEC00  }
0x2e: {  	[tilespmem:s20], [sflag:$0x7] =	stream.linear.gather [hbm4b:s19+s15], $0x1400, $0x38;
	[tilespmem:$0xE400] =	vst v63  }
0x2f: {  	_ =	swait.ge [sflag:s18], $0x1400  }
0x30: {  	[sflag:s18] =	ssyncset.done $0x0  }
0x31: {  	s14 =	simm.s32 $0xA000;
	s21 =	rddreg [dreg:$0x7];
	[sflag:s18] =	ssyncadd.s32 $0xFFFFEC00  }
0x32: {  	[tilespmem:s14], [sflag:$0x7] =	stream.linear.gather [hbm4b:s21+s15], $0x1400, $0x38;
	[tilespmem:$0xE400] =	vst v63  }
0x33: {  	_ =	swait.ge [sflag:s18], $0x1400  }
0x34: {  	[sflag:s18] =	ssyncset.done $0x0  }
0x35: {  	[sflag:s18] =	ssyncadd.s32 $0xFFFFEC00  }
0x36: {  	[tilespmem:s24], [sflag:$0x1] =	stream.indirect.gather [hbm4b:s6+s23], $0x10, s17, s23, $0xb8;
	[tilespmem:$0xE400] =	vst v63  }
0x37: {  	_ = 	snop  }
0x38: {  	[tilespmem:s25], [sflag:$0x3] =	stream.indirect.gather [hbm4b:s7+s23], $0x10, s17, s23, $0xb8;
	[tilespmem:$0xE400] =	vst v63  }
0x39: {  	s16 =	simm.s32 $0x0;
	s15 =	simm.s32 $0xA080  }
0x3a: {  	[tilespmem:s26], [sflag:$0x5] =	stream.indirect.gather [hbm4b:s7+s23], $0x10, s20, s23, $0xb8;
	[tilespmem:$0xE400] =	vst v63  }
.LBB2_2:
0x3b: {  	s21 =	sshll.u32 s16, $0x8  }
0x3c: {  	s10 =	sadd.s32 $0x7880, s21  }
0x3d: {  	[tilespmem:s28], [sflag:$0x2] =	stream.indirect.gather [hbm4b:s6+s23], $0x10, s10, s23, $0xb8;
	[tilespmem:$0xE400] =	vst v63  }
0x3e: {  	_ = 	snop  }
0x3f: {  	[tilespmem:s29], [sflag:$0x4] =	stream.indirect.gather [hbm4b:s7+s23], $0x10, s10, s23, $0xb8;
	[tilespmem:$0xE400] =	vst v63  }
0x40: {  	s5 =	sadd.s32 $0x8C80, s21  }
0x41: {  	[tilespmem:s30], [sflag:$0x6] =	stream.indirect.gather [hbm4b:s7+s23], $0x10, s5, s23, $0xb8;
	[tilespmem:$0xE400] =	vst v63  }
0x42: {  	_ =	swait.ge [sflag:s31], $0x800  }
0x43: {  	[sflag:s31] =	ssyncset.done $0x0  }
0x44: {  	[sflag:s31] =	ssyncadd.s32 $0xFFFFF800  }
0x45: {  	_ =	swait.ge [sflag:s0], $0x800  }
0x46: {  	v2 =	vmov s14;
	[sflag:s0] =	ssyncset.done $0x0  }
0x47: {  	[sflag:s0] =	ssyncadd.s32 $0xFFFFF800  }
0x48: {  	_ =	swait.ge [sflag:s1], $0x800  }
0x49: {  	[sflag:s1] =	ssyncset.done $0x0  }
0x4a: {  	s8 =	simm.s32 $0x0;
	[sflag:s1] =	ssyncadd.s32 $0xFFFFF800  }
0x4b: {  	v4 =	vld.idx.msk [tilespmem:v2+s8+$0x0 ss:$0x1], $0xffff;
	_ =	sdelay $0x4  }
0x4c: {  	v3 =	vbroadcast v4, $0x0;
	v8 =	vbroadcast v4, $0x4  }
0x4d: {  	v9 =	vbroadcast v4, $0xB;
	v5 =	vbroadcast v4, $0xC  }
0x4e: {  	v12 =	vbroadcast v4, $0x1;
	v7 =	vbroadcast v4, $0x6  }
0x4f: {  	v10 =	vbroadcast v4, $0x5;
	v11 =	vbroadcast v4, $0xE  }
0x50: {  	v14 =	vbroadcast v4, $0x3;
	v15 =	vbroadcast v4, $0x9  }
0x51: {  	s19 =	simm.s32 $0xB480;
	v17 =	vbroadcast v4, $0xF;
	v18 =	vbroadcast v4, $0x7  }
0x52: {  	v13 =	vld [tilespmem:s19+$0xFFFFFF80];
	v21 =	vbroadcast v4, $0xA;
	v22 =	vbroadcast v4, $0x2  }
0x53: {  	v16 =	vld [tilespmem:s19+$0x40];
	v25 =	vbroadcast v4, $0x8;
	v6 =	vmul.f32 v0, v3  }
0x54: {  	v19 =	vld [tilespmem:s19+$0x60];
	v3 =	vbroadcast v4, $0xD;
	v7 =	vmul.f32 v0, v7  }
0x55: {  	v20 =	vld [tilespmem:s19+$0x10];
	v5 =	vmul.f32 v0, v5;
	v11 =	vmul.f32 v0, v11  }
0x56: {  	v24 =	vld [tilespmem:s19+$0x70];
	v15 =	vmul.f32 v0, v15;
	v17 =	vmul.f32 v0, v17  }
0x57: {  	v58 =	vld [tilespmem:s19+$0xFFFFFFF0];
	v18 =	vmul.f32 v0, v18;
	v25 =	vmul.f32 v0, v25;
	v5 =	vadd.f32 v1, v5  }
0x58: {  	v23 =	vld [tilespmem:s19+$0x20];
	v14 =	vmul.f32 v0, v14;
	v10 =	vmul.f32 v0, v10;
	v4 =	vadd.f32 v1, v11  }
0x59: {  	v59 =	vld [tilespmem:s19+$0x0];
	v6 =	vadd.f32 v1, v6;
	v11 =	vmul.f32 v0, v21;
	v5 =	vmul.f32 v16, v5  }
0x5a: {  	v17 =	vadd.f32 v1, v17;
	v18 =	vadd.f32 v1, v18;
	v16 =	vld [tilespmem:s19+$0xFFFFFFE0];
	v19 =	vmul.f32 v19, v4  }
0x5b: {  	v62 =	vmul.f32 v0, v8;
	v8 =	vld [tilespmem:s19+$0x50];
	v11 =	vadd.f32 v1, v11;
	v13 =	vmul.f32 v6, v13;
	[tilespmem:s19+$0x40] =	vst v5  }
0x5c: {  	v15 =	vadd.f32 v1, v15;
	v18 =	vmul.f32 v58, v18;
	[tilespmem:s19+$0x60] =	vst v19;
	v5 =	vmul.f32 v24, v17;
	v17 =	vld [tilespmem:s19+$0xFFFFFFD0]  }
0x5d: {  	v61 =	vmul.f32 v0, v9;
	v60 =	vadd.f32 v1, v7;
	v7 =	vld [tilespmem:s19+$0x30];
	v11 =	vmul.f32 v23, v11;
	[tilespmem:s19+$0xFFFFFF80] =	vst v13  }
0x5e: {  	v63 =	vadd.f32 v1, v10;
	v4 =	vld [tilespmem:s19+$0xFFFFFFB0];
	v15 =	vmul.f32 v20, v15;
	v13 =	vmul.f32 v0, v22;
	[tilespmem:s19+$0xFFFFFFF0] =	vst v18  }
0x5f: {  	v6 =	vld [tilespmem:s19+$0xFFFFFFC0];
	v19 =	vadd.f32 v1, v25;
	[tilespmem:s19+$0x20] =	vst v11;
	v11 =	vadd.f32 v1, v14;
	v23 =	vmul.f32 v16, v60  }
0x60: {  	s20 =	simm.s32 $0x80;
	v10 =	vld [tilespmem:s19+$0xFFFFFF90];
	[tilespmem:s19+$0x10] =	vst v15;
	v14 =	vmul.f32 v0, v12;
	v9 =	vadd.f32 v1, v13;
	v13 =	vadd.f32 v1, v61  }
0x61: {  	s9 =	simm.s32 $0x10;
	s17 =	simm.s32 $0xB580;
	s8 =	simm.s32 $0xB580;
	v12 =	vld [tilespmem:s19+$0xFFFFFFA0];
	v16 =	vadd.f32 v1, v62;
	v15 =	vmul.f32 v17, v63;
	[tilespmem:s19+$0xFFFFFFE0] =	vst v23;
	v17 =	vmul.f32 v59, v19  }
.LBB2_3:
0x62: {  	p0 =	sne.s32 s20, $0x1C0  }
0x63: {  	s8 =	sadd.s32 $0x100, s8;
	v4 =	vmul.f32 v4, v11;
	v3 =	vmul.f32 v0, v3;
	[tilespmem:s19+$0x70] =	vst v5;
	s13 =	smov.u32 s20;
	s20 =	sadd.s32 $0x40, s20  }
0x64: {  	v5 =	vadd.f32 v1, v14;
	v6 =	vmul.f32 v6, v16;
	[tilespmem:s19+$0x0] =	vst v17;
	v7 =	vmul.f32 v7, v13  }
0x65: {  	[tilespmem:s19+$0xFFFFFFB0] =	vst v4;
	v3 =	vadd.f32 v1, v3  }
0x66: {  	v4 =	vmul.f32 v5, v10;
	[tilespmem:s19+$0xFFFFFFD0] =	vst v15  }
0x67: {  	v5 =	vmul.f32 v12, v9;
	[tilespmem:s19+$0xFFFFFFC0] =	vst v6;
	v3 =	vmul.f32 v8, v3  }
0x68: {  	[tilespmem:s19+$0xFFFFFF90] =	vst v4  }
0x69: {  	[tilespmem:s19+$0x50] =	vst v3  }
0x6a: {  	[tilespmem:s19+$0xFFFFFFA0] =	vst v5  }
0x6b: {  	[tilespmem:s19+$0x30] =	vst v7;
	s19 =	smov.u32 s17;
	s17 =	smov.u32 s8  }
0x6c: {  	v4 =	vld.idx.msk [tilespmem:v2+s9+$0x0 ss:$0x1], $0xffff;
	_ =	sdelay $0x4  }
0x6d: {  	v8 =	vld [tilespmem:s19+$0xFFFFFFE0]  }
0x6e: {  	v3 =	vbroadcast v4, $0x0;
	v9 =	vbroadcast v4, $0x4  }
0x6f: {  	v10 =	vbroadcast v4, $0xB;
	v5 =	vbroadcast v4, $0xC  }
0x70: {  	v12 =	vbroadcast v4, $0x1;
	v6 =	vmul.f32 v0, v3  }
0x71: {  	v7 =	vbroadcast v4, $0x6;
	v3 =	vbroadcast v4, $0xD  }
0x72: {  	v11 =	vbroadcast v4, $0x5;
	v13 =	vbroadcast v4, $0xE  }
0x73: {  	v15 =	vbroadcast v4, $0x3;
	v16 =	vbroadcast v4, $0x9;
	v6 =	vadd.f32 v1, v6;
	v14 =	vld [tilespmem:s19+$0xFFFFFF80]  }
0x74: {  	s9 =	sshra.s32 s13, $0x2;
	v18 =	vbroadcast v4, $0xF;
	v7 =	vmul.f32 v0, v7;
	v17 =	vld [tilespmem:s19+$0x40]  }
0x75: {  	v19 =	vbroadcast v4, $0x7;
	v5 =	vmul.f32 v0, v5;
	v20 =	vld [tilespmem:s19+$0x60]  }
0x76: {  	v22 =	vbroadcast v4, $0xA;
	v13 =	vmul.f32 v0, v13;
	v21 =	vld [tilespmem:s19+$0x10]  }
0x77: {  	v23 =	vbroadcast v4, $0x2;
	v16 =	vmul.f32 v0, v16;
	v5 =	vadd.f32 v1, v5;
	v24 =	vld [tilespmem:s19+$0x70]  }
0x78: {  	v25 =	vbroadcast v4, $0x8;
	v4 =	vadd.f32 v1, v13;
	v13 =	vmul.f32 v0, v18;
	v26 =	vld [tilespmem:s19+$0x20]  }
0x79: {  	v22 =	vmul.f32 v0, v22;
	v16 =	vadd.f32 v1, v16;
	v18 =	vld [tilespmem:s19+$0xFFFFFFF0];
	v5 =	vmul.f32 v17, v5  }
0x7a: {  	v13 =	vadd.f32 v1, v13;
	v17 =	vmul.f32 v0, v19;
	v19 =	vmul.f32 v20, v4  }
0x7b: {  	v20 =	vmul.f32 v0, v25;
	v4 =	vld [tilespmem:s19+$0xFFFFFFB0];
	v16 =	vmul.f32 v21, v16;
	v21 =	vadd.f32 v1, v22;
	[tilespmem:s19+$0x40] =	vst v5  }
0x7c: {  	v6 =	vmul.f32 v6, v14;
	v14 =	vadd.f32 v1, v17;
	v17 =	vld [tilespmem:s19+$0x0];
	[tilespmem:s19+$0x60] =	vst v19;
	v5 =	vmul.f32 v24, v13  }
0x7d: {  	v13 =	vmul.f32 v0, v15;
	v19 =	vadd.f32 v1, v20;
	v15 =	vld [tilespmem:s19+$0xFFFFFFD0];
	v20 =	vmul.f32 v26, v21  }
.Ltmp0:
0x7e: {  	v22 =	vadd.f32 v1, v7;
	v21 =	vmul.f32 v0, v11;
	[tilespmem:s19+$0xFFFFFF80] =	vst v6;
	v6 =	vld [tilespmem:s19+$0xFFFFFFC0];
	v14 =	vmul.f32 v18, v14;
	(pc) =	sbr.rel @p0 .LBB2_3-.Ltmp0, $4  }
0x7f: {  	v18 =	vmul.f32 v0, v23;
	v11 =	vadd.f32 v1, v13;
	v13 =	vmul.f32 v0, v10;
	[tilespmem:s19+$0x20] =	vst v20;
	v7 =	vld [tilespmem:s19+$0x30]  }
0x80: {  	v22 =	vmul.f32 v8, v22;
	v20 =	vmul.f32 v0, v9;
	v21 =	vadd.f32 v1, v21;
	[tilespmem:s19+$0xFFFFFFF0] =	vst v14;
	v8 =	vld [tilespmem:s19+$0x50]  }
0x81: {  	v14 =	vmul.f32 v0, v12;
	v9 =	vadd.f32 v1, v18;
	v13 =	vadd.f32 v1, v13;
	v10 =	vld [tilespmem:s19+$0xFFFFFF90];
	[tilespmem:s19+$0x10] =	vst v16  }
0x82: {  	v16 =	vadd.f32 v1, v20;
	v17 =	vmul.f32 v17, v19;
	v12 =	vld [tilespmem:s19+$0xFFFFFFA0];
	v15 =	vmul.f32 v15, v21;
	[tilespmem:s19+$0xFFFFFFE0] =	vst v22  }
0x83: {  	v3 =	vmul.f32 v0, v3;
	[tilespmem:s19+$0x70] =	vst v5  }
0x84: {  	v4 =	vmul.f32 v4, v11;
	v5 =	vadd.f32 v1, v14;
	[tilespmem:s19+$0x0] =	vst v17  }
0x85: {  	v6 =	vmul.f32 v6, v16;
	[tilespmem:s19+$0xFFFFFFD0] =	vst v15;
	v3 =	vadd.f32 v1, v3  }
0x86: {  	[tilespmem:s19+$0xFFFFFFB0] =	vst v4;
	v4 =	vmul.f32 v5, v10  }
0x87: {  	[tilespmem:s19+$0xFFFFFFC0] =	vst v6;
	v3 =	vmul.f32 v8, v3  }
0x88: {  	v5 =	vmul.f32 v12, v9;
	[tilespmem:s19+$0xFFFFFF90] =	vst v4  }
0x89: {  	v4 =	vmul.f32 v7, v13;
	[tilespmem:s19+$0x50] =	vst v3  }
0x8a: {  	[tilespmem:s19+$0xFFFFFFA0] =	vst v5  }
0x8b: {  	[tilespmem:s19+$0x30] =	vst v4  }
0x8c: {  	v2 =	vld.idx.msk [tilespmem:v2+s9+$0x0 ss:$0x1], $0xffff;
	_ =	sdelay $0x4  }
0x8d: {  	v3 =	vbroadcast v2, $0x0;
	v4 =	vbroadcast v2, $0x4  }
0x8e: {  	v5 =	vbroadcast v2, $0xB;
	v6 =	vbroadcast v2, $0xC  }
0x8f: {  	v7 =	vbroadcast v2, $0x1;
	v8 =	vbroadcast v2, $0x6  }
0x90: {  	v9 =	vbroadcast v2, $0xD;
	v11 =	vbroadcast v2, $0x5  }
0x91: {  	v12 =	vbroadcast v2, $0xE;
	v13 =	vbroadcast v2, $0x3  }
0x92: {  	v15 =	vld [tilespmem:s17+$0x40];
	v14 =	vbroadcast v2, $0x9;
	v18 =	vbroadcast v2, $0xA  }
0x93: {  	v16 =	vld [tilespmem:s17+$0x60];
	v19 =	vbroadcast v2, $0xF;
	v6 =	vmul.f32 v0, v6  }
0x94: {  	v17 =	vld [tilespmem:s17+$0xFFFFFF80];
	v20 =	vbroadcast v2, $0x7;
	v12 =	vmul.f32 v0, v12  }
0x95: {  	v24 =	vld [tilespmem:s17+$0x10];
	v22 =	vbroadcast v2, $0x2;
	v3 =	vmul.f32 v0, v3;
	v6 =	vadd.f32 v1, v6  }
0x96: {  	v21 =	vld [tilespmem:s17+$0x20];
	v2 =	vbroadcast v2, $0x8;
	v14 =	vmul.f32 v0, v14;
	v12 =	vadd.f32 v1, v12  }
0x97: {  	v23 =	vld [tilespmem:s17+$0xFFFFFFF0];
	v18 =	vmul.f32 v0, v18;
	v3 =	vadd.f32 v1, v3;
	v6 =	vmul.f32 v15, v6  }
0x98: {  	v10 =	vld [tilespmem:s17+$0xFFFFFFE0];
	v14 =	vadd.f32 v1, v14;
	v15 =	vmul.f32 v0, v20;
	v12 =	vmul.f32 v16, v12  }
0x99: {  	v8 =	vmul.f32 v0, v8;
	v16 =	vadd.f32 v1, v18;
	v3 =	vmul.f32 v3, v17;
	v17 =	vld [tilespmem:s17+$0x0];
	[tilespmem:s17+$0x40] =	vst v6  }
0x9a: {  	v53 =	vld [tilespmem:s17+$0x70];
	v2 =	vmul.f32 v0, v2;
	v14 =	vmul.f32 v24, v14;
	v6 =	vadd.f32 v1, v15;
	[tilespmem:s17+$0x60] =	vst v12  }
0x9b: {  	v15 =	vmul.f32 v0, v19;
	v12 =	vmul.f32 v21, v16;
	v16 =	vld [tilespmem:s17+$0xFFFFFFD0];
	[tilespmem:s17+$0xFFFFFF80] =	vst v3;
	v3 =	vadd.f32 v1, v8  }
0x9c: {  	v11 =	vmul.f32 v0, v11;
	v2 =	vadd.f32 v1, v2;
	v18 =	vld [tilespmem:s17+$0xFFFFFFB0];
	[tilespmem:s17+$0x10] =	vst v14;
	v6 =	vmul.f32 v23, v6  }
0x9d: {  	v13 =	vmul.f32 v0, v13;
	v8 =	vadd.f32 v1, v15;
	v15 =	vld [tilespmem:s17+$0xFFFFFFC0];
	[tilespmem:s17+$0x20] =	vst v12;
	v3 =	vmul.f32 v10, v3  }
0x9e: {  	v4 =	vmul.f32 v0, v4;
	v11 =	vadd.f32 v1, v11;
	v10 =	vld [tilespmem:s17+$0xFFFFFF90];
	v2 =	vmul.f32 v17, v2;
	[tilespmem:s17+$0xFFFFFFF0] =	vst v6  }
0x9f: {  	v7 =	vmul.f32 v0, v7;
	v6 =	vmul.f32 v53, v8;
	v8 =	vadd.f32 v1, v13;
	v13 =	vld [tilespmem:s17+$0x50];
	[tilespmem:s17+$0xFFFFFFE0] =	vst v3  }
0xa0: {  	v9 =	vmul.f32 v0, v9;
	v4 =	vadd.f32 v1, v4;
	v12 =	vld [tilespmem:s17+$0x30];
	v11 =	vmul.f32 v16, v11;
	[tilespmem:s17+$0x0] =	vst v2  }
0xa1: {  	v7 =	vadd.f32 v1, v7;
	v3 =	vld [tilespmem:s17+$0xFFFFFFA0];
	v2 =	vmul.f32 v0, v5;
	v8 =	vmul.f32 v18, v8;
	[tilespmem:s17+$0x70] =	vst v6  }
0xa2: {  	v5 =	vadd.f32 v1, v9;
	v6 =	vmul.f32 v0, v22;
	v4 =	vmul.f32 v15, v4;
	[tilespmem:s17+$0xFFFFFFD0] =	vst v11  }
0xa3: {  	v7 =	vmul.f32 v7, v10;
	v2 =	vadd.f32 v1, v2;
	[tilespmem:s17+$0xFFFFFFB0] =	vst v8  }
0xa4: {  	v6 =	vadd.f32 v1, v6;
	[tilespmem:s17+$0xFFFFFFC0] =	vst v4;
	v4 =	vmul.f32 v13, v5  }
0xa5: {  	[tilespmem:s17+$0xFFFFFF90] =	vst v7;
	v2 =	vmul.f32 v12, v2  }
0xa6: {  	v3 =	vmul.f32 v3, v6;
	[tilespmem:s17+$0x50] =	vst v4  }
0xa7: {  	[tilespmem:s17+$0x30] =	vst v2  }
0xa8: {  	s8 =	sadd.s32 $0x8C00, s21;
	[tilespmem:s17+$0xFFFFFFA0] =	vst v3  }
0xa9: {  	[spmem:s2] =	stream.indirect.scatter.add.f32 [tilespmem:s24], [sflag:$0x7], $0x10, s8, s23, $0xb8;
	[tilespmem:$0xE400] =	vst v63  }
0xaa: {  	_ =	swait.ge [sflag:s18], $0x800  }
0xab: {  	[sflag:s18] =	ssyncset.done $0x0  }
0xac: {  	[sflag:s18] =	ssyncadd.s32 $0xFFFFF800  }
0xad: {  	[spmem:s4] =	stream.indirect.scatter.add.f32 [tilespmem:s25], [sflag:$0x7], $0x10, s8, s23, $0xb8;
	[tilespmem:$0xE400] =	vst v63  }
0xae: {  	_ =	swait.ge [sflag:s18], $0x800  }
0xaf: {  	[sflag:s18] =	ssyncset.done $0x0  }
0xb0: {  	s20 =	sadd.s32 $0x7800, s21;
	[sflag:s18] =	ssyncadd.s32 $0xFFFFF800  }
0xb1: {  	[spmem:s3] =	stream.indirect.scatter.add.f32 [tilespmem:s26], [sflag:$0x7], $0x10, s20, s23, $0xb8;
	[tilespmem:$0xE400] =	vst v63  }
0xb2: {  	p0 =	seq.s32 s16, $0x13;
	_ =	swait.ge [sflag:s18], $0x800  }
0xb3: {  	s13 =	simm.s32 @!p0 $0xB400;
	[sflag:s18] =	ssyncset.done $0x0  }
0xb4: {  	s9 =	simm.s32 @!p0 $0x80;
	s8 =	sadd.s32 @!p0 $0x7900, s21;
	[sflag:s18] =	ssyncadd.s32 $0xFFFFF800  }
0xb5: {  	[tilespmem:s13], [sflag:$0x1] =	stream.indirect.gather @!p0 [hbm4b:s6+s9], $0x10, s8, s9, $0xb8;
	[tilespmem:$0xE400] =	vst v63  }
0xb6: {  	s13 =	simm.s32 @!p0 $0xC400  }
0xb7: {  	[tilespmem:s13], [sflag:$0x3] =	stream.indirect.gather @!p0 [hbm4b:s7+s9], $0x10, s8, s9, $0xb8;
	[tilespmem:$0xE400] =	vst v63  }
0xb8: {  	s8 =	sadd.s32 @!p0 $0x8D00, s21;
	s13 =	simm.s32 @!p0 $0xD400  }
0xb9: {  	[tilespmem:s13], [sflag:$0x5] =	stream.indirect.gather @!p0 [hbm4b:s7+s9], $0x10, s8, s9, $0xb8;
	[tilespmem:$0xE400] =	vst v63  }
0xba: {  	_ =	swait.ge [sflag:s22], $0x800  }
0xbb: {  	[sflag:s22] =	ssyncset.done $0x0  }
0xbc: {  	[sflag:s22] =	ssyncadd.s32 $0xFFFFF800  }
0xbd: {  	_ =	swait.ge [sflag:s11], $0x800  }
0xbe: {  	v2 =	vmov s15;
	[sflag:s11] =	ssyncset.done $0x0  }
0xbf: {  	[sflag:s11] =	ssyncadd.s32 $0xFFFFF800  }
0xc0: {  	_ =	swait.ge [sflag:s12], $0x800  }
0xc1: {  	[sflag:s12] =	ssyncset.done $0x0  }
0xc2: {  	s21 =	simm.s32 $0x0;
	[sflag:s12] =	ssyncadd.s32 $0xFFFFF800  }
0xc3: {  	v4 =	vld.idx.msk [tilespmem:v2+s21+$0x0 ss:$0x1], $0xffff;
	_ =	sdelay $0x4  }
0xc4: {  	v3 =	vbroadcast v4, $0x0;
	v8 =	vbroadcast v4, $0x4  }
0xc5: {  	v9 =	vbroadcast v4, $0xB;
	v5 =	vbroadcast v4, $0xC  }
0xc6: {  	v12 =	vbroadcast v4, $0x1;
	v7 =	vbroadcast v4, $0x6  }
0xc7: {  	v10 =	vbroadcast v4, $0x5;
	v11 =	vbroadcast v4, $0xE  }
0xc8: {  	v13 =	vbroadcast v4, $0x3;
	v14 =	vbroadcast v4, $0x9  }
0xc9: {  	s19 =	simm.s32 $0xBCF0;
	v17 =	vbroadcast v4, $0xF;
	v19 =	vbroadcast v4, $0x7  }
0xca: {  	v15 =	vld [tilespmem:s19+$0xFFFFFFF0];
	v55 =	vbroadcast v4, $0xA;
	v56 =	vbroadcast v4, $0x2  }
0xcb: {  	v16 =	vld [tilespmem:s19+$0xFFFFFFD0];
	v25 =	vbroadcast v4, $0x8;
	v6 =	vmul.f32 v0, v3  }
0xcc: {  	v18 =	vld [tilespmem:s19+$0xFFFFFF10];
	v3 =	vbroadcast v4, $0xD;
	v7 =	vmul.f32 v0, v7  }
0xcd: {  	v54 =	vld [tilespmem:s19+$0xFFFFFFA0];
	v5 =	vmul.f32 v0, v5;
	v11 =	vmul.f32 v0, v11  }
0xce: {  	v57 =	vld [tilespmem:s19+$0xFFFFFFB0];
	v14 =	vmul.f32 v0, v14;
	v17 =	vmul.f32 v0, v17  }
0xcf: {  	v58 =	vld [tilespmem:s19+$0x0];
	v19 =	vmul.f32 v0, v19;
	v25 =	vmul.f32 v0, v25;
	v5 =	vadd.f32 v1, v5  }
0xd0: {  	v59 =	vld [tilespmem:s19+$0xFFFFFF80];
	v62 =	vmul.f32 v0, v8;
	v4 =	vadd.f32 v1, v11;
	v11 =	vmul.f32 v0, v55  }
0xd1: {  	v8 =	vld [tilespmem:s19+$0xFFFFFFE0];
	v6 =	vadd.f32 v1, v6;
	v14 =	vadd.f32 v1, v14;
	v5 =	vmul.f32 v16, v5  }
0xd2: {  	v10 =	vmul.f32 v0, v10;
	v16 =	vld [tilespmem:s19+$0xFFFFFF70];
	v15 =	vmul.f32 v15, v4;
	v11 =	vadd.f32 v1, v11  }
0xd3: {  	v20 =	vmul.f32 v54, v14;
	v14 =	vmul.f32 v6, v18;
	v18 =	vadd.f32 v1, v19;
	v19 =	vld [tilespmem:s19+$0xFFFFFF90];
	[tilespmem:s19+$0xFFFFFFD0] =	vst v5  }
0xd4: {  	v13 =	vmul.f32 v0, v13;
	v61 =	vmul.f32 v0, v56;
	v17 =	vadd.f32 v1, v17;
	[tilespmem:s19+$0xFFFFFFF0] =	vst v15;
	v15 =	vld [tilespmem:s19+$0xFFFFFF60]  }
0xd5: {  	v60 =	vadd.f32 v1, v7;
	v7 =	vld [tilespmem:s19+$0xFFFFFFC0];
	v63 =	vadd.f32 v1, v10;
	v11 =	vmul.f32 v57, v11;
	[tilespmem:s19+$0xFFFFFF10] =	vst v14  }
0xd6: {  	v4 =	vld [tilespmem:s19+$0xFFFFFF40];
	v5 =	vmul.f32 v58, v17;
	v17 =	vadd.f32 v1, v25;
	v18 =	vmul.f32 v59, v18;
	[tilespmem:s19+$0xFFFFFFA0] =	vst v20  }
0xd7: {  	v6 =	vld [tilespmem:s19+$0xFFFFFF50];
	[tilespmem:s19+$0xFFFFFFB0] =	vst v11;
	v11 =	vadd.f32 v1, v13;
	v13 =	vmul.f32 v0, v9;
	v23 =	vmul.f32 v16, v60  }
0xd8: {  	s17 =	simm.s32 $0xBDF0;
	v10 =	vld [tilespmem:s19+$0xFFFFFF20];
	v14 =	vmul.f32 v0, v12;
	[tilespmem:s19+$0xFFFFFF80] =	vst v18;
	v9 =	vadd.f32 v1, v61;
	v16 =	vadd.f32 v1, v62  }
0xd9: {  	s20 =	simm.s32 $0x80;
	s8 =	simm.s32 $0xBDF0;
	s9 =	simm.s32 $0x10;
	v12 =	vld [tilespmem:s19+$0xFFFFFF30];
	v17 =	vmul.f32 v19, v17;
	v13 =	vadd.f32 v1, v13;
	v15 =	vmul.f32 v15, v63;
	[tilespmem:s19+$0xFFFFFF70] =	vst v23  }
.LBB2_5:
0xda: {  	p0 =	sne.s32 s20, $0x1C0  }
0xdb: {  	s8 =	sadd.s32 $0x100, s8;
	v4 =	vmul.f32 v4, v11;
	v3 =	vmul.f32 v0, v3;
	[tilespmem:s19+$0x0] =	vst v5;
	s13 =	smov.u32 s20;
	s20 =	sadd.s32 $0x40, s20  }
0xdc: {  	v5 =	vadd.f32 v1, v14;
	v6 =	vmul.f32 v6, v16;
	[tilespmem:s19+$0xFFFFFF90] =	vst v17;
	v7 =	vmul.f32 v7, v13  }
0xdd: {  	[tilespmem:s19+$0xFFFFFF40] =	vst v4;
	v3 =	vadd.f32 v1, v3  }
0xde: {  	v4 =	vmul.f32 v5, v10;
	[tilespmem:s19+$0xFFFFFF60] =	vst v15  }
0xdf: {  	v5 =	vmul.f32 v12, v9;
	[tilespmem:s19+$0xFFFFFF50] =	vst v6;
	v3 =	vmul.f32 v8, v3  }
0xe0: {  	[tilespmem:s19+$0xFFFFFF20] =	vst v4  }
0xe1: {  	[tilespmem:s19+$0xFFFFFFE0] =	vst v3  }
0xe2: {  	[tilespmem:s19+$0xFFFFFF30] =	vst v5  }
0xe3: {  	[tilespmem:s19+$0xFFFFFFC0] =	vst v7;
	s19 =	smov.u32 s17;
	s17 =	smov.u32 s8  }
0xe4: {  	v4 =	vld.idx.msk [tilespmem:v2+s9+$0x0 ss:$0x1], $0xffff;
	_ =	sdelay $0x4  }
0xe5: {  	v8 =	vld [tilespmem:s19+$0xFFFFFF70]  }
0xe6: {  	v3 =	vbroadcast v4, $0x0;
	v9 =	vbroadcast v4, $0x4  }
0xe7: {  	v10 =	vbroadcast v4, $0xB;
	v5 =	vbroadcast v4, $0xC  }
0xe8: {  	v12 =	vbroadcast v4, $0x1;
	v6 =	vmul.f32 v0, v3  }
0xe9: {  	v7 =	vbroadcast v4, $0x6;
	v3 =	vbroadcast v4, $0xD  }
0xea: {  	v11 =	vbroadcast v4, $0x5;
	v13 =	vbroadcast v4, $0xE  }
0xeb: {  	v14 =	vbroadcast v4, $0x3;
	v15 =	vbroadcast v4, $0x9;
	v6 =	vadd.f32 v1, v6;
	v16 =	vld [tilespmem:s19+$0xFFFFFFF0]  }
0xec: {  	s9 =	sshra.s32 s13, $0x2;
	v18 =	vbroadcast v4, $0xF;
	v7 =	vmul.f32 v0, v7;
	v17 =	vld [tilespmem:s19+$0xFFFFFFD0]  }
0xed: {  	v20 =	vbroadcast v4, $0x7;
	v5 =	vmul.f32 v0, v5;
	v19 =	vld [tilespmem:s19+$0xFFFFFF10]  }
0xee: {  	v22 =	vbroadcast v4, $0xA;
	v13 =	vmul.f32 v0, v13;
	v21 =	vld [tilespmem:s19+$0xFFFFFFA0]  }
0xef: {  	v23 =	vbroadcast v4, $0x2;
	v15 =	vmul.f32 v0, v15;
	v5 =	vadd.f32 v1, v5;
	v24 =	vld [tilespmem:s19+$0x0]  }
0xf0: {  	v25 =	vbroadcast v4, $0x8;
	v4 =	vadd.f32 v1, v13;
	v13 =	vmul.f32 v0, v18;
	v26 =	vld [tilespmem:s19+$0xFFFFFFB0]  }
0xf1: {  	v22 =	vmul.f32 v0, v22;
	v15 =	vadd.f32 v1, v15;
	v18 =	vld [tilespmem:s19+$0xFFFFFF80];
	v5 =	vmul.f32 v17, v5  }
0xf2: {  	v13 =	vadd.f32 v1, v13;
	v16 =	vmul.f32 v16, v4;
	v17 =	vmul.f32 v0, v20  }
0xf3: {  	v20 =	vmul.f32 v0, v25;
	v4 =	vld [tilespmem:s19+$0xFFFFFF40];
	v15 =	vmul.f32 v21, v15;
	v21 =	vadd.f32 v1, v22;
	[tilespmem:s19+$0xFFFFFFD0] =	vst v5  }
0xf4: {  	v6 =	vmul.f32 v6, v19;
	v17 =	vadd.f32 v1, v17;
	v19 =	vld [tilespmem:s19+$0xFFFFFF90];
	[tilespmem:s19+$0xFFFFFFF0] =	vst v16;
	v5 =	vmul.f32 v24, v13  }
0xf5: {  	v20 =	vadd.f32 v1, v20;
	v13 =	vmul.f32 v0, v14;
	v22 =	vld [tilespmem:s19+$0xFFFFFF60];
	v14 =	vmul.f32 v26, v21  }
.Ltmp1:
0xf6: {  	v16 =	vmul.f32 v0, v11;
	v21 =	vadd.f32 v1, v7;
	[tilespmem:s19+$0xFFFFFF10] =	vst v6;
	v6 =	vld [tilespmem:s19+$0xFFFFFF50];
	v17 =	vmul.f32 v18, v17;
	(pc) =	sbr.rel @p0 .LBB2_5-.Ltmp1, $4  }
0xf7: {  	v18 =	vmul.f32 v0, v23;
	v11 =	vadd.f32 v1, v13;
	v13 =	vmul.f32 v0, v10;
	[tilespmem:s19+$0xFFFFFFB0] =	vst v14;
	v7 =	vld [tilespmem:s19+$0xFFFFFFC0]  }
0xf8: {  	v23 =	vmul.f32 v0, v9;
	v24 =	vadd.f32 v1, v16;
	v21 =	vmul.f32 v8, v21;
	[tilespmem:s19+$0xFFFFFF80] =	vst v17;
	v8 =	vld [tilespmem:s19+$0xFFFFFFE0]  }
0xf9: {  	v14 =	vmul.f32 v0, v12;
	v9 =	vadd.f32 v1, v18;
	v13 =	vadd.f32 v1, v13;
	v10 =	vld [tilespmem:s19+$0xFFFFFF20];
	[tilespmem:s19+$0xFFFFFFA0] =	vst v15  }
0xfa: {  	v16 =	vadd.f32 v1, v23;
	v17 =	vmul.f32 v19, v20;
	v12 =	vld [tilespmem:s19+$0xFFFFFF30];
	v15 =	vmul.f32 v22, v24;
	[tilespmem:s19+$0xFFFFFF70] =	vst v21  }
0xfb: {  	[tilespmem:s19+$0x0] =	vst v5  }
0xfc: {  	v4 =	vmul.f32 v4, v11;
	v3 =	vmul.f32 v0, v3;
	[tilespmem:s19+$0xFFFFFF90] =	vst v17  }
0xfd: {  	v27 =	vadd.f32 v1, v14;
	v6 =	vmul.f32 v6, v16;
	[tilespmem:s19+$0xFFFFFF60] =	vst v15  }
0xfe: {  	v30 =	vmul.f32 v7, v13;
	[tilespmem:s19+$0xFFFFFF40] =	vst v4;
	v3 =	vadd.f32 v1, v3  }
0xff: {  	v28 =	vmul.f32 v27, v10;
	[tilespmem:s19+$0xFFFFFF50] =	vst v6  }
0x100: {  	[tilespmem:s19+$0xFFFFFFC0] =	vst v30;
	v3 =	vmul.f32 v8, v3  }
0x101: {  	v29 =	vmul.f32 v12, v9;
	[tilespmem:s19+$0xFFFFFF20] =	vst v28  }
0x102: {  	[tilespmem:s19+$0xFFFFFFE0] =	vst v3  }
0x103: {  	[tilespmem:s19+$0xFFFFFF30] =	vst v29  }
0x104: {  	v2 =	vld.idx.msk [tilespmem:v2+s9+$0x0 ss:$0x1], $0xffff;
	_ =	sdelay $0x4  }
0x105: {  	v3 =	vbroadcast v2, $0x0;
	v31 =	vbroadcast v2, $0x4  }
0x106: {  	v32 =	vbroadcast v2, $0xB;
	v33 =	vbroadcast v2, $0xC  }
0x107: {  	v34 =	vbroadcast v2, $0x1;
	v35 =	vbroadcast v2, $0x6  }
0x108: {  	v36 =	vbroadcast v2, $0xD;
	v38 =	vbroadcast v2, $0x5  }
0x109: {  	v39 =	vbroadcast v2, $0xE;
	v40 =	vbroadcast v2, $0x3  }
0x10a: {  	v42 =	vld [tilespmem:s17+$0xFFFFFFD0];
	v41 =	vbroadcast v2, $0x9;
	v18 =	vbroadcast v2, $0xA  }
0x10b: {  	v43 =	vld [tilespmem:s17+$0xFFFFFFF0];
	v19 =	vbroadcast v2, $0xF;
	v6 =	vmul.f32 v0, v33  }
0x10c: {  	v44 =	vld [tilespmem:s17+$0xFFFFFF10];
	v20 =	vbroadcast v2, $0x7;
	v12 =	vmul.f32 v0, v39  }
0x10d: {  	v21 =	vld [tilespmem:s17+$0xFFFFFFB0];
	v22 =	vbroadcast v2, $0x2;
	v3 =	vmul.f32 v0, v3;
	v6 =	vadd.f32 v1, v6  }
0x10e: {  	v24 =	vld [tilespmem:s17+$0xFFFFFFA0];
	v2 =	vbroadcast v2, $0x8;
	v18 =	vmul.f32 v0, v18;
	v12 =	vadd.f32 v1, v12  }
0x10f: {  	v46 =	vld [tilespmem:s17+$0x0];
	v14 =	vmul.f32 v0, v41;
	v3 =	vadd.f32 v1, v3;
	v6 =	vmul.f32 v42, v6  }
0x110: {  	v51 =	vld [tilespmem:s17+$0xFFFFFF90];
	v50 =	vmul.f32 v0, v19;
	v47 =	vadd.f32 v1, v18;
	v12 =	vmul.f32 v43, v12  }
0x111: {  	v53 =	vld [tilespmem:s17+$0xFFFFFF60];
	v2 =	vmul.f32 v0, v2;
	v14 =	vadd.f32 v1, v14;
	v3 =	vmul.f32 v3, v44;
	[tilespmem:s17+$0xFFFFFFD0] =	vst v6  }
0x112: {  	v37 =	vld [tilespmem:s17+$0xFFFFFF70];
	v11 =	vmul.f32 v0, v38;
	v54 =	vadd.f32 v1, v50;
	v52 =	vmul.f32 v21, v47;
	[tilespmem:s17+$0xFFFFFFF0] =	vst v12  }
0x113: {  	v55 =	vld [tilespmem:s17+$0xFFFFFF50];
	v8 =	vmul.f32 v0, v35;
	v2 =	vadd.f32 v1, v2;
	v14 =	vmul.f32 v24, v14;
	[tilespmem:s17+$0xFFFFFF10] =	vst v3  }
0x114: {  	v59 =	vld [tilespmem:s17+$0xFFFFFF20];
	v4 =	vmul.f32 v0, v31;
	v11 =	vadd.f32 v1, v11;
	v57 =	vmul.f32 v46, v54;
	[tilespmem:s17+$0xFFFFFFB0] =	vst v52  }
0x115: {  	v23 =	vld [tilespmem:s17+$0xFFFFFF80];
	v7 =	vmul.f32 v0, v34;
	v2 =	vmul.f32 v51, v2;
	v3 =	vadd.f32 v1, v8;
	[tilespmem:s17+$0xFFFFFFA0] =	vst v14  }
0x116: {  	v60 =	vld [tilespmem:s17+$0xFFFFFFE0];
	v45 =	vmul.f32 v0, v20;
	v4 =	vadd.f32 v1, v4;
	v11 =	vmul.f32 v53, v11;
	[tilespmem:s17+$0x0] =	vst v57  }
0x117: {  	v48 =	vld [tilespmem:s17+$0xFFFFFF40];
	v9 =	vmul.f32 v0, v36;
	v7 =	vadd.f32 v1, v7;
	[tilespmem:s17+$0xFFFFFF90] =	vst v2;
	v3 =	vmul.f32 v37, v3  }
0x118: {  	v56 =	vld [tilespmem:s17+$0xFFFFFFC0];
	v13 =	vmul.f32 v0, v40;
	v49 =	vadd.f32 v1, v45;
	v4 =	vmul.f32 v55, v4;
	[tilespmem:s17+$0xFFFFFF60] =	vst v11  }
0x119: {  	v62 =	vadd.f32 v1, v9;
	v7 =	vmul.f32 v7, v59;
	v2 =	vmul.f32 v0, v32;
	[tilespmem:s17+$0xFFFFFF70] =	vst v3;
	v3 =	vld [tilespmem:s17+$0xFFFFFF30]  }
0x11a: {  	v61 =	vmul.f32 v0, v22;
	v58 =	vadd.f32 v1, v13;
	v6 =	vmul.f32 v23, v49;
	[tilespmem:s17+$0xFFFFFF50] =	vst v4  }
0x11b: {  	v63 =	vmul.f32 v60, v62;
	[tilespmem:s17+$0xFFFFFF20] =	vst v7;
	v2 =	vadd.f32 v1, v2  }
0x11c: {  	v8 =	vmul.f32 v48, v58;
	[tilespmem:s17+$0xFFFFFF80] =	vst v6;
	v6 =	vadd.f32 v1, v61  }
0x11d: {  	[tilespmem:s17+$0xFFFFFFE0] =	vst v63;
	v2 =	vmul.f32 v56, v2  }
0x11e: {  	[tilespmem:s17+$0xFFFFFF40] =	vst v8;
	v3 =	vmul.f32 v3, v6  }
0x11f: {  	[tilespmem:s17+$0xFFFFFFC0] =	vst v2  }
0x120: {  	[tilespmem:s17+$0xFFFFFF30] =	vst v3  }
0x121: {  	[spmem:s2] =	stream.indirect.scatter.add.f32 [tilespmem:s28], [sflag:$0x7], $0x10, s5, s23, $0xb8;
	[tilespmem:$0xE400] =	vst v63  }
0x122: {  	_ =	swait.ge [sflag:s18], $0x800  }
0x123: {  	[sflag:s18] =	ssyncset.done $0x0  }
0x124: {  	[sflag:s18] =	ssyncadd.s32 $0xFFFFF800  }
0x125: {  	[spmem:s4] =	stream.indirect.scatter.add.f32 [tilespmem:s29], [sflag:$0x7], $0x10, s5, s23, $0xb8;
	[tilespmem:$0xE400] =	vst v63  }
0x126: {  	s16 =	sadd.s32 $0x1, s16;
	_ =	swait.ge [sflag:s18], $0x800  }
0x127: {  	p0 =	sne.s32 s16, $0x14;
	[sflag:s18] =	ssyncset.done $0x0  }
.Ltmp2:
0x128: {  	[sflag:s18] =	ssyncadd.s32 $0xFFFFF800;
	(pc) =	sbr.rel @p0 .LBB2_2-.Ltmp2, $4  }
0x129: {  	[spmem:s3] =	stream.indirect.scatter.add.f32 [tilespmem:s30], [sflag:$0x7], $0x10, s10, s23, $0xb8;
	[tilespmem:$0xE400] =	vst v63  }
0x12a: {  	_ =	swait.ge [sflag:s18], $0x800  }
0x12b: {  	[sflag:s18] =	ssyncset.done $0x0  }
0x12c: {  	s14 =	sadd.s32 $0x100, s14;
	s15 =	sadd.s32 $0x100, s15;
	[sflag:s18] =	ssyncadd.s32 $0xFFFFF800  }
0x12d: {  	[bflag:$0x0] =	sbarrier.arrive $0xFFFF  }
0x12e: {  	s13 =	rddreg [dreg:$0x6]  }
0x12f: {  	s5 =	rddreg [dreg:$0xa]  }
0x130: {  	s8 =	rddreg [dreg:$0xe]  }
0x131: {  	[hbm:s5], [sflag:s13] =	dma.local [spmem:s8], $0x500  }
0x132: {  	_ =	swait.ge [sflag:s18], $0x500  }
0x133: {  	[sflag:s18] =	ssyncset.done $0x0;
	s19 =	rddreg [dreg:$0xb]  }
0x134: {  	s9 =	rddreg [dreg:$0xf];
	[sflag:s18] =	ssyncadd.s32 $0xFFFFFB00  }
0x135: {  	[hbm:s19], [sflag:s13] =	dma.local [spmem:s9], $0x500  }
0x136: {  	_ =	swait.ge [sflag:s18], $0x500  }
0x137: {  	[sflag:s18] =	ssyncset.done $0x0;
	s20 =	rddreg [dreg:$0xc]  }
0x138: {  	s10 =	rddreg [dreg:$0x10];
	[sflag:s18] =	ssyncadd.s32 $0xFFFFFB00  }
0x139: {  	[hbm:s20], [sflag:s13] =	dma.local [spmem:s10], $0x500  }
0x13a: {  	_ =	swait.ge [sflag:s18], $0x500  }
0x13b: {  	s14 =	rddreg [dreg:$0x11]  }
0x13c: {  	s21 =	rddreg [dreg:$0xd];
	s14 =	sadd.s32 $0x1, s14  }
0x13d: {  	p0 =	sne.s32 s14, s21  }
.Ltmp3:
0x13e: {  	_ = 	snop;
	(pc) =	sbr.rel @p0 .LBB2_1-.Ltmp3, $3  }
0x13f: {  	_ =	sdelay $0x1  }
0x140: {  	[sflag:s18] =	ssyncset.done $0x0  }
0x141: {  	[sflag:s18] =	ssyncadd.s32 $0xFFFFFB00  }
0x142: {  	_ =	sfence.sel $0x180000  }
0x143: {  	[bflag:$0x0] =	sbarrier.arrive $0xFFFF  }
0x144: {  	_ =	strace $0x9000004D  }
0x145: {  	s0 =	stileid.u32;
	[bflag:$0x2] =	sbarrier.arrive $0xFFFF  }
0x146: {  	p0 =	sne.s32 s0, $0x0;
	s0 =	rddreg [dreg:$0x4]  }
0x147: {  	s0 =	sadd.s32 @!p0 $0x100000, s0  }
0x148: {  	[sflag:s0] =	ssyncadd.tile.s32 @!p0 $0x1;
	_ =	shalt  }
.Lfunc_end2:
_tile_overlayer_lowered:
.L_overlay_start_2:
0x149: {  	(tag) =	ssettag $0x2  }
0x14a: {  	s0 =	rddreg [dreg:$0x0];
	s2 =	stileid.u32  }
0x14b: {  	s1 =	rddreg [dreg:$0x1];
	p0 =	sne.s32 s2, $0x0  }
0x14c: {  	s3 =	rddreg [dreg:$0x2];
	[bflag:$0x3] =	sbarrier.arrive $0xFFFF;
	s2 =	simm.s32 @!p0 $0x1C07  }
0x14d: {  	[timem:s3], [sflag:s2] =	dma.local @!p0 [hbm:s0], s1  }
0x14e: {  	s0 =	simm.s32 @!p0 $0x7  }
0x14f: {  	_ =	swait.ge @!p0 [sflag:s0], s1  }
0x150: {  	s1 =	ssub.s32 @!p0 $0x0, s1;
	[sflag:s0] =	ssyncset.done @!p0 $0x0  }
0x151: {  	[sflag:s0] =	ssyncadd.s32 @!p0 s1  }
0x152: {  	[bflag:$0x3] =	sbarrier.arrive $0xFFFF  }
0x153: {  	_ =	shalt  }

// kernel: kernel.22.cloned.1.call-start
scs
__scs_entry_jumppad:
0x0: {  	(pc) =	sbr.rel $0x88, $3  }
0x1: {  	(tag) =	ssettag $0x0;
	lr =	simm.s32 $0x1  }
0x2: {  	[smem:$0x3F8A] =	sst lr;
	_ =	strace $0xD0000000  }
0x3: {  	_ = 	snop  }
0x4: {  	_ = 	snop  }
0x5: {  	_ = 	snop  }
0x6: {  	_ = 	snop  }
0x7: {  	_ = 	snop  }
__scs_overlays_trampoline_lowered:
0x8: {  	[smem:$0x3F99] =	sst s0  }
0x9: {  	[smem:$0x3F9A] =	sst s1  }
0xa: {  	[smem:$0x3F9B] =	sst s2  }
0xb: {  	[smem:$0x3F9C] =	sst s3  }
0xc: {  	[smem:$0x3F9D] =	sst s4  }
0xd: {  	[smem:$0x3F9E] =	sst s5  }
0xe: {  	[smem:$0x3F9F] =	sst s6  }
0xf: {  	[smem:$0x3FA0] =	sst s7  }
0x10: {  	[smem:$0x3FA1] =	sst s8  }
0x11: {  	[smem:$0x3FA2] =	sst s9;
	s0 =	simm.s32 @!p0 $0x0  }
0x12: {  	s1 =	sld [smem:$0x3F88];
	s0 =	simm.s32 @p0 $0x1  }
0x13: {  	[smem:$0x3FA3] =	sst s0;
	s0 =	simm.s32 @!p1 $0x0  }
0x14: {  	s2 =	sld [smem:$0x3F87];
	s0 =	simm.s32 @p1 $0x1  }
0x15: {  	[smem:$0x3FA4] =	sst s0;
	s0 =	simm.s32 @!p2 $0x0  }
0x16: {  	s3 =	sld [smem:$0x3FDB];
	s0 =	simm.s32 @p2 $0x1  }
0x17: {  	s4 =	simm.s32 $0x1BF5;
	[smem:$0x3FA6] =	sst s0  }
0x18: {  	s0 =	sld [smem:$0x3F89];
	_ =	swait.ge [sflag:s4], $0x0  }
0x19: {  	s7 =	sld [smem:$0x3F8A]  }
0x1a: {  	s8 =	sadd.s32 $0xFFFFE003, lr  }
0x1b: {  	s9 =	sadd.s32 $0xFFFFFEF7, lr;
	s5 =	simm.s32 $0xFFFFFFFF;
	p2 =	slt.u32 s8, $0xFFFFF086  }
0x1c: {  	p1 =	slt.u32 s9, $0xF7A;
	s5 =	simm.s32 @!p2 $0x0  }
0x1d: {  	s5 =	simm.s32 @p1 $0x1;
	p0 =	seq.s32 s7, s2  }
0x1e: {  	s7 =	smul.u32 @!p0 $0xF7A, s2;
	p2 =	seq.s32 @!p0 s5, $0x0  }
0x1f: {  	s9 =	smul.u32 $0xF7A, s1;
	s8 =	simm.s32 @!p0 $0x1BF5;
	p2 =	por !p2, p0  }
0x20: {  	[sflag:s8] =	ssyncset.s32 @!p0 $0xFFFFF086;
	s6 =	sadd.s32 @!p0 s3, s7;
	s7 =	simm.s32 @!p0 $0x108  }
0x21: {  	s3 =	sadd.s32 s3, s9;
	s6 =	sadd.s32 @!p0 $0x88, s6;
	s7 =	simm.s32 @p2 $0x1082  }
0x22: {  	[simem:s7], [sflag:s8] =	dma.local @!p0 [hbm:s6], $0xF7A  }
0x23: {  	s9 =	sor.u32 $0xD0000000, s2;
	s6 =	simm.s32 $0x108;
	_ =	swait.ge @!p0 [sflag:s8], $0x0  }
0x24: {  	s3 =	sadd.s32 $0x88, s3;
	s6 =	simm.s32 @!p1 $0x1082;
	[sflag:s4] =	ssyncset.s32 $0xFFFFF086  }
0x25: {  	[simem:s6], [sflag:s4] =	dma.local [hbm:s3], $0xF7A  }
0x26: {  	[smem:$0x3F8A] =	sst s1;
	(tag) =	ssettag s2;
	_ =	strace s9  }
0x27: {  	s1 =	sld [smem:$0x3F9A]  }
0x28: {  	s2 =	sld [smem:$0x3F9B]  }
0x29: {  	s4 =	sld [smem:$0x3F9D]  }
0x2a: {  	p0 =	seq.s32 s5, $0x0;
	s5 =	sld [smem:$0x3F9E]  }
0x2b: {  	s6 =	sld [smem:$0x3F9F]  }
0x2c: {  	s7 =	sld [smem:$0x3FA0]  }
0x2d: {  	s3 =	simm.s32 $0x108;
	s8 =	sld [smem:$0x3FA1]  }
0x2e: {  	s3 =	simm.s32 @!p0 $0x1082;
	s9 =	sld [smem:$0x3FA2]  }
0x2f: {  	lr =	sadd.s32 s0, s3;
	s0 =	sld [smem:$0x3F99]  }
0x30: {  	s3 =	sld [smem:$0x3F9C]  }
0x31: {  	[smem:$0x3FA5] =	sst s10  }
0x32: {  	s10 =	sld [smem:$0x3FA3];
	_ =	sdelay $0x3  }
0x33: {  	p0 =	seq.s32 s10, $0x1;
	s10 =	sld [smem:$0x3FA5];
	_ =	sdelay $0x3  }
0x34: {  	[smem:$0x3FA5] =	sst s10  }
0x35: {  	s10 =	sld [smem:$0x3FA4];
	_ =	sdelay $0x3  }
0x36: {  	p1 =	seq.s32 s10, $0x1;
	s10 =	sld [smem:$0x3FA5];
	_ =	sdelay $0x3  }
0x37: {  	[smem:$0x3FA5] =	sst s10  }
0x38: {  	s10 =	sld [smem:$0x3FA6]  }
0x39: {  	_ = 	snop;
	(pc) =	sbr.ind lr, $3  }
0x3a: {  	_ = 	snop  }
0x3b: {  	_ = 	snop  }
0x3c: {  	p2 =	seq.s32 s10, $0x1;
	s10 =	sld [smem:$0x3FA5]  }
0x3d: {  	_ =	shalt  }
0x3e: {  	_ =	shalt  }
0x3f: {  	_ =	shalt  }
0x40: {  	_ =	shalt  }
0x41: {  	_ =	shalt  }
0x42: {  	_ =	shalt  }
0x43: {  	_ =	shalt  }
0x44: {  	_ =	shalt  }
0x45: {  	_ =	shalt  }
0x46: {  	_ =	shalt  }
0x47: {  	_ =	shalt  }
0x48: {  	_ =	shalt  }
0x49: {  	_ =	shalt  }
0x4a: {  	_ =	shalt  }
0x4b: {  	_ =	shalt  }
0x4c: {  	_ =	shalt  }
0x4d: {  	_ =	shalt  }
0x4e: {  	_ =	shalt  }
0x4f: {  	_ =	shalt  }
0x50: {  	_ =	shalt  }
0x51: {  	_ =	shalt  }
0x52: {  	_ =	shalt  }
0x53: {  	_ =	shalt  }
0x54: {  	_ =	shalt  }
0x55: {  	_ =	shalt  }
0x56: {  	_ =	shalt  }
0x57: {  	_ =	shalt  }
0x58: {  	_ =	shalt  }
0x59: {  	_ =	shalt  }
0x5a: {  	_ =	shalt  }
0x5b: {  	_ =	shalt  }
0x5c: {  	_ =	shalt  }
0x5d: {  	_ =	shalt  }
0x5e: {  	_ =	shalt  }
0x5f: {  	_ =	shalt  }
0x60: {  	_ =	shalt  }
0x61: {  	_ =	shalt  }
0x62: {  	_ =	shalt  }
0x63: {  	_ =	shalt  }
0x64: {  	_ =	shalt  }
0x65: {  	_ =	shalt  }
0x66: {  	_ =	shalt  }
0x67: {  	_ =	shalt  }
0x68: {  	_ =	shalt  }
0x69: {  	_ =	shalt  }
0x6a: {  	_ =	shalt  }
0x6b: {  	_ =	shalt  }
0x6c: {  	_ =	shalt  }
0x6d: {  	_ =	shalt  }
0x6e: {  	_ =	shalt  }
0x6f: {  	_ =	shalt  }
0x70: {  	_ =	shalt  }
0x71: {  	_ =	shalt  }
0x72: {  	_ =	shalt  }
0x73: {  	_ =	shalt  }
0x74: {  	_ =	shalt  }
0x75: {  	_ =	shalt  }
0x76: {  	_ =	shalt  }
0x77: {  	_ =	shalt  }
0x78: {  	_ =	shalt  }
0x79: {  	_ =	shalt  }
0x7a: {  	_ =	shalt  }
0x7b: {  	_ =	shalt  }
0x7c: {  	_ =	shalt  }
0x7d: {  	_ =	shalt  }
0x7e: {  	_ =	shalt  }
0x7f: {  	_ =	shalt  }
0x80: {  	_ =	shalt  }
0x81: {  	_ =	shalt  }
0x82: {  	_ =	shalt  }
0x83: {  	_ =	shalt  }
0x84: {  	_ =	shalt  }
0x85: {  	_ =	shalt  }
0x86: {  	_ =	shalt  }
0x87: {  	_ =	shalt  }
.Lfunc_end0:
.L_simem_size_0:
called_computation.3_lowered:
.L_overlay_start_0:
0x88: {  	s2 =	sld [smem:$0x3FD9]  }
0x89: {  	s3 =	sld [smem:$0x3FFE];
	_ =	sdelay $0x1  }
0x8a: {  	s1 =	srdreg.scid  }
0x8b: {  	s0 =	sand.u32 $0x1, s1  }
0x8c: {  	s16 =	sshll.u32 s0, $0xA;
	s2 =	sadd.s32 s3, s2  }
0x8d: {  	s2 =	sadd.s32 s2, s16  }
0x8e: {  	[smem:$0x3FB1] =	sst s2  }
0x8f: {  	_ = 	snop  }
0x90: {  	(tm) =	ssettm $0x1  }
0x91: {  	s17 =	sld [smem:$0x3FFB];
	_ =	sdelay $0x3  }
0x92: {  	_ =	strace s17  }
0x93: {  	s2 =	sld [smem:$0x3FFC];
	_ =	sdelay $0x3  }
0x94: {  	_ =	strace s2  }
0x95: {  	s2 =	sld [smem:$0x3FFD];
	_ =	sdelay $0x3  }
0x96: {  	_ =	strace s2  }
0x97: {  	_ =	strace $0x8FFFFFFF  }
0x98: {  	s18 =	sld [smem:$0x3FDB];
	_ =	sdelay $0x1  }
0x99: {  	s19 =	simm.s32 $_scs_section_size  }
0x9a: {  	s4 =	simm.s32 $_size__tile_overlayer_lowered;
	s5 =	simm.s32 $_tile_overlayer_lowered  }
0x9b: {  	s22 =	simm.s32 $0x1BFF;
	s21 =	sshll.u32 s5, $0x1;
	s2 =	sadd.s32 s19, s18  }
0x9c: {  	s6 =	simm.s32 $0x0;
	s20 =	sshll.u32 s4, $0x1;
	s4 =	sadd.s32 s21, s2  }
0x9d: {  	[timem:s6], [sflag:s22] =	dma.local [hbm:s4], s20  }
0x9e: {  	_ =	swait.ge [sflag:s22], s20  }
0x9f: {  	s3 =	ssub.s32 $0x0, s20;
	[sflag:s22] =	ssyncset.done $0x0  }
0xa0: {  	[sflag:s22] =	ssyncadd.s32 s3;
	_ =	sdelay $0x1  }
0xa1: {  	s23 =	simm.s32 $0x1B8B  }
0xa2: {  	_ =	swait.ge [sflag:s23], $0x1  }
0xa3: {  	[sflag:s23] =	ssyncset.done $0x0  }
0xa4: {  	s25 =	simm.s32 $0x1B8E;
	s24 =	sld [smem:$0x3FFE];
	[sflag:s23] =	ssyncadd.s32 $0xFFFFFFFF  }
0xa5: {  	s26 =	simm.s32 $execute0_lowered;
	[smem:$0x3FD2] =	sst s25  }
0xa6: {  	s4 =	sshll.u32 s26, $0x1;
	_ =	strace $0x8000004F;
	[dreg:$0x1] =	wrdreg $0xFFFFFFFF  }
0xa7: {  	s28 =	simm.s32 $_size_execute0_lowered;
	s2 =	sadd.s32 s2, s4;
	[dreg:$0x0] =	wrdreg $0x0  }
0xa8: {  	s4 =	sshll.u32 s28, $0x1;
	[dreg:$0x2] =	wrdreg s2  }
0xa9: {  	[dreg:$0x3] =	wrdreg s4  }
0xaa: {  	[dreg:$0x4] =	wrdreg $0xC0  }
0xab: {  	_ =	task [dreg:s6], $0x5FFFF  }
0xac: {  	[dreg:$0x1] =	wrdreg $0xFFFFFFFF  }
0xad: {  	[dreg:$0x0] =	wrdreg $0x60  }
0xae: {  	[dreg:$0x2] =	wrdreg s24  }
0xaf: {  	[dreg:$0x3] =	wrdreg $0x0  }
0xb0: {  	[dreg:$0x4] =	wrdreg $0x9  }
0xb1: {  	_ =	task.clear_ibuf [dreg:s6], $0x5FFFF;
	_ =	strace $0x9000004F  }
0xb2: {  	s29 =	simm.s32 $0x9;
	_ =	strace $0x80000051  }
0xb3: {  	_ =	swait.ge [sflag:s29], $0x1  }
0xb4: {  	[sflag:s29] =	ssyncadd.s32 $0xFFFFFFFF  }
0xb5: {  	_ =	strace $0x90000051  }
0xb6: {  	_ =	sfence  }
0xb7: {  	s30 =	sld [smem:$0x0];
	_ =	sdelay $0x2  }
0xb8: {  	s31 =	sshll.u32 s1, $0xD;
	s1 =	sshrl.u32 s1, $0x2  }
0xb9: {  	s3 =	sand.u32 $0x4000, s31;
	s1 =	sadd.s32 s1, s30  }
0xba: {  	s0 =	sor.u32 s3, s0;
	s1 =	sshll.u32 s1, $0x11  }
0xbb: {  	s0 =	sor.u32 s1, s0  }
0xbc: {  	s0 =	sadd.s32 $0x8F2B, s0  }
0xbd: {  	[sflag:s0] =	ssyncadd.remote.s32 $0x1  }
0xbe: {  	_ =	sfence.sel $0xFFFF  }
0xbf: {  	[dreg:$0x0] =	wrdreg $0xFFFFFFFF;
	(pc) =	sbr.abs _section_cstart, $3  }
0xc0: {  	[dreg:$0x1] =	wrdreg $0xFFFFFFFF  }
0xc1: {  	_ =	task.clear_ibuf [dreg:s6], $0x2FFFF;
	_ =	strace $0x9FFFFFFF  }
0xc2: {  	(tm) =	ssettm $0x7FFFFFFF  }
0xc3: {  	_ =	shalt  }
tec
execute0_lowered:
.L_overlay_start_1:
0x0: {  	(tag) =	ssettag $0x1  }
0x1: {  	s1 =	srdreg.scid;
	s2 =	rddreg [dreg:$0x0]  }
0x2: {  	s0 =	stileid.u32;
	s3 =	rddreg [dreg:$0x1];
	s4 =	simm.s32 $0x0  }
0x3: {  	s14 =	simm.s32 $0x3C00;
	s15 =	simm.s32 $0x80;
	s16 =	simm.s32 $0x5000  }
0x4: {  	s17 =	simm.s32 $0x5800;
	s18 =	simm.s32 $0x1;
	s19 =	simm.s32 $0x2  }
0x5: {  	s20 =	simm.s32 $0x3B80;
	s21 =	simm.s32 $0x4F00;
	s22 =	simm.s32 $0x4F80  }
0x6: {  	s23 =	simm.s32 $0x0;
	s5 =	sand.u32 $0x1, s1;
	s7 =	smul.u32 $0x2800, s0  }
0x7: {  	s28 =	sshll.u32 s0, $0x1;
	s8 =	smul.u32 $0x500, s0;
	[smem:$0x7FF] =	sst s4  }
0x8: {  	s31 =	sshll.u32 s0, $0x6;
	s1 =	sor.u32 s5, s28;
	s9 =	smul.u32 $0x5000, s5  }
0x9: {  	s5 =	ssub.s32 $0x2, s5;
	s6 =	smul.u32 $0x280, s1;
	s1 =	rddreg [dreg:$0x2]  }
0xa: {  	_ =	strace $0x80000050;
	s29 =	sshrl.u32 s7, $0x3;
	s30 =	sshrl.u32 s5, $0x1  }
0xb: {  	s13 =	sadd.s32 s7, s3;
	s8 =	sadd.s32 s8, s9;
	s12 =	ssub.s32 s5, s30  }
0xc: {  	s10 =	sadd.s32 s6, s2;
	s6 =	sadd.s32 s29, s2;
	s11 =	sadd.s32 s8, s2  }
0xd: {  	s5 =	sadd.s32 $0x19000, s6;
	s6 =	sor.u32 $0x1C03, s31;
	s7 =	sadd.s32 $0xF000, s10  }
0xe: {  	s8 =	sadd.s32 $0x14000, s10;
	s9 =	sadd.s32 $0x5000, s11;
	s10 =	smax.u32 s12, $0x1  }
0xf: {  	s11 =	sshrl.u32 s13, $0x3;
	s12 =	simm.s32 $0x3;
	s13 =	simm.s32 $0x2800  }
.LBB2_1:
0x10: {  	[spmem:s11], [sflag:s6] =	dma.local [hbm:s5], $0x500  }
0x11: {  	_ =	swait.ge [sflag:s12], $0x500  }
0x12: {  	[sflag:s12] =	ssyncset.done $0x0  }
0x13: {  	[sflag:s12] =	ssyncadd.s32 $0xFFFFFB00  }
0x14: {  	[bflag:$0x0] =	sbarrier.arrive $0xFFFF  }
0x15: {  	[tilespmem:s13], [sflag:$0x3] =	stream.linear.gather [hbm4b:s7+s4], $0x1400, $0x38;
	[tilespmem:$0x6000] =	vst v63  }
0x16: {  	_ =	swait.ge [sflag:s12], $0x1400  }
0x17: {  	[sflag:s12] =	ssyncset.done $0x0  }
0x18: {  	[sflag:s12] =	ssyncadd.s32 $0xFFFFEC00  }
0x19: {  	[tilespmem:s14], [sflag:$0x3] =	stream.linear.gather [hbm4b:s8+s4], $0x1400, $0x38;
	[tilespmem:$0x6000] =	vst v63  }
0x1a: {  	_ =	swait.ge [sflag:s12], $0x1400  }
0x1b: {  	[sflag:s12] =	ssyncset.done $0x0  }
0x1c: {  	[sflag:s12] =	ssyncadd.s32 $0xFFFFEC00  }
0x1d: {  	[tilespmem:s16], [sflag:$0x1] =	stream.indirect.gather [hbm4b:s2+s15], $0x10, s13, s15, $0xb8;
	[tilespmem:$0x6000] =	vst v63  }
0x1e: {  	s24 =	simm.s32 $0x2880  }
0x1f: {  	[tilespmem:s17], [sflag:$0x2] =	stream.indirect.gather [hbm4b:s2+s15], $0x10, s24, s15, $0xb8;
	[tilespmem:$0x6000] =	vst v63  }
0x20: {  	_ =	swait.ge [sflag:s18], $0x800  }
0x21: {  	[sflag:s18] =	ssyncset.done $0x0  }
0x22: {  	s29 =	simm.s32 $0x3C00;
	[sflag:s18] =	ssyncadd.s32 $0xFFFFF800  }
0x23: {  	[spmem:s3] =	stream.indirect.scatter.add.f32 [tilespmem:s16], [sflag:$0x3], $0x10, s29, s15, $0xb8;
	[tilespmem:$0x6000] =	vst v63  }
0x24: {  	_ =	swait.ge [sflag:s12], $0x800  }
0x25: {  	[sflag:s12] =	ssyncset.done $0x0  }
0x26: {  	s30 =	simm.s32 $0x2900;
	[sflag:s12] =	ssyncadd.s32 $0xFFFFF800  }
0x27: {  	[tilespmem:s16], [sflag:$0x1] =	stream.indirect.gather [hbm4b:s2+s15], $0x10, s30, s15, $0xb8;
	[tilespmem:$0x6000] =	vst v63  }
0x28: {  	_ =	swait.ge [sflag:s19], $0x800  }
0x29: {  	[sflag:s19] =	ssyncset.done $0x0  }
0x2a: {  	s31 =	simm.s32 $0x3C80;
	[sflag:s19] =	ssyncadd.s32 $0xFFFFF800  }
0x2b: {  	[spmem:s3] =	stream.indirect.scatter.add.f32 [tilespmem:s17], [sflag:$0x3], $0x10, s31, s15, $0xb8;
	[tilespmem:$0x6000] =	vst v63  }
0x2c: {  	_ =	swait.ge [sflag:s12], $0x800  }
0x2d: {  	s25 =	simm.s32 $0x800;
	s24 =	simm.s32 $0x100;
	[sflag:s12] =	ssyncset.done $0x0  }
.LBB2_2:
0x2e: {  	s26 =	sadd.s32 $0x2880, s24  }
0x2f: {  	[sflag:s12] =	ssyncadd.s32 $0xFFFFF800;
	s28 =	smov.u32 s25;
	s29 =	sadd.s32 $0x400, s25  }
0x30: {  	[tilespmem:s17], [sflag:$0x2] =	stream.indirect.gather [hbm4b:s2+s15], $0x10, s26, s15, $0xb8;
	[tilespmem:$0x6000] =	vst v63  }
0x31: {  	p0 =	sne.s32 s25, $0x4800;
	_ =	swait.ge [sflag:s18], $0x800  }
0x32: {  	[sflag:s18] =	ssyncset.done $0x0  }
0x33: {  	s25 =	sadd.s32 $0x3C00, s24;
	[sflag:s18] =	ssyncadd.s32 $0xFFFFF800  }
0x34: {  	[spmem:s3] =	stream.indirect.scatter.add.f32 [tilespmem:s16], [sflag:$0x3], $0x10, s25, s15, $0xb8;
	[tilespmem:$0x6000] =	vst v63  }
0x35: {  	_ =	swait.ge [sflag:s12], $0x800  }
0x36: {  	[sflag:s12] =	ssyncset.done $0x0  }
0x37: {  	s25 =	sadd.s32 $0x2900, s24;
	[sflag:s12] =	ssyncadd.s32 $0xFFFFF800  }
0x38: {  	[tilespmem:s16], [sflag:$0x1] =	stream.indirect.gather [hbm4b:s2+s15], $0x10, s25, s15, $0xb8;
	[tilespmem:$0x6000] =	vst v63  }
0x39: {  	_ =	swait.ge [sflag:s19], $0x800  }
.Ltmp0:
0x3a: {  	[sflag:s19] =	ssyncset.done $0x0;
	(pc) =	sbr.rel @p0 .LBB2_2-.Ltmp0, $4  }
0x3b: {  	s24 =	sadd.s32 $0x3C80, s24;
	[sflag:s19] =	ssyncadd.s32 $0xFFFFF800  }
0x3c: {  	[spmem:s3] =	stream.indirect.scatter.add.f32 [tilespmem:s17], [sflag:$0x3], $0x10, s24, s15, $0xb8;
	[tilespmem:$0x6000] =	vst v63  }
0x3d: {  	_ =	swait.ge [sflag:s12], $0x800  }
0x3e: {  	s25 =	smov.u32 s29;
	s24 =	sshra.s32 s28, $0x2;
	[sflag:s12] =	ssyncset.done $0x0  }
0x3f: {  	s25 =	sadd.s32 $0x2880, s24;
	[sflag:s12] =	ssyncadd.s32 $0xFFFFF800  }
0x40: {  	[tilespmem:s17], [sflag:$0x2] =	stream.indirect.gather [hbm4b:s2+s15], $0x10, s25, s15, $0xb8;
	[tilespmem:$0x6000] =	vst v63  }
0x41: {  	_ =	swait.ge [sflag:s18], $0x800  }
0x42: {  	[sflag:s18] =	ssyncset.done $0x0  }
0x43: {  	s29 =	sadd.s32 $0x3C00, s24;
	[sflag:s18] =	ssyncadd.s32 $0xFFFFF800  }
0x44: {  	[spmem:s3] =	stream.indirect.scatter.add.f32 [tilespmem:s16], [sflag:$0x3], $0x10, s29, s15, $0xb8;
	[tilespmem:$0x6000] =	vst v63  }
0x45: {  	_ =	swait.ge [sflag:s12], $0x800  }
0x46: {  	[sflag:s12] =	ssyncset.done $0x0  }
0x47: {  	s30 =	sadd.s32 $0x2900, s24;
	[sflag:s12] =	ssyncadd.s32 $0xFFFFF800  }
0x48: {  	[tilespmem:s16], [sflag:$0x1] =	stream.indirect.gather [hbm4b:s2+s15], $0x10, s30, s15, $0xb8;
	[tilespmem:$0x6000] =	vst v63  }
0x49: {  	_ =	swait.ge [sflag:s19], $0x800  }
0x4a: {  	[sflag:s19] =	ssyncset.done $0x0  }
0x4b: {  	s31 =	sadd.s32 $0x3C80, s24;
	[sflag:s19] =	ssyncadd.s32 $0xFFFFF800  }
0x4c: {  	[spmem:s3] =	stream.indirect.scatter.add.f32 [tilespmem:s17], [sflag:$0x3], $0x10, s31, s15, $0xb8;
	[tilespmem:$0x6000] =	vst v63  }
0x4d: {  	_ =	swait.ge [sflag:s12], $0x800  }
0x4e: {  	[sflag:s12] =	ssyncset.done $0x0  }
0x4f: {  	[sflag:s12] =	ssyncadd.s32 $0xFFFFF800  }
0x50: {  	[tilespmem:s17], [sflag:$0x2] =	stream.indirect.gather [hbm4b:s2+s15], $0x10, s20, s15, $0xb8;
	[tilespmem:$0x6000] =	vst v63  }
0x51: {  	_ =	swait.ge [sflag:s18], $0x800  }
0x52: {  	[sflag:s18] =	ssyncset.done $0x0  }
0x53: {  	[sflag:s18] =	ssyncadd.s32 $0xFFFFF800  }
0x54: {  	[spmem:s3] =	stream.indirect.scatter.add.f32 [tilespmem:s16], [sflag:$0x3], $0x10, s21, s15, $0xb8;
	[tilespmem:$0x6000] =	vst v63  }
0x55: {  	_ =	swait.ge [sflag:s12], $0x800  }
0x56: {  	[sflag:s12] =	ssyncset.done $0x0  }
0x57: {  	[sflag:s12] =	ssyncadd.s32 $0xFFFFF800  }
0x58: {  	_ =	swait.ge [sflag:s19], $0x800  }
0x59: {  	[sflag:s19] =	ssyncset.done $0x0  }
0x5a: {  	[sflag:s19] =	ssyncadd.s32 $0xFFFFF800  }
0x5b: {  	[spmem:s3] =	stream.indirect.scatter.add.f32 [tilespmem:s17], [sflag:$0x3], $0x10, s22, s15, $0xb8;
	[tilespmem:$0x6000] =	vst v63  }
0x5c: {  	_ =	swait.ge [sflag:s12], $0x800  }
0x5d: {  	s23 =	sadd.s32 $0x1, s23;
	[sflag:s12] =	ssyncset.done $0x0  }
0x5e: {  	p0 =	sne.s32 s23, s10;
	[sflag:s12] =	ssyncadd.s32 $0xFFFFF800  }
.Ltmp1:
0x5f: {  	[bflag:$0x0] =	sbarrier.arrive $0xFFFF;
	(pc) =	sbr.rel @p0 .LBB2_1-.Ltmp1, $4  }
0x60: {  	[hbm:s9], [sflag:s6] =	dma.local [spmem:s11], $0x500  }
0x61: {  	_ =	swait.ge [sflag:s12], $0x500  }
0x62: {  	[sflag:s12] =	ssyncset.done $0x0  }
0x63: {  	[sflag:s12] =	ssyncadd.s32 $0xFFFFFB00  }
0x64: {  	_ =	sfence.sel $0x180000  }
0x65: {  	[bflag:$0x0] =	sbarrier.arrive $0xFFFF  }
0x66: {  	p0 =	sne.s32 s0, $0x0;
	_ =	strace $0x90000050  }
0x67: {  	s0 =	sadd.s32 @!p0 $0x100000, s1;
	[bflag:$0x2] =	sbarrier.arrive $0xFFFF  }
0x68: {  	[sflag:s0] =	ssyncadd.tile.s32 @!p0 $0x1;
	_ =	shalt  }
.Lfunc_end2:
_tile_overlayer_lowered:
.L_overlay_start_2:
0x69: {  	(tag) =	ssettag $0x2  }
0x6a: {  	s0 =	rddreg [dreg:$0x0];
	s2 =	stileid.u32  }
0x6b: {  	s1 =	rddreg [dreg:$0x1];
	p0 =	sne.s32 s2, $0x0  }
0x6c: {  	s3 =	rddreg [dreg:$0x2];
	[bflag:$0x3] =	sbarrier.arrive $0xFFFF;
	s2 =	simm.s32 @!p0 $0x1C03  }
0x6d: {  	[timem:s3], [sflag:s2] =	dma.local @!p0 [hbm:s0], s1  }
0x6e: {  	s0 =	simm.s32 @!p0 $0x3  }
0x6f: {  	_ =	swait.ge @!p0 [sflag:s0], s1  }
0x70: {  	s1 =	ssub.s32 @!p0 $0x0, s1;
	[sflag:s0] =	ssyncset.done @!p0 $0x0  }
0x71: {  	[sflag:s0] =	ssyncadd.s32 @!p0 s1  }
0x72: {  	[bflag:$0x3] =	sbarrier.arrive $0xFFFF  }
0x73: {  	_ =	shalt  }

</sc_bundles>
